<compile_context>
chip_gen: v7x
topology: tpu7x:2x2x1
jax: 0.10.2.dev20260603
libtpu: 0.0.44.dev20260713+nightly
codegen_flags: <defaults>
</compile_context>

<pallas_src>
import functools

import jax
import jax.numpy as jnp
from jax import lax
from jax.experimental import pallas as pl
from jax.experimental.pallas import tpu as pltpu
from jax.experimental.pallas import tpu_sc as plsc

T, N, E, D, H, L = 4, 10000, 320000, 128, 128, 2

NC, NS = 2, 16
NW = NC * NS
CH = 128
NCHUNK = 79
EPW = NCHUNK * CH
NP = 10240
RPT = NP // NS

BN = 1000



def _make_mp_body(W, fill_only=False):
    def _mp_body(y_hbm, src_hbm, dst_hbm, w_hbm, zeros_hbm, out_hbm,
                 src_v, dst_v, w_v, rows_v, acc_sh, sem):
        c = lax.axis_index("c")
        s = lax.axis_index("s")
        wid = s * NC + c

        pltpu.sync_copy(zeros_hbm, acc_sh.at[pl.ds(s * RPT, RPT)])
        pltpu.sync_copy(src_hbm.at[wid], src_v)
        pltpu.sync_copy(dst_hbm.at[wid], dst_v)
        pltpu.sync_copy(w_hbm.at[wid], w_v)
        plsc.subcore_barrier()

        def chunk(j, carry):
            if not fill_only:
                pltpu.async_copy(y_hbm.at[src_v.at[j]], rows_v, sem).wait()

            def scale(e, carry2):
                wspl = plsc.load_gather(
                    w_v, [jnp.full((16,), j * CH + e, jnp.int32)])
                for v in range(W // 16):
                    if fill_only:
                        rows_v[e, pl.ds(v * 16, 16)] = wspl
                    else:
                        rows_v[e, pl.ds(v * 16, 16)] = (
                            rows_v[e, pl.ds(v * 16, 16)] * wspl)
                return carry2

            lax.fori_loop(0, CH, scale, 0)
            pltpu.sync_copy(rows_v, acc_sh.at[dst_v.at[j]], add=True)
            return carry

        lax.fori_loop(0, NCHUNK, chunk, 0)
        plsc.subcore_barrier()
        pltpu.sync_copy(acc_sh.at[pl.ds(s * RPT, RPT)],
                        out_hbm.at[c].at[pl.ds(s * RPT, RPT)])

    return _mp_body


def _mp_call(y, src_p, dst_p, w_p, zeros, W=H, fill_only=False):
    mesh = plsc.VectorSubcoreMesh(core_axis_name="c", subcore_axis_name="s")
    return pl.kernel(
        _make_mp_body(W, fill_only),
        out_type=jax.ShapeDtypeStruct((NC, NP, W), jnp.float32),
        mesh=mesh,
        compiler_params=pltpu.CompilerParams(needs_layout_passes=False),
        scratch_types=[
            pltpu.VMEM((NCHUNK, CH), jnp.int32),
            pltpu.VMEM((NCHUNK, CH), jnp.int32),
            pltpu.VMEM((EPW,), jnp.float32),
            pltpu.VMEM((CH, W), jnp.float32),
            pltpu.VMEM_SHARED((NP, W), jnp.float32),
            pltpu.SemaphoreType.DMA,
        ],
    )(y, src_p, dst_p, w_p, zeros)



def _gi_body(x_ref, w_ref, b_ref, o_ref):
    o_ref[...] = lax.dot_general(
        x_ref[...], w_ref[...], (((1,), (1,)), ((), ())),
        preferred_element_type=jnp.float32) + b_ref[...]


def _rsqrt_body(a0_ref, a1_ref, o_ref):
    d = lax.rsqrt(1.0 + a0_ref[...] + a1_ref[...])
    o_ref[...] = jnp.broadcast_to(d[:, :1], (BN, H))


def _gru_body(gi_ref, h_ref, whh_ref, bhh_ref, w0_ref, dinv_ref, y0_ref):
    h = h_ref[...]
    gh = lax.dot_general(h, whh_ref[...], (((1,), (1,)), ((), ())),
                         preferred_element_type=jnp.float32) + bhh_ref[...]
    gi = gi_ref[...]
    r = jax.nn.sigmoid(gi[:, :H] + gh[:, :H])
    z = jax.nn.sigmoid(gi[:, H:2 * H] + gh[:, H:2 * H])
    nc = jnp.tanh(gi[:, 2 * H:] + r * gh[:, 2 * H:])
    hn = (1.0 - z) * nc + z * h
    y0_ref[...] = lax.dot_general(
        hn, w0_ref[...], (((1,), (0,)), ((), ())),
        preferred_element_type=jnp.float32) * dinv_ref[...]


def _post_body(a0_ref, a1_ref, y_ref, dinv_ref, b_ref, w_ref, o_ref):
    dinv = dinv_ref[...]
    h1 = jax.nn.relu((a0_ref[...] + a1_ref[...] + y_ref[...]) * dinv + b_ref[...])
    o_ref[...] = lax.dot_general(
        h1, w_ref[...], (((1,), (0,)), ((), ())),
        preferred_element_type=jnp.float32) * dinv


def _final_body(a0_ref, a1_ref, y_ref, dinv_ref, b_ref, wl_ref, bl_ref,
                h_ref, o_ref):
    h2 = jax.nn.relu((a0_ref[...] + a1_ref[...] + y_ref[...]) * dinv_ref[...]
                     + b_ref[...])
    h_ref[...] = h2
    o_ref[...] = lax.dot_general(
        h2, wl_ref[...], (((1,), (0,)), ((), ())),
        preferred_element_type=jnp.float32) + bl_ref[...]


def _row_spec(cols):
    return pl.BlockSpec((BN, cols), lambda i: (i, 0))


def _full_spec(r, cols):
    return pl.BlockSpec((r, cols), lambda i: (0, 0))


def _gi_call(x2, W_ih, b_ih2):
    return pl.pallas_call(
        _gi_body,
        grid=(T * N // BN,),
        in_specs=[_row_spec(D), _full_spec(3 * H, D), _full_spec(1, 3 * H)],
        out_specs=_row_spec(3 * H),
        out_shape=jax.ShapeDtypeStruct((T * N, 3 * H), jnp.float32),
    )(x2, W_ih, b_ih2)


def _rsqrt_call(a0, a1):
    return pl.pallas_call(
        _rsqrt_body,
        grid=(N // BN,),
        in_specs=[_row_spec(H), _row_spec(H)],
        out_specs=_row_spec(H),
        out_shape=jax.ShapeDtypeStruct((N, H), jnp.float32),
    )(a0, a1)


def _gru_call(gi_t, h, W_hh, b_hh2, W0, dinv):
    return pl.pallas_call(
        _gru_body,
        grid=(N // BN,),
        in_specs=[_row_spec(3 * H), _row_spec(H), _full_spec(3 * H, H),
                  _full_spec(1, 3 * H), _full_spec(H, H), _row_spec(H)],
        out_specs=_row_spec(H),
        out_shape=jax.ShapeDtypeStruct((N, H), jnp.float32),
    )(gi_t, h, W_hh, b_hh2, W0, dinv)


def _post_call(a0, a1, y, dinv, b2, W):
    return pl.pallas_call(
        _post_body,
        grid=(N // BN,),
        in_specs=[_row_spec(H), _row_spec(H), _row_spec(H), _row_spec(H),
                  _full_spec(1, H), _full_spec(H, H)],
        out_specs=_row_spec(H),
        out_shape=jax.ShapeDtypeStruct((N, H), jnp.float32),
    )(a0, a1, y, dinv, b2, W)


def _final_call(a0, a1, y, dinv, b2, WlT, bl2):
    return pl.pallas_call(
        _final_body,
        grid=(N // BN,),
        in_specs=[_row_spec(H), _row_spec(H), _row_spec(H), _row_spec(H),
                  _full_spec(1, H), _full_spec(H, 1), _full_spec(1, 1)],
        out_specs=[_row_spec(H), _row_spec(1)],
        out_shape=[jax.ShapeDtypeStruct((N, H), jnp.float32),
                   jax.ShapeDtypeStruct((N, 1), jnp.float32)],
    )(a0, a1, y, dinv, b2, WlT, bl2)



def kernel(x, edge_index, edge_weight, W_ih, b_ih, W_hh, b_hh, W_conv, b_conv,
           W_lin, b_lin):
    src = edge_index[0]
    dst = edge_index[1]

    pad = NW * EPW - E
    src_p = jnp.pad(src, (0, pad)).reshape(NW, NCHUNK, CH)
    dst_p = jnp.pad(dst, (0, pad)).reshape(NW, NCHUNK, CH)
    w_p = jnp.pad(edge_weight, (0, pad)).reshape(NW, EPW)
    zeros = jnp.zeros((RPT, H), jnp.float32)

    mp = functools.partial(_mp_call, src_p=src_p, dst_p=dst_p, w_p=w_p,
                           zeros=zeros)

    acc_deg = _mp_call(jnp.ones((N, H), jnp.float32), src_p, dst_p, w_p,
                       zeros, fill_only=True)
    dinv = _rsqrt_call(acc_deg[0, :N], acc_deg[1, :N])

    gi_all = _gi_call(x.reshape(T * N, D), W_ih, b_ih.reshape(1, 3 * H))
    b_hh2 = b_hh.reshape(1, 3 * H)
    b_conv2 = [b_conv[l].reshape(1, H) for l in range(L)]
    WlT = W_lin.reshape(H, 1)
    bl2 = b_lin.reshape(1, 1)

    h = jnp.zeros((N, H), jnp.float32)
    outs = []
    for t in range(T):
        y0 = _gru_call(gi_all[t * N:(t + 1) * N], h, W_hh, b_hh2,
                       W_conv[0], dinv)
        a = mp(y0)
        y1 = _post_call(a[0, :N], a[1, :N], y0, dinv, b_conv2[0], W_conv[1])
        a = mp(y1)
        h, out_t = _final_call(a[0, :N], a[1, :N], y1, dinv, b_conv2[1], WlT, bl2)
        outs.append(out_t[None])
    return jnp.concatenate(outs, axis=0)

# --- scband reference (transcript-rebuilt; emitter-appended) ---
"""Pipeline reference for scband-temporal-gnn-11467562680922 (READ-ONLY COPY).

The authoritative reference and input builder live on the scoring server;
editing this copy changes nothing except your own understanding.
"""

import jax, jax.numpy as jnp
import numpy as np

T, N, E, D, H, L = 4, 10000, 320000, 128, 128, 2


def gcn_conv(h, W, b, src, dst, ew, n):
    loop = jnp.arange(n, dtype=src.dtype)
    s = jnp.concatenate([src, loop])
    d = jnp.concatenate([dst, loop])
    w = jnp.concatenate([ew, jnp.ones((n,), h.dtype)])
    deg = jnp.zeros((n,), h.dtype).at[d].add(w)
    dinv = jnp.where(deg > 0, deg ** -0.5, 0.0)
    norm = dinv[s] * w * dinv[d]
    x = h @ W
    msg = x[s] * norm[:, None]
    out = jnp.zeros_like(x).at[d].add(msg) + b
    return out


def setup_inputs(seed: int = 0) -> dict:
    key = jax.random.key(seed)
    ks = jax.random.split(key, 12)
    s = 1.0 / np.sqrt(H)
    inp = {}
    inp["x"] = jax.random.normal(ks[0], (T, N, D), jnp.float32)
    inp["edge_index"] = jax.random.randint(ks[1], (2, E), 0, N, dtype=jnp.int32)
    inp["edge_weight"] = jax.random.uniform(ks[2], (E,), jnp.float32)
    inp["W_ih"] = jax.random.uniform(ks[3], (3 * H, D), jnp.float32, -s, s)
    inp["b_ih"] = jax.random.uniform(ks[4], (3 * H,), jnp.float32, -s, s)
    inp["W_hh"] = jax.random.uniform(ks[5], (3 * H, H), jnp.float32, -s, s)
    inp["b_hh"] = jax.random.uniform(ks[6], (3 * H,), jnp.float32, -s, s)
    inp["W_conv"] = jax.random.uniform(ks[7], (L, H, H), jnp.float32, -s, s)
    inp["b_conv"] = jnp.zeros((L, H), jnp.float32)
    inp["W_lin"] = jax.random.uniform(ks[8], (1, H), jnp.float32, -s, s)
    inp["b_lin"] = jnp.zeros((1,), jnp.float32)
    return inp


def reference(x, edge_index, edge_weight, W_ih, b_ih, W_hh, b_hh, W_conv, b_conv, W_lin, b_lin):
    n = x.shape[1]
    src = edge_index[0]
    dst = edge_index[1]
    h = jnp.zeros((n, H), x.dtype)
    outs = []
    for t in range(T):
        gi = x[t] @ W_ih.T + b_ih
        gh = h @ W_hh.T + b_hh
        ir, iz, i_n = jnp.split(gi, 3, axis=1)
        hr, hz, h_n = jnp.split(gh, 3, axis=1)
        r = jax.nn.sigmoid(ir + hr)
        z = jax.nn.sigmoid(iz + hz)
        ncand = jnp.tanh(i_n + r * h_n)
        h = (1.0 - z) * ncand + z * h
        for l in range(L):
            h = jax.nn.relu(gcn_conv(h, W_conv[l], b_conv[l], src, dst, edge_weight, n))
        # dropout is identity in eval mode
        out = h @ W_lin.T + b_lin
        outs.append(out[None])
    return jnp.concatenate(outs, axis=0)

if __name__ == "__main__":
    import jax
    _d = setup_inputs()
    print(jax.jit(kernel)(*tuple(_d.values())))

</pallas_src>

<mosaic_0001>
#map = affine_map<(d0, d1) -> (0, 0)>
#map1 = affine_map<(d0, d1) -> (0, 0, 0)>
module attributes {stable_mosaic.version = 14 : i64} {
  func.func @_mp_body(%arg0: i32, %arg1: i32, %arg2: memref<10000x128xf32, #tpu.memory_space<hbm>>, %arg3: memref<32x79x128xi32, #tpu.memory_space<hbm>>, %arg4: memref<32x79x128xi32, #tpu.memory_space<hbm>>, %arg5: memref<32x10112xf32, #tpu.memory_space<hbm>>, %arg6: memref<640x128xf32, #tpu.memory_space<hbm>>, %arg7: memref<2x10240x128xf32, #tpu.memory_space<hbm>>, %arg8: memref<79x128xi32, #tpu.memory_space<vmem>>, %arg9: memref<79x128xi32, #tpu.memory_space<vmem>>, %arg10: memref<10112xf32, #tpu.memory_space<vmem>>, %arg11: memref<128x128xf32, #tpu.memory_space<vmem>>, %arg12: memref<10240x128xf32, #tpu.memory_space<vmem_shared>>, %arg13: memref<!tpu.dma_semaphore, #tpu.memory_space<semaphore_mem>>) attributes {dimension_semantics = [#tpu.dimension_semantics<core_parallel>, #tpu.dimension_semantics<subcore_parallel>], iteration_bounds = array<i64: 2, 16>, scalar_prefetch = 0 : i64, scratch_operands = 6 : i64, tpu.core_type = #tpu.core_type<sc_vector_subcore>, window_params = [{transform_indices = #map}, {transform_indices = #map1}, {transform_indices = #map1}, {transform_indices = #map}, {transform_indices = #map}, {transform_indices = #map1}]} {
    %mul3A = arith.constant 2 : i32
    %mul3A_0 = arith.muli %arg1, %mul3A : i32
    %add3A = arith.addi %mul3A_0, %arg0 : i32
    %mul3A_1 = arith.constant 640 : i32
    %mul3A_2 = arith.muli %arg1, %mul3A_1 : i32
    "tpu.region"() ({
      %run_scoped3A = tpu.sem_alloc : memref<!tpu.dma_semaphore, #tpu.memory_space<semaphore_mem>>
      %dma_start3A = arith.constant 0 : i32
      %dma_start3A_13 = tpu.memref_slice %arg12[%mul3A_2, %dma_start3A] : memref<10240x128xf32, #tpu.memory_space<vmem_shared>> -> memref<640x128xf32, #tpu.memory_space<vmem_shared>>
      tpu.enqueue_dma source(%arg6 : memref<640x128xf32, #tpu.memory_space<hbm>>) target(%dma_start3A_13 : memref<640x128xf32, #tpu.memory_space<vmem_shared>>) target_semaphore(%run_scoped3A : memref<!tpu.dma_semaphore, #tpu.memory_space<semaphore_mem>>)
      %dma_wait3A = arith.constant 0 : i32
      %dma_wait3A_14 = tpu.memref_slice %arg12[%mul3A_2, %dma_wait3A] : memref<10240x128xf32, #tpu.memory_space<vmem_shared>> -> memref<640x128xf32, #tpu.memory_space<vmem_shared>>
      tpu.wait_dma2 semaphore(%run_scoped3A : memref<!tpu.dma_semaphore, #tpu.memory_space<semaphore_mem>>) src(%arg6 : memref<640x128xf32, #tpu.memory_space<hbm>>) dst(%dma_wait3A_14 : memref<640x128xf32, #tpu.memory_space<vmem_shared>>)
      tpu.yield
    }) : () -> ()
    "tpu.region"() ({
      %run_scoped3A = tpu.sem_alloc : memref<!tpu.dma_semaphore, #tpu.memory_space<semaphore_mem>>
      %dma_start3A = arith.constant 0 : i32
      %dma_start3A_13 = arith.constant 0 : i32
      %dma_start3A_14 = tpu.memref_slice %arg3[%add3A, %dma_start3A, %dma_start3A_13] : memref<32x79x128xi32, #tpu.memory_space<hbm>> -> memref<1x79x128xi32, #tpu.memory_space<hbm>>
      %dma_start3A_15 = tpu.memref_squeeze %dma_start3A_14 : memref<1x79x128xi32, #tpu.memory_space<hbm>> -> memref<79x128xi32, #tpu.memory_space<hbm>>
      %dma_start3A_16 = arith.constant 0 : i32
      %dma_start3A_17 = arith.constant 0 : i32
      %dma_start3A_18 = tpu.memref_slice %arg3[%add3A, %dma_start3A_16, %dma_start3A_17] : memref<32x79x128xi32, #tpu.memory_space<hbm>> -> memref<1x79x128xi32, #tpu.memory_space<hbm>>
      %dma_start3A_19 = tpu.memref_squeeze %dma_start3A_18 : memref<1x79x128xi32, #tpu.memory_space<hbm>> -> memref<79x128xi32, #tpu.memory_space<hbm>>
      tpu.enqueue_dma source(%dma_start3A_19 : memref<79x128xi32, #tpu.memory_space<hbm>>) target(%arg8 : memref<79x128xi32, #tpu.memory_space<vmem>>) target_semaphore(%run_scoped3A : memref<!tpu.dma_semaphore, #tpu.memory_space<semaphore_mem>>)
      %dma_wait3A = arith.constant 0 : i32
      %dma_wait3A_20 = arith.constant 0 : i32
      %dma_wait3A_21 = tpu.memref_slice %arg3[%add3A, %dma_wait3A, %dma_wait3A_20] : memref<32x79x128xi32, #tpu.memory_space<hbm>> -> memref<1x79x128xi32, #tpu.memory_space<hbm>>
      %dma_wait3A_22 = tpu.memref_squeeze %dma_wait3A_21 : memref<1x79x128xi32, #tpu.memory_space<hbm>> -> memref<79x128xi32, #tpu.memory_space<hbm>>
      %dma_wait3A_23 = arith.constant 0 : i32
      %dma_wait3A_24 = arith.constant 0 : i32
      %dma_wait3A_25 = tpu.memref_slice %arg3[%add3A, %dma_wait3A_23, %dma_wait3A_24] : memref<32x79x128xi32, #tpu.memory_space<hbm>> -> memref<1x79x128xi32, #tpu.memory_space<hbm>>
      %dma_wait3A_26 = tpu.memref_squeeze %dma_wait3A_25 : memref<1x79x128xi32, #tpu.memory_space<hbm>> -> memref<79x128xi32, #tpu.memory_space<hbm>>
      tpu.wait_dma2 semaphore(%run_scoped3A : memref<!tpu.dma_semaphore, #tpu.memory_space<semaphore_mem>>) src(%dma_wait3A_26 : memref<79x128xi32, #tpu.memory_space<hbm>>) dst(%arg8 : memref<79x128xi32, #tpu.memory_space<vmem>>)
      tpu.yield
    }) : () -> ()
    "tpu.region"() ({
      %run_scoped3A = tpu.sem_alloc : memref<!tpu.dma_semaphore, #tpu.memory_space<semaphore_mem>>
      %dma_start3A = arith.constant 0 : i32
      %dma_start3A_13 = arith.constant 0 : i32
      %dma_start3A_14 = tpu.memref_slice %arg4[%add3A, %dma_start3A, %dma_start3A_13] : memref<32x79x128xi32, #tpu.memory_space<hbm>> -> memref<1x79x128xi32, #tpu.memory_space<hbm>>
      %dma_start3A_15 = tpu.memref_squeeze %dma_start3A_14 : memref<1x79x128xi32, #tpu.memory_space<hbm>> -> memref<79x128xi32, #tpu.memory_space<hbm>>
      %dma_start3A_16 = arith.constant 0 : i32
      %dma_start3A_17 = arith.constant 0 : i32
      %dma_start3A_18 = tpu.memref_slice %arg4[%add3A, %dma_start3A_16, %dma_start3A_17] : memref<32x79x128xi32, #tpu.memory_space<hbm>> -> memref<1x79x128xi32, #tpu.memory_space<hbm>>
      %dma_start3A_19 = tpu.memref_squeeze %dma_start3A_18 : memref<1x79x128xi32, #tpu.memory_space<hbm>> -> memref<79x128xi32, #tpu.memory_space<hbm>>
      tpu.enqueue_dma source(%dma_start3A_19 : memref<79x128xi32, #tpu.memory_space<hbm>>) target(%arg9 : memref<79x128xi32, #tpu.memory_space<vmem>>) target_semaphore(%run_scoped3A : memref<!tpu.dma_semaphore, #tpu.memory_space<semaphore_mem>>)
      %dma_wait3A = arith.constant 0 : i32
      %dma_wait3A_20 = arith.constant 0 : i32
      %dma_wait3A_21 = tpu.memref_slice %arg4[%add3A, %dma_wait3A, %dma_wait3A_20] : memref<32x79x128xi32, #tpu.memory_space<hbm>> -> memref<1x79x128xi32, #tpu.memory_space<hbm>>
      %dma_wait3A_22 = tpu.memref_squeeze %dma_wait3A_21 : memref<1x79x128xi32, #tpu.memory_space<hbm>> -> memref<79x128xi32, #tpu.memory_space<hbm>>
      %dma_wait3A_23 = arith.constant 0 : i32
      %dma_wait3A_24 = arith.constant 0 : i32
      %dma_wait3A_25 = tpu.memref_slice %arg4[%add3A, %dma_wait3A_23, %dma_wait3A_24] : memref<32x79x128xi32, #tpu.memory_space<hbm>> -> memref<1x79x128xi32, #tpu.memory_space<hbm>>
      %dma_wait3A_26 = tpu.memref_squeeze %dma_wait3A_25 : memref<1x79x128xi32, #tpu.memory_space<hbm>> -> memref<79x128xi32, #tpu.memory_space<hbm>>
      tpu.wait_dma2 semaphore(%run_scoped3A : memref<!tpu.dma_semaphore, #tpu.memory_space<semaphore_mem>>) src(%dma_wait3A_26 : memref<79x128xi32, #tpu.memory_space<hbm>>) dst(%arg9 : memref<79x128xi32, #tpu.memory_space<vmem>>)
      tpu.yield
    }) : () -> ()
    "tpu.region"() ({
      %run_scoped3A = tpu.sem_alloc : memref<!tpu.dma_semaphore, #tpu.memory_space<semaphore_mem>>
      %dma_start3A = arith.constant 0 : i32
      %dma_start3A_13 = tpu.memref_slice %arg5[%add3A, %dma_start3A] : memref<32x10112xf32, #tpu.memory_space<hbm>> -> memref<1x10112xf32, #tpu.memory_space<hbm>>
      %dma_start3A_14 = tpu.memref_squeeze %dma_start3A_13 : memref<1x10112xf32, #tpu.memory_space<hbm>> -> memref<10112xf32, #tpu.memory_space<hbm>>
      %dma_start3A_15 = arith.constant 0 : i32
      %dma_start3A_16 = tpu.memref_slice %arg5[%add3A, %dma_start3A_15] : memref<32x10112xf32, #tpu.memory_space<hbm>> -> memref<1x10112xf32, #tpu.memory_space<hbm>>
      %dma_start3A_17 = tpu.memref_squeeze %dma_start3A_16 : memref<1x10112xf32, #tpu.memory_space<hbm>> -> memref<10112xf32, #tpu.memory_space<hbm>>
      tpu.enqueue_dma source(%dma_start3A_17 : memref<10112xf32, #tpu.memory_space<hbm>>) target(%arg10 : memref<10112xf32, #tpu.memory_space<vmem>>) target_semaphore(%run_scoped3A : memref<!tpu.dma_semaphore, #tpu.memory_space<semaphore_mem>>)
      %dma_wait3A = arith.constant 0 : i32
      %dma_wait3A_18 = tpu.memref_slice %arg5[%add3A, %dma_wait3A] : memref<32x10112xf32, #tpu.memory_space<hbm>> -> memref<1x10112xf32, #tpu.memory_space<hbm>>
      %dma_wait3A_19 = tpu.memref_squeeze %dma_wait3A_18 : memref<1x10112xf32, #tpu.memory_space<hbm>> -> memref<10112xf32, #tpu.memory_space<hbm>>
      %dma_wait3A_20 = arith.constant 0 : i32
      %dma_wait3A_21 = tpu.memref_slice %arg5[%add3A, %dma_wait3A_20] : memref<32x10112xf32, #tpu.memory_space<hbm>> -> memref<1x10112xf32, #tpu.memory_space<hbm>>
      %dma_wait3A_22 = tpu.memref_squeeze %dma_wait3A_21 : memref<1x10112xf32, #tpu.memory_space<hbm>> -> memref<10112xf32, #tpu.memory_space<hbm>>
      tpu.wait_dma2 semaphore(%run_scoped3A : memref<!tpu.dma_semaphore, #tpu.memory_space<semaphore_mem>>) src(%dma_wait3A_22 : memref<10112xf32, #tpu.memory_space<hbm>>) dst(%arg10 : memref<10112xf32, #tpu.memory_space<vmem>>)
      tpu.yield
    }) : () -> ()
    %barrier3A = arith.constant 0 : index
    tpu.barrier barrier_id(%barrier3A)
    %scan3A = arith.constant 0 : i32
    %scan3A_3 = arith.constant 0 : i32
    %scan3A_4 = arith.constant 79 : i32
    %scan3A_5 = arith.addi %scan3A_3, %scan3A_4 : i32
    %scan3A_6 = arith.constant 1 : i32
    scf.for %scan3A_13 = %scan3A_3 to %scan3A_5 step %scan3A_6  : i32 {
      %dma_start3A = arith.constant 0 : i32
      %dma_start3A_14 = tpu.memref_slice %arg8[%scan3A_13, %dma_start3A] : memref<79x128xi32, #tpu.memory_space<vmem>> -> memref<1x128xi32, #tpu.memory_space<vmem>>
      %dma_start3A_15 = tpu.memref_squeeze %dma_start3A_14 : memref<1x128xi32, #tpu.memory_space<vmem>> -> memref<128xi32, #tpu.memory_space<vmem>>
      %dma_start3A_16 = arith.constant 0 : i32
      %dma_start3A_17 = arith.constant 0 : i32
      %dma_start3A_18 = tpu.memref_slice %arg2[%dma_start3A_16, %dma_start3A_17] : memref<10000x128xf32, #tpu.memory_space<hbm>> -> memref<10000x128xf32, #tpu.memory_space<hbm>>
      tpu.enqueue_indirect_dma source(%dma_start3A_18 : memref<10000x128xf32, #tpu.memory_space<hbm>>) target(%arg11 : memref<128x128xf32, #tpu.memory_space<vmem>>) offsets(%dma_start3A_15 : memref<128xi32, #tpu.memory_space<vmem>>) semaphore(%arg13 : memref<!tpu.dma_semaphore, #tpu.memory_space<semaphore_mem>>)
      %dma_wait3A = arith.constant 0 : i32
      %dma_wait3A_19 = tpu.memref_slice %arg8[%scan3A_13, %dma_wait3A] : memref<79x128xi32, #tpu.memory_space<vmem>> -> memref<1x128xi32, #tpu.memory_space<vmem>>
      %dma_wait3A_20 = tpu.memref_squeeze %dma_wait3A_19 : memref<1x128xi32, #tpu.memory_space<vmem>> -> memref<128xi32, #tpu.memory_space<vmem>>
      %dma_wait3A_21 = arith.constant 0 : i32
      %dma_wait3A_22 = arith.constant 0 : i32
      %dma_wait3A_23 = tpu.memref_slice %arg2[%dma_wait3A_21, %dma_wait3A_22] : memref<10000x128xf32, #tpu.memory_space<hbm>> -> memref<10000x128xf32, #tpu.memory_space<hbm>>
      tpu.wait_indirect_dma semaphore(%arg13 : memref<!tpu.dma_semaphore, #tpu.memory_space<semaphore_mem>>) src(%dma_wait3A_23 : memref<10000x128xf32, #tpu.memory_space<hbm>>) dst(%arg11 : memref<128x128xf32, #tpu.memory_space<vmem>>)
      %scan3A_24 = arith.constant 0 : i32
      %scan3A_25 = arith.constant 0 : i32
      %scan3A_26 = arith.constant 128 : i32
      %scan3A_27 = arith.addi %scan3A_25, %scan3A_26 : i32
      %scan3A_28 = arith.constant 1 : i32
      scf.for %scan3A_30 = %scan3A_25 to %scan3A_27 step %scan3A_28  : i32 {
        %mul3A_31 = arith.constant 128 : i32
        %mul3A_32 = arith.muli %scan3A_13, %mul3A_31 : i32
        %add3A_33 = arith.addi %mul3A_32, %scan3A_30 : i32
        %broadcast_in_dim3A = vector.broadcast %add3A_33 : i32 to vector<16xi32>
        %gather3A = tpu.vector_load_idx %arg10[%broadcast_in_dim3A] : memref<10112xf32, #tpu.memory_space<vmem>>[vector<16xi32>], vector<16xf32>,
        %get3A = arith.index_cast %scan3A_30 : i32 to index
        %get3A_34 = arith.constant 0 : index
        %get3A_35 = tpu.vector_load %arg11[%get3A, %get3A_34] {strides = array<i32>} : memref<128x128xf32, #tpu.memory_space<vmem>>, vector<16xf32>,
        %mul3A_36 = arith.mulf %get3A_35, %gather3A : vector<16xf32>
        %swap3A = arith.index_cast %scan3A_30 : i32 to index
        %swap3A_37 = arith.constant 0 : index
        %swap3A_38 = tpu.vector_load %arg11[%swap3A, %swap3A_37] {strides = array<i32>} : memref<128x128xf32, #tpu.memory_space<vmem>>, vector<16xf32>,
        tpu.vector_store %arg11[%swap3A, %swap3A_37], %mul3A_36 {strides = array<i32>} : memref<128x128xf32, #tpu.memory_space<vmem>>, vector<16xf32>,
        %get3A_39 = arith.index_cast %scan3A_30 : i32 to index
        %get3A_40 = arith.constant 16 : index
        %get3A_41 = tpu.vector_load %arg11[%get3A_39, %get3A_40] {strides = array<i32>} : memref<128x128xf32, #tpu.memory_space<vmem>>, vector<16xf32>,
        %mul3A_42 = arith.mulf %get3A_41, %gather3A : vector<16xf32>
        %swap3A_43 = arith.index_cast %scan3A_30 : i32 to index
        %swap3A_44 = arith.constant 16 : index
        %swap3A_45 = tpu.vector_load %arg11[%swap3A_43, %swap3A_44] {strides = array<i32>} : memref<128x128xf32, #tpu.memory_space<vmem>>, vector<16xf32>,
        tpu.vector_store %arg11[%swap3A_43, %swap3A_44], %mul3A_42 {strides = array<i32>} : memref<128x128xf32, #tpu.memory_space<vmem>>, vector<16xf32>,
        %get3A_46 = arith.index_cast %scan3A_30 : i32 to index
        %get3A_47 = arith.constant 32 : index
        %get3A_48 = tpu.vector_load %arg11[%get3A_46, %get3A_47] {strides = array<i32>} : memref<128x128xf32, #tpu.memory_space<vmem>>, vector<16xf32>,
        %mul3A_49 = arith.mulf %get3A_48, %gather3A : vector<16xf32>
        %swap3A_50 = arith.index_cast %scan3A_30 : i32 to index
        %swap3A_51 = arith.constant 32 : index
        %swap3A_52 = tpu.vector_load %arg11[%swap3A_50, %swap3A_51] {strides = array<i32>} : memref<128x128xf32, #tpu.memory_space<vmem>>, vector<16xf32>,
        tpu.vector_store %arg11[%swap3A_50, %swap3A_51], %mul3A_49 {strides = array<i32>} : memref<128x128xf32, #tpu.memory_space<vmem>>, vector<16xf32>,
        %get3A_53 = arith.index_cast %scan3A_30 : i32 to index
        %get3A_54 = arith.constant 48 : index
        %get3A_55 = tpu.vector_load %arg11[%get3A_53, %get3A_54] {strides = array<i32>} : memref<128x128xf32, #tpu.memory_space<vmem>>, vector<16xf32>,
        %mul3A_56 = arith.mulf %get3A_55, %gather3A : vector<16xf32>
        %swap3A_57 = arith.index_cast %scan3A_30 : i32 to index
        %swap3A_58 = arith.constant 48 : index
        %swap3A_59 = tpu.vector_load %arg11[%swap3A_57, %swap3A_58] {strides = array<i32>} : memref<128x128xf32, #tpu.memory_space<vmem>>, vector<16xf32>,
        tpu.vector_store %arg11[%swap3A_57, %swap3A_58], %mul3A_56 {strides = array<i32>} : memref<128x128xf32, #tpu.memory_space<vmem>>, vector<16xf32>,
        %get3A_60 = arith.index_cast %scan3A_30 : i32 to index
        %get3A_61 = arith.constant 64 : index
        %get3A_62 = tpu.vector_load %arg11[%get3A_60, %get3A_61] {strides = array<i32>} : memref<128x128xf32, #tpu.memory_space<vmem>>, vector<16xf32>,
        %mul3A_63 = arith.mulf %get3A_62, %gather3A : vector<16xf32>
        %swap3A_64 = arith.index_cast %scan3A_30 : i32 to index
        %swap3A_65 = arith.constant 64 : index
        %swap3A_66 = tpu.vector_load %arg11[%swap3A_64, %swap3A_65] {strides = array<i32>} : memref<128x128xf32, #tpu.memory_space<vmem>>, vector<16xf32>,
        tpu.vector_store %arg11[%swap3A_64, %swap3A_65], %mul3A_63 {strides = array<i32>} : memref<128x128xf32, #tpu.memory_space<vmem>>, vector<16xf32>,
        %get3A_67 = arith.index_cast %scan3A_30 : i32 to index
        %get3A_68 = arith.constant 80 : index
        %get3A_69 = tpu.vector_load %arg11[%get3A_67, %get3A_68] {strides = array<i32>} : memref<128x128xf32, #tpu.memory_space<vmem>>, vector<16xf32>,
        %mul3A_70 = arith.mulf %get3A_69, %gather3A : vector<16xf32>
        %swap3A_71 = arith.index_cast %scan3A_30 : i32 to index
        %swap3A_72 = arith.constant 80 : index
        %swap3A_73 = tpu.vector_load %arg11[%swap3A_71, %swap3A_72] {strides = array<i32>} : memref<128x128xf32, #tpu.memory_space<vmem>>, vector<16xf32>,
        tpu.vector_store %arg11[%swap3A_71, %swap3A_72], %mul3A_70 {strides = array<i32>} : memref<128x128xf32, #tpu.memory_space<vmem>>, vector<16xf32>,
        %get3A_74 = arith.index_cast %scan3A_30 : i32 to index
        %get3A_75 = arith.constant 96 : index
        %get3A_76 = tpu.vector_load %arg11[%get3A_74, %get3A_75] {strides = array<i32>} : memref<128x128xf32, #tpu.memory_space<vmem>>, vector<16xf32>,
        %mul3A_77 = arith.mulf %get3A_76, %gather3A : vector<16xf32>
        %swap3A_78 = arith.index_cast %scan3A_30 : i32 to index
        %swap3A_79 = arith.constant 96 : index
        %swap3A_80 = tpu.vector_load %arg11[%swap3A_78, %swap3A_79] {strides = array<i32>} : memref<128x128xf32, #tpu.memory_space<vmem>>, vector<16xf32>,
        tpu.vector_store %arg11[%swap3A_78, %swap3A_79], %mul3A_77 {strides = array<i32>} : memref<128x128xf32, #tpu.memory_space<vmem>>, vector<16xf32>,
        %get3A_81 = arith.index_cast %scan3A_30 : i32 to index
        %get3A_82 = arith.constant 112 : index
        %get3A_83 = tpu.vector_load %arg11[%get3A_81, %get3A_82] {strides = array<i32>} : memref<128x128xf32, #tpu.memory_space<vmem>>, vector<16xf32>,
        %mul3A_84 = arith.mulf %get3A_83, %gather3A : vector<16xf32>
        %swap3A_85 = arith.index_cast %scan3A_30 : i32 to index
        %swap3A_86 = arith.constant 112 : index
        %swap3A_87 = tpu.vector_load %arg11[%swap3A_85, %swap3A_86] {strides = array<i32>} : memref<128x128xf32, #tpu.memory_space<vmem>>, vector<16xf32>,
        tpu.vector_store %arg11[%swap3A_85, %swap3A_86], %mul3A_84 {strides = array<i32>} : memref<128x128xf32, #tpu.memory_space<vmem>>, vector<16xf32>,
      }
      %scan3A_29 = arith.constant 128 : i32
      "tpu.region"() ({
        %run_scoped3A = tpu.sem_alloc : memref<!tpu.dma_semaphore, #tpu.memory_space<semaphore_mem>>
        %dma_start3A_30 = arith.constant 0 : i32
        %dma_start3A_31 = tpu.memref_slice %arg9[%scan3A_13, %dma_start3A_30] : memref<79x128xi32, #tpu.memory_space<vmem>> -> memref<1x128xi32, #tpu.memory_space<vmem>>
        %dma_start3A_32 = tpu.memref_squeeze %dma_start3A_31 : memref<1x128xi32, #tpu.memory_space<vmem>> -> memref<128xi32, #tpu.memory_space<vmem>>
        %dma_start3A_33 = arith.constant 0 : i32
        %dma_start3A_34 = arith.constant 0 : i32
        %dma_start3A_35 = tpu.memref_slice %arg12[%dma_start3A_33, %dma_start3A_34] : memref<10240x128xf32, #tpu.memory_space<vmem_shared>> -> memref<10240x128xf32, #tpu.memory_space<vmem_shared>>
        tpu.enqueue_indirect_dma source(%arg11 : memref<128x128xf32, #tpu.memory_space<vmem>>) target(%dma_start3A_35 : memref<10240x128xf32, #tpu.memory_space<vmem_shared>>) offsets(%dma_start3A_32 : memref<128xi32, #tpu.memory_space<vmem>>) semaphore(%run_scoped3A : memref<!tpu.dma_semaphore, #tpu.memory_space<semaphore_mem>>) {add = true}
        %dma_wait3A_36 = arith.constant 0 : i32
        %dma_wait3A_37 = tpu.memref_slice %arg9[%scan3A_13, %dma_wait3A_36] : memref<79x128xi32, #tpu.memory_space<vmem>> -> memref<1x128xi32, #tpu.memory_space<vmem>>
        %dma_wait3A_38 = tpu.memref_squeeze %dma_wait3A_37 : memref<1x128xi32, #tpu.memory_space<vmem>> -> memref<128xi32, #tpu.memory_space<vmem>>
        %dma_wait3A_39 = arith.constant 0 : i32
        %dma_wait3A_40 = arith.constant 0 : i32
        %dma_wait3A_41 = tpu.memref_slice %arg12[%dma_wait3A_39, %dma_wait3A_40] : memref<10240x128xf32, #tpu.memory_space<vmem_shared>> -> memref<10240x128xf32, #tpu.memory_space<vmem_shared>>
        tpu.wait_indirect_dma semaphore(%run_scoped3A : memref<!tpu.dma_semaphore, #tpu.memory_space<semaphore_mem>>) src(%arg11 : memref<128x128xf32, #tpu.memory_space<vmem>>) dst(%dma_wait3A_41 : memref<10240x128xf32, #tpu.memory_space<vmem_shared>>)
        tpu.yield
      }) : () -> ()
    }
    %scan3A_7 = arith.constant 79 : i32
    %barrier3A_8 = arith.constant 0 : index
    tpu.barrier barrier_id(%barrier3A_8)
    %mul3A_9 = arith.constant 640 : i32
    %mul3A_10 = arith.muli %arg1, %mul3A_9 : i32
    %mul3A_11 = arith.constant 640 : i32
    %mul3A_12 = arith.muli %arg1, %mul3A_11 : i32
    "tpu.region"() ({
      %run_scoped3A = tpu.sem_alloc : memref<!tpu.dma_semaphore, #tpu.memory_space<semaphore_mem>>
      %dma_start3A = arith.constant 0 : i32
      %dma_start3A_13 = arith.constant 0 : i32
      %dma_start3A_14 = tpu.memref_slice %arg7[%arg0, %dma_start3A, %dma_start3A_13] : memref<2x10240x128xf32, #tpu.memory_space<hbm>> -> memref<1x10240x128xf32, #tpu.memory_space<hbm>>
      %dma_start3A_15 = tpu.memref_squeeze %dma_start3A_14 : memref<1x10240x128xf32, #tpu.memory_space<hbm>> -> memref<10240x128xf32, #tpu.memory_space<hbm>>
      %dma_start3A_16 = arith.constant 0 : i32
      %dma_start3A_17 = tpu.memref_slice %dma_start3A_15[%mul3A_12, %dma_start3A_16] : memref<10240x128xf32, #tpu.memory_space<hbm>> -> memref<640x128xf32, #tpu.memory_space<hbm>>
      %dma_start3A_18 = arith.constant 0 : i32
      %dma_start3A_19 = tpu.memref_slice %arg12[%mul3A_10, %dma_start3A_18] : memref<10240x128xf32, #tpu.memory_space<vmem_shared>> -> memref<640x128xf32, #tpu.memory_space<vmem_shared>>
      tpu.enqueue_dma source(%dma_start3A_19 : memref<640x128xf32, #tpu.memory_space<vmem_shared>>) target(%dma_start3A_17 : memref<640x128xf32, #tpu.memory_space<hbm>>) target_semaphore(%run_scoped3A : memref<!tpu.dma_semaphore, #tpu.memory_space<semaphore_mem>>)
      %dma_wait3A = arith.constant 0 : i32
      %dma_wait3A_20 = arith.constant 0 : i32
      %dma_wait3A_21 = tpu.memref_slice %arg7[%arg0, %dma_wait3A, %dma_wait3A_20] : memref<2x10240x128xf32, #tpu.memory_space<hbm>> -> memref<1x10240x128xf32, #tpu.memory_space<hbm>>
      %dma_wait3A_22 = tpu.memref_squeeze %dma_wait3A_21 : memref<1x10240x128xf32, #tpu.memory_space<hbm>> -> memref<10240x128xf32, #tpu.memory_space<hbm>>
      %dma_wait3A_23 = arith.constant 0 : i32
      %dma_wait3A_24 = tpu.memref_slice %dma_wait3A_22[%mul3A_12, %dma_wait3A_23] : memref<10240x128xf32, #tpu.memory_space<hbm>> -> memref<640x128xf32, #tpu.memory_space<hbm>>
      %dma_wait3A_25 = arith.constant 0 : i32
      %dma_wait3A_26 = tpu.memref_slice %arg12[%mul3A_10, %dma_wait3A_25] : memref<10240x128xf32, #tpu.memory_space<vmem_shared>> -> memref<640x128xf32, #tpu.memory_space<vmem_shared>>
      tpu.wait_dma2 semaphore(%run_scoped3A : memref<!tpu.dma_semaphore, #tpu.memory_space<semaphore_mem>>) src(%dma_wait3A_26 : memref<640x128xf32, #tpu.memory_space<vmem_shared>>) dst(%dma_wait3A_24 : memref<640x128xf32, #tpu.memory_space<hbm>>)
      tpu.yield
    }) : () -> ()
    return
  }
}

#map = affine_map<(d0, d1) -> (0, 0)>
#map1 = affine_map<(d0, d1) -> (0, 0, 0)>
module attributes {stable_mosaic.version = 14 : i64} {
  func.func @_mp_body(%arg0: i32, %arg1: i32, %arg2: memref<10000x128xf32, #tpu.memory_space<hbm>>, %arg3: memref<32x79x128xi32, #tpu.memory_space<hbm>>, %arg4: memref<32x79x128xi32, #tpu.memory_space<hbm>>, %arg5: memref<32x10112xf32, #tpu.memory_space<hbm>>, %arg6: memref<640x128xf32, #tpu.memory_space<hbm>>, %arg7: memref<2x10240x128xf32, #tpu.memory_space<hbm>>, %arg8: memref<79x128xi32, #tpu.memory_space<vmem>>, %arg9: memref<79x128xi32, #tpu.memory_space<vmem>>, %arg10: memref<10112xf32, #tpu.memory_space<vmem>>, %arg11: memref<128x128xf32, #tpu.memory_space<vmem>>, %arg12: memref<10240x128xf32, #tpu.memory_space<vmem_shared>>, %arg13: memref<!tpu.dma_semaphore, #tpu.memory_space<semaphore_mem>>) attributes {dimension_semantics = [#tpu.dimension_semantics<core_parallel>, #tpu.dimension_semantics<subcore_parallel>], iteration_bounds = array<i64: 2, 16>, scalar_prefetch = 0 : i64, scratch_operands = 6 : i64, tpu.core_type = #tpu.core_type<sc_vector_subcore>, window_params = [{transform_indices = #map}, {transform_indices = #map1}, {transform_indices = #map1}, {transform_indices = #map}, {transform_indices = #map}, {transform_indices = #map1}]} {
    %mul3A = arith.constant 2 : i32
    %mul3A_0 = arith.muli %arg1, %mul3A : i32
    %add3A = arith.addi %mul3A_0, %arg0 : i32
    %mul3A_1 = arith.constant 640 : i32
    %mul3A_2 = arith.muli %arg1, %mul3A_1 : i32
    "tpu.region"() ({
      %run_scoped3A = tpu.sem_alloc : memref<!tpu.dma_semaphore, #tpu.memory_space<semaphore_mem>>
      %dma_start3A = arith.constant 0 : i32
      %dma_start3A_13 = tpu.memref_slice %arg12[%mul3A_2, %dma_start3A] : memref<10240x128xf32, #tpu.memory_space<vmem_shared>> -> memref<640x128xf32, #tpu.memory_space<vmem_shared>>
      tpu.enqueue_dma source(%arg6 : memref<640x128xf32, #tpu.memory_space<hbm>>) target(%dma_start3A_13 : memref<640x128xf32, #tpu.memory_space<vmem_shared>>) target_semaphore(%run_scoped3A : memref<!tpu.dma_semaphore, #tpu.memory_space<semaphore_mem>>)
      %dma_wait3A = arith.constant 0 : i32
      %dma_wait3A_14 = tpu.memref_slice %arg12[%mul3A_2, %dma_wait3A] : memref<10240x128xf32, #tpu.memory_space<vmem_shared>> -> memref<640x128xf32, #tpu.memory_space<vmem_shared>>
      tpu.wait_dma2 semaphore(%run_scoped3A : memref<!tpu.dma_semaphore, #tpu.memory_space<semaphore_mem>>) src(%arg6 : memref<640x128xf32, #tpu.memory_space<hbm>>) dst(%dma_wait3A_14 : memref<640x128xf32, #tpu.memory_space<vmem_shared>>)
      tpu.yield
    }) : () -> ()
    "tpu.region"() ({
      %run_scoped3A = tpu.sem_alloc : memref<!tpu.dma_semaphore, #tpu.memory_space<semaphore_mem>>
      %dma_start3A = arith.constant 0 : i32
      %dma_start3A_13 = arith.constant 0 : i32
      %dma_start3A_14 = tpu.memref_slice %arg3[%add3A, %dma_start3A, %dma_start3A_13] : memref<32x79x128xi32, #tpu.memory_space<hbm>> -> memref<1x79x128xi32, #tpu.memory_space<hbm>>
      %dma_start3A_15 = tpu.memref_squeeze %dma_start3A_14 : memref<1x79x128xi32, #tpu.memory_space<hbm>> -> memref<79x128xi32, #tpu.memory_space<hbm>>
      %dma_start3A_16 = arith.constant 0 : i32
      %dma_start3A_17 = arith.constant 0 : i32
      %dma_start3A_18 = tpu.memref_slice %arg3[%add3A, %dma_start3A_16, %dma_start3A_17] : memref<32x79x128xi32, #tpu.memory_space<hbm>> -> memref<1x79x128xi32, #tpu.memory_space<hbm>>
      %dma_start3A_19 = tpu.memref_squeeze %dma_start3A_18 : memref<1x79x128xi32, #tpu.memory_space<hbm>> -> memref<79x128xi32, #tpu.memory_space<hbm>>
      tpu.enqueue_dma source(%dma_start3A_19 : memref<79x128xi32, #tpu.memory_space<hbm>>) target(%arg8 : memref<79x128xi32, #tpu.memory_space<vmem>>) target_semaphore(%run_scoped3A : memref<!tpu.dma_semaphore, #tpu.memory_space<semaphore_mem>>)
      %dma_wait3A = arith.constant 0 : i32
      %dma_wait3A_20 = arith.constant 0 : i32
      %dma_wait3A_21 = tpu.memref_slice %arg3[%add3A, %dma_wait3A, %dma_wait3A_20] : memref<32x79x128xi32, #tpu.memory_space<hbm>> -> memref<1x79x128xi32, #tpu.memory_space<hbm>>
      %dma_wait3A_22 = tpu.memref_squeeze %dma_wait3A_21 : memref<1x79x128xi32, #tpu.memory_space<hbm>> -> memref<79x128xi32, #tpu.memory_space<hbm>>
      %dma_wait3A_23 = arith.constant 0 : i32
      %dma_wait3A_24 = arith.constant 0 : i32
      %dma_wait3A_25 = tpu.memref_slice %arg3[%add3A, %dma_wait3A_23, %dma_wait3A_24] : memref<32x79x128xi32, #tpu.memory_space<hbm>> -> memref<1x79x128xi32, #tpu.memory_space<hbm>>
      %dma_wait3A_26 = tpu.memref_squeeze %dma_wait3A_25 : memref<1x79x128xi32, #tpu.memory_space<hbm>> -> memref<79x128xi32, #tpu.memory_space<hbm>>
      tpu.wait_dma2 semaphore(%run_scoped3A : memref<!tpu.dma_semaphore, #tpu.memory_space<semaphore_mem>>) src(%dma_wait3A_26 : memref<79x128xi32, #tpu.memory_space<hbm>>) dst(%arg8 : memref<79x128xi32, #tpu.memory_space<vmem>>)
      tpu.yield
    }) : () -> ()
    "tpu.region"() ({
      %run_scoped3A = tpu.sem_alloc : memref<!tpu.dma_semaphore, #tpu.memory_space<semaphore_mem>>
      %dma_start3A = arith.constant 0 : i32
      %dma_start3A_13 = arith.constant 0 : i32
      %dma_start3A_14 = tpu.memref_slice %arg4[%add3A, %dma_start3A, %dma_start3A_13] : memref<32x79x128xi32, #tpu.memory_space<hbm>> -> memref<1x79x128xi32, #tpu.memory_space<hbm>>
      %dma_start3A_15 = tpu.memref_squeeze %dma_start3A_14 : memref<1x79x128xi32, #tpu.memory_space<hbm>> -> memref<79x128xi32, #tpu.memory_space<hbm>>
      %dma_start3A_16 = arith.constant 0 : i32
      %dma_start3A_17 = arith.constant 0 : i32
      %dma_start3A_18 = tpu.memref_slice %arg4[%add3A, %dma_start3A_16, %dma_start3A_17] : memref<32x79x128xi32, #tpu.memory_space<hbm>> -> memref<1x79x128xi32, #tpu.memory_space<hbm>>
      %dma_start3A_19 = tpu.memref_squeeze %dma_start3A_18 : memref<1x79x128xi32, #tpu.memory_space<hbm>> -> memref<79x128xi32, #tpu.memory_space<hbm>>
      tpu.enqueue_dma source(%dma_start3A_19 : memref<79x128xi32, #tpu.memory_space<hbm>>) target(%arg9 : memref<79x128xi32, #tpu.memory_space<vmem>>) target_semaphore(%run_scoped3A : memref<!tpu.dma_semaphore, #tpu.memory_space<semaphore_mem>>)
      %dma_wait3A = arith.constant 0 : i32
      %dma_wait3A_20 = arith.constant 0 : i32
      %dma_wait3A_21 = tpu.memref_slice %arg4[%add3A, %dma_wait3A, %dma_wait3A_20] : memref<32x79x128xi32, #tpu.memory_space<hbm>> -> memref<1x79x128xi32, #tpu.memory_space<hbm>>
      %dma_wait3A_22 = tpu.memref_squeeze %dma_wait3A_21 : memref<1x79x128xi32, #tpu.memory_space<hbm>> -> memref<79x128xi32, #tpu.memory_space<hbm>>
      %dma_wait3A_23 = arith.constant 0 : i32
      %dma_wait3A_24 = arith.constant 0 : i32
      %dma_wait3A_25 = tpu.memref_slice %arg4[%add3A, %dma_wait3A_23, %dma_wait3A_24] : memref<32x79x128xi32, #tpu.memory_space<hbm>> -> memref<1x79x128xi32, #tpu.memory_space<hbm>>
      %dma_wait3A_26 = tpu.memref_squeeze %dma_wait3A_25 : memref<1x79x128xi32, #tpu.memory_space<hbm>> -> memref<79x128xi32, #tpu.memory_space<hbm>>
      tpu.wait_dma2 semaphore(%run_scoped3A : memref<!tpu.dma_semaphore, #tpu.memory_space<semaphore_mem>>) src(%dma_wait3A_26 : memref<79x128xi32, #tpu.memory_space<hbm>>) dst(%arg9 : memref<79x128xi32, #tpu.memory_space<vmem>>)
      tpu.yield
    }) : () -> ()
    "tpu.region"() ({
      %run_scoped3A = tpu.sem_alloc : memref<!tpu.dma_semaphore, #tpu.memory_space<semaphore_mem>>
      %dma_start3A = arith.constant 0 : i32
      %dma_start3A_13 = tpu.memref_slice %arg5[%add3A, %dma_start3A] : memref<32x10112xf32, #tpu.memory_space<hbm>> -> memref<1x10112xf32, #tpu.memory_space<hbm>>
      %dma_start3A_14 = tpu.memref_squeeze %dma_start3A_13 : memref<1x10112xf32, #tpu.memory_space<hbm>> -> memref<10112xf32, #tpu.memory_space<hbm>>
      %dma_start3A_15 = arith.constant 0 : i32
      %dma_start3A_16 = tpu.memref_slice %arg5[%add3A, %dma_start3A_15] : memref<32x10112xf32, #tpu.memory_space<hbm>> -> memref<1x10112xf32, #tpu.memory_space<hbm>>
      %dma_start3A_17 = tpu.memref_squeeze %dma_start3A_16 : memref<1x10112xf32, #tpu.memory_space<hbm>> -> memref<10112xf32, #tpu.memory_space<hbm>>
      tpu.enqueue_dma source(%dma_start3A_17 : memref<10112xf32, #tpu.memory_space<hbm>>) target(%arg10 : memref<10112xf32, #tpu.memory_space<vmem>>) target_semaphore(%run_scoped3A : memref<!tpu.dma_semaphore, #tpu.memory_space<semaphore_mem>>)
      %dma_wait3A = arith.constant 0 : i32
      %dma_wait3A_18 = tpu.memref_slice %arg5[%add3A, %dma_wait3A] : memref<32x10112xf32, #tpu.memory_space<hbm>> -> memref<1x10112xf32, #tpu.memory_space<hbm>>
      %dma_wait3A_19 = tpu.memref_squeeze %dma_wait3A_18 : memref<1x10112xf32, #tpu.memory_space<hbm>> -> memref<10112xf32, #tpu.memory_space<hbm>>
      %dma_wait3A_20 = arith.constant 0 : i32
      %dma_wait3A_21 = tpu.memref_slice %arg5[%add3A, %dma_wait3A_20] : memref<32x10112xf32, #tpu.memory_space<hbm>> -> memref<1x10112xf32, #tpu.memory_space<hbm>>
      %dma_wait3A_22 = tpu.memref_squeeze %dma_wait3A_21 : memref<1x10112xf32, #tpu.memory_space<hbm>> -> memref<10112xf32, #tpu.memory_space<hbm>>
      tpu.wait_dma2 semaphore(%run_scoped3A : memref<!tpu.dma_semaphore, #tpu.memory_space<semaphore_mem>>) src(%dma_wait3A_22 : memref<10112xf32, #tpu.memory_space<hbm>>) dst(%arg10 : memref<10112xf32, #tpu.memory_space<vmem>>)
      tpu.yield
    }) : () -> ()
    %barrier3A = arith.constant 0 : index
    tpu.barrier barrier_id(%barrier3A)
    %scan3A = arith.constant 0 : i32
    %scan3A_3 = arith.constant 0 : i32
    %scan3A_4 = arith.constant 79 : i32
    %scan3A_5 = arith.addi %scan3A_3, %scan3A_4 : i32
    %scan3A_6 = arith.constant 1 : i32
    scf.for %scan3A_13 = %scan3A_3 to %scan3A_5 step %scan3A_6  : i32 {
      %dma_start3A = arith.constant 0 : i32
      %dma_start3A_14 = tpu.memref_slice %arg8[%scan3A_13, %dma_start3A] : memref<79x128xi32, #tpu.memory_space<vmem>> -> memref<1x128xi32, #tpu.memory_space<vmem>>
      %dma_start3A_15 = tpu.memref_squeeze %dma_start3A_14 : memref<1x128xi32, #tpu.memory_space<vmem>> -> memref<128xi32, #tpu.memory_space<vmem>>
      %dma_start3A_16 = arith.constant 0 : i32
      %dma_start3A_17 = arith.constant 0 : i32
      %dma_start3A_18 = tpu.memref_slice %arg2[%dma_start3A_16, %dma_start3A_17] : memref<10000x128xf32, #tpu.memory_space<hbm>> -> memref<10000x128xf32, #tpu.memory_space<hbm>>
      tpu.enqueue_indirect_dma source(%dma_start3A_18 : memref<10000x128xf32, #tpu.memory_space<hbm>>) target(%arg11 : memref<128x128xf32, #tpu.memory_space<vmem>>) offsets(%dma_start3A_15 : memref<128xi32, #tpu.memory_space<vmem>>) semaphore(%arg13 : memref<!tpu.dma_semaphore, #tpu.memory_space<semaphore_mem>>)
      %dma_wait3A = arith.constant 0 : i32
      %dma_wait3A_19 = tpu.memref_slice %arg8[%scan3A_13, %dma_wait3A] : memref<79x128xi32, #tpu.memory_space<vmem>> -> memref<1x128xi32, #tpu.memory_space<vmem>>
      %dma_wait3A_20 = tpu.memref_squeeze %dma_wait3A_19 : memref<1x128xi32, #tpu.memory_space<vmem>> -> memref<128xi32, #tpu.memory_space<vmem>>
      %dma_wait3A_21 = arith.constant 0 : i32
      %dma_wait3A_22 = arith.constant 0 : i32
      %dma_wait3A_23 = tpu.memref_slice %arg2[%dma_wait3A_21, %dma_wait3A_22] : memref<10000x128xf32, #tpu.memory_space<hbm>> -> memref<10000x128xf32, #tpu.memory_space<hbm>>
      tpu.wait_indirect_dma semaphore(%arg13 : memref<!tpu.dma_semaphore, #tpu.memory_space<semaphore_mem>>) src(%dma_wait3A_23 : memref<10000x128xf32, #tpu.memory_space<hbm>>) dst(%arg11 : memref<128x128xf32, #tpu.memory_space<vmem>>)
      %scan3A_24 = arith.constant 0 : i32
      %scan3A_25 = arith.constant 0 : i32
      %scan3A_26 = arith.constant 128 : i32
      %scan3A_27 = arith.addi %scan3A_25, %scan3A_26 : i32
      %scan3A_28 = arith.constant 1 : i32
      scf.for %scan3A_30 = %scan3A_25 to %scan3A_27 step %scan3A_28  : i32 {
        %mul3A_31 = arith.constant 128 : i32
        %mul3A_32 = arith.muli %scan3A_13, %mul3A_31 : i32
        %add3A_33 = arith.addi %mul3A_32, %scan3A_30 : i32
        %broadcast_in_dim3A = vector.broadcast %add3A_33 : i32 to vector<16xi32>
        %gather3A = tpu.vector_load_idx %arg10[%broadcast_in_dim3A] : memref<10112xf32, #tpu.memory_space<vmem>>[vector<16xi32>], vector<16xf32>,
        %get3A = arith.index_cast %scan3A_30 : i32 to index
        %get3A_34 = arith.constant 0 : index
        %get3A_35 = tpu.vector_load %arg11[%get3A, %get3A_34] {strides = array<i32>} : memref<128x128xf32, #tpu.memory_space<vmem>>, vector<16xf32>,
        %mul3A_36 = arith.mulf %get3A_35, %gather3A : vector<16xf32>
        %swap3A = arith.index_cast %scan3A_30 : i32 to index
        %swap3A_37 = arith.constant 0 : index
        %swap3A_38 = tpu.vector_load %arg11[%swap3A, %swap3A_37] {strides = array<i32>} : memref<128x128xf32, #tpu.memory_space<vmem>>, vector<16xf32>,
        tpu.vector_store %arg11[%swap3A, %swap3A_37], %mul3A_36 {strides = array<i32>} : memref<128x128xf32, #tpu.memory_space<vmem>>, vector<16xf32>,
        %get3A_39 = arith.index_cast %scan3A_30 : i32 to index
        %get3A_40 = arith.constant 16 : index
        %get3A_41 = tpu.vector_load %arg11[%get3A_39, %get3A_40] {strides = array<i32>} : memref<128x128xf32, #tpu.memory_space<vmem>>, vector<16xf32>,
        %mul3A_42 = arith.mulf %get3A_41, %gather3A : vector<16xf32>
        %swap3A_43 = arith.index_cast %scan3A_30 : i32 to index
        %swap3A_44 = arith.constant 16 : index
        %swap3A_45 = tpu.vector_load %arg11[%swap3A_43, %swap3A_44] {strides = array<i32>} : memref<128x128xf32, #tpu.memory_space<vmem>>, vector<16xf32>,
        tpu.vector_store %arg11[%swap3A_43, %swap3A_44], %mul3A_42 {strides = array<i32>} : memref<128x128xf32, #tpu.memory_space<vmem>>, vector<16xf32>,
        %get3A_46 = arith.index_cast %scan3A_30 : i32 to index
        %get3A_47 = arith.constant 32 : index
        %get3A_48 = tpu.vector_load %arg11[%get3A_46, %get3A_47] {strides = array<i32>} : memref<128x128xf32, #tpu.memory_space<vmem>>, vector<16xf32>,
        %mul3A_49 = arith.mulf %get3A_48, %gather3A : vector<16xf32>
        %swap3A_50 = arith.index_cast %scan3A_30 : i32 to index
        %swap3A_51 = arith.constant 32 : index
        %swap3A_52 = tpu.vector_load %arg11[%swap3A_50, %swap3A_51] {strides = array<i32>} : memref<128x128xf32, #tpu.memory_space<vmem>>, vector<16xf32>,
        tpu.vector_store %arg11[%swap3A_50, %swap3A_51], %mul3A_49 {strides = array<i32>} : memref<128x128xf32, #tpu.memory_space<vmem>>, vector<16xf32>,
        %get3A_53 = arith.index_cast %scan3A_30 : i32 to index
        %get3A_54 = arith.constant 48 : index
        %get3A_55 = tpu.vector_load %arg11[%get3A_53, %get3A_54] {strides = array<i32>} : memref<128x128xf32, #tpu.memory_space<vmem>>, vector<16xf32>,
        %mul3A_56 = arith.mulf %get3A_55, %gather3A : vector<16xf32>
        %swap3A_57 = arith.index_cast %scan3A_30 : i32 to index
        %swap3A_58 = arith.constant 48 : index
        %swap3A_59 = tpu.vector_load %arg11[%swap3A_57, %swap3A_58] {strides = array<i32>} : memref<128x128xf32, #tpu.memory_space<vmem>>, vector<16xf32>,
        tpu.vector_store %arg11[%swap3A_57, %swap3A_58], %mul3A_56 {strides = array<i32>} : memref<128x128xf32, #tpu.memory_space<vmem>>, vector<16xf32>,
        %get3A_60 = arith.index_cast %scan3A_30 : i32 to index
        %get3A_61 = arith.constant 64 : index
        %get3A_62 = tpu.vector_load %arg11[%get3A_60, %get3A_61] {strides = array<i32>} : memref<128x128xf32, #tpu.memory_space<vmem>>, vector<16xf32>,
        %mul3A_63 = arith.mulf %get3A_62, %gather3A : vector<16xf32>
        %swap3A_64 = arith.index_cast %scan3A_30 : i32 to index
        %swap3A_65 = arith.constant 64 : index
        %swap3A_66 = tpu.vector_load %arg11[%swap3A_64, %swap3A_65] {strides = array<i32>} : memref<128x128xf32, #tpu.memory_space<vmem>>, vector<16xf32>,
        tpu.vector_store %arg11[%swap3A_64, %swap3A_65], %mul3A_63 {strides = array<i32>} : memref<128x128xf32, #tpu.memory_space<vmem>>, vector<16xf32>,
        %get3A_67 = arith.index_cast %scan3A_30 : i32 to index
        %get3A_68 = arith.constant 80 : index
        %get3A_69 = tpu.vector_load %arg11[%get3A_67, %get3A_68] {strides = array<i32>} : memref<128x128xf32, #tpu.memory_space<vmem>>, vector<16xf32>,
        %mul3A_70 = arith.mulf %get3A_69, %gather3A : vector<16xf32>
        %swap3A_71 = arith.index_cast %scan3A_30 : i32 to index
        %swap3A_72 = arith.constant 80 : index
        %swap3A_73 = tpu.vector_load %arg11[%swap3A_71, %swap3A_72] {strides = array<i32>} : memref<128x128xf32, #tpu.memory_space<vmem>>, vector<16xf32>,
        tpu.vector_store %arg11[%swap3A_71, %swap3A_72], %mul3A_70 {strides = array<i32>} : memref<128x128xf32, #tpu.memory_space<vmem>>, vector<16xf32>,
        %get3A_74 = arith.index_cast %scan3A_30 : i32 to index
        %get3A_75 = arith.constant 96 : index
        %get3A_76 = tpu.vector_load %arg11[%get3A_74, %get3A_75] {strides = array<i32>} : memref<128x128xf32, #tpu.memory_space<vmem>>, vector<16xf32>,
        %mul3A_77 = arith.mulf %get3A_76, %gather3A : vector<16xf32>
        %swap3A_78 = arith.index_cast %scan3A_30 : i32 to index
        %swap3A_79 = arith.constant 96 : index
        %swap3A_80 = tpu.vector_load %arg11[%swap3A_78, %swap3A_79] {strides = array<i32>} : memref<128x128xf32, #tpu.memory_space<vmem>>, vector<16xf32>,
        tpu.vector_store %arg11[%swap3A_78, %swap3A_79], %mul3A_77 {strides = array<i32>} : memref<128x128xf32, #tpu.memory_space<vmem>>, vector<16xf32>,
        %get3A_81 = arith.index_cast %scan3A_30 : i32 to index
        %get3A_82 = arith.constant 112 : index
        %get3A_83 = tpu.vector_load %arg11[%get3A_81, %get3A_82] {strides = array<i32>} : memref<128x128xf32, #tpu.memory_space<vmem>>, vector<16xf32>,
        %mul3A_84 = arith.mulf %get3A_83, %gather3A : vector<16xf32>
        %swap3A_85 = arith.index_cast %scan3A_30 : i32 to index
        %swap3A_86 = arith.constant 112 : index
        %swap3A_87 = tpu.vector_load %arg11[%swap3A_85, %swap3A_86] {strides = array<i32>} : memref<128x128xf32, #tpu.memory_space<vmem>>, vector<16xf32>,
        tpu.vector_store %arg11[%swap3A_85, %swap3A_86], %mul3A_84 {strides = array<i32>} : memref<128x128xf32, #tpu.memory_space<vmem>>, vector<16xf32>,
      }
      %scan3A_29 = arith.constant 128 : i32
      "tpu.region"() ({
        %run_scoped3A = tpu.sem_alloc : memref<!tpu.dma_semaphore, #tpu.memory_space<semaphore_mem>>
        %dma_start3A_30 = arith.constant 0 : i32
        %dma_start3A_31 = tpu.memref_slice %arg9[%scan3A_13, %dma_start3A_30] : memref<79x128xi32, #tpu.memory_space<vmem>> -> memref<1x128xi32, #tpu.memory_space<vmem>>
        %dma_start3A_32 = tpu.memref_squeeze %dma_start3A_31 : memref<1x128xi32, #tpu.memory_space<vmem>> -> memref<128xi32, #tpu.memory_space<vmem>>
        %dma_start3A_33 = arith.constant 0 : i32
        %dma_start3A_34 = arith.constant 0 : i32
        %dma_start3A_35 = tpu.memref_slice %arg12[%dma_start3A_33, %dma_start3A_34] : memref<10240x128xf32, #tpu.memory_space<vmem_shared>> -> memref<10240x128xf32, #tpu.memory_space<vmem_shared>>
        tpu.enqueue_indirect_dma source(%arg11 : memref<128x128xf32, #tpu.memory_space<vmem>>) target(%dma_start3A_35 : memref<10240x128xf32, #tpu.memory_space<vmem_shared>>) offsets(%dma_start3A_32 : memref<128xi32, #tpu.memory_space<vmem>>) semaphore(%run_scoped3A : memref<!tpu.dma_semaphore, #tpu.memory_space<semaphore_mem>>) {add = true}
        %dma_wait3A_36 = arith.constant 0 : i32
        %dma_wait3A_37 = tpu.memref_slice %arg9[%scan3A_13, %dma_wait3A_36] : memref<79x128xi32, #tpu.memory_space<vmem>> -> memref<1x128xi32, #tpu.memory_space<vmem>>
        %dma_wait3A_38 = tpu.memref_squeeze %dma_wait3A_37 : memref<1x128xi32, #tpu.memory_space<vmem>> -> memref<128xi32, #tpu.memory_space<vmem>>
        %dma_wait3A_39 = arith.constant 0 : i32
        %dma_wait3A_40 = arith.constant 0 : i32
        %dma_wait3A_41 = tpu.memref_slice %arg12[%dma_wait3A_39, %dma_wait3A_40] : memref<10240x128xf32, #tpu.memory_space<vmem_shared>> -> memref<10240x128xf32, #tpu.memory_space<vmem_shared>>
        tpu.wait_indirect_dma semaphore(%run_scoped3A : memref<!tpu.dma_semaphore, #tpu.memory_space<semaphore_mem>>) src(%arg11 : memref<128x128xf32, #tpu.memory_space<vmem>>) dst(%dma_wait3A_41 : memref<10240x128xf32, #tpu.memory_space<vmem_shared>>)
        tpu.yield
      }) : () -> ()
    }
    %scan3A_7 = arith.constant 79 : i32
    %barrier3A_8 = arith.constant 0 : index
    tpu.barrier barrier_id(%barrier3A_8)
    %mul3A_9 = arith.constant 640 : i32
    %mul3A_10 = arith.muli %arg1, %mul3A_9 : i32
    %mul3A_11 = arith.constant 640 : i32
    %mul3A_12 = arith.muli %arg1, %mul3A_11 : i32
    "tpu.region"() ({
      %run_scoped3A = tpu.sem_alloc : memref<!tpu.dma_semaphore, #tpu.memory_space<semaphore_mem>>
      %dma_start3A = arith.constant 0 : i32
      %dma_start3A_13 = arith.constant 0 : i32
      %dma_start3A_14 = tpu.memref_slice %arg7[%arg0, %dma_start3A, %dma_start3A_13] : memref<2x10240x128xf32, #tpu.memory_space<hbm>> -> memref<1x10240x128xf32, #tpu.memory_space<hbm>>
      %dma_start3A_15 = tpu.memref_squeeze %dma_start3A_14 : memref<1x10240x128xf32, #tpu.memory_space<hbm>> -> memref<10240x128xf32, #tpu.memory_space<hbm>>
      %dma_start3A_16 = arith.constant 0 : i32
      %dma_start3A_17 = tpu.memref_slice %dma_start3A_15[%mul3A_12, %dma_start3A_16] : memref<10240x128xf32, #tpu.memory_space<hbm>> -> memref<640x128xf32, #tpu.memory_space<hbm>>
      %dma_start3A_18 = arith.constant 0 : i32
      %dma_start3A_19 = tpu.memref_slice %arg12[%mul3A_10, %dma_start3A_18] : memref<10240x128xf32, #tpu.memory_space<vmem_shared>> -> memref<640x128xf32, #tpu.memory_space<vmem_shared>>
      tpu.enqueue_dma source(%dma_start3A_19 : memref<640x128xf32, #tpu.memory_space<vmem_shared>>) target(%dma_start3A_17 : memref<640x128xf32, #tpu.memory_space<hbm>>) target_semaphore(%run_scoped3A : memref<!tpu.dma_semaphore, #tpu.memory_space<semaphore_mem>>)
      %dma_wait3A = arith.constant 0 : i32
      %dma_wait3A_20 = arith.constant 0 : i32
      %dma_wait3A_21 = tpu.memref_slice %arg7[%arg0, %dma_wait3A, %dma_wait3A_20] : memref<2x10240x128xf32, #tpu.memory_space<hbm>> -> memref<1x10240x128xf32, #tpu.memory_space<hbm>>
      %dma_wait3A_22 = tpu.memref_squeeze %dma_wait3A_21 : memref<1x10240x128xf32, #tpu.memory_space<hbm>> -> memref<10240x128xf32, #tpu.memory_space<hbm>>
      %dma_wait3A_23 = arith.constant 0 : i32
      %dma_wait3A_24 = tpu.memref_slice %dma_wait3A_22[%mul3A_12, %dma_wait3A_23] : memref<10240x128xf32, #tpu.memory_space<hbm>> -> memref<640x128xf32, #tpu.memory_space<hbm>>
      %dma_wait3A_25 = arith.constant 0 : i32
      %dma_wait3A_26 = tpu.memref_slice %arg12[%mul3A_10, %dma_wait3A_25] : memref<10240x128xf32, #tpu.memory_space<vmem_shared>> -> memref<640x128xf32, #tpu.memory_space<vmem_shared>>
      tpu.wait_dma2 semaphore(%run_scoped3A : memref<!tpu.dma_semaphore, #tpu.memory_space<semaphore_mem>>) src(%dma_wait3A_26 : memref<640x128xf32, #tpu.memory_space<vmem_shared>>) dst(%dma_wait3A_24 : memref<640x128xf32, #tpu.memory_space<hbm>>)
      tpu.yield
    }) : () -> ()
    return
  }
}

#map = affine_map<(d0, d1) -> (0, 0)>
#map1 = affine_map<(d0, d1) -> (0, 0, 0)>
module attributes {stable_mosaic.version = 14 : i64} {
  func.func @_mp_body(%arg0: i32, %arg1: i32, %arg2: memref<10000x128xf32, #tpu.memory_space<hbm>>, %arg3: memref<32x79x128xi32, #tpu.memory_space<hbm>>, %arg4: memref<32x79x128xi32, #tpu.memory_space<hbm>>, %arg5: memref<32x10112xf32, #tpu.memory_space<hbm>>, %arg6: memref<640x128xf32, #tpu.memory_space<hbm>>, %arg7: memref<2x10240x128xf32, #tpu.memory_space<hbm>>, %arg8: memref<79x128xi32, #tpu.memory_space<vmem>>, %arg9: memref<79x128xi32, #tpu.memory_space<vmem>>, %arg10: memref<10112xf32, #tpu.memory_space<vmem>>, %arg11: memref<128x128xf32, #tpu.memory_space<vmem>>, %arg12: memref<10240x128xf32, #tpu.memory_space<vmem_shared>>, %arg13: memref<!tpu.dma_semaphore, #tpu.memory_space<semaphore_mem>>) attributes {dimension_semantics = [#tpu.dimension_semantics<core_parallel>, #tpu.dimension_semantics<subcore_parallel>], iteration_bounds = array<i64: 2, 16>, scalar_prefetch = 0 : i64, scratch_operands = 6 : i64, tpu.core_type = #tpu.core_type<sc_vector_subcore>, window_params = [{transform_indices = #map}, {transform_indices = #map1}, {transform_indices = #map1}, {transform_indices = #map}, {transform_indices = #map}, {transform_indices = #map1}]} {
    %mul3A = arith.constant 2 : i32
    %mul3A_0 = arith.muli %arg1, %mul3A : i32
    %add3A = arith.addi %mul3A_0, %arg0 : i32
    %mul3A_1 = arith.constant 640 : i32
    %mul3A_2 = arith.muli %arg1, %mul3A_1 : i32
    "tpu.region"() ({
      %run_scoped3A = tpu.sem_alloc : memref<!tpu.dma_semaphore, #tpu.memory_space<semaphore_mem>>
      %dma_start3A = arith.constant 0 : i32
      %dma_start3A_13 = tpu.memref_slice %arg12[%mul3A_2, %dma_start3A] : memref<10240x128xf32, #tpu.memory_space<vmem_shared>> -> memref<640x128xf32, #tpu.memory_space<vmem_shared>>
      tpu.enqueue_dma source(%arg6 : memref<640x128xf32, #tpu.memory_space<hbm>>) target(%dma_start3A_13 : memref<640x128xf32, #tpu.memory_space<vmem_shared>>) target_semaphore(%run_scoped3A : memref<!tpu.dma_semaphore, #tpu.memory_space<semaphore_mem>>)
      %dma_wait3A = arith.constant 0 : i32
      %dma_wait3A_14 = tpu.memref_slice %arg12[%mul3A_2, %dma_wait3A] : memref<10240x128xf32, #tpu.memory_space<vmem_shared>> -> memref<640x128xf32, #tpu.memory_space<vmem_shared>>
      tpu.wait_dma2 semaphore(%run_scoped3A : memref<!tpu.dma_semaphore, #tpu.memory_space<semaphore_mem>>) src(%arg6 : memref<640x128xf32, #tpu.memory_space<hbm>>) dst(%dma_wait3A_14 : memref<640x128xf32, #tpu.memory_space<vmem_shared>>)
      tpu.yield
    }) : () -> ()
    "tpu.region"() ({
      %run_scoped3A = tpu.sem_alloc : memref<!tpu.dma_semaphore, #tpu.memory_space<semaphore_mem>>
      %dma_start3A = arith.constant 0 : i32
      %dma_start3A_13 = arith.constant 0 : i32
      %dma_start3A_14 = tpu.memref_slice %arg3[%add3A, %dma_start3A, %dma_start3A_13] : memref<32x79x128xi32, #tpu.memory_space<hbm>> -> memref<1x79x128xi32, #tpu.memory_space<hbm>>
      %dma_start3A_15 = tpu.memref_squeeze %dma_start3A_14 : memref<1x79x128xi32, #tpu.memory_space<hbm>> -> memref<79x128xi32, #tpu.memory_space<hbm>>
      %dma_start3A_16 = arith.constant 0 : i32
      %dma_start3A_17 = arith.constant 0 : i32
      %dma_start3A_18 = tpu.memref_slice %arg3[%add3A, %dma_start3A_16, %dma_start3A_17] : memref<32x79x128xi32, #tpu.memory_space<hbm>> -> memref<1x79x128xi32, #tpu.memory_space<hbm>>
      %dma_start3A_19 = tpu.memref_squeeze %dma_start3A_18 : memref<1x79x128xi32, #tpu.memory_space<hbm>> -> memref<79x128xi32, #tpu.memory_space<hbm>>
      tpu.enqueue_dma source(%dma_start3A_19 : memref<79x128xi32, #tpu.memory_space<hbm>>) target(%arg8 : memref<79x128xi32, #tpu.memory_space<vmem>>) target_semaphore(%run_scoped3A : memref<!tpu.dma_semaphore, #tpu.memory_space<semaphore_mem>>)
      %dma_wait3A = arith.constant 0 : i32
      %dma_wait3A_20 = arith.constant 0 : i32
      %dma_wait3A_21 = tpu.memref_slice %arg3[%add3A, %dma_wait3A, %dma_wait3A_20] : memref<32x79x128xi32, #tpu.memory_space<hbm>> -> memref<1x79x128xi32, #tpu.memory_space<hbm>>
      %dma_wait3A_22 = tpu.memref_squeeze %dma_wait3A_21 : memref<1x79x128xi32, #tpu.memory_space<hbm>> -> memref<79x128xi32, #tpu.memory_space<hbm>>
      %dma_wait3A_23 = arith.constant 0 : i32
      %dma_wait3A_24 = arith.constant 0 : i32
      %dma_wait3A_25 = tpu.memref_slice %arg3[%add3A, %dma_wait3A_23, %dma_wait3A_24] : memref<32x79x128xi32, #tpu.memory_space<hbm>> -> memref<1x79x128xi32, #tpu.memory_space<hbm>>
      %dma_wait3A_26 = tpu.memref_squeeze %dma_wait3A_25 : memref<1x79x128xi32, #tpu.memory_space<hbm>> -> memref<79x128xi32, #tpu.memory_space<hbm>>
      tpu.wait_dma2 semaphore(%run_scoped3A : memref<!tpu.dma_semaphore, #tpu.memory_space<semaphore_mem>>) src(%dma_wait3A_26 : memref<79x128xi32, #tpu.memory_space<hbm>>) dst(%arg8 : memref<79x128xi32, #tpu.memory_space<vmem>>)
      tpu.yield
    }) : () -> ()
    "tpu.region"() ({
      %run_scoped3A = tpu.sem_alloc : memref<!tpu.dma_semaphore, #tpu.memory_space<semaphore_mem>>
      %dma_start3A = arith.constant 0 : i32
      %dma_start3A_13 = arith.constant 0 : i32
      %dma_start3A_14 = tpu.memref_slice %arg4[%add3A, %dma_start3A, %dma_start3A_13] : memref<32x79x128xi32, #tpu.memory_space<hbm>> -> memref<1x79x128xi32, #tpu.memory_space<hbm>>
      %dma_start3A_15 = tpu.memref_squeeze %dma_start3A_14 : memref<1x79x128xi32, #tpu.memory_space<hbm>> -> memref<79x128xi32, #tpu.memory_space<hbm>>
      %dma_start3A_16 = arith.constant 0 : i32
      %dma_start3A_17 = arith.constant 0 : i32
      %dma_start3A_18 = tpu.memref_slice %arg4[%add3A, %dma_start3A_16, %dma_start3A_17] : memref<32x79x128xi32, #tpu.memory_space<hbm>> -> memref<1x79x128xi32, #tpu.memory_space<hbm>>
      %dma_start3A_19 = tpu.memref_squeeze %dma_start3A_18 : memref<1x79x128xi32, #tpu.memory_space<hbm>> -> memref<79x128xi32, #tpu.memory_space<hbm>>
      tpu.enqueue_dma source(%dma_start3A_19 : memref<79x128xi32, #tpu.memory_space<hbm>>) target(%arg9 : memref<79x128xi32, #tpu.memory_space<vmem>>) target_semaphore(%run_scoped3A : memref<!tpu.dma_semaphore, #tpu.memory_space<semaphore_mem>>)
      %dma_wait3A = arith.constant 0 : i32
      %dma_wait3A_20 = arith.constant 0 : i32
      %dma_wait3A_21 = tpu.memref_slice %arg4[%add3A, %dma_wait3A, %dma_wait3A_20] : memref<32x79x128xi32, #tpu.memory_space<hbm>> -> memref<1x79x128xi32, #tpu.memory_space<hbm>>
      %dma_wait3A_22 = tpu.memref_squeeze %dma_wait3A_21 : memref<1x79x128xi32, #tpu.memory_space<hbm>> -> memref<79x128xi32, #tpu.memory_space<hbm>>
      %dma_wait3A_23 = arith.constant 0 : i32
      %dma_wait3A_24 = arith.constant 0 : i32
      %dma_wait3A_25 = tpu.memref_slice %arg4[%add3A, %dma_wait3A_23, %dma_wait3A_24] : memref<32x79x128xi32, #tpu.memory_space<hbm>> -> memref<1x79x128xi32, #tpu.memory_space<hbm>>
      %dma_wait3A_26 = tpu.memref_squeeze %dma_wait3A_25 : memref<1x79x128xi32, #tpu.memory_space<hbm>> -> memref<79x128xi32, #tpu.memory_space<hbm>>
      tpu.wait_dma2 semaphore(%run_scoped3A : memref<!tpu.dma_semaphore, #tpu.memory_space<semaphore_mem>>) src(%dma_wait3A_26 : memref<79x128xi32, #tpu.memory_space<hbm>>) dst(%arg9 : memref<79x128xi32, #tpu.memory_space<vmem>>)
      tpu.yield
    }) : () -> ()
    "tpu.region"() ({
      %run_scoped3A = tpu.sem_alloc : memref<!tpu.dma_semaphore, #tpu.memory_space<semaphore_mem>>
      %dma_start3A = arith.constant 0 : i32
      %dma_start3A_13 = tpu.memref_slice %arg5[%add3A, %dma_start3A] : memref<32x10112xf32, #tpu.memory_space<hbm>> -> memref<1x10112xf32, #tpu.memory_space<hbm>>
      %dma_start3A_14 = tpu.memref_squeeze %dma_start3A_13 : memref<1x10112xf32, #tpu.memory_space<hbm>> -> memref<10112xf32, #tpu.memory_space<hbm>>
      %dma_start3A_15 = arith.constant 0 : i32
      %dma_start3A_16 = tpu.memref_slice %arg5[%add3A, %dma_start3A_15] : memref<32x10112xf32, #tpu.memory_space<hbm>> -> memref<1x10112xf32, #tpu.memory_space<hbm>>
      %dma_start3A_17 = tpu.memref_squeeze %dma_start3A_16 : memref<1x10112xf32, #tpu.memory_space<hbm>> -> memref<10112xf32, #tpu.memory_space<hbm>>
      tpu.enqueue_dma source(%dma_start3A_17 : memref<10112xf32, #tpu.memory_space<hbm>>) target(%arg10 : memref<10112xf32, #tpu.memory_space<vmem>>) target_semaphore(%run_scoped3A : memref<!tpu.dma_semaphore, #tpu.memory_space<semaphore_mem>>)
      %dma_wait3A = arith.constant 0 : i32
      %dma_wait3A_18 = tpu.memref_slice %arg5[%add3A, %dma_wait3A] : memref<32x10112xf32, #tpu.memory_space<hbm>> -> memref<1x10112xf32, #tpu.memory_space<hbm>>
      %dma_wait3A_19 = tpu.memref_squeeze %dma_wait3A_18 : memref<1x10112xf32, #tpu.memory_space<hbm>> -> memref<10112xf32, #tpu.memory_space<hbm>>
      %dma_wait3A_20 = arith.constant 0 : i32
      %dma_wait3A_21 = tpu.memref_slice %arg5[%add3A, %dma_wait3A_20] : memref<32x10112xf32, #tpu.memory_space<hbm>> -> memref<1x10112xf32, #tpu.memory_space<hbm>>
      %dma_wait3A_22 = tpu.memref_squeeze %dma_wait3A_21 : memref<1x10112xf32, #tpu.memory_space<hbm>> -> memref<10112xf32, #tpu.memory_space<hbm>>
      tpu.wait_dma2 semaphore(%run_scoped3A : memref<!tpu.dma_semaphore, #tpu.memory_space<semaphore_mem>>) src(%dma_wait3A_22 : memref<10112xf32, #tpu.memory_space<hbm>>) dst(%arg10 : memref<10112xf32, #tpu.memory_space<vmem>>)
      tpu.yield
    }) : () -> ()
    %barrier3A = arith.constant 0 : index
    tpu.barrier barrier_id(%barrier3A)
    %scan3A = arith.constant 0 : i32
    %scan3A_3 = arith.constant 0 : i32
    %scan3A_4 = arith.constant 79 : i32
    %scan3A_5 = arith.addi %scan3A_3, %scan3A_4 : i32
    %scan3A_6 = arith.constant 1 : i32
    scf.for %scan3A_13 = %scan3A_3 to %scan3A_5 step %scan3A_6  : i32 {
      %scan3A_14 = arith.constant 0 : i32
      %scan3A_15 = arith.constant 0 : i32
      %scan3A_16 = arith.constant 128 : i32
      %scan3A_17 = arith.addi %scan3A_15, %scan3A_16 : i32
      %scan3A_18 = arith.constant 1 : i32
      scf.for %scan3A_20 = %scan3A_15 to %scan3A_17 step %scan3A_18  : i32 {
        %mul3A_21 = arith.constant 128 : i32
        %mul3A_22 = arith.muli %scan3A_13, %mul3A_21 : i32
        %add3A_23 = arith.addi %mul3A_22, %scan3A_20 : i32
        %broadcast_in_dim3A = vector.broadcast %add3A_23 : i32 to vector<16xi32>
        %gather3A = tpu.vector_load_idx %arg10[%broadcast_in_dim3A] : memref<10112xf32, #tpu.memory_space<vmem>>[vector<16xi32>], vector<16xf32>,
        %swap3A = arith.index_cast %scan3A_20 : i32 to index
        %swap3A_24 = arith.constant 0 : index
        %swap3A_25 = tpu.vector_load %arg11[%swap3A, %swap3A_24] {strides = array<i32>} : memref<128x128xf32, #tpu.memory_space<vmem>>, vector<16xf32>,
        tpu.vector_store %arg11[%swap3A, %swap3A_24], %gather3A {strides = array<i32>} : memref<128x128xf32, #tpu.memory_space<vmem>>, vector<16xf32>,
        %swap3A_26 = arith.index_cast %scan3A_20 : i32 to index
        %swap3A_27 = arith.constant 16 : index
        %swap3A_28 = tpu.vector_load %arg11[%swap3A_26, %swap3A_27] {strides = array<i32>} : memref<128x128xf32, #tpu.memory_space<vmem>>, vector<16xf32>,
        tpu.vector_store %arg11[%swap3A_26, %swap3A_27], %gather3A {strides = array<i32>} : memref<128x128xf32, #tpu.memory_space<vmem>>, vector<16xf32>,
        %swap3A_29 = arith.index_cast %scan3A_20 : i32 to index
        %swap3A_30 = arith.constant 32 : index
        %swap3A_31 = tpu.vector_load %arg11[%swap3A_29, %swap3A_30] {strides = array<i32>} : memref<128x128xf32, #tpu.memory_space<vmem>>, vector<16xf32>,
        tpu.vector_store %arg11[%swap3A_29, %swap3A_30], %gather3A {strides = array<i32>} : memref<128x128xf32, #tpu.memory_space<vmem>>, vector<16xf32>,
        %swap3A_32 = arith.index_cast %scan3A_20 : i32 to index
        %swap3A_33 = arith.constant 48 : index
        %swap3A_34 = tpu.vector_load %arg11[%swap3A_32, %swap3A_33] {strides = array<i32>} : memref<128x128xf32, #tpu.memory_space<vmem>>, vector<16xf32>,
        tpu.vector_store %arg11[%swap3A_32, %swap3A_33], %gather3A {strides = array<i32>} : memref<128x128xf32, #tpu.memory_space<vmem>>, vector<16xf32>,
        %swap3A_35 = arith.index_cast %scan3A_20 : i32 to index
        %swap3A_36 = arith.constant 64 : index
        %swap3A_37 = tpu.vector_load %arg11[%swap3A_35, %swap3A_36] {strides = array<i32>} : memref<128x128xf32, #tpu.memory_space<vmem>>, vector<16xf32>,
        tpu.vector_store %arg11[%swap3A_35, %swap3A_36], %gather3A {strides = array<i32>} : memref<128x128xf32, #tpu.memory_space<vmem>>, vector<16xf32>,
        %swap3A_38 = arith.index_cast %scan3A_20 : i32 to index
        %swap3A_39 = arith.constant 80 : index
        %swap3A_40 = tpu.vector_load %arg11[%swap3A_38, %swap3A_39] {strides = array<i32>} : memref<128x128xf32, #tpu.memory_space<vmem>>, vector<16xf32>,
        tpu.vector_store %arg11[%swap3A_38, %swap3A_39], %gather3A {strides = array<i32>} : memref<128x128xf32, #tpu.memory_space<vmem>>, vector<16xf32>,
        %swap3A_41 = arith.index_cast %scan3A_20 : i32 to index
        %swap3A_42 = arith.constant 96 : index
        %swap3A_43 = tpu.vector_load %arg11[%swap3A_41, %swap3A_42] {strides = array<i32>} : memref<128x128xf32, #tpu.memory_space<vmem>>, vector<16xf32>,
        tpu.vector_store %arg11[%swap3A_41, %swap3A_42], %gather3A {strides = array<i32>} : memref<128x128xf32, #tpu.memory_space<vmem>>, vector<16xf32>,
        %swap3A_44 = arith.index_cast %scan3A_20 : i32 to index
        %swap3A_45 = arith.constant 112 : index
        %swap3A_46 = tpu.vector_load %arg11[%swap3A_44, %swap3A_45] {strides = array<i32>} : memref<128x128xf32, #tpu.memory_space<vmem>>, vector<16xf32>,
        tpu.vector_store %arg11[%swap3A_44, %swap3A_45], %gather3A {strides = array<i32>} : memref<128x128xf32, #tpu.memory_space<vmem>>, vector<16xf32>,
      }
      %scan3A_19 = arith.constant 128 : i32
      "tpu.region"() ({
        %run_scoped3A = tpu.sem_alloc : memref<!tpu.dma_semaphore, #tpu.memory_space<semaphore_mem>>
        %dma_start3A = arith.constant 0 : i32
        %dma_start3A_20 = tpu.memref_slice %arg9[%scan3A_13, %dma_start3A] : memref<79x128xi32, #tpu.memory_space<vmem>> -> memref<1x128xi32, #tpu.memory_space<vmem>>
        %dma_start3A_21 = tpu.memref_squeeze %dma_start3A_20 : memref<1x128xi32, #tpu.memory_space<vmem>> -> memref<128xi32, #tpu.memory_space<vmem>>
        %dma_start3A_22 = arith.constant 0 : i32
        %dma_start3A_23 = arith.constant 0 : i32
        %dma_start3A_24 = tpu.memref_slice %arg12[%dma_start3A_22, %dma_start3A_23] : memref<10240x128xf32, #tpu.memory_space<vmem_shared>> -> memref<10240x128xf32, #tpu.memory_space<vmem_shared>>
        tpu.enqueue_indirect_dma source(%arg11 : memref<128x128xf32, #tpu.memory_space<vmem>>) target(%dma_start3A_24 : memref<10240x128xf32, #tpu.memory_space<vmem_shared>>) offsets(%dma_start3A_21 : memref<128xi32, #tpu.memory_space<vmem>>) semaphore(%run_scoped3A : memref<!tpu.dma_semaphore, #tpu.memory_space<semaphore_mem>>) {add = true}
        %dma_wait3A = arith.constant 0 : i32
        %dma_wait3A_25 = tpu.memref_slice %arg9[%scan3A_13, %dma_wait3A] : memref<79x128xi32, #tpu.memory_space<vmem>> -> memref<1x128xi32, #tpu.memory_space<vmem>>
        %dma_wait3A_26 = tpu.memref_squeeze %dma_wait3A_25 : memref<1x128xi32, #tpu.memory_space<vmem>> -> memref<128xi32, #tpu.memory_space<vmem>>
        %dma_wait3A_27 = arith.constant 0 : i32
        %dma_wait3A_28 = arith.constant 0 : i32
        %dma_wait3A_29 = tpu.memref_slice %arg12[%dma_wait3A_27, %dma_wait3A_28] : memref<10240x128xf32, #tpu.memory_space<vmem_shared>> -> memref<10240x128xf32, #tpu.memory_space<vmem_shared>>
        tpu.wait_indirect_dma semaphore(%run_scoped3A : memref<!tpu.dma_semaphore, #tpu.memory_space<semaphore_mem>>) src(%arg11 : memref<128x128xf32, #tpu.memory_space<vmem>>) dst(%dma_wait3A_29 : memref<10240x128xf32, #tpu.memory_space<vmem_shared>>)
        tpu.yield
      }) : () -> ()
    }
    %scan3A_7 = arith.constant 79 : i32
    %barrier3A_8 = arith.constant 0 : index
    tpu.barrier barrier_id(%barrier3A_8)
    %mul3A_9 = arith.constant 640 : i32
    %mul3A_10 = arith.muli %arg1, %mul3A_9 : i32
    %mul3A_11 = arith.constant 640 : i32
    %mul3A_12 = arith.muli %arg1, %mul3A_11 : i32
    "tpu.region"() ({
      %run_scoped3A = tpu.sem_alloc : memref<!tpu.dma_semaphore, #tpu.memory_space<semaphore_mem>>
      %dma_start3A = arith.constant 0 : i32
      %dma_start3A_13 = arith.constant 0 : i32
      %dma_start3A_14 = tpu.memref_slice %arg7[%arg0, %dma_start3A, %dma_start3A_13] : memref<2x10240x128xf32, #tpu.memory_space<hbm>> -> memref<1x10240x128xf32, #tpu.memory_space<hbm>>
      %dma_start3A_15 = tpu.memref_squeeze %dma_start3A_14 : memref<1x10240x128xf32, #tpu.memory_space<hbm>> -> memref<10240x128xf32, #tpu.memory_space<hbm>>
      %dma_start3A_16 = arith.constant 0 : i32
      %dma_start3A_17 = tpu.memref_slice %dma_start3A_15[%mul3A_12, %dma_start3A_16] : memref<10240x128xf32, #tpu.memory_space<hbm>> -> memref<640x128xf32, #tpu.memory_space<hbm>>
      %dma_start3A_18 = arith.constant 0 : i32
      %dma_start3A_19 = tpu.memref_slice %arg12[%mul3A_10, %dma_start3A_18] : memref<10240x128xf32, #tpu.memory_space<vmem_shared>> -> memref<640x128xf32, #tpu.memory_space<vmem_shared>>
      tpu.enqueue_dma source(%dma_start3A_19 : memref<640x128xf32, #tpu.memory_space<vmem_shared>>) target(%dma_start3A_17 : memref<640x128xf32, #tpu.memory_space<hbm>>) target_semaphore(%run_scoped3A : memref<!tpu.dma_semaphore, #tpu.memory_space<semaphore_mem>>)
      %dma_wait3A = arith.constant 0 : i32
      %dma_wait3A_20 = arith.constant 0 : i32
      %dma_wait3A_21 = tpu.memref_slice %arg7[%arg0, %dma_wait3A, %dma_wait3A_20] : memref<2x10240x128xf32, #tpu.memory_space<hbm>> -> memref<1x10240x128xf32, #tpu.memory_space<hbm>>
      %dma_wait3A_22 = tpu.memref_squeeze %dma_wait3A_21 : memref<1x10240x128xf32, #tpu.memory_space<hbm>> -> memref<10240x128xf32, #tpu.memory_space<hbm>>
      %dma_wait3A_23 = arith.constant 0 : i32
      %dma_wait3A_24 = tpu.memref_slice %dma_wait3A_22[%mul3A_12, %dma_wait3A_23] : memref<10240x128xf32, #tpu.memory_space<hbm>> -> memref<640x128xf32, #tpu.memory_space<hbm>>
      %dma_wait3A_25 = arith.constant 0 : i32
      %dma_wait3A_26 = tpu.memref_slice %arg12[%mul3A_10, %dma_wait3A_25] : memref<10240x128xf32, #tpu.memory_space<vmem_shared>> -> memref<640x128xf32, #tpu.memory_space<vmem_shared>>
      tpu.wait_dma2 semaphore(%run_scoped3A : memref<!tpu.dma_semaphore, #tpu.memory_space<semaphore_mem>>) src(%dma_wait3A_26 : memref<640x128xf32, #tpu.memory_space<vmem_shared>>) dst(%dma_wait3A_24 : memref<640x128xf32, #tpu.memory_space<hbm>>)
      tpu.yield
    }) : () -> ()
    return
  }
}

#map = affine_map<(d0, d1) -> (0, 0)>
#map1 = affine_map<(d0, d1) -> (0, 0, 0)>
module attributes {stable_mosaic.version = 14 : i64} {
  func.func @_mp_body(%arg0: i32, %arg1: i32, %arg2: memref<10000x128xf32, #tpu.memory_space<hbm>>, %arg3: memref<32x79x128xi32, #tpu.memory_space<hbm>>, %arg4: memref<32x79x128xi32, #tpu.memory_space<hbm>>, %arg5: memref<32x10112xf32, #tpu.memory_space<hbm>>, %arg6: memref<640x128xf32, #tpu.memory_space<hbm>>, %arg7: memref<2x10240x128xf32, #tpu.memory_space<hbm>>, %arg8: memref<79x128xi32, #tpu.memory_space<vmem>>, %arg9: memref<79x128xi32, #tpu.memory_space<vmem>>, %arg10: memref<10112xf32, #tpu.memory_space<vmem>>, %arg11: memref<128x128xf32, #tpu.memory_space<vmem>>, %arg12: memref<10240x128xf32, #tpu.memory_space<vmem_shared>>, %arg13: memref<!tpu.dma_semaphore, #tpu.memory_space<semaphore_mem>>) attributes {dimension_semantics = [#tpu.dimension_semantics<core_parallel>, #tpu.dimension_semantics<subcore_parallel>], iteration_bounds = array<i64: 2, 16>, scalar_prefetch = 0 : i64, scratch_operands = 6 : i64, tpu.core_type = #tpu.core_type<sc_vector_subcore>, window_params = [{transform_indices = #map}, {transform_indices = #map1}, {transform_indices = #map1}, {transform_indices = #map}, {transform_indices = #map}, {transform_indices = #map1}]} {
    %mul3A = arith.constant 2 : i32
    %mul3A_0 = arith.muli %arg1, %mul3A : i32
    %add3A = arith.addi %mul3A_0, %arg0 : i32
    %mul3A_1 = arith.constant 640 : i32
    %mul3A_2 = arith.muli %arg1, %mul3A_1 : i32
    "tpu.region"() ({
      %run_scoped3A = tpu.sem_alloc : memref<!tpu.dma_semaphore, #tpu.memory_space<semaphore_mem>>
      %dma_start3A = arith.constant 0 : i32
      %dma_start3A_13 = tpu.memref_slice %arg12[%mul3A_2, %dma_start3A] : memref<10240x128xf32, #tpu.memory_space<vmem_shared>> -> memref<640x128xf32, #tpu.memory_space<vmem_shared>>
      tpu.enqueue_dma source(%arg6 : memref<640x128xf32, #tpu.memory_space<hbm>>) target(%dma_start3A_13 : memref<640x128xf32, #tpu.memory_space<vmem_shared>>) target_semaphore(%run_scoped3A : memref<!tpu.dma_semaphore, #tpu.memory_space<semaphore_mem>>)
      %dma_wait3A = arith.constant 0 : i32
      %dma_wait3A_14 = tpu.memref_slice %arg12[%mul3A_2, %dma_wait3A] : memref<10240x128xf32, #tpu.memory_space<vmem_shared>> -> memref<640x128xf32, #tpu.memory_space<vmem_shared>>
      tpu.wait_dma2 semaphore(%run_scoped3A : memref<!tpu.dma_semaphore, #tpu.memory_space<semaphore_mem>>) src(%arg6 : memref<640x128xf32, #tpu.memory_space<hbm>>) dst(%dma_wait3A_14 : memref<640x128xf32, #tpu.memory_space<vmem_shared>>)
      tpu.yield
    }) : () -> ()
    "tpu.region"() ({
      %run_scoped3A = tpu.sem_alloc : memref<!tpu.dma_semaphore, #tpu.memory_space<semaphore_mem>>
      %dma_start3A = arith.constant 0 : i32
      %dma_start3A_13 = arith.constant 0 : i32
      %dma_start3A_14 = tpu.memref_slice %arg3[%add3A, %dma_start3A, %dma_start3A_13] : memref<32x79x128xi32, #tpu.memory_space<hbm>> -> memref<1x79x128xi32, #tpu.memory_space<hbm>>
      %dma_start3A_15 = tpu.memref_squeeze %dma_start3A_14 : memref<1x79x128xi32, #tpu.memory_space<hbm>> -> memref<79x128xi32, #tpu.memory_space<hbm>>
      %dma_start3A_16 = arith.constant 0 : i32
      %dma_start3A_17 = arith.constant 0 : i32
      %dma_start3A_18 = tpu.memref_slice %arg3[%add3A, %dma_start3A_16, %dma_start3A_17] : memref<32x79x128xi32, #tpu.memory_space<hbm>> -> memref<1x79x128xi32, #tpu.memory_space<hbm>>
      %dma_start3A_19 = tpu.memref_squeeze %dma_start3A_18 : memref<1x79x128xi32, #tpu.memory_space<hbm>> -> memref<79x128xi32, #tpu.memory_space<hbm>>
      tpu.enqueue_dma source(%dma_start3A_19 : memref<79x128xi32, #tpu.memory_space<hbm>>) target(%arg8 : memref<79x128xi32, #tpu.memory_space<vmem>>) target_semaphore(%run_scoped3A : memref<!tpu.dma_semaphore, #tpu.memory_space<semaphore_mem>>)
      %dma_wait3A = arith.constant 0 : i32
      %dma_wait3A_20 = arith.constant 0 : i32
      %dma_wait3A_21 = tpu.memref_slice %arg3[%add3A, %dma_wait3A, %dma_wait3A_20] : memref<32x79x128xi32, #tpu.memory_space<hbm>> -> memref<1x79x128xi32, #tpu.memory_space<hbm>>
      %dma_wait3A_22 = tpu.memref_squeeze %dma_wait3A_21 : memref<1x79x128xi32, #tpu.memory_space<hbm>> -> memref<79x128xi32, #tpu.memory_space<hbm>>
      %dma_wait3A_23 = arith.constant 0 : i32
      %dma_wait3A_24 = arith.constant 0 : i32
      %dma_wait3A_25 = tpu.memref_slice %arg3[%add3A, %dma_wait3A_23, %dma_wait3A_24] : memref<32x79x128xi32, #tpu.memory_space<hbm>> -> memref<1x79x128xi32, #tpu.memory_space<hbm>>
      %dma_wait3A_26 = tpu.memref_squeeze %dma_wait3A_25 : memref<1x79x128xi32, #tpu.memory_space<hbm>> -> memref<79x128xi32, #tpu.memory_space<hbm>>
      tpu.wait_dma2 semaphore(%run_scoped3A : memref<!tpu.dma_semaphore, #tpu.memory_space<semaphore_mem>>) src(%dma_wait3A_26 : memref<79x128xi32, #tpu.memory_space<hbm>>) dst(%arg8 : memref<79x128xi32, #tpu.memory_space<vmem>>)
      tpu.yield
    }) : () -> ()
    "tpu.region"() ({
      %run_scoped3A = tpu.sem_alloc : memref<!tpu.dma_semaphore, #tpu.memory_space<semaphore_mem>>
      %dma_start3A = arith.constant 0 : i32
      %dma_start3A_13 = arith.constant 0 : i32
      %dma_start3A_14 = tpu.memref_slice %arg4[%add3A, %dma_start3A, %dma_start3A_13] : memref<32x79x128xi32, #tpu.memory_space<hbm>> -> memref<1x79x128xi32, #tpu.memory_space<hbm>>
      %dma_start3A_15 = tpu.memref_squeeze %dma_start3A_14 : memref<1x79x128xi32, #tpu.memory_space<hbm>> -> memref<79x128xi32, #tpu.memory_space<hbm>>
      %dma_start3A_16 = arith.constant 0 : i32
      %dma_start3A_17 = arith.constant 0 : i32
      %dma_start3A_18 = tpu.memref_slice %arg4[%add3A, %dma_start3A_16, %dma_start3A_17] : memref<32x79x128xi32, #tpu.memory_space<hbm>> -> memref<1x79x128xi32, #tpu.memory_space<hbm>>
      %dma_start3A_19 = tpu.memref_squeeze %dma_start3A_18 : memref<1x79x128xi32, #tpu.memory_space<hbm>> -> memref<79x128xi32, #tpu.memory_space<hbm>>
      tpu.enqueue_dma source(%dma_start3A_19 : memref<79x128xi32, #tpu.memory_space<hbm>>) target(%arg9 : memref<79x128xi32, #tpu.memory_space<vmem>>) target_semaphore(%run_scoped3A : memref<!tpu.dma_semaphore, #tpu.memory_space<semaphore_mem>>)
      %dma_wait3A = arith.constant 0 : i32
      %dma_wait3A_20 = arith.constant 0 : i32
      %dma_wait3A_21 = tpu.memref_slice %arg4[%add3A, %dma_wait3A, %dma_wait3A_20] : memref<32x79x128xi32, #tpu.memory_space<hbm>> -> memref<1x79x128xi32, #tpu.memory_space<hbm>>
      %dma_wait3A_22 = tpu.memref_squeeze %dma_wait3A_21 : memref<1x79x128xi32, #tpu.memory_space<hbm>> -> memref<79x128xi32, #tpu.memory_space<hbm>>
      %dma_wait3A_23 = arith.constant 0 : i32
      %dma_wait3A_24 = arith.constant 0 : i32
      %dma_wait3A_25 = tpu.memref_slice %arg4[%add3A, %dma_wait3A_23, %dma_wait3A_24] : memref<32x79x128xi32, #tpu.memory_space<hbm>> -> memref<1x79x128xi32, #tpu.memory_space<hbm>>
      %dma_wait3A_26 = tpu.memref_squeeze %dma_wait3A_25 : memref<1x79x128xi32, #tpu.memory_space<hbm>> -> memref<79x128xi32, #tpu.memory_space<hbm>>
      tpu.wait_dma2 semaphore(%run_scoped3A : memref<!tpu.dma_semaphore, #tpu.memory_space<semaphore_mem>>) src(%dma_wait3A_26 : memref<79x128xi32, #tpu.memory_space<hbm>>) dst(%arg9 : memref<79x128xi32, #tpu.memory_space<vmem>>)
      tpu.yield
    }) : () -> ()
    "tpu.region"() ({
      %run_scoped3A = tpu.sem_alloc : memref<!tpu.dma_semaphore, #tpu.memory_space<semaphore_mem>>
      %dma_start3A = arith.constant 0 : i32
      %dma_start3A_13 = tpu.memref_slice %arg5[%add3A, %dma_start3A] : memref<32x10112xf32, #tpu.memory_space<hbm>> -> memref<1x10112xf32, #tpu.memory_space<hbm>>
      %dma_start3A_14 = tpu.memref_squeeze %dma_start3A_13 : memref<1x10112xf32, #tpu.memory_space<hbm>> -> memref<10112xf32, #tpu.memory_space<hbm>>
      %dma_start3A_15 = arith.constant 0 : i32
      %dma_start3A_16 = tpu.memref_slice %arg5[%add3A, %dma_start3A_15] : memref<32x10112xf32, #tpu.memory_space<hbm>> -> memref<1x10112xf32, #tpu.memory_space<hbm>>
      %dma_start3A_17 = tpu.memref_squeeze %dma_start3A_16 : memref<1x10112xf32, #tpu.memory_space<hbm>> -> memref<10112xf32, #tpu.memory_space<hbm>>
      tpu.enqueue_dma source(%dma_start3A_17 : memref<10112xf32, #tpu.memory_space<hbm>>) target(%arg10 : memref<10112xf32, #tpu.memory_space<vmem>>) target_semaphore(%run_scoped3A : memref<!tpu.dma_semaphore, #tpu.memory_space<semaphore_mem>>)
      %dma_wait3A = arith.constant 0 : i32
      %dma_wait3A_18 = tpu.memref_slice %arg5[%add3A, %dma_wait3A] : memref<32x10112xf32, #tpu.memory_space<hbm>> -> memref<1x10112xf32, #tpu.memory_space<hbm>>
      %dma_wait3A_19 = tpu.memref_squeeze %dma_wait3A_18 : memref<1x10112xf32, #tpu.memory_space<hbm>> -> memref<10112xf32, #tpu.memory_space<hbm>>
      %dma_wait3A_20 = arith.constant 0 : i32
      %dma_wait3A_21 = tpu.memref_slice %arg5[%add3A, %dma_wait3A_20] : memref<32x10112xf32, #tpu.memory_space<hbm>> -> memref<1x10112xf32, #tpu.memory_space<hbm>>
      %dma_wait3A_22 = tpu.memref_squeeze %dma_wait3A_21 : memref<1x10112xf32, #tpu.memory_space<hbm>> -> memref<10112xf32, #tpu.memory_space<hbm>>
      tpu.wait_dma2 semaphore(%run_scoped3A : memref<!tpu.dma_semaphore, #tpu.memory_space<semaphore_mem>>) src(%dma_wait3A_22 : memref<10112xf32, #tpu.memory_space<hbm>>) dst(%arg10 : memref<10112xf32, #tpu.memory_space<vmem>>)
      tpu.yield
    }) : () -> ()
    %barrier3A = arith.constant 0 : index
    tpu.barrier barrier_id(%barrier3A)
    %scan3A = arith.constant 0 : i32
    %scan3A_3 = arith.constant 0 : i32
    %scan3A_4 = arith.constant 79 : i32
    %scan3A_5 = arith.addi %scan3A_3, %scan3A_4 : i32
    %scan3A_6 = arith.constant 1 : i32
    scf.for %scan3A_13 = %scan3A_3 to %scan3A_5 step %scan3A_6  : i32 {
      %dma_start3A = arith.constant 0 : i32
      %dma_start3A_14 = tpu.memref_slice %arg8[%scan3A_13, %dma_start3A] : memref<79x128xi32, #tpu.memory_space<vmem>> -> memref<1x128xi32, #tpu.memory_space<vmem>>
      %dma_start3A_15 = tpu.memref_squeeze %dma_start3A_14 : memref<1x128xi32, #tpu.memory_space<vmem>> -> memref<128xi32, #tpu.memory_space<vmem>>
      %dma_start3A_16 = arith.constant 0 : i32
      %dma_start3A_17 = arith.constant 0 : i32
      %dma_start3A_18 = tpu.memref_slice %arg2[%dma_start3A_16, %dma_start3A_17] : memref<10000x128xf32, #tpu.memory_space<hbm>> -> memref<10000x128xf32, #tpu.memory_space<hbm>>
      tpu.enqueue_indirect_dma source(%dma_start3A_18 : memref<10000x128xf32, #tpu.memory_space<hbm>>) target(%arg11 : memref<128x128xf32, #tpu.memory_space<vmem>>) offsets(%dma_start3A_15 : memref<128xi32, #tpu.memory_space<vmem>>) semaphore(%arg13 : memref<!tpu.dma_semaphore, #tpu.memory_space<semaphore_mem>>)
      %dma_wait3A = arith.constant 0 : i32
      %dma_wait3A_19 = tpu.memref_slice %arg8[%scan3A_13, %dma_wait3A] : memref<79x128xi32, #tpu.memory_space<vmem>> -> memref<1x128xi32, #tpu.memory_space<vmem>>
      %dma_wait3A_20 = tpu.memref_squeeze %dma_wait3A_19 : memref<1x128xi32, #tpu.memory_space<vmem>> -> memref<128xi32, #tpu.memory_space<vmem>>
      %dma_wait3A_21 = arith.constant 0 : i32
      %dma_wait3A_22 = arith.constant 0 : i32
      %dma_wait3A_23 = tpu.memref_slice %arg2[%dma_wait3A_21, %dma_wait3A_22] : memref<10000x128xf32, #tpu.memory_space<hbm>> -> memref<10000x128xf32, #tpu.memory_space<hbm>>
      tpu.wait_indirect_dma semaphore(%arg13 : memref<!tpu.dma_semaphore, #tpu.memory_space<semaphore_mem>>) src(%dma_wait3A_23 : memref<10000x128xf32, #tpu.memory_space<hbm>>) dst(%arg11 : memref<128x128xf32, #tpu.memory_space<vmem>>)
      %scan3A_24 = arith.constant 0 : i32
      %scan3A_25 = arith.constant 0 : i32
      %scan3A_26 = arith.constant 128 : i32
      %scan3A_27 = arith.addi %scan3A_25, %scan3A_26 : i32
      %scan3A_28 = arith.constant 1 : i32
      scf.for %scan3A_30 = %scan3A_25 to %scan3A_27 step %scan3A_28  : i32 {
        %mul3A_31 = arith.constant 128 : i32
        %mul3A_32 = arith.muli %scan3A_13, %mul3A_31 : i32
        %add3A_33 = arith.addi %mul3A_32, %scan3A_30 : i32
        %broadcast_in_dim3A = vector.broadcast %add3A_33 : i32 to vector<16xi32>
        %gather3A = tpu.vector_load_idx %arg10[%broadcast_in_dim3A] : memref<10112xf32, #tpu.memory_space<vmem>>[vector<16xi32>], vector<16xf32>,
        %get3A = arith.index_cast %scan3A_30 : i32 to index
        %get3A_34 = arith.constant 0 : index
        %get3A_35 = tpu.vector_load %arg11[%get3A, %get3A_34] {strides = array<i32>} : memref<128x128xf32, #tpu.memory_space<vmem>>, vector<16xf32>,
        %mul3A_36 = arith.mulf %get3A_35, %gather3A : vector<16xf32>
        %swap3A = arith.index_cast %scan3A_30 : i32 to index
        %swap3A_37 = arith.constant 0 : index
        %swap3A_38 = tpu.vector_load %arg11[%swap3A, %swap3A_37] {strides = array<i32>} : memref<128x128xf32, #tpu.memory_space<vmem>>, vector<16xf32>,
        tpu.vector_store %arg11[%swap3A, %swap3A_37], %mul3A_36 {strides = array<i32>} : memref<128x128xf32, #tpu.memory_space<vmem>>, vector<16xf32>,
        %get3A_39 = arith.index_cast %scan3A_30 : i32 to index
        %get3A_40 = arith.constant 16 : index
        %get3A_41 = tpu.vector_load %arg11[%get3A_39, %get3A_40] {strides = array<i32>} : memref<128x128xf32, #tpu.memory_space<vmem>>, vector<16xf32>,
        %mul3A_42 = arith.mulf %get3A_41, %gather3A : vector<16xf32>
        %swap3A_43 = arith.index_cast %scan3A_30 : i32 to index
        %swap3A_44 = arith.constant 16 : index
        %swap3A_45 = tpu.vector_load %arg11[%swap3A_43, %swap3A_44] {strides = array<i32>} : memref<128x128xf32, #tpu.memory_space<vmem>>, vector<16xf32>,
        tpu.vector_store %arg11[%swap3A_43, %swap3A_44], %mul3A_42 {strides = array<i32>} : memref<128x128xf32, #tpu.memory_space<vmem>>, vector<16xf32>,
        %get3A_46 = arith.index_cast %scan3A_30 : i32 to index
        %get3A_47 = arith.constant 32 : index
        %get3A_48 = tpu.vector_load %arg11[%get3A_46, %get3A_47] {strides = array<i32>} : memref<128x128xf32, #tpu.memory_space<vmem>>, vector<16xf32>,
        %mul3A_49 = arith.mulf %get3A_48, %gather3A : vector<16xf32>
        %swap3A_50 = arith.index_cast %scan3A_30 : i32 to index
        %swap3A_51 = arith.constant 32 : index
        %swap3A_52 = tpu.vector_load %arg11[%swap3A_50, %swap3A_51] {strides = array<i32>} : memref<128x128xf32, #tpu.memory_space<vmem>>, vector<16xf32>,
        tpu.vector_store %arg11[%swap3A_50, %swap3A_51], %mul3A_49 {strides = array<i32>} : memref<128x128xf32, #tpu.memory_space<vmem>>, vector<16xf32>,
        %get3A_53 = arith.index_cast %scan3A_30 : i32 to index
        %get3A_54 = arith.constant 48 : index
        %get3A_55 = tpu.vector_load %arg11[%get3A_53, %get3A_54] {strides = array<i32>} : memref<128x128xf32, #tpu.memory_space<vmem>>, vector<16xf32>,
        %mul3A_56 = arith.mulf %get3A_55, %gather3A : vector<16xf32>
        %swap3A_57 = arith.index_cast %scan3A_30 : i32 to index
        %swap3A_58 = arith.constant 48 : index
        %swap3A_59 = tpu.vector_load %arg11[%swap3A_57, %swap3A_58] {strides = array<i32>} : memref<128x128xf32, #tpu.memory_space<vmem>>, vector<16xf32>,
        tpu.vector_store %arg11[%swap3A_57, %swap3A_58], %mul3A_56 {strides = array<i32>} : memref<128x128xf32, #tpu.memory_space<vmem>>, vector<16xf32>,
        %get3A_60 = arith.index_cast %scan3A_30 : i32 to index
        %get3A_61 = arith.constant 64 : index
        %get3A_62 = tpu.vector_load %arg11[%get3A_60, %get3A_61] {strides = array<i32>} : memref<128x128xf32, #tpu.memory_space<vmem>>, vector<16xf32>,
        %mul3A_63 = arith.mulf %get3A_62, %gather3A : vector<16xf32>
        %swap3A_64 = arith.index_cast %scan3A_30 : i32 to index
        %swap3A_65 = arith.constant 64 : index
        %swap3A_66 = tpu.vector_load %arg11[%swap3A_64, %swap3A_65] {strides = array<i32>} : memref<128x128xf32, #tpu.memory_space<vmem>>, vector<16xf32>,
        tpu.vector_store %arg11[%swap3A_64, %swap3A_65], %mul3A_63 {strides = array<i32>} : memref<128x128xf32, #tpu.memory_space<vmem>>, vector<16xf32>,
        %get3A_67 = arith.index_cast %scan3A_30 : i32 to index
        %get3A_68 = arith.constant 80 : index
        %get3A_69 = tpu.vector_load %arg11[%get3A_67, %get3A_68] {strides = array<i32>} : memref<128x128xf32, #tpu.memory_space<vmem>>, vector<16xf32>,
        %mul3A_70 = arith.mulf %get3A_69, %gather3A : vector<16xf32>
        %swap3A_71 = arith.index_cast %scan3A_30 : i32 to index
        %swap3A_72 = arith.constant 80 : index
        %swap3A_73 = tpu.vector_load %arg11[%swap3A_71, %swap3A_72] {strides = array<i32>} : memref<128x128xf32, #tpu.memory_space<vmem>>, vector<16xf32>,
        tpu.vector_store %arg11[%swap3A_71, %swap3A_72], %mul3A_70 {strides = array<i32>} : memref<128x128xf32, #tpu.memory_space<vmem>>, vector<16xf32>,
        %get3A_74 = arith.index_cast %scan3A_30 : i32 to index
        %get3A_75 = arith.constant 96 : index
        %get3A_76 = tpu.vector_load %arg11[%get3A_74, %get3A_75] {strides = array<i32>} : memref<128x128xf32, #tpu.memory_space<vmem>>, vector<16xf32>,
        %mul3A_77 = arith.mulf %get3A_76, %gather3A : vector<16xf32>
        %swap3A_78 = arith.index_cast %scan3A_30 : i32 to index
        %swap3A_79 = arith.constant 96 : index
        %swap3A_80 = tpu.vector_load %arg11[%swap3A_78, %swap3A_79] {strides = array<i32>} : memref<128x128xf32, #tpu.memory_space<vmem>>, vector<16xf32>,
        tpu.vector_store %arg11[%swap3A_78, %swap3A_79], %mul3A_77 {strides = array<i32>} : memref<128x128xf32, #tpu.memory_space<vmem>>, vector<16xf32>,
        %get3A_81 = arith.index_cast %scan3A_30 : i32 to index
        %get3A_82 = arith.constant 112 : index
        %get3A_83 = tpu.vector_load %arg11[%get3A_81, %get3A_82] {strides = array<i32>} : memref<128x128xf32, #tpu.memory_space<vmem>>, vector<16xf32>,
        %mul3A_84 = arith.mulf %get3A_83, %gather3A : vector<16xf32>
        %swap3A_85 = arith.index_cast %scan3A_30 : i32 to index
        %swap3A_86 = arith.constant 112 : index
        %swap3A_87 = tpu.vector_load %arg11[%swap3A_85, %swap3A_86] {strides = array<i32>} : memref<128x128xf32, #tpu.memory_space<vmem>>, vector<16xf32>,
        tpu.vector_store %arg11[%swap3A_85, %swap3A_86], %mul3A_84 {strides = array<i32>} : memref<128x128xf32, #tpu.memory_space<vmem>>, vector<16xf32>,
      }
      %scan3A_29 = arith.constant 128 : i32
      "tpu.region"() ({
        %run_scoped3A = tpu.sem_alloc : memref<!tpu.dma_semaphore, #tpu.memory_space<semaphore_mem>>
        %dma_start3A_30 = arith.constant 0 : i32
        %dma_start3A_31 = tpu.memref_slice %arg9[%scan3A_13, %dma_start3A_30] : memref<79x128xi32, #tpu.memory_space<vmem>> -> memref<1x128xi32, #tpu.memory_space<vmem>>
        %dma_start3A_32 = tpu.memref_squeeze %dma_start3A_31 : memref<1x128xi32, #tpu.memory_space<vmem>> -> memref<128xi32, #tpu.memory_space<vmem>>
        %dma_start3A_33 = arith.constant 0 : i32
        %dma_start3A_34 = arith.constant 0 : i32
        %dma_start3A_35 = tpu.memref_slice %arg12[%dma_start3A_33, %dma_start3A_34] : memref<10240x128xf32, #tpu.memory_space<vmem_shared>> -> memref<10240x128xf32, #tpu.memory_space<vmem_shared>>
        tpu.enqueue_indirect_dma source(%arg11 : memref<128x128xf32, #tpu.memory_space<vmem>>) target(%dma_start3A_35 : memref<10240x128xf32, #tpu.memory_space<vmem_shared>>) offsets(%dma_start3A_32 : memref<128xi32, #tpu.memory_space<vmem>>) semaphore(%run_scoped3A : memref<!tpu.dma_semaphore, #tpu.memory_space<semaphore_mem>>) {add = true}
        %dma_wait3A_36 = arith.constant 0 : i32
        %dma_wait3A_37 = tpu.memref_slice %arg9[%scan3A_13, %dma_wait3A_36] : memref<79x128xi32, #tpu.memory_space<vmem>> -> memref<1x128xi32, #tpu.memory_space<vmem>>
        %dma_wait3A_38 = tpu.memref_squeeze %dma_wait3A_37 : memref<1x128xi32, #tpu.memory_space<vmem>> -> memref<128xi32, #tpu.memory_space<vmem>>
        %dma_wait3A_39 = arith.constant 0 : i32
        %dma_wait3A_40 = arith.constant 0 : i32
        %dma_wait3A_41 = tpu.memref_slice %arg12[%dma_wait3A_39, %dma_wait3A_40] : memref<10240x128xf32, #tpu.memory_space<vmem_shared>> -> memref<10240x128xf32, #tpu.memory_space<vmem_shared>>
        tpu.wait_indirect_dma semaphore(%run_scoped3A : memref<!tpu.dma_semaphore, #tpu.memory_space<semaphore_mem>>) src(%arg11 : memref<128x128xf32, #tpu.memory_space<vmem>>) dst(%dma_wait3A_41 : memref<10240x128xf32, #tpu.memory_space<vmem_shared>>)
        tpu.yield
      }) : () -> ()
    }
    %scan3A_7 = arith.constant 79 : i32
    %barrier3A_8 = arith.constant 0 : index
    tpu.barrier barrier_id(%barrier3A_8)
    %mul3A_9 = arith.constant 640 : i32
    %mul3A_10 = arith.muli %arg1, %mul3A_9 : i32
    %mul3A_11 = arith.constant 640 : i32
    %mul3A_12 = arith.muli %arg1, %mul3A_11 : i32
    "tpu.region"() ({
      %run_scoped3A = tpu.sem_alloc : memref<!tpu.dma_semaphore, #tpu.memory_space<semaphore_mem>>
      %dma_start3A = arith.constant 0 : i32
      %dma_start3A_13 = arith.constant 0 : i32
      %dma_start3A_14 = tpu.memref_slice %arg7[%arg0, %dma_start3A, %dma_start3A_13] : memref<2x10240x128xf32, #tpu.memory_space<hbm>> -> memref<1x10240x128xf32, #tpu.memory_space<hbm>>
      %dma_start3A_15 = tpu.memref_squeeze %dma_start3A_14 : memref<1x10240x128xf32, #tpu.memory_space<hbm>> -> memref<10240x128xf32, #tpu.memory_space<hbm>>
      %dma_start3A_16 = arith.constant 0 : i32
      %dma_start3A_17 = tpu.memref_slice %dma_start3A_15[%mul3A_12, %dma_start3A_16] : memref<10240x128xf32, #tpu.memory_space<hbm>> -> memref<640x128xf32, #tpu.memory_space<hbm>>
      %dma_start3A_18 = arith.constant 0 : i32
      %dma_start3A_19 = tpu.memref_slice %arg12[%mul3A_10, %dma_start3A_18] : memref<10240x128xf32, #tpu.memory_space<vmem_shared>> -> memref<640x128xf32, #tpu.memory_space<vmem_shared>>
      tpu.enqueue_dma source(%dma_start3A_19 : memref<640x128xf32, #tpu.memory_space<vmem_shared>>) target(%dma_start3A_17 : memref<640x128xf32, #tpu.memory_space<hbm>>) target_semaphore(%run_scoped3A : memref<!tpu.dma_semaphore, #tpu.memory_space<semaphore_mem>>)
      %dma_wait3A = arith.constant 0 : i32
      %dma_wait3A_20 = arith.constant 0 : i32
      %dma_wait3A_21 = tpu.memref_slice %arg7[%arg0, %dma_wait3A, %dma_wait3A_20] : memref<2x10240x128xf32, #tpu.memory_space<hbm>> -> memref<1x10240x128xf32, #tpu.memory_space<hbm>>
      %dma_wait3A_22 = tpu.memref_squeeze %dma_wait3A_21 : memref<1x10240x128xf32, #tpu.memory_space<hbm>> -> memref<10240x128xf32, #tpu.memory_space<hbm>>
      %dma_wait3A_23 = arith.constant 0 : i32
      %dma_wait3A_24 = tpu.memref_slice %dma_wait3A_22[%mul3A_12, %dma_wait3A_23] : memref<10240x128xf32, #tpu.memory_space<hbm>> -> memref<640x128xf32, #tpu.memory_space<hbm>>
      %dma_wait3A_25 = arith.constant 0 : i32
      %dma_wait3A_26 = tpu.memref_slice %arg12[%mul3A_10, %dma_wait3A_25] : memref<10240x128xf32, #tpu.memory_space<vmem_shared>> -> memref<640x128xf32, #tpu.memory_space<vmem_shared>>
      tpu.wait_dma2 semaphore(%run_scoped3A : memref<!tpu.dma_semaphore, #tpu.memory_space<semaphore_mem>>) src(%dma_wait3A_26 : memref<640x128xf32, #tpu.memory_space<vmem_shared>>) dst(%dma_wait3A_24 : memref<640x128xf32, #tpu.memory_space<hbm>>)
      tpu.yield
    }) : () -> ()
    return
  }
}

#map = affine_map<(d0, d1) -> (0, 0)>
#map1 = affine_map<(d0, d1) -> (0, 0, 0)>
module attributes {stable_mosaic.version = 14 : i64} {
  func.func @_mp_body(%arg0: i32, %arg1: i32, %arg2: memref<10000x128xf32, #tpu.memory_space<hbm>>, %arg3: memref<32x79x128xi32, #tpu.memory_space<hbm>>, %arg4: memref<32x79x128xi32, #tpu.memory_space<hbm>>, %arg5: memref<32x10112xf32, #tpu.memory_space<hbm>>, %arg6: memref<640x128xf32, #tpu.memory_space<hbm>>, %arg7: memref<2x10240x128xf32, #tpu.memory_space<hbm>>, %arg8: memref<79x128xi32, #tpu.memory_space<vmem>>, %arg9: memref<79x128xi32, #tpu.memory_space<vmem>>, %arg10: memref<10112xf32, #tpu.memory_space<vmem>>, %arg11: memref<128x128xf32, #tpu.memory_space<vmem>>, %arg12: memref<10240x128xf32, #tpu.memory_space<vmem_shared>>, %arg13: memref<!tpu.dma_semaphore, #tpu.memory_space<semaphore_mem>>) attributes {dimension_semantics = [#tpu.dimension_semantics<core_parallel>, #tpu.dimension_semantics<subcore_parallel>], iteration_bounds = array<i64: 2, 16>, scalar_prefetch = 0 : i64, scratch_operands = 6 : i64, tpu.core_type = #tpu.core_type<sc_vector_subcore>, window_params = [{transform_indices = #map}, {transform_indices = #map1}, {transform_indices = #map1}, {transform_indices = #map}, {transform_indices = #map}, {transform_indices = #map1}]} {
    %mul3A = arith.constant 2 : i32
    %mul3A_0 = arith.muli %arg1, %mul3A : i32
    %add3A = arith.addi %mul3A_0, %arg0 : i32
    %mul3A_1 = arith.constant 640 : i32
    %mul3A_2 = arith.muli %arg1, %mul3A_1 : i32
    "tpu.region"() ({
      %run_scoped3A = tpu.sem_alloc : memref<!tpu.dma_semaphore, #tpu.memory_space<semaphore_mem>>
      %dma_start3A = arith.constant 0 : i32
      %dma_start3A_13 = tpu.memref_slice %arg12[%mul3A_2, %dma_start3A] : memref<10240x128xf32, #tpu.memory_space<vmem_shared>> -> memref<640x128xf32, #tpu.memory_space<vmem_shared>>
      tpu.enqueue_dma source(%arg6 : memref<640x128xf32, #tpu.memory_space<hbm>>) target(%dma_start3A_13 : memref<640x128xf32, #tpu.memory_space<vmem_shared>>) target_semaphore(%run_scoped3A : memref<!tpu.dma_semaphore, #tpu.memory_space<semaphore_mem>>)
      %dma_wait3A = arith.constant 0 : i32
      %dma_wait3A_14 = tpu.memref_slice %arg12[%mul3A_2, %dma_wait3A] : memref<10240x128xf32, #tpu.memory_space<vmem_shared>> -> memref<640x128xf32, #tpu.memory_space<vmem_shared>>
      tpu.wait_dma2 semaphore(%run_scoped3A : memref<!tpu.dma_semaphore, #tpu.memory_space<semaphore_mem>>) src(%arg6 : memref<640x128xf32, #tpu.memory_space<hbm>>) dst(%dma_wait3A_14 : memref<640x128xf32, #tpu.memory_space<vmem_shared>>)
      tpu.yield
    }) : () -> ()
    "tpu.region"() ({
      %run_scoped3A = tpu.sem_alloc : memref<!tpu.dma_semaphore, #tpu.memory_space<semaphore_mem>>
      %dma_start3A = arith.constant 0 : i32
      %dma_start3A_13 = arith.constant 0 : i32
      %dma_start3A_14 = tpu.memref_slice %arg3[%add3A, %dma_start3A, %dma_start3A_13] : memref<32x79x128xi32, #tpu.memory_space<hbm>> -> memref<1x79x128xi32, #tpu.memory_space<hbm>>
      %dma_start3A_15 = tpu.memref_squeeze %dma_start3A_14 : memref<1x79x128xi32, #tpu.memory_space<hbm>> -> memref<79x128xi32, #tpu.memory_space<hbm>>
      %dma_start3A_16 = arith.constant 0 : i32
      %dma_start3A_17 = arith.constant 0 : i32
      %dma_start3A_18 = tpu.memref_slice %arg3[%add3A, %dma_start3A_16, %dma_start3A_17] : memref<32x79x128xi32, #tpu.memory_space<hbm>> -> memref<1x79x128xi32, #tpu.memory_space<hbm>>
      %dma_start3A_19 = tpu.memref_squeeze %dma_start3A_18 : memref<1x79x128xi32, #tpu.memory_space<hbm>> -> memref<79x128xi32, #tpu.memory_space<hbm>>
      tpu.enqueue_dma source(%dma_start3A_19 : memref<79x128xi32, #tpu.memory_space<hbm>>) target(%arg8 : memref<79x128xi32, #tpu.memory_space<vmem>>) target_semaphore(%run_scoped3A : memref<!tpu.dma_semaphore, #tpu.memory_space<semaphore_mem>>)
      %dma_wait3A = arith.constant 0 : i32
      %dma_wait3A_20 = arith.constant 0 : i32
      %dma_wait3A_21 = tpu.memref_slice %arg3[%add3A, %dma_wait3A, %dma_wait3A_20] : memref<32x79x128xi32, #tpu.memory_space<hbm>> -> memref<1x79x128xi32, #tpu.memory_space<hbm>>
      %dma_wait3A_22 = tpu.memref_squeeze %dma_wait3A_21 : memref<1x79x128xi32, #tpu.memory_space<hbm>> -> memref<79x128xi32, #tpu.memory_space<hbm>>
      %dma_wait3A_23 = arith.constant 0 : i32
      %dma_wait3A_24 = arith.constant 0 : i32
      %dma_wait3A_25 = tpu.memref_slice %arg3[%add3A, %dma_wait3A_23, %dma_wait3A_24] : memref<32x79x128xi32, #tpu.memory_space<hbm>> -> memref<1x79x128xi32, #tpu.memory_space<hbm>>
      %dma_wait3A_26 = tpu.memref_squeeze %dma_wait3A_25 : memref<1x79x128xi32, #tpu.memory_space<hbm>> -> memref<79x128xi32, #tpu.memory_space<hbm>>
      tpu.wait_dma2 semaphore(%run_scoped3A : memref<!tpu.dma_semaphore, #tpu.memory_space<semaphore_mem>>) src(%dma_wait3A_26 : memref<79x128xi32, #tpu.memory_space<hbm>>) dst(%arg8 : memref<79x128xi32, #tpu.memory_space<vmem>>)
      tpu.yield
    }) : () -> ()
    "tpu.region"() ({
      %run_scoped3A = tpu.sem_alloc : memref<!tpu.dma_semaphore, #tpu.memory_space<semaphore_mem>>
      %dma_start3A = arith.constant 0 : i32
      %dma_start3A_13 = arith.constant 0 : i32
      %dma_start3A_14 = tpu.memref_slice %arg4[%add3A, %dma_start3A, %dma_start3A_13] : memref<32x79x128xi32, #tpu.memory_space<hbm>> -> memref<1x79x128xi32, #tpu.memory_space<hbm>>
      %dma_start3A_15 = tpu.memref_squeeze %dma_start3A_14 : memref<1x79x128xi32, #tpu.memory_space<hbm>> -> memref<79x128xi32, #tpu.memory_space<hbm>>
      %dma_start3A_16 = arith.constant 0 : i32
      %dma_start3A_17 = arith.constant 0 : i32
      %dma_start3A_18 = tpu.memref_slice %arg4[%add3A, %dma_start3A_16, %dma_start3A_17] : memref<32x79x128xi32, #tpu.memory_space<hbm>> -> memref<1x79x128xi32, #tpu.memory_space<hbm>>
      %dma_start3A_19 = tpu.memref_squeeze %dma_start3A_18 : memref<1x79x128xi32, #tpu.memory_space<hbm>> -> memref<79x128xi32, #tpu.memory_space<hbm>>
      tpu.enqueue_dma source(%dma_start3A_19 : memref<79x128xi32, #tpu.memory_space<hbm>>) target(%arg9 : memref<79x128xi32, #tpu.memory_space<vmem>>) target_semaphore(%run_scoped3A : memref<!tpu.dma_semaphore, #tpu.memory_space<semaphore_mem>>)
      %dma_wait3A = arith.constant 0 : i32
      %dma_wait3A_20 = arith.constant 0 : i32
      %dma_wait3A_21 = tpu.memref_slice %arg4[%add3A, %dma_wait3A, %dma_wait3A_20] : memref<32x79x128xi32, #tpu.memory_space<hbm>> -> memref<1x79x128xi32, #tpu.memory_space<hbm>>
      %dma_wait3A_22 = tpu.memref_squeeze %dma_wait3A_21 : memref<1x79x128xi32, #tpu.memory_space<hbm>> -> memref<79x128xi32, #tpu.memory_space<hbm>>
      %dma_wait3A_23 = arith.constant 0 : i32
      %dma_wait3A_24 = arith.constant 0 : i32
      %dma_wait3A_25 = tpu.memref_slice %arg4[%add3A, %dma_wait3A_23, %dma_wait3A_24] : memref<32x79x128xi32, #tpu.memory_space<hbm>> -> memref<1x79x128xi32, #tpu.memory_space<hbm>>
      %dma_wait3A_26 = tpu.memref_squeeze %dma_wait3A_25 : memref<1x79x128xi32, #tpu.memory_space<hbm>> -> memref<79x128xi32, #tpu.memory_space<hbm>>
      tpu.wait_dma2 semaphore(%run_scoped3A : memref<!tpu.dma_semaphore, #tpu.memory_space<semaphore_mem>>) src(%dma_wait3A_26 : memref<79x128xi32, #tpu.memory_space<hbm>>) dst(%arg9 : memref<79x128xi32, #tpu.memory_space<vmem>>)
      tpu.yield
    }) : () -> ()
    "tpu.region"() ({
      %run_scoped3A = tpu.sem_alloc : memref<!tpu.dma_semaphore, #tpu.memory_space<semaphore_mem>>
      %dma_start3A = arith.constant 0 : i32
      %dma_start3A_13 = tpu.memref_slice %arg5[%add3A, %dma_start3A] : memref<32x10112xf32, #tpu.memory_space<hbm>> -> memref<1x10112xf32, #tpu.memory_space<hbm>>
      %dma_start3A_14 = tpu.memref_squeeze %dma_start3A_13 : memref<1x10112xf32, #tpu.memory_space<hbm>> -> memref<10112xf32, #tpu.memory_space<hbm>>
      %dma_start3A_15 = arith.constant 0 : i32
      %dma_start3A_16 = tpu.memref_slice %arg5[%add3A, %dma_start3A_15] : memref<32x10112xf32, #tpu.memory_space<hbm>> -> memref<1x10112xf32, #tpu.memory_space<hbm>>
      %dma_start3A_17 = tpu.memref_squeeze %dma_start3A_16 : memref<1x10112xf32, #tpu.memory_space<hbm>> -> memref<10112xf32, #tpu.memory_space<hbm>>
      tpu.enqueue_dma source(%dma_start3A_17 : memref<10112xf32, #tpu.memory_space<hbm>>) target(%arg10 : memref<10112xf32, #tpu.memory_space<vmem>>) target_semaphore(%run_scoped3A : memref<!tpu.dma_semaphore, #tpu.memory_space<semaphore_mem>>)
      %dma_wait3A = arith.constant 0 : i32
      %dma_wait3A_18 = tpu.memref_slice %arg5[%add3A, %dma_wait3A] : memref<32x10112xf32, #tpu.memory_space<hbm>> -> memref<1x10112xf32, #tpu.memory_space<hbm>>
      %dma_wait3A_19 = tpu.memref_squeeze %dma_wait3A_18 : memref<1x10112xf32, #tpu.memory_space<hbm>> -> memref<10112xf32, #tpu.memory_space<hbm>>
      %dma_wait3A_20 = arith.constant 0 : i32
      %dma_wait3A_21 = tpu.memref_slice %arg5[%add3A, %dma_wait3A_20] : memref<32x10112xf32, #tpu.memory_space<hbm>> -> memref<1x10112xf32, #tpu.memory_space<hbm>>
      %dma_wait3A_22 = tpu.memref_squeeze %dma_wait3A_21 : memref<1x10112xf32, #tpu.memory_space<hbm>> -> memref<10112xf32, #tpu.memory_space<hbm>>
      tpu.wait_dma2 semaphore(%run_scoped3A : memref<!tpu.dma_semaphore, #tpu.memory_space<semaphore_mem>>) src(%dma_wait3A_22 : memref<10112xf32, #tpu.memory_space<hbm>>) dst(%arg10 : memref<10112xf32, #tpu.memory_space<vmem>>)
      tpu.yield
    }) : () -> ()
    %barrier3A = arith.constant 0 : index
    tpu.barrier barrier_id(%barrier3A)
    %scan3A = arith.constant 0 : i32
    %scan3A_3 = arith.constant 0 : i32
    %scan3A_4 = arith.constant 79 : i32
    %scan3A_5 = arith.addi %scan3A_3, %scan3A_4 : i32
    %scan3A_6 = arith.constant 1 : i32
    scf.for %scan3A_13 = %scan3A_3 to %scan3A_5 step %scan3A_6  : i32 {
      %dma_start3A = arith.constant 0 : i32
      %dma_start3A_14 = tpu.memref_slice %arg8[%scan3A_13, %dma_start3A] : memref<79x128xi32, #tpu.memory_space<vmem>> -> memref<1x128xi32, #tpu.memory_space<vmem>>
      %dma_start3A_15 = tpu.memref_squeeze %dma_start3A_14 : memref<1x128xi32, #tpu.memory_space<vmem>> -> memref<128xi32, #tpu.memory_space<vmem>>
      %dma_start3A_16 = arith.constant 0 : i32
      %dma_start3A_17 = arith.constant 0 : i32
      %dma_start3A_18 = tpu.memref_slice %arg2[%dma_start3A_16, %dma_start3A_17] : memref<10000x128xf32, #tpu.memory_space<hbm>> -> memref<10000x128xf32, #tpu.memory_space<hbm>>
      tpu.enqueue_indirect_dma source(%dma_start3A_18 : memref<10000x128xf32, #tpu.memory_space<hbm>>) target(%arg11 : memref<128x128xf32, #tpu.memory_space<vmem>>) offsets(%dma_start3A_15 : memref<128xi32, #tpu.memory_space<vmem>>) semaphore(%arg13 : memref<!tpu.dma_semaphore, #tpu.memory_space<semaphore_mem>>)
      %dma_wait3A = arith.constant 0 : i32
      %dma_wait3A_19 = tpu.memref_slice %arg8[%scan3A_13, %dma_wait3A] : memref<79x128xi32, #tpu.memory_space<vmem>> -> memref<1x128xi32, #tpu.memory_space<vmem>>
      %dma_wait3A_20 = tpu.memref_squeeze %dma_wait3A_19 : memref<1x128xi32, #tpu.memory_space<vmem>> -> memref<128xi32, #tpu.memory_space<vmem>>
      %dma_wait3A_21 = arith.constant 0 : i32
      %dma_wait3A_22 = arith.constant 0 : i32
      %dma_wait3A_23 = tpu.memref_slice %arg2[%dma_wait3A_21, %dma_wait3A_22] : memref<10000x128xf32, #tpu.memory_space<hbm>> -> memref<10000x128xf32, #tpu.memory_space<hbm>>
      tpu.wait_indirect_dma semaphore(%arg13 : memref<!tpu.dma_semaphore, #tpu.memory_space<semaphore_mem>>) src(%dma_wait3A_23 : memref<10000x128xf32, #tpu.memory_space<hbm>>) dst(%arg11 : memref<128x128xf32, #tpu.memory_space<vmem>>)
      %scan3A_24 = arith.constant 0 : i32
      %scan3A_25 = arith.constant 0 : i32
      %scan3A_26 = arith.constant 128 : i32
      %scan3A_27 = arith.addi %scan3A_25, %scan3A_26 : i32
      %scan3A_28 = arith.constant 1 : i32
      scf.for %scan3A_30 = %scan3A_25 to %scan3A_27 step %scan3A_28  : i32 {
        %mul3A_31 = arith.constant 128 : i32
        %mul3A_32 = arith.muli %scan3A_13, %mul3A_31 : i32
        %add3A_33 = arith.addi %mul3A_32, %scan3A_30 : i32
        %broadcast_in_dim3A = vector.broadcast %add3A_33 : i32 to vector<16xi32>
        %gather3A = tpu.vector_load_idx %arg10[%broadcast_in_dim3A] : memref<10112xf32, #tpu.memory_space<vmem>>[vector<16xi32>], vector<16xf32>,
        %get3A = arith.index_cast %scan3A_30 : i32 to index
        %get3A_34 = arith.constant 0 : index
        %get3A_35 = tpu.vector_load %arg11[%get3A, %get3A_34] {strides = array<i32>} : memref<128x128xf32, #tpu.memory_space<vmem>>, vector<16xf32>,
        %mul3A_36 = arith.mulf %get3A_35, %gather3A : vector<16xf32>
        %swap3A = arith.index_cast %scan3A_30 : i32 to index
        %swap3A_37 = arith.constant 0 : index
        %swap3A_38 = tpu.vector_load %arg11[%swap3A, %swap3A_37] {strides = array<i32>} : memref<128x128xf32, #tpu.memory_space<vmem>>, vector<16xf32>,
        tpu.vector_store %arg11[%swap3A, %swap3A_37], %mul3A_36 {strides = array<i32>} : memref<128x128xf32, #tpu.memory_space<vmem>>, vector<16xf32>,
        %get3A_39 = arith.index_cast %scan3A_30 : i32 to index
        %get3A_40 = arith.constant 16 : index
        %get3A_41 = tpu.vector_load %arg11[%get3A_39, %get3A_40] {strides = array<i32>} : memref<128x128xf32, #tpu.memory_space<vmem>>, vector<16xf32>,
        %mul3A_42 = arith.mulf %get3A_41, %gather3A : vector<16xf32>
        %swap3A_43 = arith.index_cast %scan3A_30 : i32 to index
        %swap3A_44 = arith.constant 16 : index
        %swap3A_45 = tpu.vector_load %arg11[%swap3A_43, %swap3A_44] {strides = array<i32>} : memref<128x128xf32, #tpu.memory_space<vmem>>, vector<16xf32>,
        tpu.vector_store %arg11[%swap3A_43, %swap3A_44], %mul3A_42 {strides = array<i32>} : memref<128x128xf32, #tpu.memory_space<vmem>>, vector<16xf32>,
        %get3A_46 = arith.index_cast %scan3A_30 : i32 to index
        %get3A_47 = arith.constant 32 : index
        %get3A_48 = tpu.vector_load %arg11[%get3A_46, %get3A_47] {strides = array<i32>} : memref<128x128xf32, #tpu.memory_space<vmem>>, vector<16xf32>,
        %mul3A_49 = arith.mulf %get3A_48, %gather3A : vector<16xf32>
        %swap3A_50 = arith.index_cast %scan3A_30 : i32 to index
        %swap3A_51 = arith.constant 32 : index
        %swap3A_52 = tpu.vector_load %arg11[%swap3A_50, %swap3A_51] {strides = array<i32>} : memref<128x128xf32, #tpu.memory_space<vmem>>, vector<16xf32>,
        tpu.vector_store %arg11[%swap3A_50, %swap3A_51], %mul3A_49 {strides = array<i32>} : memref<128x128xf32, #tpu.memory_space<vmem>>, vector<16xf32>,
        %get3A_53 = arith.index_cast %scan3A_30 : i32 to index
        %get3A_54 = arith.constant 48 : index
        %get3A_55 = tpu.vector_load %arg11[%get3A_53, %get3A_54] {strides = array<i32>} : memref<128x128xf32, #tpu.memory_space<vmem>>, vector<16xf32>,
        %mul3A_56 = arith.mulf %get3A_55, %gather3A : vector<16xf32>
        %swap3A_57 = arith.index_cast %scan3A_30 : i32 to index
        %swap3A_58 = arith.constant 48 : index
        %swap3A_59 = tpu.vector_load %arg11[%swap3A_57, %swap3A_58] {strides = array<i32>} : memref<128x128xf32, #tpu.memory_space<vmem>>, vector<16xf32>,
        tpu.vector_store %arg11[%swap3A_57, %swap3A_58], %mul3A_56 {strides = array<i32>} : memref<128x128xf32, #tpu.memory_space<vmem>>, vector<16xf32>,
        %get3A_60 = arith.index_cast %scan3A_30 : i32 to index
        %get3A_61 = arith.constant 64 : index
        %get3A_62 = tpu.vector_load %arg11[%get3A_60, %get3A_61] {strides = array<i32>} : memref<128x128xf32, #tpu.memory_space<vmem>>, vector<16xf32>,
        %mul3A_63 = arith.mulf %get3A_62, %gather3A : vector<16xf32>
        %swap3A_64 = arith.index_cast %scan3A_30 : i32 to index
        %swap3A_65 = arith.constant 64 : index
        %swap3A_66 = tpu.vector_load %arg11[%swap3A_64, %swap3A_65] {strides = array<i32>} : memref<128x128xf32, #tpu.memory_space<vmem>>, vector<16xf32>,
        tpu.vector_store %arg11[%swap3A_64, %swap3A_65], %mul3A_63 {strides = array<i32>} : memref<128x128xf32, #tpu.memory_space<vmem>>, vector<16xf32>,
        %get3A_67 = arith.index_cast %scan3A_30 : i32 to index
        %get3A_68 = arith.constant 80 : index
        %get3A_69 = tpu.vector_load %arg11[%get3A_67, %get3A_68] {strides = array<i32>} : memref<128x128xf32, #tpu.memory_space<vmem>>, vector<16xf32>,
        %mul3A_70 = arith.mulf %get3A_69, %gather3A : vector<16xf32>
        %swap3A_71 = arith.index_cast %scan3A_30 : i32 to index
        %swap3A_72 = arith.constant 80 : index
        %swap3A_73 = tpu.vector_load %arg11[%swap3A_71, %swap3A_72] {strides = array<i32>} : memref<128x128xf32, #tpu.memory_space<vmem>>, vector<16xf32>,
        tpu.vector_store %arg11[%swap3A_71, %swap3A_72], %mul3A_70 {strides = array<i32>} : memref<128x128xf32, #tpu.memory_space<vmem>>, vector<16xf32>,
        %get3A_74 = arith.index_cast %scan3A_30 : i32 to index
        %get3A_75 = arith.constant 96 : index
        %get3A_76 = tpu.vector_load %arg11[%get3A_74, %get3A_75] {strides = array<i32>} : memref<128x128xf32, #tpu.memory_space<vmem>>, vector<16xf32>,
        %mul3A_77 = arith.mulf %get3A_76, %gather3A : vector<16xf32>
        %swap3A_78 = arith.index_cast %scan3A_30 : i32 to index
        %swap3A_79 = arith.constant 96 : index
        %swap3A_80 = tpu.vector_load %arg11[%swap3A_78, %swap3A_79] {strides = array<i32>} : memref<128x128xf32, #tpu.memory_space<vmem>>, vector<16xf32>,
        tpu.vector_store %arg11[%swap3A_78, %swap3A_79], %mul3A_77 {strides = array<i32>} : memref<128x128xf32, #tpu.memory_space<vmem>>, vector<16xf32>,
        %get3A_81 = arith.index_cast %scan3A_30 : i32 to index
        %get3A_82 = arith.constant 112 : index
        %get3A_83 = tpu.vector_load %arg11[%get3A_81, %get3A_82] {strides = array<i32>} : memref<128x128xf32, #tpu.memory_space<vmem>>, vector<16xf32>,
        %mul3A_84 = arith.mulf %get3A_83, %gather3A : vector<16xf32>
        %swap3A_85 = arith.index_cast %scan3A_30 : i32 to index
        %swap3A_86 = arith.constant 112 : index
        %swap3A_87 = tpu.vector_load %arg11[%swap3A_85, %swap3A_86] {strides = array<i32>} : memref<128x128xf32, #tpu.memory_space<vmem>>, vector<16xf32>,
        tpu.vector_store %arg11[%swap3A_85, %swap3A_86], %mul3A_84 {strides = array<i32>} : memref<128x128xf32, #tpu.memory_space<vmem>>, vector<16xf32>,
      }
      %scan3A_29 = arith.constant 128 : i32
      "tpu.region"() ({
        %run_scoped3A = tpu.sem_alloc : memref<!tpu.dma_semaphore, #tpu.memory_space<semaphore_mem>>
        %dma_start3A_30 = arith.constant 0 : i32
        %dma_start3A_31 = tpu.memref_slice %arg9[%scan3A_13, %dma_start3A_30] : memref<79x128xi32, #tpu.memory_space<vmem>> -> memref<1x128xi32, #tpu.memory_space<vmem>>
        %dma_start3A_32 = tpu.memref_squeeze %dma_start3A_31 : memref<1x128xi32, #tpu.memory_space<vmem>> -> memref<128xi32, #tpu.memory_space<vmem>>
        %dma_start3A_33 = arith.constant 0 : i32
        %dma_start3A_34 = arith.constant 0 : i32
        %dma_start3A_35 = tpu.memref_slice %arg12[%dma_start3A_33, %dma_start3A_34] : memref<10240x128xf32, #tpu.memory_space<vmem_shared>> -> memref<10240x128xf32, #tpu.memory_space<vmem_shared>>
        tpu.enqueue_indirect_dma source(%arg11 : memref<128x128xf32, #tpu.memory_space<vmem>>) target(%dma_start3A_35 : memref<10240x128xf32, #tpu.memory_space<vmem_shared>>) offsets(%dma_start3A_32 : memref<128xi32, #tpu.memory_space<vmem>>) semaphore(%run_scoped3A : memref<!tpu.dma_semaphore, #tpu.memory_space<semaphore_mem>>) {add = true}
        %dma_wait3A_36 = arith.constant 0 : i32
        %dma_wait3A_37 = tpu.memref_slice %arg9[%scan3A_13, %dma_wait3A_36] : memref<79x128xi32, #tpu.memory_space<vmem>> -> memref<1x128xi32, #tpu.memory_space<vmem>>
        %dma_wait3A_38 = tpu.memref_squeeze %dma_wait3A_37 : memref<1x128xi32, #tpu.memory_space<vmem>> -> memref<128xi32, #tpu.memory_space<vmem>>
        %dma_wait3A_39 = arith.constant 0 : i32
        %dma_wait3A_40 = arith.constant 0 : i32
        %dma_wait3A_41 = tpu.memref_slice %arg12[%dma_wait3A_39, %dma_wait3A_40] : memref<10240x128xf32, #tpu.memory_space<vmem_shared>> -> memref<10240x128xf32, #tpu.memory_space<vmem_shared>>
        tpu.wait_indirect_dma semaphore(%run_scoped3A : memref<!tpu.dma_semaphore, #tpu.memory_space<semaphore_mem>>) src(%arg11 : memref<128x128xf32, #tpu.memory_space<vmem>>) dst(%dma_wait3A_41 : memref<10240x128xf32, #tpu.memory_space<vmem_shared>>)
        tpu.yield
      }) : () -> ()
    }
    %scan3A_7 = arith.constant 79 : i32
    %barrier3A_8 = arith.constant 0 : index
    tpu.barrier barrier_id(%barrier3A_8)
    %mul3A_9 = arith.constant 640 : i32
    %mul3A_10 = arith.muli %arg1, %mul3A_9 : i32
    %mul3A_11 = arith.constant 640 : i32
    %mul3A_12 = arith.muli %arg1, %mul3A_11 : i32
    "tpu.region"() ({
      %run_scoped3A = tpu.sem_alloc : memref<!tpu.dma_semaphore, #tpu.memory_space<semaphore_mem>>
      %dma_start3A = arith.constant 0 : i32
      %dma_start3A_13 = arith.constant 0 : i32
      %dma_start3A_14 = tpu.memref_slice %arg7[%arg0, %dma_start3A, %dma_start3A_13] : memref<2x10240x128xf32, #tpu.memory_space<hbm>> -> memref<1x10240x128xf32, #tpu.memory_space<hbm>>
      %dma_start3A_15 = tpu.memref_squeeze %dma_start3A_14 : memref<1x10240x128xf32, #tpu.memory_space<hbm>> -> memref<10240x128xf32, #tpu.memory_space<hbm>>
      %dma_start3A_16 = arith.constant 0 : i32
      %dma_start3A_17 = tpu.memref_slice %dma_start3A_15[%mul3A_12, %dma_start3A_16] : memref<10240x128xf32, #tpu.memory_space<hbm>> -> memref<640x128xf32, #tpu.memory_space<hbm>>
      %dma_start3A_18 = arith.constant 0 : i32
      %dma_start3A_19 = tpu.memref_slice %arg12[%mul3A_10, %dma_start3A_18] : memref<10240x128xf32, #tpu.memory_space<vmem_shared>> -> memref<640x128xf32, #tpu.memory_space<vmem_shared>>
      tpu.enqueue_dma source(%dma_start3A_19 : memref<640x128xf32, #tpu.memory_space<vmem_shared>>) target(%dma_start3A_17 : memref<640x128xf32, #tpu.memory_space<hbm>>) target_semaphore(%run_scoped3A : memref<!tpu.dma_semaphore, #tpu.memory_space<semaphore_mem>>)
      %dma_wait3A = arith.constant 0 : i32
      %dma_wait3A_20 = arith.constant 0 : i32
      %dma_wait3A_21 = tpu.memref_slice %arg7[%arg0, %dma_wait3A, %dma_wait3A_20] : memref<2x10240x128xf32, #tpu.memory_space<hbm>> -> memref<1x10240x128xf32, #tpu.memory_space<hbm>>
      %dma_wait3A_22 = tpu.memref_squeeze %dma_wait3A_21 : memref<1x10240x128xf32, #tpu.memory_space<hbm>> -> memref<10240x128xf32, #tpu.memory_space<hbm>>
      %dma_wait3A_23 = arith.constant 0 : i32
      %dma_wait3A_24 = tpu.memref_slice %dma_wait3A_22[%mul3A_12, %dma_wait3A_23] : memref<10240x128xf32, #tpu.memory_space<hbm>> -> memref<640x128xf32, #tpu.memory_space<hbm>>
      %dma_wait3A_25 = arith.constant 0 : i32
      %dma_wait3A_26 = tpu.memref_slice %arg12[%mul3A_10, %dma_wait3A_25] : memref<10240x128xf32, #tpu.memory_space<vmem_shared>> -> memref<640x128xf32, #tpu.memory_space<vmem_shared>>
      tpu.wait_dma2 semaphore(%run_scoped3A : memref<!tpu.dma_semaphore, #tpu.memory_space<semaphore_mem>>) src(%dma_wait3A_26 : memref<640x128xf32, #tpu.memory_space<vmem_shared>>) dst(%dma_wait3A_24 : memref<640x128xf32, #tpu.memory_space<hbm>>)
      tpu.yield
    }) : () -> ()
    return
  }
}

#map = affine_map<(d0, d1) -> (0, 0)>
#map1 = affine_map<(d0, d1) -> (0, 0, 0)>
module attributes {stable_mosaic.version = 14 : i64} {
  func.func @_mp_body(%arg0: i32, %arg1: i32, %arg2: memref<10000x128xf32, #tpu.memory_space<hbm>>, %arg3: memref<32x79x128xi32, #tpu.memory_space<hbm>>, %arg4: memref<32x79x128xi32, #tpu.memory_space<hbm>>, %arg5: memref<32x10112xf32, #tpu.memory_space<hbm>>, %arg6: memref<640x128xf32, #tpu.memory_space<hbm>>, %arg7: memref<2x10240x128xf32, #tpu.memory_space<hbm>>, %arg8: memref<79x128xi32, #tpu.memory_space<vmem>>, %arg9: memref<79x128xi32, #tpu.memory_space<vmem>>, %arg10: memref<10112xf32, #tpu.memory_space<vmem>>, %arg11: memref<128x128xf32, #tpu.memory_space<vmem>>, %arg12: memref<10240x128xf32, #tpu.memory_space<vmem_shared>>, %arg13: memref<!tpu.dma_semaphore, #tpu.memory_space<semaphore_mem>>) attributes {dimension_semantics = [#tpu.dimension_semantics<core_parallel>, #tpu.dimension_semantics<subcore_parallel>], iteration_bounds = array<i64: 2, 16>, scalar_prefetch = 0 : i64, scratch_operands = 6 : i64, tpu.core_type = #tpu.core_type<sc_vector_subcore>, window_params = [{transform_indices = #map}, {transform_indices = #map1}, {transform_indices = #map1}, {transform_indices = #map}, {transform_indices = #map}, {transform_indices = #map1}]} {
    %mul3A = arith.constant 2 : i32
    %mul3A_0 = arith.muli %arg1, %mul3A : i32
    %add3A = arith.addi %mul3A_0, %arg0 : i32
    %mul3A_1 = arith.constant 640 : i32
    %mul3A_2 = arith.muli %arg1, %mul3A_1 : i32
    "tpu.region"() ({
      %run_scoped3A = tpu.sem_alloc : memref<!tpu.dma_semaphore, #tpu.memory_space<semaphore_mem>>
      %dma_start3A = arith.constant 0 : i32
      %dma_start3A_13 = tpu.memref_slice %arg12[%mul3A_2, %dma_start3A] : memref<10240x128xf32, #tpu.memory_space<vmem_shared>> -> memref<640x128xf32, #tpu.memory_space<vmem_shared>>
      tpu.enqueue_dma source(%arg6 : memref<640x128xf32, #tpu.memory_space<hbm>>) target(%dma_start3A_13 : memref<640x128xf32, #tpu.memory_space<vmem_shared>>) target_semaphore(%run_scoped3A : memref<!tpu.dma_semaphore, #tpu.memory_space<semaphore_mem>>)
      %dma_wait3A = arith.constant 0 : i32
      %dma_wait3A_14 = tpu.memref_slice %arg12[%mul3A_2, %dma_wait3A] : memref<10240x128xf32, #tpu.memory_space<vmem_shared>> -> memref<640x128xf32, #tpu.memory_space<vmem_shared>>
      tpu.wait_dma2 semaphore(%run_scoped3A : memref<!tpu.dma_semaphore, #tpu.memory_space<semaphore_mem>>) src(%arg6 : memref<640x128xf32, #tpu.memory_space<hbm>>) dst(%dma_wait3A_14 : memref<640x128xf32, #tpu.memory_space<vmem_shared>>)
      tpu.yield
    }) : () -> ()
    "tpu.region"() ({
      %run_scoped3A = tpu.sem_alloc : memref<!tpu.dma_semaphore, #tpu.memory_space<semaphore_mem>>
      %dma_start3A = arith.constant 0 : i32
      %dma_start3A_13 = arith.constant 0 : i32
      %dma_start3A_14 = tpu.memref_slice %arg3[%add3A, %dma_start3A, %dma_start3A_13] : memref<32x79x128xi32, #tpu.memory_space<hbm>> -> memref<1x79x128xi32, #tpu.memory_space<hbm>>
      %dma_start3A_15 = tpu.memref_squeeze %dma_start3A_14 : memref<1x79x128xi32, #tpu.memory_space<hbm>> -> memref<79x128xi32, #tpu.memory_space<hbm>>
      %dma_start3A_16 = arith.constant 0 : i32
      %dma_start3A_17 = arith.constant 0 : i32
      %dma_start3A_18 = tpu.memref_slice %arg3[%add3A, %dma_start3A_16, %dma_start3A_17] : memref<32x79x128xi32, #tpu.memory_space<hbm>> -> memref<1x79x128xi32, #tpu.memory_space<hbm>>
      %dma_start3A_19 = tpu.memref_squeeze %dma_start3A_18 : memref<1x79x128xi32, #tpu.memory_space<hbm>> -> memref<79x128xi32, #tpu.memory_space<hbm>>
      tpu.enqueue_dma source(%dma_start3A_19 : memref<79x128xi32, #tpu.memory_space<hbm>>) target(%arg8 : memref<79x128xi32, #tpu.memory_space<vmem>>) target_semaphore(%run_scoped3A : memref<!tpu.dma_semaphore, #tpu.memory_space<semaphore_mem>>)
      %dma_wait3A = arith.constant 0 : i32
      %dma_wait3A_20 = arith.constant 0 : i32
      %dma_wait3A_21 = tpu.memref_slice %arg3[%add3A, %dma_wait3A, %dma_wait3A_20] : memref<32x79x128xi32, #tpu.memory_space<hbm>> -> memref<1x79x128xi32, #tpu.memory_space<hbm>>
      %dma_wait3A_22 = tpu.memref_squeeze %dma_wait3A_21 : memref<1x79x128xi32, #tpu.memory_space<hbm>> -> memref<79x128xi32, #tpu.memory_space<hbm>>
      %dma_wait3A_23 = arith.constant 0 : i32
      %dma_wait3A_24 = arith.constant 0 : i32
      %dma_wait3A_25 = tpu.memref_slice %arg3[%add3A, %dma_wait3A_23, %dma_wait3A_24] : memref<32x79x128xi32, #tpu.memory_space<hbm>> -> memref<1x79x128xi32, #tpu.memory_space<hbm>>
      %dma_wait3A_26 = tpu.memref_squeeze %dma_wait3A_25 : memref<1x79x128xi32, #tpu.memory_space<hbm>> -> memref<79x128xi32, #tpu.memory_space<hbm>>
      tpu.wait_dma2 semaphore(%run_scoped3A : memref<!tpu.dma_semaphore, #tpu.memory_space<semaphore_mem>>) src(%dma_wait3A_26 : memref<79x128xi32, #tpu.memory_space<hbm>>) dst(%arg8 : memref<79x128xi32, #tpu.memory_space<vmem>>)
      tpu.yield
    }) : () -> ()
    "tpu.region"() ({
      %run_scoped3A = tpu.sem_alloc : memref<!tpu.dma_semaphore, #tpu.memory_space<semaphore_mem>>
      %dma_start3A = arith.constant 0 : i32
      %dma_start3A_13 = arith.constant 0 : i32
      %dma_start3A_14 = tpu.memref_slice %arg4[%add3A, %dma_start3A, %dma_start3A_13] : memref<32x79x128xi32, #tpu.memory_space<hbm>> -> memref<1x79x128xi32, #tpu.memory_space<hbm>>
      %dma_start3A_15 = tpu.memref_squeeze %dma_start3A_14 : memref<1x79x128xi32, #tpu.memory_space<hbm>> -> memref<79x128xi32, #tpu.memory_space<hbm>>
      %dma_start3A_16 = arith.constant 0 : i32
      %dma_start3A_17 = arith.constant 0 : i32
      %dma_start3A_18 = tpu.memref_slice %arg4[%add3A, %dma_start3A_16, %dma_start3A_17] : memref<32x79x128xi32, #tpu.memory_space<hbm>> -> memref<1x79x128xi32, #tpu.memory_space<hbm>>
      %dma_start3A_19 = tpu.memref_squeeze %dma_start3A_18 : memref<1x79x128xi32, #tpu.memory_space<hbm>> -> memref<79x128xi32, #tpu.memory_space<hbm>>
      tpu.enqueue_dma source(%dma_start3A_19 : memref<79x128xi32, #tpu.memory_space<hbm>>) target(%arg9 : memref<79x128xi32, #tpu.memory_space<vmem>>) target_semaphore(%run_scoped3A : memref<!tpu.dma_semaphore, #tpu.memory_space<semaphore_mem>>)
      %dma_wait3A = arith.constant 0 : i32
      %dma_wait3A_20 = arith.constant 0 : i32
      %dma_wait3A_21 = tpu.memref_slice %arg4[%add3A, %dma_wait3A, %dma_wait3A_20] : memref<32x79x128xi32, #tpu.memory_space<hbm>> -> memref<1x79x128xi32, #tpu.memory_space<hbm>>
      %dma_wait3A_22 = tpu.memref_squeeze %dma_wait3A_21 : memref<1x79x128xi32, #tpu.memory_space<hbm>> -> memref<79x128xi32, #tpu.memory_space<hbm>>
      %dma_wait3A_23 = arith.constant 0 : i32
      %dma_wait3A_24 = arith.constant 0 : i32
      %dma_wait3A_25 = tpu.memref_slice %arg4[%add3A, %dma_wait3A_23, %dma_wait3A_24] : memref<32x79x128xi32, #tpu.memory_space<hbm>> -> memref<1x79x128xi32, #tpu.memory_space<hbm>>
      %dma_wait3A_26 = tpu.memref_squeeze %dma_wait3A_25 : memref<1x79x128xi32, #tpu.memory_space<hbm>> -> memref<79x128xi32, #tpu.memory_space<hbm>>
      tpu.wait_dma2 semaphore(%run_scoped3A : memref<!tpu.dma_semaphore, #tpu.memory_space<semaphore_mem>>) src(%dma_wait3A_26 : memref<79x128xi32, #tpu.memory_space<hbm>>) dst(%arg9 : memref<79x128xi32, #tpu.memory_space<vmem>>)
      tpu.yield
    }) : () -> ()
    "tpu.region"() ({
      %run_scoped3A = tpu.sem_alloc : memref<!tpu.dma_semaphore, #tpu.memory_space<semaphore_mem>>
      %dma_start3A = arith.constant 0 : i32
      %dma_start3A_13 = tpu.memref_slice %arg5[%add3A, %dma_start3A] : memref<32x10112xf32, #tpu.memory_space<hbm>> -> memref<1x10112xf32, #tpu.memory_space<hbm>>
      %dma_start3A_14 = tpu.memref_squeeze %dma_start3A_13 : memref<1x10112xf32, #tpu.memory_space<hbm>> -> memref<10112xf32, #tpu.memory_space<hbm>>
      %dma_start3A_15 = arith.constant 0 : i32
      %dma_start3A_16 = tpu.memref_slice %arg5[%add3A, %dma_start3A_15] : memref<32x10112xf32, #tpu.memory_space<hbm>> -> memref<1x10112xf32, #tpu.memory_space<hbm>>
      %dma_start3A_17 = tpu.memref_squeeze %dma_start3A_16 : memref<1x10112xf32, #tpu.memory_space<hbm>> -> memref<10112xf32, #tpu.memory_space<hbm>>
      tpu.enqueue_dma source(%dma_start3A_17 : memref<10112xf32, #tpu.memory_space<hbm>>) target(%arg10 : memref<10112xf32, #tpu.memory_space<vmem>>) target_semaphore(%run_scoped3A : memref<!tpu.dma_semaphore, #tpu.memory_space<semaphore_mem>>)
      %dma_wait3A = arith.constant 0 : i32
      %dma_wait3A_18 = tpu.memref_slice %arg5[%add3A, %dma_wait3A] : memref<32x10112xf32, #tpu.memory_space<hbm>> -> memref<1x10112xf32, #tpu.memory_space<hbm>>
      %dma_wait3A_19 = tpu.memref_squeeze %dma_wait3A_18 : memref<1x10112xf32, #tpu.memory_space<hbm>> -> memref<10112xf32, #tpu.memory_space<hbm>>
      %dma_wait3A_20 = arith.constant 0 : i32
      %dma_wait3A_21 = tpu.memref_slice %arg5[%add3A, %dma_wait3A_20] : memref<32x10112xf32, #tpu.memory_space<hbm>> -> memref<1x10112xf32, #tpu.memory_space<hbm>>
      %dma_wait3A_22 = tpu.memref_squeeze %dma_wait3A_21 : memref<1x10112xf32, #tpu.memory_space<hbm>> -> memref<10112xf32, #tpu.memory_space<hbm>>
      tpu.wait_dma2 semaphore(%run_scoped3A : memref<!tpu.dma_semaphore, #tpu.memory_space<semaphore_mem>>) src(%dma_wait3A_22 : memref<10112xf32, #tpu.memory_space<hbm>>) dst(%arg10 : memref<10112xf32, #tpu.memory_space<vmem>>)
      tpu.yield
    }) : () -> ()
    %barrier3A = arith.constant 0 : index
    tpu.barrier barrier_id(%barrier3A)
    %scan3A = arith.constant 0 : i32
    %scan3A_3 = arith.constant 0 : i32
    %scan3A_4 = arith.constant 79 : i32
    %scan3A_5 = arith.addi %scan3A_3, %scan3A_4 : i32
    %scan3A_6 = arith.constant 1 : i32
    scf.for %scan3A_13 = %scan3A_3 to %scan3A_5 step %scan3A_6  : i32 {
      %dma_start3A = arith.constant 0 : i32
      %dma_start3A_14 = tpu.memref_slice %arg8[%scan3A_13, %dma_start3A] : memref<79x128xi32, #tpu.memory_space<vmem>> -> memref<1x128xi32, #tpu.memory_space<vmem>>
      %dma_start3A_15 = tpu.memref_squeeze %dma_start3A_14 : memref<1x128xi32, #tpu.memory_space<vmem>> -> memref<128xi32, #tpu.memory_space<vmem>>
      %dma_start3A_16 = arith.constant 0 : i32
      %dma_start3A_17 = arith.constant 0 : i32
      %dma_start3A_18 = tpu.memref_slice %arg2[%dma_start3A_16, %dma_start3A_17] : memref<10000x128xf32, #tpu.memory_space<hbm>> -> memref<10000x128xf32, #tpu.memory_space<hbm>>
      tpu.enqueue_indirect_dma source(%dma_start3A_18 : memref<10000x128xf32, #tpu.memory_space<hbm>>) target(%arg11 : memref<128x128xf32, #tpu.memory_space<vmem>>) offsets(%dma_start3A_15 : memref<128xi32, #tpu.memory_space<vmem>>) semaphore(%arg13 : memref<!tpu.dma_semaphore, #tpu.memory_space<semaphore_mem>>)
      %dma_wait3A = arith.constant 0 : i32
      %dma_wait3A_19 = tpu.memref_slice %arg8[%scan3A_13, %dma_wait3A] : memref<79x128xi32, #tpu.memory_space<vmem>> -> memref<1x128xi32, #tpu.memory_space<vmem>>
      %dma_wait3A_20 = tpu.memref_squeeze %dma_wait3A_19 : memref<1x128xi32, #tpu.memory_space<vmem>> -> memref<128xi32, #tpu.memory_space<vmem>>
      %dma_wait3A_21 = arith.constant 0 : i32
      %dma_wait3A_22 = arith.constant 0 : i32
      %dma_wait3A_23 = tpu.memref_slice %arg2[%dma_wait3A_21, %dma_wait3A_22] : memref<10000x128xf32, #tpu.memory_space<hbm>> -> memref<10000x128xf32, #tpu.memory_space<hbm>>
      tpu.wait_indirect_dma semaphore(%arg13 : memref<!tpu.dma_semaphore, #tpu.memory_space<semaphore_mem>>) src(%dma_wait3A_23 : memref<10000x128xf32, #tpu.memory_space<hbm>>) dst(%arg11 : memref<128x128xf32, #tpu.memory_space<vmem>>)
      %scan3A_24 = arith.constant 0 : i32
      %scan3A_25 = arith.constant 0 : i32
      %scan3A_26 = arith.constant 128 : i32
      %scan3A_27 = arith.addi %scan3A_25, %scan3A_26 : i32
      %scan3A_28 = arith.constant 1 : i32
      scf.for %scan3A_30 = %scan3A_25 to %scan3A_27 step %scan3A_28  : i32 {
        %mul3A_31 = arith.constant 128 : i32
        %mul3A_32 = arith.muli %scan3A_13, %mul3A_31 : i32
        %add3A_33 = arith.addi %mul3A_32, %scan3A_30 : i32
        %broadcast_in_dim3A = vector.broadcast %add3A_33 : i32 to vector<16xi32>
        %gather3A = tpu.vector_load_idx %arg10[%broadcast_in_dim3A] : memref<10112xf32, #tpu.memory_space<vmem>>[vector<16xi32>], vector<16xf32>,
        %get3A = arith.index_cast %scan3A_30 : i32 to index
        %get3A_34 = arith.constant 0 : index
        %get3A_35 = tpu.vector_load %arg11[%get3A, %get3A_34] {strides = array<i32>} : memref<128x128xf32, #tpu.memory_space<vmem>>, vector<16xf32>,
        %mul3A_36 = arith.mulf %get3A_35, %gather3A : vector<16xf32>
        %swap3A = arith.index_cast %scan3A_30 : i32 to index
        %swap3A_37 = arith.constant 0 : index
        %swap3A_38 = tpu.vector_load %arg11[%swap3A, %swap3A_37] {strides = array<i32>} : memref<128x128xf32, #tpu.memory_space<vmem>>, vector<16xf32>,
        tpu.vector_store %arg11[%swap3A, %swap3A_37], %mul3A_36 {strides = array<i32>} : memref<128x128xf32, #tpu.memory_space<vmem>>, vector<16xf32>,
        %get3A_39 = arith.index_cast %scan3A_30 : i32 to index
        %get3A_40 = arith.constant 16 : index
        %get3A_41 = tpu.vector_load %arg11[%get3A_39, %get3A_40] {strides = array<i32>} : memref<128x128xf32, #tpu.memory_space<vmem>>, vector<16xf32>,
        %mul3A_42 = arith.mulf %get3A_41, %gather3A : vector<16xf32>
        %swap3A_43 = arith.index_cast %scan3A_30 : i32 to index
        %swap3A_44 = arith.constant 16 : index
        %swap3A_45 = tpu.vector_load %arg11[%swap3A_43, %swap3A_44] {strides = array<i32>} : memref<128x128xf32, #tpu.memory_space<vmem>>, vector<16xf32>,
        tpu.vector_store %arg11[%swap3A_43, %swap3A_44], %mul3A_42 {strides = array<i32>} : memref<128x128xf32, #tpu.memory_space<vmem>>, vector<16xf32>,
        %get3A_46 = arith.index_cast %scan3A_30 : i32 to index
        %get3A_47 = arith.constant 32 : index
        %get3A_48 = tpu.vector_load %arg11[%get3A_46, %get3A_47] {strides = array<i32>} : memref<128x128xf32, #tpu.memory_space<vmem>>, vector<16xf32>,
        %mul3A_49 = arith.mulf %get3A_48, %gather3A : vector<16xf32>
        %swap3A_50 = arith.index_cast %scan3A_30 : i32 to index
        %swap3A_51 = arith.constant 32 : index
        %swap3A_52 = tpu.vector_load %arg11[%swap3A_50, %swap3A_51] {strides = array<i32>} : memref<128x128xf32, #tpu.memory_space<vmem>>, vector<16xf32>,
        tpu.vector_store %arg11[%swap3A_50, %swap3A_51], %mul3A_49 {strides = array<i32>} : memref<128x128xf32, #tpu.memory_space<vmem>>, vector<16xf32>,
        %get3A_53 = arith.index_cast %scan3A_30 : i32 to index
        %get3A_54 = arith.constant 48 : index
        %get3A_55 = tpu.vector_load %arg11[%get3A_53, %get3A_54] {strides = array<i32>} : memref<128x128xf32, #tpu.memory_space<vmem>>, vector<16xf32>,
        %mul3A_56 = arith.mulf %get3A_55, %gather3A : vector<16xf32>
        %swap3A_57 = arith.index_cast %scan3A_30 : i32 to index
        %swap3A_58 = arith.constant 48 : index
        %swap3A_59 = tpu.vector_load %arg11[%swap3A_57, %swap3A_58] {strides = array<i32>} : memref<128x128xf32, #tpu.memory_space<vmem>>, vector<16xf32>,
        tpu.vector_store %arg11[%swap3A_57, %swap3A_58], %mul3A_56 {strides = array<i32>} : memref<128x128xf32, #tpu.memory_space<vmem>>, vector<16xf32>,
        %get3A_60 = arith.index_cast %scan3A_30 : i32 to index
        %get3A_61 = arith.constant 64 : index
        %get3A_62 = tpu.vector_load %arg11[%get3A_60, %get3A_61] {strides = array<i32>} : memref<128x128xf32, #tpu.memory_space<vmem>>, vector<16xf32>,
        %mul3A_63 = arith.mulf %get3A_62, %gather3A : vector<16xf32>
        %swap3A_64 = arith.index_cast %scan3A_30 : i32 to index
        %swap3A_65 = arith.constant 64 : index
        %swap3A_66 = tpu.vector_load %arg11[%swap3A_64, %swap3A_65] {strides = array<i32>} : memref<128x128xf32, #tpu.memory_space<vmem>>, vector<16xf32>,
        tpu.vector_store %arg11[%swap3A_64, %swap3A_65], %mul3A_63 {strides = array<i32>} : memref<128x128xf32, #tpu.memory_space<vmem>>, vector<16xf32>,
        %get3A_67 = arith.index_cast %scan3A_30 : i32 to index
        %get3A_68 = arith.constant 80 : index
        %get3A_69 = tpu.vector_load %arg11[%get3A_67, %get3A_68] {strides = array<i32>} : memref<128x128xf32, #tpu.memory_space<vmem>>, vector<16xf32>,
        %mul3A_70 = arith.mulf %get3A_69, %gather3A : vector<16xf32>
        %swap3A_71 = arith.index_cast %scan3A_30 : i32 to index
        %swap3A_72 = arith.constant 80 : index
        %swap3A_73 = tpu.vector_load %arg11[%swap3A_71, %swap3A_72] {strides = array<i32>} : memref<128x128xf32, #tpu.memory_space<vmem>>, vector<16xf32>,
        tpu.vector_store %arg11[%swap3A_71, %swap3A_72], %mul3A_70 {strides = array<i32>} : memref<128x128xf32, #tpu.memory_space<vmem>>, vector<16xf32>,
        %get3A_74 = arith.index_cast %scan3A_30 : i32 to index
        %get3A_75 = arith.constant 96 : index
        %get3A_76 = tpu.vector_load %arg11[%get3A_74, %get3A_75] {strides = array<i32>} : memref<128x128xf32, #tpu.memory_space<vmem>>, vector<16xf32>,
        %mul3A_77 = arith.mulf %get3A_76, %gather3A : vector<16xf32>
        %swap3A_78 = arith.index_cast %scan3A_30 : i32 to index
        %swap3A_79 = arith.constant 96 : index
        %swap3A_80 = tpu.vector_load %arg11[%swap3A_78, %swap3A_79] {strides = array<i32>} : memref<128x128xf32, #tpu.memory_space<vmem>>, vector<16xf32>,
        tpu.vector_store %arg11[%swap3A_78, %swap3A_79], %mul3A_77 {strides = array<i32>} : memref<128x128xf32, #tpu.memory_space<vmem>>, vector<16xf32>,
        %get3A_81 = arith.index_cast %scan3A_30 : i32 to index
        %get3A_82 = arith.constant 112 : index
        %get3A_83 = tpu.vector_load %arg11[%get3A_81, %get3A_82] {strides = array<i32>} : memref<128x128xf32, #tpu.memory_space<vmem>>, vector<16xf32>,
        %mul3A_84 = arith.mulf %get3A_83, %gather3A : vector<16xf32>
        %swap3A_85 = arith.index_cast %scan3A_30 : i32 to index
        %swap3A_86 = arith.constant 112 : index
        %swap3A_87 = tpu.vector_load %arg11[%swap3A_85, %swap3A_86] {strides = array<i32>} : memref<128x128xf32, #tpu.memory_space<vmem>>, vector<16xf32>,
        tpu.vector_store %arg11[%swap3A_85, %swap3A_86], %mul3A_84 {strides = array<i32>} : memref<128x128xf32, #tpu.memory_space<vmem>>, vector<16xf32>,
      }
      %scan3A_29 = arith.constant 128 : i32
      "tpu.region"() ({
        %run_scoped3A = tpu.sem_alloc : memref<!tpu.dma_semaphore, #tpu.memory_space<semaphore_mem>>
        %dma_start3A_30 = arith.constant 0 : i32
        %dma_start3A_31 = tpu.memref_slice %arg9[%scan3A_13, %dma_start3A_30] : memref<79x128xi32, #tpu.memory_space<vmem>> -> memref<1x128xi32, #tpu.memory_space<vmem>>
        %dma_start3A_32 = tpu.memref_squeeze %dma_start3A_31 : memref<1x128xi32, #tpu.memory_space<vmem>> -> memref<128xi32, #tpu.memory_space<vmem>>
        %dma_start3A_33 = arith.constant 0 : i32
        %dma_start3A_34 = arith.constant 0 : i32
        %dma_start3A_35 = tpu.memref_slice %arg12[%dma_start3A_33, %dma_start3A_34] : memref<10240x128xf32, #tpu.memory_space<vmem_shared>> -> memref<10240x128xf32, #tpu.memory_space<vmem_shared>>
        tpu.enqueue_indirect_dma source(%arg11 : memref<128x128xf32, #tpu.memory_space<vmem>>) target(%dma_start3A_35 : memref<10240x128xf32, #tpu.memory_space<vmem_shared>>) offsets(%dma_start3A_32 : memref<128xi32, #tpu.memory_space<vmem>>) semaphore(%run_scoped3A : memref<!tpu.dma_semaphore, #tpu.memory_space<semaphore_mem>>) {add = true}
        %dma_wait3A_36 = arith.constant 0 : i32
        %dma_wait3A_37 = tpu.memref_slice %arg9[%scan3A_13, %dma_wait3A_36] : memref<79x128xi32, #tpu.memory_space<vmem>> -> memref<1x128xi32, #tpu.memory_space<vmem>>
        %dma_wait3A_38 = tpu.memref_squeeze %dma_wait3A_37 : memref<1x128xi32, #tpu.memory_space<vmem>> -> memref<128xi32, #tpu.memory_space<vmem>>
        %dma_wait3A_39 = arith.constant 0 : i32
        %dma_wait3A_40 = arith.constant 0 : i32
        %dma_wait3A_41 = tpu.memref_slice %arg12[%dma_wait3A_39, %dma_wait3A_40] : memref<10240x128xf32, #tpu.memory_space<vmem_shared>> -> memref<10240x128xf32, #tpu.memory_space<vmem_shared>>
        tpu.wait_indirect_dma semaphore(%run_scoped3A : memref<!tpu.dma_semaphore, #tpu.memory_space<semaphore_mem>>) src(%arg11 : memref<128x128xf32, #tpu.memory_space<vmem>>) dst(%dma_wait3A_41 : memref<10240x128xf32, #tpu.memory_space<vmem_shared>>)
        tpu.yield
      }) : () -> ()
    }
    %scan3A_7 = arith.constant 79 : i32
    %barrier3A_8 = arith.constant 0 : index
    tpu.barrier barrier_id(%barrier3A_8)
    %mul3A_9 = arith.constant 640 : i32
    %mul3A_10 = arith.muli %arg1, %mul3A_9 : i32
    %mul3A_11 = arith.constant 640 : i32
    %mul3A_12 = arith.muli %arg1, %mul3A_11 : i32
    "tpu.region"() ({
      %run_scoped3A = tpu.sem_alloc : memref<!tpu.dma_semaphore, #tpu.memory_space<semaphore_mem>>
      %dma_start3A = arith.constant 0 : i32
      %dma_start3A_13 = arith.constant 0 : i32
      %dma_start3A_14 = tpu.memref_slice %arg7[%arg0, %dma_start3A, %dma_start3A_13] : memref<2x10240x128xf32, #tpu.memory_space<hbm>> -> memref<1x10240x128xf32, #tpu.memory_space<hbm>>
      %dma_start3A_15 = tpu.memref_squeeze %dma_start3A_14 : memref<1x10240x128xf32, #tpu.memory_space<hbm>> -> memref<10240x128xf32, #tpu.memory_space<hbm>>
      %dma_start3A_16 = arith.constant 0 : i32
      %dma_start3A_17 = tpu.memref_slice %dma_start3A_15[%mul3A_12, %dma_start3A_16] : memref<10240x128xf32, #tpu.memory_space<hbm>> -> memref<640x128xf32, #tpu.memory_space<hbm>>
      %dma_start3A_18 = arith.constant 0 : i32
      %dma_start3A_19 = tpu.memref_slice %arg12[%mul3A_10, %dma_start3A_18] : memref<10240x128xf32, #tpu.memory_space<vmem_shared>> -> memref<640x128xf32, #tpu.memory_space<vmem_shared>>
      tpu.enqueue_dma source(%dma_start3A_19 : memref<640x128xf32, #tpu.memory_space<vmem_shared>>) target(%dma_start3A_17 : memref<640x128xf32, #tpu.memory_space<hbm>>) target_semaphore(%run_scoped3A : memref<!tpu.dma_semaphore, #tpu.memory_space<semaphore_mem>>)
      %dma_wait3A = arith.constant 0 : i32
      %dma_wait3A_20 = arith.constant 0 : i32
      %dma_wait3A_21 = tpu.memref_slice %arg7[%arg0, %dma_wait3A, %dma_wait3A_20] : memref<2x10240x128xf32, #tpu.memory_space<hbm>> -> memref<1x10240x128xf32, #tpu.memory_space<hbm>>
      %dma_wait3A_22 = tpu.memref_squeeze %dma_wait3A_21 : memref<1x10240x128xf32, #tpu.memory_space<hbm>> -> memref<10240x128xf32, #tpu.memory_space<hbm>>
      %dma_wait3A_23 = arith.constant 0 : i32
      %dma_wait3A_24 = tpu.memref_slice %dma_wait3A_22[%mul3A_12, %dma_wait3A_23] : memref<10240x128xf32, #tpu.memory_space<hbm>> -> memref<640x128xf32, #tpu.memory_space<hbm>>
      %dma_wait3A_25 = arith.constant 0 : i32
      %dma_wait3A_26 = tpu.memref_slice %arg12[%mul3A_10, %dma_wait3A_25] : memref<10240x128xf32, #tpu.memory_space<vmem_shared>> -> memref<640x128xf32, #tpu.memory_space<vmem_shared>>
      tpu.wait_dma2 semaphore(%run_scoped3A : memref<!tpu.dma_semaphore, #tpu.memory_space<semaphore_mem>>) src(%dma_wait3A_26 : memref<640x128xf32, #tpu.memory_space<vmem_shared>>) dst(%dma_wait3A_24 : memref<640x128xf32, #tpu.memory_space<hbm>>)
      tpu.yield
    }) : () -> ()
    return
  }
}

#map = affine_map<(d0, d1) -> (0, 0)>
#map1 = affine_map<(d0, d1) -> (0, 0, 0)>
module attributes {stable_mosaic.version = 14 : i64} {
  func.func @_mp_body(%arg0: i32, %arg1: i32, %arg2: memref<10000x128xf32, #tpu.memory_space<hbm>>, %arg3: memref<32x79x128xi32, #tpu.memory_space<hbm>>, %arg4: memref<32x79x128xi32, #tpu.memory_space<hbm>>, %arg5: memref<32x10112xf32, #tpu.memory_space<hbm>>, %arg6: memref<640x128xf32, #tpu.memory_space<hbm>>, %arg7: memref<2x10240x128xf32, #tpu.memory_space<hbm>>, %arg8: memref<79x128xi32, #tpu.memory_space<vmem>>, %arg9: memref<79x128xi32, #tpu.memory_space<vmem>>, %arg10: memref<10112xf32, #tpu.memory_space<vmem>>, %arg11: memref<128x128xf32, #tpu.memory_space<vmem>>, %arg12: memref<10240x128xf32, #tpu.memory_space<vmem_shared>>, %arg13: memref<!tpu.dma_semaphore, #tpu.memory_space<semaphore_mem>>) attributes {dimension_semantics = [#tpu.dimension_semantics<core_parallel>, #tpu.dimension_semantics<subcore_parallel>], iteration_bounds = array<i64: 2, 16>, scalar_prefetch = 0 : i64, scratch_operands = 6 : i64, tpu.core_type = #tpu.core_type<sc_vector_subcore>, window_params = [{transform_indices = #map}, {transform_indices = #map1}, {transform_indices = #map1}, {transform_indices = #map}, {transform_indices = #map}, {transform_indices = #map1}]} {
    %mul3A = arith.constant 2 : i32
    %mul3A_0 = arith.muli %arg1, %mul3A : i32
    %add3A = arith.addi %mul3A_0, %arg0 : i32
    %mul3A_1 = arith.constant 640 : i32
    %mul3A_2 = arith.muli %arg1, %mul3A_1 : i32
    "tpu.region"() ({
      %run_scoped3A = tpu.sem_alloc : memref<!tpu.dma_semaphore, #tpu.memory_space<semaphore_mem>>
      %dma_start3A = arith.constant 0 : i32
      %dma_start3A_13 = tpu.memref_slice %arg12[%mul3A_2, %dma_start3A] : memref<10240x128xf32, #tpu.memory_space<vmem_shared>> -> memref<640x128xf32, #tpu.memory_space<vmem_shared>>
      tpu.enqueue_dma source(%arg6 : memref<640x128xf32, #tpu.memory_space<hbm>>) target(%dma_start3A_13 : memref<640x128xf32, #tpu.memory_space<vmem_shared>>) target_semaphore(%run_scoped3A : memref<!tpu.dma_semaphore, #tpu.memory_space<semaphore_mem>>)
      %dma_wait3A = arith.constant 0 : i32
      %dma_wait3A_14 = tpu.memref_slice %arg12[%mul3A_2, %dma_wait3A] : memref<10240x128xf32, #tpu.memory_space<vmem_shared>> -> memref<640x128xf32, #tpu.memory_space<vmem_shared>>
      tpu.wait_dma2 semaphore(%run_scoped3A : memref<!tpu.dma_semaphore, #tpu.memory_space<semaphore_mem>>) src(%arg6 : memref<640x128xf32, #tpu.memory_space<hbm>>) dst(%dma_wait3A_14 : memref<640x128xf32, #tpu.memory_space<vmem_shared>>)
      tpu.yield
    }) : () -> ()
    "tpu.region"() ({
      %run_scoped3A = tpu.sem_alloc : memref<!tpu.dma_semaphore, #tpu.memory_space<semaphore_mem>>
      %dma_start3A = arith.constant 0 : i32
      %dma_start3A_13 = arith.constant 0 : i32
      %dma_start3A_14 = tpu.memref_slice %arg3[%add3A, %dma_start3A, %dma_start3A_13] : memref<32x79x128xi32, #tpu.memory_space<hbm>> -> memref<1x79x128xi32, #tpu.memory_space<hbm>>
      %dma_start3A_15 = tpu.memref_squeeze %dma_start3A_14 : memref<1x79x128xi32, #tpu.memory_space<hbm>> -> memref<79x128xi32, #tpu.memory_space<hbm>>
      %dma_start3A_16 = arith.constant 0 : i32
      %dma_start3A_17 = arith.constant 0 : i32
      %dma_start3A_18 = tpu.memref_slice %arg3[%add3A, %dma_start3A_16, %dma_start3A_17] : memref<32x79x128xi32, #tpu.memory_space<hbm>> -> memref<1x79x128xi32, #tpu.memory_space<hbm>>
      %dma_start3A_19 = tpu.memref_squeeze %dma_start3A_18 : memref<1x79x128xi32, #tpu.memory_space<hbm>> -> memref<79x128xi32, #tpu.memory_space<hbm>>
      tpu.enqueue_dma source(%dma_start3A_19 : memref<79x128xi32, #tpu.memory_space<hbm>>) target(%arg8 : memref<79x128xi32, #tpu.memory_space<vmem>>) target_semaphore(%run_scoped3A : memref<!tpu.dma_semaphore, #tpu.memory_space<semaphore_mem>>)
      %dma_wait3A = arith.constant 0 : i32
      %dma_wait3A_20 = arith.constant 0 : i32
      %dma_wait3A_21 = tpu.memref_slice %arg3[%add3A, %dma_wait3A, %dma_wait3A_20] : memref<32x79x128xi32, #tpu.memory_space<hbm>> -> memref<1x79x128xi32, #tpu.memory_space<hbm>>
      %dma_wait3A_22 = tpu.memref_squeeze %dma_wait3A_21 : memref<1x79x128xi32, #tpu.memory_space<hbm>> -> memref<79x128xi32, #tpu.memory_space<hbm>>
      %dma_wait3A_23 = arith.constant 0 : i32
      %dma_wait3A_24 = arith.constant 0 : i32
      %dma_wait3A_25 = tpu.memref_slice %arg3[%add3A, %dma_wait3A_23, %dma_wait3A_24] : memref<32x79x128xi32, #tpu.memory_space<hbm>> -> memref<1x79x128xi32, #tpu.memory_space<hbm>>
      %dma_wait3A_26 = tpu.memref_squeeze %dma_wait3A_25 : memref<1x79x128xi32, #tpu.memory_space<hbm>> -> memref<79x128xi32, #tpu.memory_space<hbm>>
      tpu.wait_dma2 semaphore(%run_scoped3A : memref<!tpu.dma_semaphore, #tpu.memory_space<semaphore_mem>>) src(%dma_wait3A_26 : memref<79x128xi32, #tpu.memory_space<hbm>>) dst(%arg8 : memref<79x128xi32, #tpu.memory_space<vmem>>)
      tpu.yield
    }) : () -> ()
    "tpu.region"() ({
      %run_scoped3A = tpu.sem_alloc : memref<!tpu.dma_semaphore, #tpu.memory_space<semaphore_mem>>
      %dma_start3A = arith.constant 0 : i32
      %dma_start3A_13 = arith.constant 0 : i32
      %dma_start3A_14 = tpu.memref_slice %arg4[%add3A, %dma_start3A, %dma_start3A_13] : memref<32x79x128xi32, #tpu.memory_space<hbm>> -> memref<1x79x128xi32, #tpu.memory_space<hbm>>
      %dma_start3A_15 = tpu.memref_squeeze %dma_start3A_14 : memref<1x79x128xi32, #tpu.memory_space<hbm>> -> memref<79x128xi32, #tpu.memory_space<hbm>>
      %dma_start3A_16 = arith.constant 0 : i32
      %dma_start3A_17 = arith.constant 0 : i32
      %dma_start3A_18 = tpu.memref_slice %arg4[%add3A, %dma_start3A_16, %dma_start3A_17] : memref<32x79x128xi32, #tpu.memory_space<hbm>> -> memref<1x79x128xi32, #tpu.memory_space<hbm>>
      %dma_start3A_19 = tpu.memref_squeeze %dma_start3A_18 : memref<1x79x128xi32, #tpu.memory_space<hbm>> -> memref<79x128xi32, #tpu.memory_space<hbm>>
      tpu.enqueue_dma source(%dma_start3A_19 : memref<79x128xi32, #tpu.memory_space<hbm>>) target(%arg9 : memref<79x128xi32, #tpu.memory_space<vmem>>) target_semaphore(%run_scoped3A : memref<!tpu.dma_semaphore, #tpu.memory_space<semaphore_mem>>)
      %dma_wait3A = arith.constant 0 : i32
      %dma_wait3A_20 = arith.constant 0 : i32
      %dma_wait3A_21 = tpu.memref_slice %arg4[%add3A, %dma_wait3A, %dma_wait3A_20] : memref<32x79x128xi32, #tpu.memory_space<hbm>> -> memref<1x79x128xi32, #tpu.memory_space<hbm>>
      %dma_wait3A_22 = tpu.memref_squeeze %dma_wait3A_21 : memref<1x79x128xi32, #tpu.memory_space<hbm>> -> memref<79x128xi32, #tpu.memory_space<hbm>>
      %dma_wait3A_23 = arith.constant 0 : i32
      %dma_wait3A_24 = arith.constant 0 : i32
      %dma_wait3A_25 = tpu.memref_slice %arg4[%add3A, %dma_wait3A_23, %dma_wait3A_24] : memref<32x79x128xi32, #tpu.memory_space<hbm>> -> memref<1x79x128xi32, #tpu.memory_space<hbm>>
      %dma_wait3A_26 = tpu.memref_squeeze %dma_wait3A_25 : memref<1x79x128xi32, #tpu.memory_space<hbm>> -> memref<79x128xi32, #tpu.memory_space<hbm>>
      tpu.wait_dma2 semaphore(%run_scoped3A : memref<!tpu.dma_semaphore, #tpu.memory_space<semaphore_mem>>) src(%dma_wait3A_26 : memref<79x128xi32, #tpu.memory_space<hbm>>) dst(%arg9 : memref<79x128xi32, #tpu.memory_space<vmem>>)
      tpu.yield
    }) : () -> ()
    "tpu.region"() ({
      %run_scoped3A = tpu.sem_alloc : memref<!tpu.dma_semaphore, #tpu.memory_space<semaphore_mem>>
      %dma_start3A = arith.constant 0 : i32
      %dma_start3A_13 = tpu.memref_slice %arg5[%add3A, %dma_start3A] : memref<32x10112xf32, #tpu.memory_space<hbm>> -> memref<1x10112xf32, #tpu.memory_space<hbm>>
      %dma_start3A_14 = tpu.memref_squeeze %dma_start3A_13 : memref<1x10112xf32, #tpu.memory_space<hbm>> -> memref<10112xf32, #tpu.memory_space<hbm>>
      %dma_start3A_15 = arith.constant 0 : i32
      %dma_start3A_16 = tpu.memref_slice %arg5[%add3A, %dma_start3A_15] : memref<32x10112xf32, #tpu.memory_space<hbm>> -> memref<1x10112xf32, #tpu.memory_space<hbm>>
      %dma_start3A_17 = tpu.memref_squeeze %dma_start3A_16 : memref<1x10112xf32, #tpu.memory_space<hbm>> -> memref<10112xf32, #tpu.memory_space<hbm>>
      tpu.enqueue_dma source(%dma_start3A_17 : memref<10112xf32, #tpu.memory_space<hbm>>) target(%arg10 : memref<10112xf32, #tpu.memory_space<vmem>>) target_semaphore(%run_scoped3A : memref<!tpu.dma_semaphore, #tpu.memory_space<semaphore_mem>>)
      %dma_wait3A = arith.constant 0 : i32
      %dma_wait3A_18 = tpu.memref_slice %arg5[%add3A, %dma_wait3A] : memref<32x10112xf32, #tpu.memory_space<hbm>> -> memref<1x10112xf32, #tpu.memory_space<hbm>>
      %dma_wait3A_19 = tpu.memref_squeeze %dma_wait3A_18 : memref<1x10112xf32, #tpu.memory_space<hbm>> -> memref<10112xf32, #tpu.memory_space<hbm>>
      %dma_wait3A_20 = arith.constant 0 : i32
      %dma_wait3A_21 = tpu.memref_slice %arg5[%add3A, %dma_wait3A_20] : memref<32x10112xf32, #tpu.memory_space<hbm>> -> memref<1x10112xf32, #tpu.memory_space<hbm>>
      %dma_wait3A_22 = tpu.memref_squeeze %dma_wait3A_21 : memref<1x10112xf32, #tpu.memory_space<hbm>> -> memref<10112xf32, #tpu.memory_space<hbm>>
      tpu.wait_dma2 semaphore(%run_scoped3A : memref<!tpu.dma_semaphore, #tpu.memory_space<semaphore_mem>>) src(%dma_wait3A_22 : memref<10112xf32, #tpu.memory_space<hbm>>) dst(%arg10 : memref<10112xf32, #tpu.memory_space<vmem>>)
      tpu.yield
    }) : () -> ()
    %barrier3A = arith.constant 0 : index
    tpu.barrier barrier_id(%barrier3A)
    %scan3A = arith.constant 0 : i32
    %scan3A_3 = arith.constant 0 : i32
    %scan3A_4 = arith.constant 79 : i32
    %scan3A_5 = arith.addi %scan3A_3, %scan3A_4 : i32
    %scan3A_6 = arith.constant 1 : i32
    scf.for %scan3A_13 = %scan3A_3 to %scan3A_5 step %scan3A_6  : i32 {
      %dma_start3A = arith.constant 0 : i32
      %dma_start3A_14 = tpu.memref_slice %arg8[%scan3A_13, %dma_start3A] : memref<79x128xi32, #tpu.memory_space<vmem>> -> memref<1x128xi32, #tpu.memory_space<vmem>>
      %dma_start3A_15 = tpu.memref_squeeze %dma_start3A_14 : memref<1x128xi32, #tpu.memory_space<vmem>> -> memref<128xi32, #tpu.memory_space<vmem>>
      %dma_start3A_16 = arith.constant 0 : i32
      %dma_start3A_17 = arith.constant 0 : i32
      %dma_start3A_18 = tpu.memref_slice %arg2[%dma_start3A_16, %dma_start3A_17] : memref<10000x128xf32, #tpu.memory_space<hbm>> -> memref<10000x128xf32, #tpu.memory_space<hbm>>
      tpu.enqueue_indirect_dma source(%dma_start3A_18 : memref<10000x128xf32, #tpu.memory_space<hbm>>) target(%arg11 : memref<128x128xf32, #tpu.memory_space<vmem>>) offsets(%dma_start3A_15 : memref<128xi32, #tpu.memory_space<vmem>>) semaphore(%arg13 : memref<!tpu.dma_semaphore, #tpu.memory_space<semaphore_mem>>)
      %dma_wait3A = arith.constant 0 : i32
      %dma_wait3A_19 = tpu.memref_slice %arg8[%scan3A_13, %dma_wait3A] : memref<79x128xi32, #tpu.memory_space<vmem>> -> memref<1x128xi32, #tpu.memory_space<vmem>>
      %dma_wait3A_20 = tpu.memref_squeeze %dma_wait3A_19 : memref<1x128xi32, #tpu.memory_space<vmem>> -> memref<128xi32, #tpu.memory_space<vmem>>
      %dma_wait3A_21 = arith.constant 0 : i32
      %dma_wait3A_22 = arith.constant 0 : i32
      %dma_wait3A_23 = tpu.memref_slice %arg2[%dma_wait3A_21, %dma_wait3A_22] : memref<10000x128xf32, #tpu.memory_space<hbm>> -> memref<10000x128xf32, #tpu.memory_space<hbm>>
      tpu.wait_indirect_dma semaphore(%arg13 : memref<!tpu.dma_semaphore, #tpu.memory_space<semaphore_mem>>) src(%dma_wait3A_23 : memref<10000x128xf32, #tpu.memory_space<hbm>>) dst(%arg11 : memref<128x128xf32, #tpu.memory_space<vmem>>)
      %scan3A_24 = arith.constant 0 : i32
      %scan3A_25 = arith.constant 0 : i32
      %scan3A_26 = arith.constant 128 : i32
      %scan3A_27 = arith.addi %scan3A_25, %scan3A_26 : i32
      %scan3A_28 = arith.constant 1 : i32
      scf.for %scan3A_30 = %scan3A_25 to %scan3A_27 step %scan3A_28  : i32 {
        %mul3A_31 = arith.constant 128 : i32
        %mul3A_32 = arith.muli %scan3A_13, %mul3A_31 : i32
        %add3A_33 = arith.addi %mul3A_32, %scan3A_30 : i32
        %broadcast_in_dim3A = vector.broadcast %add3A_33 : i32 to vector<16xi32>
        %gather3A = tpu.vector_load_idx %arg10[%broadcast_in_dim3A] : memref<10112xf32, #tpu.memory_space<vmem>>[vector<16xi32>], vector<16xf32>,
        %get3A = arith.index_cast %scan3A_30 : i32 to index
        %get3A_34 = arith.constant 0 : index
        %get3A_35 = tpu.vector_load %arg11[%get3A, %get3A_34] {strides = array<i32>} : memref<128x128xf32, #tpu.memory_space<vmem>>, vector<16xf32>,
        %mul3A_36 = arith.mulf %get3A_35, %gather3A : vector<16xf32>
        %swap3A = arith.index_cast %scan3A_30 : i32 to index
        %swap3A_37 = arith.constant 0 : index
        %swap3A_38 = tpu.vector_load %arg11[%swap3A, %swap3A_37] {strides = array<i32>} : memref<128x128xf32, #tpu.memory_space<vmem>>, vector<16xf32>,
        tpu.vector_store %arg11[%swap3A, %swap3A_37], %mul3A_36 {strides = array<i32>} : memref<128x128xf32, #tpu.memory_space<vmem>>, vector<16xf32>,
        %get3A_39 = arith.index_cast %scan3A_30 : i32 to index
        %get3A_40 = arith.constant 16 : index
        %get3A_41 = tpu.vector_load %arg11[%get3A_39, %get3A_40] {strides = array<i32>} : memref<128x128xf32, #tpu.memory_space<vmem>>, vector<16xf32>,
        %mul3A_42 = arith.mulf %get3A_41, %gather3A : vector<16xf32>
        %swap3A_43 = arith.index_cast %scan3A_30 : i32 to index
        %swap3A_44 = arith.constant 16 : index
        %swap3A_45 = tpu.vector_load %arg11[%swap3A_43, %swap3A_44] {strides = array<i32>} : memref<128x128xf32, #tpu.memory_space<vmem>>, vector<16xf32>,
        tpu.vector_store %arg11[%swap3A_43, %swap3A_44], %mul3A_42 {strides = array<i32>} : memref<128x128xf32, #tpu.memory_space<vmem>>, vector<16xf32>,
        %get3A_46 = arith.index_cast %scan3A_30 : i32 to index
        %get3A_47 = arith.constant 32 : index
        %get3A_48 = tpu.vector_load %arg11[%get3A_46, %get3A_47] {strides = array<i32>} : memref<128x128xf32, #tpu.memory_space<vmem>>, vector<16xf32>,
        %mul3A_49 = arith.mulf %get3A_48, %gather3A : vector<16xf32>
        %swap3A_50 = arith.index_cast %scan3A_30 : i32 to index
        %swap3A_51 = arith.constant 32 : index
        %swap3A_52 = tpu.vector_load %arg11[%swap3A_50, %swap3A_51] {strides = array<i32>} : memref<128x128xf32, #tpu.memory_space<vmem>>, vector<16xf32>,
        tpu.vector_store %arg11[%swap3A_50, %swap3A_51], %mul3A_49 {strides = array<i32>} : memref<128x128xf32, #tpu.memory_space<vmem>>, vector<16xf32>,
        %get3A_53 = arith.index_cast %scan3A_30 : i32 to index
        %get3A_54 = arith.constant 48 : index
        %get3A_55 = tpu.vector_load %arg11[%get3A_53, %get3A_54] {strides = array<i32>} : memref<128x128xf32, #tpu.memory_space<vmem>>, vector<16xf32>,
        %mul3A_56 = arith.mulf %get3A_55, %gather3A : vector<16xf32>
        %swap3A_57 = arith.index_cast %scan3A_30 : i32 to index
        %swap3A_58 = arith.constant 48 : index
        %swap3A_59 = tpu.vector_load %arg11[%swap3A_57, %swap3A_58] {strides = array<i32>} : memref<128x128xf32, #tpu.memory_space<vmem>>, vector<16xf32>,
        tpu.vector_store %arg11[%swap3A_57, %swap3A_58], %mul3A_56 {strides = array<i32>} : memref<128x128xf32, #tpu.memory_space<vmem>>, vector<16xf32>,
        %get3A_60 = arith.index_cast %scan3A_30 : i32 to index
        %get3A_61 = arith.constant 64 : index
        %get3A_62 = tpu.vector_load %arg11[%get3A_60, %get3A_61] {strides = array<i32>} : memref<128x128xf32, #tpu.memory_space<vmem>>, vector<16xf32>,
        %mul3A_63 = arith.mulf %get3A_62, %gather3A : vector<16xf32>
        %swap3A_64 = arith.index_cast %scan3A_30 : i32 to index
        %swap3A_65 = arith.constant 64 : index
        %swap3A_66 = tpu.vector_load %arg11[%swap3A_64, %swap3A_65] {strides = array<i32>} : memref<128x128xf32, #tpu.memory_space<vmem>>, vector<16xf32>,
        tpu.vector_store %arg11[%swap3A_64, %swap3A_65], %mul3A_63 {strides = array<i32>} : memref<128x128xf32, #tpu.memory_space<vmem>>, vector<16xf32>,
        %get3A_67 = arith.index_cast %scan3A_30 : i32 to index
        %get3A_68 = arith.constant 80 : index
        %get3A_69 = tpu.vector_load %arg11[%get3A_67, %get3A_68] {strides = array<i32>} : memref<128x128xf32, #tpu.memory_space<vmem>>, vector<16xf32>,
        %mul3A_70 = arith.mulf %get3A_69, %gather3A : vector<16xf32>
        %swap3A_71 = arith.index_cast %scan3A_30 : i32 to index
        %swap3A_72 = arith.constant 80 : index
        %swap3A_73 = tpu.vector_load %arg11[%swap3A_71, %swap3A_72] {strides = array<i32>} : memref<128x128xf32, #tpu.memory_space<vmem>>, vector<16xf32>,
        tpu.vector_store %arg11[%swap3A_71, %swap3A_72], %mul3A_70 {strides = array<i32>} : memref<128x128xf32, #tpu.memory_space<vmem>>, vector<16xf32>,
        %get3A_74 = arith.index_cast %scan3A_30 : i32 to index
        %get3A_75 = arith.constant 96 : index
        %get3A_76 = tpu.vector_load %arg11[%get3A_74, %get3A_75] {strides = array<i32>} : memref<128x128xf32, #tpu.memory_space<vmem>>, vector<16xf32>,
        %mul3A_77 = arith.mulf %get3A_76, %gather3A : vector<16xf32>
        %swap3A_78 = arith.index_cast %scan3A_30 : i32 to index
        %swap3A_79 = arith.constant 96 : index
        %swap3A_80 = tpu.vector_load %arg11[%swap3A_78, %swap3A_79] {strides = array<i32>} : memref<128x128xf32, #tpu.memory_space<vmem>>, vector<16xf32>,
        tpu.vector_store %arg11[%swap3A_78, %swap3A_79], %mul3A_77 {strides = array<i32>} : memref<128x128xf32, #tpu.memory_space<vmem>>, vector<16xf32>,
        %get3A_81 = arith.index_cast %scan3A_30 : i32 to index
        %get3A_82 = arith.constant 112 : index
        %get3A_83 = tpu.vector_load %arg11[%get3A_81, %get3A_82] {strides = array<i32>} : memref<128x128xf32, #tpu.memory_space<vmem>>, vector<16xf32>,
        %mul3A_84 = arith.mulf %get3A_83, %gather3A : vector<16xf32>
        %swap3A_85 = arith.index_cast %scan3A_30 : i32 to index
        %swap3A_86 = arith.constant 112 : index
        %swap3A_87 = tpu.vector_load %arg11[%swap3A_85, %swap3A_86] {strides = array<i32>} : memref<128x128xf32, #tpu.memory_space<vmem>>, vector<16xf32>,
        tpu.vector_store %arg11[%swap3A_85, %swap3A_86], %mul3A_84 {strides = array<i32>} : memref<128x128xf32, #tpu.memory_space<vmem>>, vector<16xf32>,
      }
      %scan3A_29 = arith.constant 128 : i32
      "tpu.region"() ({
        %run_scoped3A = tpu.sem_alloc : memref<!tpu.dma_semaphore, #tpu.memory_space<semaphore_mem>>
        %dma_start3A_30 = arith.constant 0 : i32
        %dma_start3A_31 = tpu.memref_slice %arg9[%scan3A_13, %dma_start3A_30] : memref<79x128xi32, #tpu.memory_space<vmem>> -> memref<1x128xi32, #tpu.memory_space<vmem>>
        %dma_start3A_32 = tpu.memref_squeeze %dma_start3A_31 : memref<1x128xi32, #tpu.memory_space<vmem>> -> memref<128xi32, #tpu.memory_space<vmem>>
        %dma_start3A_33 = arith.constant 0 : i32
        %dma_start3A_34 = arith.constant 0 : i32
        %dma_start3A_35 = tpu.memref_slice %arg12[%dma_start3A_33, %dma_start3A_34] : memref<10240x128xf32, #tpu.memory_space<vmem_shared>> -> memref<10240x128xf32, #tpu.memory_space<vmem_shared>>
        tpu.enqueue_indirect_dma source(%arg11 : memref<128x128xf32, #tpu.memory_space<vmem>>) target(%dma_start3A_35 : memref<10240x128xf32, #tpu.memory_space<vmem_shared>>) offsets(%dma_start3A_32 : memref<128xi32, #tpu.memory_space<vmem>>) semaphore(%run_scoped3A : memref<!tpu.dma_semaphore, #tpu.memory_space<semaphore_mem>>) {add = true}
        %dma_wait3A_36 = arith.constant 0 : i32
        %dma_wait3A_37 = tpu.memref_slice %arg9[%scan3A_13, %dma_wait3A_36] : memref<79x128xi32, #tpu.memory_space<vmem>> -> memref<1x128xi32, #tpu.memory_space<vmem>>
        %dma_wait3A_38 = tpu.memref_squeeze %dma_wait3A_37 : memref<1x128xi32, #tpu.memory_space<vmem>> -> memref<128xi32, #tpu.memory_space<vmem>>
        %dma_wait3A_39 = arith.constant 0 : i32
        %dma_wait3A_40 = arith.constant 0 : i32
        %dma_wait3A_41 = tpu.memref_slice %arg12[%dma_wait3A_39, %dma_wait3A_40] : memref<10240x128xf32, #tpu.memory_space<vmem_shared>> -> memref<10240x128xf32, #tpu.memory_space<vmem_shared>>
        tpu.wait_indirect_dma semaphore(%run_scoped3A : memref<!tpu.dma_semaphore, #tpu.memory_space<semaphore_mem>>) src(%arg11 : memref<128x128xf32, #tpu.memory_space<vmem>>) dst(%dma_wait3A_41 : memref<10240x128xf32, #tpu.memory_space<vmem_shared>>)
        tpu.yield
      }) : () -> ()
    }
    %scan3A_7 = arith.constant 79 : i32
    %barrier3A_8 = arith.constant 0 : index
    tpu.barrier barrier_id(%barrier3A_8)
    %mul3A_9 = arith.constant 640 : i32
    %mul3A_10 = arith.muli %arg1, %mul3A_9 : i32
    %mul3A_11 = arith.constant 640 : i32
    %mul3A_12 = arith.muli %arg1, %mul3A_11 : i32
    "tpu.region"() ({
      %run_scoped3A = tpu.sem_alloc : memref<!tpu.dma_semaphore, #tpu.memory_space<semaphore_mem>>
      %dma_start3A = arith.constant 0 : i32
      %dma_start3A_13 = arith.constant 0 : i32
      %dma_start3A_14 = tpu.memref_slice %arg7[%arg0, %dma_start3A, %dma_start3A_13] : memref<2x10240x128xf32, #tpu.memory_space<hbm>> -> memref<1x10240x128xf32, #tpu.memory_space<hbm>>
      %dma_start3A_15 = tpu.memref_squeeze %dma_start3A_14 : memref<1x10240x128xf32, #tpu.memory_space<hbm>> -> memref<10240x128xf32, #tpu.memory_space<hbm>>
      %dma_start3A_16 = arith.constant 0 : i32
      %dma_start3A_17 = tpu.memref_slice %dma_start3A_15[%mul3A_12, %dma_start3A_16] : memref<10240x128xf32, #tpu.memory_space<hbm>> -> memref<640x128xf32, #tpu.memory_space<hbm>>
      %dma_start3A_18 = arith.constant 0 : i32
      %dma_start3A_19 = tpu.memref_slice %arg12[%mul3A_10, %dma_start3A_18] : memref<10240x128xf32, #tpu.memory_space<vmem_shared>> -> memref<640x128xf32, #tpu.memory_space<vmem_shared>>
      tpu.enqueue_dma source(%dma_start3A_19 : memref<640x128xf32, #tpu.memory_space<vmem_shared>>) target(%dma_start3A_17 : memref<640x128xf32, #tpu.memory_space<hbm>>) target_semaphore(%run_scoped3A : memref<!tpu.dma_semaphore, #tpu.memory_space<semaphore_mem>>)
      %dma_wait3A = arith.constant 0 : i32
      %dma_wait3A_20 = arith.constant 0 : i32
      %dma_wait3A_21 = tpu.memref_slice %arg7[%arg0, %dma_wait3A, %dma_wait3A_20] : memref<2x10240x128xf32, #tpu.memory_space<hbm>> -> memref<1x10240x128xf32, #tpu.memory_space<hbm>>
      %dma_wait3A_22 = tpu.memref_squeeze %dma_wait3A_21 : memref<1x10240x128xf32, #tpu.memory_space<hbm>> -> memref<10240x128xf32, #tpu.memory_space<hbm>>
      %dma_wait3A_23 = arith.constant 0 : i32
      %dma_wait3A_24 = tpu.memref_slice %dma_wait3A_22[%mul3A_12, %dma_wait3A_23] : memref<10240x128xf32, #tpu.memory_space<hbm>> -> memref<640x128xf32, #tpu.memory_space<hbm>>
      %dma_wait3A_25 = arith.constant 0 : i32
      %dma_wait3A_26 = tpu.memref_slice %arg12[%mul3A_10, %dma_wait3A_25] : memref<10240x128xf32, #tpu.memory_space<vmem_shared>> -> memref<640x128xf32, #tpu.memory_space<vmem_shared>>
      tpu.wait_dma2 semaphore(%run_scoped3A : memref<!tpu.dma_semaphore, #tpu.memory_space<semaphore_mem>>) src(%dma_wait3A_26 : memref<640x128xf32, #tpu.memory_space<vmem_shared>>) dst(%dma_wait3A_24 : memref<640x128xf32, #tpu.memory_space<hbm>>)
      tpu.yield
    }) : () -> ()
    return
  }
}

#map = affine_map<(d0, d1) -> (0, 0)>
#map1 = affine_map<(d0, d1) -> (0, 0, 0)>
module attributes {stable_mosaic.version = 14 : i64} {
  func.func @_mp_body(%arg0: i32, %arg1: i32, %arg2: memref<10000x128xf32, #tpu.memory_space<hbm>>, %arg3: memref<32x79x128xi32, #tpu.memory_space<hbm>>, %arg4: memref<32x79x128xi32, #tpu.memory_space<hbm>>, %arg5: memref<32x10112xf32, #tpu.memory_space<hbm>>, %arg6: memref<640x128xf32, #tpu.memory_space<hbm>>, %arg7: memref<2x10240x128xf32, #tpu.memory_space<hbm>>, %arg8: memref<79x128xi32, #tpu.memory_space<vmem>>, %arg9: memref<79x128xi32, #tpu.memory_space<vmem>>, %arg10: memref<10112xf32, #tpu.memory_space<vmem>>, %arg11: memref<128x128xf32, #tpu.memory_space<vmem>>, %arg12: memref<10240x128xf32, #tpu.memory_space<vmem_shared>>, %arg13: memref<!tpu.dma_semaphore, #tpu.memory_space<semaphore_mem>>) attributes {dimension_semantics = [#tpu.dimension_semantics<core_parallel>, #tpu.dimension_semantics<subcore_parallel>], iteration_bounds = array<i64: 2, 16>, scalar_prefetch = 0 : i64, scratch_operands = 6 : i64, tpu.core_type = #tpu.core_type<sc_vector_subcore>, window_params = [{transform_indices = #map}, {transform_indices = #map1}, {transform_indices = #map1}, {transform_indices = #map}, {transform_indices = #map}, {transform_indices = #map1}]} {
    %mul3A = arith.constant 2 : i32
    %mul3A_0 = arith.muli %arg1, %mul3A : i32
    %add3A = arith.addi %mul3A_0, %arg0 : i32
    %mul3A_1 = arith.constant 640 : i32
    %mul3A_2 = arith.muli %arg1, %mul3A_1 : i32
    "tpu.region"() ({
      %run_scoped3A = tpu.sem_alloc : memref<!tpu.dma_semaphore, #tpu.memory_space<semaphore_mem>>
      %dma_start3A = arith.constant 0 : i32
      %dma_start3A_13 = tpu.memref_slice %arg12[%mul3A_2, %dma_start3A] : memref<10240x128xf32, #tpu.memory_space<vmem_shared>> -> memref<640x128xf32, #tpu.memory_space<vmem_shared>>
      tpu.enqueue_dma source(%arg6 : memref<640x128xf32, #tpu.memory_space<hbm>>) target(%dma_start3A_13 : memref<640x128xf32, #tpu.memory_space<vmem_shared>>) target_semaphore(%run_scoped3A : memref<!tpu.dma_semaphore, #tpu.memory_space<semaphore_mem>>)
      %dma_wait3A = arith.constant 0 : i32
      %dma_wait3A_14 = tpu.memref_slice %arg12[%mul3A_2, %dma_wait3A] : memref<10240x128xf32, #tpu.memory_space<vmem_shared>> -> memref<640x128xf32, #tpu.memory_space<vmem_shared>>
      tpu.wait_dma2 semaphore(%run_scoped3A : memref<!tpu.dma_semaphore, #tpu.memory_space<semaphore_mem>>) src(%arg6 : memref<640x128xf32, #tpu.memory_space<hbm>>) dst(%dma_wait3A_14 : memref<640x128xf32, #tpu.memory_space<vmem_shared>>)
      tpu.yield
    }) : () -> ()
    "tpu.region"() ({
      %run_scoped3A = tpu.sem_alloc : memref<!tpu.dma_semaphore, #tpu.memory_space<semaphore_mem>>
      %dma_start3A = arith.constant 0 : i32
      %dma_start3A_13 = arith.constant 0 : i32
      %dma_start3A_14 = tpu.memref_slice %arg3[%add3A, %dma_start3A, %dma_start3A_13] : memref<32x79x128xi32, #tpu.memory_space<hbm>> -> memref<1x79x128xi32, #tpu.memory_space<hbm>>
      %dma_start3A_15 = tpu.memref_squeeze %dma_start3A_14 : memref<1x79x128xi32, #tpu.memory_space<hbm>> -> memref<79x128xi32, #tpu.memory_space<hbm>>
      %dma_start3A_16 = arith.constant 0 : i32
      %dma_start3A_17 = arith.constant 0 : i32
      %dma_start3A_18 = tpu.memref_slice %arg3[%add3A, %dma_start3A_16, %dma_start3A_17] : memref<32x79x128xi32, #tpu.memory_space<hbm>> -> memref<1x79x128xi32, #tpu.memory_space<hbm>>
      %dma_start3A_19 = tpu.memref_squeeze %dma_start3A_18 : memref<1x79x128xi32, #tpu.memory_space<hbm>> -> memref<79x128xi32, #tpu.memory_space<hbm>>
      tpu.enqueue_dma source(%dma_start3A_19 : memref<79x128xi32, #tpu.memory_space<hbm>>) target(%arg8 : memref<79x128xi32, #tpu.memory_space<vmem>>) target_semaphore(%run_scoped3A : memref<!tpu.dma_semaphore, #tpu.memory_space<semaphore_mem>>)
      %dma_wait3A = arith.constant 0 : i32
      %dma_wait3A_20 = arith.constant 0 : i32
      %dma_wait3A_21 = tpu.memref_slice %arg3[%add3A, %dma_wait3A, %dma_wait3A_20] : memref<32x79x128xi32, #tpu.memory_space<hbm>> -> memref<1x79x128xi32, #tpu.memory_space<hbm>>
      %dma_wait3A_22 = tpu.memref_squeeze %dma_wait3A_21 : memref<1x79x128xi32, #tpu.memory_space<hbm>> -> memref<79x128xi32, #tpu.memory_space<hbm>>
      %dma_wait3A_23 = arith.constant 0 : i32
      %dma_wait3A_24 = arith.constant 0 : i32
      %dma_wait3A_25 = tpu.memref_slice %arg3[%add3A, %dma_wait3A_23, %dma_wait3A_24] : memref<32x79x128xi32, #tpu.memory_space<hbm>> -> memref<1x79x128xi32, #tpu.memory_space<hbm>>
      %dma_wait3A_26 = tpu.memref_squeeze %dma_wait3A_25 : memref<1x79x128xi32, #tpu.memory_space<hbm>> -> memref<79x128xi32, #tpu.memory_space<hbm>>
      tpu.wait_dma2 semaphore(%run_scoped3A : memref<!tpu.dma_semaphore, #tpu.memory_space<semaphore_mem>>) src(%dma_wait3A_26 : memref<79x128xi32, #tpu.memory_space<hbm>>) dst(%arg8 : memref<79x128xi32, #tpu.memory_space<vmem>>)
      tpu.yield
    }) : () -> ()
    "tpu.region"() ({
      %run_scoped3A = tpu.sem_alloc : memref<!tpu.dma_semaphore, #tpu.memory_space<semaphore_mem>>
      %dma_start3A = arith.constant 0 : i32
      %dma_start3A_13 = arith.constant 0 : i32
      %dma_start3A_14 = tpu.memref_slice %arg4[%add3A, %dma_start3A, %dma_start3A_13] : memref<32x79x128xi32, #tpu.memory_space<hbm>> -> memref<1x79x128xi32, #tpu.memory_space<hbm>>
      %dma_start3A_15 = tpu.memref_squeeze %dma_start3A_14 : memref<1x79x128xi32, #tpu.memory_space<hbm>> -> memref<79x128xi32, #tpu.memory_space<hbm>>
      %dma_start3A_16 = arith.constant 0 : i32
      %dma_start3A_17 = arith.constant 0 : i32
      %dma_start3A_18 = tpu.memref_slice %arg4[%add3A, %dma_start3A_16, %dma_start3A_17] : memref<32x79x128xi32, #tpu.memory_space<hbm>> -> memref<1x79x128xi32, #tpu.memory_space<hbm>>
      %dma_start3A_19 = tpu.memref_squeeze %dma_start3A_18 : memref<1x79x128xi32, #tpu.memory_space<hbm>> -> memref<79x128xi32, #tpu.memory_space<hbm>>
      tpu.enqueue_dma source(%dma_start3A_19 : memref<79x128xi32, #tpu.memory_space<hbm>>) target(%arg9 : memref<79x128xi32, #tpu.memory_space<vmem>>) target_semaphore(%run_scoped3A : memref<!tpu.dma_semaphore, #tpu.memory_space<semaphore_mem>>)
      %dma_wait3A = arith.constant 0 : i32
      %dma_wait3A_20 = arith.constant 0 : i32
      %dma_wait3A_21 = tpu.memref_slice %arg4[%add3A, %dma_wait3A, %dma_wait3A_20] : memref<32x79x128xi32, #tpu.memory_space<hbm>> -> memref<1x79x128xi32, #tpu.memory_space<hbm>>
      %dma_wait3A_22 = tpu.memref_squeeze %dma_wait3A_21 : memref<1x79x128xi32, #tpu.memory_space<hbm>> -> memref<79x128xi32, #tpu.memory_space<hbm>>
      %dma_wait3A_23 = arith.constant 0 : i32
      %dma_wait3A_24 = arith.constant 0 : i32
      %dma_wait3A_25 = tpu.memref_slice %arg4[%add3A, %dma_wait3A_23, %dma_wait3A_24] : memref<32x79x128xi32, #tpu.memory_space<hbm>> -> memref<1x79x128xi32, #tpu.memory_space<hbm>>
      %dma_wait3A_26 = tpu.memref_squeeze %dma_wait3A_25 : memref<1x79x128xi32, #tpu.memory_space<hbm>> -> memref<79x128xi32, #tpu.memory_space<hbm>>
      tpu.wait_dma2 semaphore(%run_scoped3A : memref<!tpu.dma_semaphore, #tpu.memory_space<semaphore_mem>>) src(%dma_wait3A_26 : memref<79x128xi32, #tpu.memory_space<hbm>>) dst(%arg9 : memref<79x128xi32, #tpu.memory_space<vmem>>)
      tpu.yield
    }) : () -> ()
    "tpu.region"() ({
      %run_scoped3A = tpu.sem_alloc : memref<!tpu.dma_semaphore, #tpu.memory_space<semaphore_mem>>
      %dma_start3A = arith.constant 0 : i32
      %dma_start3A_13 = tpu.memref_slice %arg5[%add3A, %dma_start3A] : memref<32x10112xf32, #tpu.memory_space<hbm>> -> memref<1x10112xf32, #tpu.memory_space<hbm>>
      %dma_start3A_14 = tpu.memref_squeeze %dma_start3A_13 : memref<1x10112xf32, #tpu.memory_space<hbm>> -> memref<10112xf32, #tpu.memory_space<hbm>>
      %dma_start3A_15 = arith.constant 0 : i32
      %dma_start3A_16 = tpu.memref_slice %arg5[%add3A, %dma_start3A_15] : memref<32x10112xf32, #tpu.memory_space<hbm>> -> memref<1x10112xf32, #tpu.memory_space<hbm>>
      %dma_start3A_17 = tpu.memref_squeeze %dma_start3A_16 : memref<1x10112xf32, #tpu.memory_space<hbm>> -> memref<10112xf32, #tpu.memory_space<hbm>>
      tpu.enqueue_dma source(%dma_start3A_17 : memref<10112xf32, #tpu.memory_space<hbm>>) target(%arg10 : memref<10112xf32, #tpu.memory_space<vmem>>) target_semaphore(%run_scoped3A : memref<!tpu.dma_semaphore, #tpu.memory_space<semaphore_mem>>)
      %dma_wait3A = arith.constant 0 : i32
      %dma_wait3A_18 = tpu.memref_slice %arg5[%add3A, %dma_wait3A] : memref<32x10112xf32, #tpu.memory_space<hbm>> -> memref<1x10112xf32, #tpu.memory_space<hbm>>
      %dma_wait3A_19 = tpu.memref_squeeze %dma_wait3A_18 : memref<1x10112xf32, #tpu.memory_space<hbm>> -> memref<10112xf32, #tpu.memory_space<hbm>>
      %dma_wait3A_20 = arith.constant 0 : i32
      %dma_wait3A_21 = tpu.memref_slice %arg5[%add3A, %dma_wait3A_20] : memref<32x10112xf32, #tpu.memory_space<hbm>> -> memref<1x10112xf32, #tpu.memory_space<hbm>>
      %dma_wait3A_22 = tpu.memref_squeeze %dma_wait3A_21 : memref<1x10112xf32, #tpu.memory_space<hbm>> -> memref<10112xf32, #tpu.memory_space<hbm>>
      tpu.wait_dma2 semaphore(%run_scoped3A : memref<!tpu.dma_semaphore, #tpu.memory_space<semaphore_mem>>) src(%dma_wait3A_22 : memref<10112xf32, #tpu.memory_space<hbm>>) dst(%arg10 : memref<10112xf32, #tpu.memory_space<vmem>>)
      tpu.yield
    }) : () -> ()
    %barrier3A = arith.constant 0 : index
    tpu.barrier barrier_id(%barrier3A)
    %scan3A = arith.constant 0 : i32
    %scan3A_3 = arith.constant 0 : i32
    %scan3A_4 = arith.constant 79 : i32
    %scan3A_5 = arith.addi %scan3A_3, %scan3A_4 : i32
    %scan3A_6 = arith.constant 1 : i32
    scf.for %scan3A_13 = %scan3A_3 to %scan3A_5 step %scan3A_6  : i32 {
      %dma_start3A = arith.constant 0 : i32
      %dma_start3A_14 = tpu.memref_slice %arg8[%scan3A_13, %dma_start3A] : memref<79x128xi32, #tpu.memory_space<vmem>> -> memref<1x128xi32, #tpu.memory_space<vmem>>
      %dma_start3A_15 = tpu.memref_squeeze %dma_start3A_14 : memref<1x128xi32, #tpu.memory_space<vmem>> -> memref<128xi32, #tpu.memory_space<vmem>>
      %dma_start3A_16 = arith.constant 0 : i32
      %dma_start3A_17 = arith.constant 0 : i32
      %dma_start3A_18 = tpu.memref_slice %arg2[%dma_start3A_16, %dma_start3A_17] : memref<10000x128xf32, #tpu.memory_space<hbm>> -> memref<10000x128xf32, #tpu.memory_space<hbm>>
      tpu.enqueue_indirect_dma source(%dma_start3A_18 : memref<10000x128xf32, #tpu.memory_space<hbm>>) target(%arg11 : memref<128x128xf32, #tpu.memory_space<vmem>>) offsets(%dma_start3A_15 : memref<128xi32, #tpu.memory_space<vmem>>) semaphore(%arg13 : memref<!tpu.dma_semaphore, #tpu.memory_space<semaphore_mem>>)
      %dma_wait3A = arith.constant 0 : i32
      %dma_wait3A_19 = tpu.memref_slice %arg8[%scan3A_13, %dma_wait3A] : memref<79x128xi32, #tpu.memory_space<vmem>> -> memref<1x128xi32, #tpu.memory_space<vmem>>
      %dma_wait3A_20 = tpu.memref_squeeze %dma_wait3A_19 : memref<1x128xi32, #tpu.memory_space<vmem>> -> memref<128xi32, #tpu.memory_space<vmem>>
      %dma_wait3A_21 = arith.constant 0 : i32
      %dma_wait3A_22 = arith.constant 0 : i32
      %dma_wait3A_23 = tpu.memref_slice %arg2[%dma_wait3A_21, %dma_wait3A_22] : memref<10000x128xf32, #tpu.memory_space<hbm>> -> memref<10000x128xf32, #tpu.memory_space<hbm>>
      tpu.wait_indirect_dma semaphore(%arg13 : memref<!tpu.dma_semaphore, #tpu.memory_space<semaphore_mem>>) src(%dma_wait3A_23 : memref<10000x128xf32, #tpu.memory_space<hbm>>) dst(%arg11 : memref<128x128xf32, #tpu.memory_space<vmem>>)
      %scan3A_24 = arith.constant 0 : i32
      %scan3A_25 = arith.constant 0 : i32
      %scan3A_26 = arith.constant 128 : i32
      %scan3A_27 = arith.addi %scan3A_25, %scan3A_26 : i32
      %scan3A_28 = arith.constant 1 : i32
      scf.for %scan3A_30 = %scan3A_25 to %scan3A_27 step %scan3A_28  : i32 {
        %mul3A_31 = arith.constant 128 : i32
        %mul3A_32 = arith.muli %scan3A_13, %mul3A_31 : i32
        %add3A_33 = arith.addi %mul3A_32, %scan3A_30 : i32
        %broadcast_in_dim3A = vector.broadcast %add3A_33 : i32 to vector<16xi32>
        %gather3A = tpu.vector_load_idx %arg10[%broadcast_in_dim3A] : memref<10112xf32, #tpu.memory_space<vmem>>[vector<16xi32>], vector<16xf32>,
        %get3A = arith.index_cast %scan3A_30 : i32 to index
        %get3A_34 = arith.constant 0 : index
        %get3A_35 = tpu.vector_load %arg11[%get3A, %get3A_34] {strides = array<i32>} : memref<128x128xf32, #tpu.memory_space<vmem>>, vector<16xf32>,
        %mul3A_36 = arith.mulf %get3A_35, %gather3A : vector<16xf32>
        %swap3A = arith.index_cast %scan3A_30 : i32 to index
        %swap3A_37 = arith.constant 0 : index
        %swap3A_38 = tpu.vector_load %arg11[%swap3A, %swap3A_37] {strides = array<i32>} : memref<128x128xf32, #tpu.memory_space<vmem>>, vector<16xf32>,
        tpu.vector_store %arg11[%swap3A, %swap3A_37], %mul3A_36 {strides = array<i32>} : memref<128x128xf32, #tpu.memory_space<vmem>>, vector<16xf32>,
        %get3A_39 = arith.index_cast %scan3A_30 : i32 to index
        %get3A_40 = arith.constant 16 : index
        %get3A_41 = tpu.vector_load %arg11[%get3A_39, %get3A_40] {strides = array<i32>} : memref<128x128xf32, #tpu.memory_space<vmem>>, vector<16xf32>,
        %mul3A_42 = arith.mulf %get3A_41, %gather3A : vector<16xf32>
        %swap3A_43 = arith.index_cast %scan3A_30 : i32 to index
        %swap3A_44 = arith.constant 16 : index
        %swap3A_45 = tpu.vector_load %arg11[%swap3A_43, %swap3A_44] {strides = array<i32>} : memref<128x128xf32, #tpu.memory_space<vmem>>, vector<16xf32>,
        tpu.vector_store %arg11[%swap3A_43, %swap3A_44], %mul3A_42 {strides = array<i32>} : memref<128x128xf32, #tpu.memory_space<vmem>>, vector<16xf32>,
        %get3A_46 = arith.index_cast %scan3A_30 : i32 to index
        %get3A_47 = arith.constant 32 : index
        %get3A_48 = tpu.vector_load %arg11[%get3A_46, %get3A_47] {strides = array<i32>} : memref<128x128xf32, #tpu.memory_space<vmem>>, vector<16xf32>,
        %mul3A_49 = arith.mulf %get3A_48, %gather3A : vector<16xf32>
        %swap3A_50 = arith.index_cast %scan3A_30 : i32 to index
        %swap3A_51 = arith.constant 32 : index
        %swap3A_52 = tpu.vector_load %arg11[%swap3A_50, %swap3A_51] {strides = array<i32>} : memref<128x128xf32, #tpu.memory_space<vmem>>, vector<16xf32>,
        tpu.vector_store %arg11[%swap3A_50, %swap3A_51], %mul3A_49 {strides = array<i32>} : memref<128x128xf32, #tpu.memory_space<vmem>>, vector<16xf32>,
        %get3A_53 = arith.index_cast %scan3A_30 : i32 to index
        %get3A_54 = arith.constant 48 : index
        %get3A_55 = tpu.vector_load %arg11[%get3A_53, %get3A_54] {strides = array<i32>} : memref<128x128xf32, #tpu.memory_space<vmem>>, vector<16xf32>,
        %mul3A_56 = arith.mulf %get3A_55, %gather3A : vector<16xf32>
        %swap3A_57 = arith.index_cast %scan3A_30 : i32 to index
        %swap3A_58 = arith.constant 48 : index
        %swap3A_59 = tpu.vector_load %arg11[%swap3A_57, %swap3A_58] {strides = array<i32>} : memref<128x128xf32, #tpu.memory_space<vmem>>, vector<16xf32>,
        tpu.vector_store %arg11[%swap3A_57, %swap3A_58], %mul3A_56 {strides = array<i32>} : memref<128x128xf32, #tpu.memory_space<vmem>>, vector<16xf32>,
        %get3A_60 = arith.index_cast %scan3A_30 : i32 to index
        %get3A_61 = arith.constant 64 : index
        %get3A_62 = tpu.vector_load %arg11[%get3A_60, %get3A_61] {strides = array<i32>} : memref<128x128xf32, #tpu.memory_space<vmem>>, vector<16xf32>,
        %mul3A_63 = arith.mulf %get3A_62, %gather3A : vector<16xf32>
        %swap3A_64 = arith.index_cast %scan3A_30 : i32 to index
        %swap3A_65 = arith.constant 64 : index
        %swap3A_66 = tpu.vector_load %arg11[%swap3A_64, %swap3A_65] {strides = array<i32>} : memref<128x128xf32, #tpu.memory_space<vmem>>, vector<16xf32>,
        tpu.vector_store %arg11[%swap3A_64, %swap3A_65], %mul3A_63 {strides = array<i32>} : memref<128x128xf32, #tpu.memory_space<vmem>>, vector<16xf32>,
        %get3A_67 = arith.index_cast %scan3A_30 : i32 to index
        %get3A_68 = arith.constant 80 : index
        %get3A_69 = tpu.vector_load %arg11[%get3A_67, %get3A_68] {strides = array<i32>} : memref<128x128xf32, #tpu.memory_space<vmem>>, vector<16xf32>,
        %mul3A_70 = arith.mulf %get3A_69, %gather3A : vector<16xf32>
        %swap3A_71 = arith.index_cast %scan3A_30 : i32 to index
        %swap3A_72 = arith.constant 80 : index
        %swap3A_73 = tpu.vector_load %arg11[%swap3A_71, %swap3A_72] {strides = array<i32>} : memref<128x128xf32, #tpu.memory_space<vmem>>, vector<16xf32>,
        tpu.vector_store %arg11[%swap3A_71, %swap3A_72], %mul3A_70 {strides = array<i32>} : memref<128x128xf32, #tpu.memory_space<vmem>>, vector<16xf32>,
        %get3A_74 = arith.index_cast %scan3A_30 : i32 to index
        %get3A_75 = arith.constant 96 : index
        %get3A_76 = tpu.vector_load %arg11[%get3A_74, %get3A_75] {strides = array<i32>} : memref<128x128xf32, #tpu.memory_space<vmem>>, vector<16xf32>,
        %mul3A_77 = arith.mulf %get3A_76, %gather3A : vector<16xf32>
        %swap3A_78 = arith.index_cast %scan3A_30 : i32 to index
        %swap3A_79 = arith.constant 96 : index
        %swap3A_80 = tpu.vector_load %arg11[%swap3A_78, %swap3A_79] {strides = array<i32>} : memref<128x128xf32, #tpu.memory_space<vmem>>, vector<16xf32>,
        tpu.vector_store %arg11[%swap3A_78, %swap3A_79], %mul3A_77 {strides = array<i32>} : memref<128x128xf32, #tpu.memory_space<vmem>>, vector<16xf32>,
        %get3A_81 = arith.index_cast %scan3A_30 : i32 to index
        %get3A_82 = arith.constant 112 : index
        %get3A_83 = tpu.vector_load %arg11[%get3A_81, %get3A_82] {strides = array<i32>} : memref<128x128xf32, #tpu.memory_space<vmem>>, vector<16xf32>,
        %mul3A_84 = arith.mulf %get3A_83, %gather3A : vector<16xf32>
        %swap3A_85 = arith.index_cast %scan3A_30 : i32 to index
        %swap3A_86 = arith.constant 112 : index
        %swap3A_87 = tpu.vector_load %arg11[%swap3A_85, %swap3A_86] {strides = array<i32>} : memref<128x128xf32, #tpu.memory_space<vmem>>, vector<16xf32>,
        tpu.vector_store %arg11[%swap3A_85, %swap3A_86], %mul3A_84 {strides = array<i32>} : memref<128x128xf32, #tpu.memory_space<vmem>>, vector<16xf32>,
      }
      %scan3A_29 = arith.constant 128 : i32
      "tpu.region"() ({
        %run_scoped3A = tpu.sem_alloc : memref<!tpu.dma_semaphore, #tpu.memory_space<semaphore_mem>>
        %dma_start3A_30 = arith.constant 0 : i32
        %dma_start3A_31 = tpu.memref_slice %arg9[%scan3A_13, %dma_start3A_30] : memref<79x128xi32, #tpu.memory_space<vmem>> -> memref<1x128xi32, #tpu.memory_space<vmem>>
        %dma_start3A_32 = tpu.memref_squeeze %dma_start3A_31 : memref<1x128xi32, #tpu.memory_space<vmem>> -> memref<128xi32, #tpu.memory_space<vmem>>
        %dma_start3A_33 = arith.constant 0 : i32
        %dma_start3A_34 = arith.constant 0 : i32
        %dma_start3A_35 = tpu.memref_slice %arg12[%dma_start3A_33, %dma_start3A_34] : memref<10240x128xf32, #tpu.memory_space<vmem_shared>> -> memref<10240x128xf32, #tpu.memory_space<vmem_shared>>
        tpu.enqueue_indirect_dma source(%arg11 : memref<128x128xf32, #tpu.memory_space<vmem>>) target(%dma_start3A_35 : memref<10240x128xf32, #tpu.memory_space<vmem_shared>>) offsets(%dma_start3A_32 : memref<128xi32, #tpu.memory_space<vmem>>) semaphore(%run_scoped3A : memref<!tpu.dma_semaphore, #tpu.memory_space<semaphore_mem>>) {add = true}
        %dma_wait3A_36 = arith.constant 0 : i32
        %dma_wait3A_37 = tpu.memref_slice %arg9[%scan3A_13, %dma_wait3A_36] : memref<79x128xi32, #tpu.memory_space<vmem>> -> memref<1x128xi32, #tpu.memory_space<vmem>>
        %dma_wait3A_38 = tpu.memref_squeeze %dma_wait3A_37 : memref<1x128xi32, #tpu.memory_space<vmem>> -> memref<128xi32, #tpu.memory_space<vmem>>
        %dma_wait3A_39 = arith.constant 0 : i32
        %dma_wait3A_40 = arith.constant 0 : i32
        %dma_wait3A_41 = tpu.memref_slice %arg12[%dma_wait3A_39, %dma_wait3A_40] : memref<10240x128xf32, #tpu.memory_space<vmem_shared>> -> memref<10240x128xf32, #tpu.memory_space<vmem_shared>>
        tpu.wait_indirect_dma semaphore(%run_scoped3A : memref<!tpu.dma_semaphore, #tpu.memory_space<semaphore_mem>>) src(%arg11 : memref<128x128xf32, #tpu.memory_space<vmem>>) dst(%dma_wait3A_41 : memref<10240x128xf32, #tpu.memory_space<vmem_shared>>)
        tpu.yield
      }) : () -> ()
    }
    %scan3A_7 = arith.constant 79 : i32
    %barrier3A_8 = arith.constant 0 : index
    tpu.barrier barrier_id(%barrier3A_8)
    %mul3A_9 = arith.constant 640 : i32
    %mul3A_10 = arith.muli %arg1, %mul3A_9 : i32
    %mul3A_11 = arith.constant 640 : i32
    %mul3A_12 = arith.muli %arg1, %mul3A_11 : i32
    "tpu.region"() ({
      %run_scoped3A = tpu.sem_alloc : memref<!tpu.dma_semaphore, #tpu.memory_space<semaphore_mem>>
      %dma_start3A = arith.constant 0 : i32
      %dma_start3A_13 = arith.constant 0 : i32
      %dma_start3A_14 = tpu.memref_slice %arg7[%arg0, %dma_start3A, %dma_start3A_13] : memref<2x10240x128xf32, #tpu.memory_space<hbm>> -> memref<1x10240x128xf32, #tpu.memory_space<hbm>>
      %dma_start3A_15 = tpu.memref_squeeze %dma_start3A_14 : memref<1x10240x128xf32, #tpu.memory_space<hbm>> -> memref<10240x128xf32, #tpu.memory_space<hbm>>
      %dma_start3A_16 = arith.constant 0 : i32
      %dma_start3A_17 = tpu.memref_slice %dma_start3A_15[%mul3A_12, %dma_start3A_16] : memref<10240x128xf32, #tpu.memory_space<hbm>> -> memref<640x128xf32, #tpu.memory_space<hbm>>
      %dma_start3A_18 = arith.constant 0 : i32
      %dma_start3A_19 = tpu.memref_slice %arg12[%mul3A_10, %dma_start3A_18] : memref<10240x128xf32, #tpu.memory_space<vmem_shared>> -> memref<640x128xf32, #tpu.memory_space<vmem_shared>>
      tpu.enqueue_dma source(%dma_start3A_19 : memref<640x128xf32, #tpu.memory_space<vmem_shared>>) target(%dma_start3A_17 : memref<640x128xf32, #tpu.memory_space<hbm>>) target_semaphore(%run_scoped3A : memref<!tpu.dma_semaphore, #tpu.memory_space<semaphore_mem>>)
      %dma_wait3A = arith.constant 0 : i32
      %dma_wait3A_20 = arith.constant 0 : i32
      %dma_wait3A_21 = tpu.memref_slice %arg7[%arg0, %dma_wait3A, %dma_wait3A_20] : memref<2x10240x128xf32, #tpu.memory_space<hbm>> -> memref<1x10240x128xf32, #tpu.memory_space<hbm>>
      %dma_wait3A_22 = tpu.memref_squeeze %dma_wait3A_21 : memref<1x10240x128xf32, #tpu.memory_space<hbm>> -> memref<10240x128xf32, #tpu.memory_space<hbm>>
      %dma_wait3A_23 = arith.constant 0 : i32
      %dma_wait3A_24 = tpu.memref_slice %dma_wait3A_22[%mul3A_12, %dma_wait3A_23] : memref<10240x128xf32, #tpu.memory_space<hbm>> -> memref<640x128xf32, #tpu.memory_space<hbm>>
      %dma_wait3A_25 = arith.constant 0 : i32
      %dma_wait3A_26 = tpu.memref_slice %arg12[%mul3A_10, %dma_wait3A_25] : memref<10240x128xf32, #tpu.memory_space<vmem_shared>> -> memref<640x128xf32, #tpu.memory_space<vmem_shared>>
      tpu.wait_dma2 semaphore(%run_scoped3A : memref<!tpu.dma_semaphore, #tpu.memory_space<semaphore_mem>>) src(%dma_wait3A_26 : memref<640x128xf32, #tpu.memory_space<vmem_shared>>) dst(%dma_wait3A_24 : memref<640x128xf32, #tpu.memory_space<hbm>>)
      tpu.yield
    }) : () -> ()
    return
  }
}

#map = affine_map<(d0, d1) -> (0, 0)>
#map1 = affine_map<(d0, d1) -> (0, 0, 0)>
module attributes {stable_mosaic.version = 14 : i64} {
  func.func @_mp_body(%arg0: i32, %arg1: i32, %arg2: memref<10000x128xf32, #tpu.memory_space<hbm>>, %arg3: memref<32x79x128xi32, #tpu.memory_space<hbm>>, %arg4: memref<32x79x128xi32, #tpu.memory_space<hbm>>, %arg5: memref<32x10112xf32, #tpu.memory_space<hbm>>, %arg6: memref<640x128xf32, #tpu.memory_space<hbm>>, %arg7: memref<2x10240x128xf32, #tpu.memory_space<hbm>>, %arg8: memref<79x128xi32, #tpu.memory_space<vmem>>, %arg9: memref<79x128xi32, #tpu.memory_space<vmem>>, %arg10: memref<10112xf32, #tpu.memory_space<vmem>>, %arg11: memref<128x128xf32, #tpu.memory_space<vmem>>, %arg12: memref<10240x128xf32, #tpu.memory_space<vmem_shared>>, %arg13: memref<!tpu.dma_semaphore, #tpu.memory_space<semaphore_mem>>) attributes {dimension_semantics = [#tpu.dimension_semantics<core_parallel>, #tpu.dimension_semantics<subcore_parallel>], iteration_bounds = array<i64: 2, 16>, scalar_prefetch = 0 : i64, scratch_operands = 6 : i64, tpu.core_type = #tpu.core_type<sc_vector_subcore>, window_params = [{transform_indices = #map}, {transform_indices = #map1}, {transform_indices = #map1}, {transform_indices = #map}, {transform_indices = #map}, {transform_indices = #map1}]} {
    %mul3A = arith.constant 2 : i32
    %mul3A_0 = arith.muli %arg1, %mul3A : i32
    %add3A = arith.addi %mul3A_0, %arg0 : i32
    %mul3A_1 = arith.constant 640 : i32
    %mul3A_2 = arith.muli %arg1, %mul3A_1 : i32
    "tpu.region"() ({
      %run_scoped3A = tpu.sem_alloc : memref<!tpu.dma_semaphore, #tpu.memory_space<semaphore_mem>>
      %dma_start3A = arith.constant 0 : i32
      %dma_start3A_13 = tpu.memref_slice %arg12[%mul3A_2, %dma_start3A] : memref<10240x128xf32, #tpu.memory_space<vmem_shared>> -> memref<640x128xf32, #tpu.memory_space<vmem_shared>>
      tpu.enqueue_dma source(%arg6 : memref<640x128xf32, #tpu.memory_space<hbm>>) target(%dma_start3A_13 : memref<640x128xf32, #tpu.memory_space<vmem_shared>>) target_semaphore(%run_scoped3A : memref<!tpu.dma_semaphore, #tpu.memory_space<semaphore_mem>>)
      %dma_wait3A = arith.constant 0 : i32
      %dma_wait3A_14 = tpu.memref_slice %arg12[%mul3A_2, %dma_wait3A] : memref<10240x128xf32, #tpu.memory_space<vmem_shared>> -> memref<640x128xf32, #tpu.memory_space<vmem_shared>>
      tpu.wait_dma2 semaphore(%run_scoped3A : memref<!tpu.dma_semaphore, #tpu.memory_space<semaphore_mem>>) src(%arg6 : memref<640x128xf32, #tpu.memory_space<hbm>>) dst(%dma_wait3A_14 : memref<640x128xf32, #tpu.memory_space<vmem_shared>>)
      tpu.yield
    }) : () -> ()
    "tpu.region"() ({
      %run_scoped3A = tpu.sem_alloc : memref<!tpu.dma_semaphore, #tpu.memory_space<semaphore_mem>>
      %dma_start3A = arith.constant 0 : i32
      %dma_start3A_13 = arith.constant 0 : i32
      %dma_start3A_14 = tpu.memref_slice %arg3[%add3A, %dma_start3A, %dma_start3A_13] : memref<32x79x128xi32, #tpu.memory_space<hbm>> -> memref<1x79x128xi32, #tpu.memory_space<hbm>>
      %dma_start3A_15 = tpu.memref_squeeze %dma_start3A_14 : memref<1x79x128xi32, #tpu.memory_space<hbm>> -> memref<79x128xi32, #tpu.memory_space<hbm>>
      %dma_start3A_16 = arith.constant 0 : i32
      %dma_start3A_17 = arith.constant 0 : i32
      %dma_start3A_18 = tpu.memref_slice %arg3[%add3A, %dma_start3A_16, %dma_start3A_17] : memref<32x79x128xi32, #tpu.memory_space<hbm>> -> memref<1x79x128xi32, #tpu.memory_space<hbm>>
      %dma_start3A_19 = tpu.memref_squeeze %dma_start3A_18 : memref<1x79x128xi32, #tpu.memory_space<hbm>> -> memref<79x128xi32, #tpu.memory_space<hbm>>
      tpu.enqueue_dma source(%dma_start3A_19 : memref<79x128xi32, #tpu.memory_space<hbm>>) target(%arg8 : memref<79x128xi32, #tpu.memory_space<vmem>>) target_semaphore(%run_scoped3A : memref<!tpu.dma_semaphore, #tpu.memory_space<semaphore_mem>>)
      %dma_wait3A = arith.constant 0 : i32
      %dma_wait3A_20 = arith.constant 0 : i32
      %dma_wait3A_21 = tpu.memref_slice %arg3[%add3A, %dma_wait3A, %dma_wait3A_20] : memref<32x79x128xi32, #tpu.memory_space<hbm>> -> memref<1x79x128xi32, #tpu.memory_space<hbm>>
      %dma_wait3A_22 = tpu.memref_squeeze %dma_wait3A_21 : memref<1x79x128xi32, #tpu.memory_space<hbm>> -> memref<79x128xi32, #tpu.memory_space<hbm>>
      %dma_wait3A_23 = arith.constant 0 : i32
      %dma_wait3A_24 = arith.constant 0 : i32
      %dma_wait3A_25 = tpu.memref_slice %arg3[%add3A, %dma_wait3A_23, %dma_wait3A_24] : memref<32x79x128xi32, #tpu.memory_space<hbm>> -> memref<1x79x128xi32, #tpu.memory_space<hbm>>
      %dma_wait3A_26 = tpu.memref_squeeze %dma_wait3A_25 : memref<1x79x128xi32, #tpu.memory_space<hbm>> -> memref<79x128xi32, #tpu.memory_space<hbm>>
      tpu.wait_dma2 semaphore(%run_scoped3A : memref<!tpu.dma_semaphore, #tpu.memory_space<semaphore_mem>>) src(%dma_wait3A_26 : memref<79x128xi32, #tpu.memory_space<hbm>>) dst(%arg8 : memref<79x128xi32, #tpu.memory_space<vmem>>)
      tpu.yield
    }) : () -> ()
    "tpu.region"() ({
      %run_scoped3A = tpu.sem_alloc : memref<!tpu.dma_semaphore, #tpu.memory_space<semaphore_mem>>
      %dma_start3A = arith.constant 0 : i32
      %dma_start3A_13 = arith.constant 0 : i32
      %dma_start3A_14 = tpu.memref_slice %arg4[%add3A, %dma_start3A, %dma_start3A_13] : memref<32x79x128xi32, #tpu.memory_space<hbm>> -> memref<1x79x128xi32, #tpu.memory_space<hbm>>
      %dma_start3A_15 = tpu.memref_squeeze %dma_start3A_14 : memref<1x79x128xi32, #tpu.memory_space<hbm>> -> memref<79x128xi32, #tpu.memory_space<hbm>>
      %dma_start3A_16 = arith.constant 0 : i32
      %dma_start3A_17 = arith.constant 0 : i32
      %dma_start3A_18 = tpu.memref_slice %arg4[%add3A, %dma_start3A_16, %dma_start3A_17] : memref<32x79x128xi32, #tpu.memory_space<hbm>> -> memref<1x79x128xi32, #tpu.memory_space<hbm>>
      %dma_start3A_19 = tpu.memref_squeeze %dma_start3A_18 : memref<1x79x128xi32, #tpu.memory_space<hbm>> -> memref<79x128xi32, #tpu.memory_space<hbm>>
      tpu.enqueue_dma source(%dma_start3A_19 : memref<79x128xi32, #tpu.memory_space<hbm>>) target(%arg9 : memref<79x128xi32, #tpu.memory_space<vmem>>) target_semaphore(%run_scoped3A : memref<!tpu.dma_semaphore, #tpu.memory_space<semaphore_mem>>)
      %dma_wait3A = arith.constant 0 : i32
      %dma_wait3A_20 = arith.constant 0 : i32
      %dma_wait3A_21 = tpu.memref_slice %arg4[%add3A, %dma_wait3A, %dma_wait3A_20] : memref<32x79x128xi32, #tpu.memory_space<hbm>> -> memref<1x79x128xi32, #tpu.memory_space<hbm>>
      %dma_wait3A_22 = tpu.memref_squeeze %dma_wait3A_21 : memref<1x79x128xi32, #tpu.memory_space<hbm>> -> memref<79x128xi32, #tpu.memory_space<hbm>>
      %dma_wait3A_23 = arith.constant 0 : i32
      %dma_wait3A_24 = arith.constant 0 : i32
      %dma_wait3A_25 = tpu.memref_slice %arg4[%add3A, %dma_wait3A_23, %dma_wait3A_24] : memref<32x79x128xi32, #tpu.memory_space<hbm>> -> memref<1x79x128xi32, #tpu.memory_space<hbm>>
      %dma_wait3A_26 = tpu.memref_squeeze %dma_wait3A_25 : memref<1x79x128xi32, #tpu.memory_space<hbm>> -> memref<79x128xi32, #tpu.memory_space<hbm>>
      tpu.wait_dma2 semaphore(%run_scoped3A : memref<!tpu.dma_semaphore, #tpu.memory_space<semaphore_mem>>) src(%dma_wait3A_26 : memref<79x128xi32, #tpu.memory_space<hbm>>) dst(%arg9 : memref<79x128xi32, #tpu.memory_space<vmem>>)
      tpu.yield
    }) : () -> ()
    "tpu.region"() ({
      %run_scoped3A = tpu.sem_alloc : memref<!tpu.dma_semaphore, #tpu.memory_space<semaphore_mem>>
      %dma_start3A = arith.constant 0 : i32
      %dma_start3A_13 = tpu.memref_slice %arg5[%add3A, %dma_start3A] : memref<32x10112xf32, #tpu.memory_space<hbm>> -> memref<1x10112xf32, #tpu.memory_space<hbm>>
      %dma_start3A_14 = tpu.memref_squeeze %dma_start3A_13 : memref<1x10112xf32, #tpu.memory_space<hbm>> -> memref<10112xf32, #tpu.memory_space<hbm>>
      %dma_start3A_15 = arith.constant 0 : i32
      %dma_start3A_16 = tpu.memref_slice %arg5[%add3A, %dma_start3A_15] : memref<32x10112xf32, #tpu.memory_space<hbm>> -> memref<1x10112xf32, #tpu.memory_space<hbm>>
      %dma_start3A_17 = tpu.memref_squeeze %dma_start3A_16 : memref<1x10112xf32, #tpu.memory_space<hbm>> -> memref<10112xf32, #tpu.memory_space<hbm>>
      tpu.enqueue_dma source(%dma_start3A_17 : memref<10112xf32, #tpu.memory_space<hbm>>) target(%arg10 : memref<10112xf32, #tpu.memory_space<vmem>>) target_semaphore(%run_scoped3A : memref<!tpu.dma_semaphore, #tpu.memory_space<semaphore_mem>>)
      %dma_wait3A = arith.constant 0 : i32
      %dma_wait3A_18 = tpu.memref_slice %arg5[%add3A, %dma_wait3A] : memref<32x10112xf32, #tpu.memory_space<hbm>> -> memref<1x10112xf32, #tpu.memory_space<hbm>>
      %dma_wait3A_19 = tpu.memref_squeeze %dma_wait3A_18 : memref<1x10112xf32, #tpu.memory_space<hbm>> -> memref<10112xf32, #tpu.memory_space<hbm>>
      %dma_wait3A_20 = arith.constant 0 : i32
      %dma_wait3A_21 = tpu.memref_slice %arg5[%add3A, %dma_wait3A_20] : memref<32x10112xf32, #tpu.memory_space<hbm>> -> memref<1x10112xf32, #tpu.memory_space<hbm>>
      %dma_wait3A_22 = tpu.memref_squeeze %dma_wait3A_21 : memref<1x10112xf32, #tpu.memory_space<hbm>> -> memref<10112xf32, #tpu.memory_space<hbm>>
      tpu.wait_dma2 semaphore(%run_scoped3A : memref<!tpu.dma_semaphore, #tpu.memory_space<semaphore_mem>>) src(%dma_wait3A_22 : memref<10112xf32, #tpu.memory_space<hbm>>) dst(%arg10 : memref<10112xf32, #tpu.memory_space<vmem>>)
      tpu.yield
    }) : () -> ()
    %barrier3A = arith.constant 0 : index
    tpu.barrier barrier_id(%barrier3A)
    %scan3A = arith.constant 0 : i32
    %scan3A_3 = arith.constant 0 : i32
    %scan3A_4 = arith.constant 79 : i32
    %scan3A_5 = arith.addi %scan3A_3, %scan3A_4 : i32
    %scan3A_6 = arith.constant 1 : i32
    scf.for %scan3A_13 = %scan3A_3 to %scan3A_5 step %scan3A_6  : i32 {
      %dma_start3A = arith.constant 0 : i32
      %dma_start3A_14 = tpu.memref_slice %arg8[%scan3A_13, %dma_start3A] : memref<79x128xi32, #tpu.memory_space<vmem>> -> memref<1x128xi32, #tpu.memory_space<vmem>>
      %dma_start3A_15 = tpu.memref_squeeze %dma_start3A_14 : memref<1x128xi32, #tpu.memory_space<vmem>> -> memref<128xi32, #tpu.memory_space<vmem>>
      %dma_start3A_16 = arith.constant 0 : i32
      %dma_start3A_17 = arith.constant 0 : i32
      %dma_start3A_18 = tpu.memref_slice %arg2[%dma_start3A_16, %dma_start3A_17] : memref<10000x128xf32, #tpu.memory_space<hbm>> -> memref<10000x128xf32, #tpu.memory_space<hbm>>
      tpu.enqueue_indirect_dma source(%dma_start3A_18 : memref<10000x128xf32, #tpu.memory_space<hbm>>) target(%arg11 : memref<128x128xf32, #tpu.memory_space<vmem>>) offsets(%dma_start3A_15 : memref<128xi32, #tpu.memory_space<vmem>>) semaphore(%arg13 : memref<!tpu.dma_semaphore, #tpu.memory_space<semaphore_mem>>)
      %dma_wait3A = arith.constant 0 : i32
      %dma_wait3A_19 = tpu.memref_slice %arg8[%scan3A_13, %dma_wait3A] : memref<79x128xi32, #tpu.memory_space<vmem>> -> memref<1x128xi32, #tpu.memory_space<vmem>>
      %dma_wait3A_20 = tpu.memref_squeeze %dma_wait3A_19 : memref<1x128xi32, #tpu.memory_space<vmem>> -> memref<128xi32, #tpu.memory_space<vmem>>
      %dma_wait3A_21 = arith.constant 0 : i32
      %dma_wait3A_22 = arith.constant 0 : i32
      %dma_wait3A_23 = tpu.memref_slice %arg2[%dma_wait3A_21, %dma_wait3A_22] : memref<10000x128xf32, #tpu.memory_space<hbm>> -> memref<10000x128xf32, #tpu.memory_space<hbm>>
      tpu.wait_indirect_dma semaphore(%arg13 : memref<!tpu.dma_semaphore, #tpu.memory_space<semaphore_mem>>) src(%dma_wait3A_23 : memref<10000x128xf32, #tpu.memory_space<hbm>>) dst(%arg11 : memref<128x128xf32, #tpu.memory_space<vmem>>)
      %scan3A_24 = arith.constant 0 : i32
      %scan3A_25 = arith.constant 0 : i32
      %scan3A_26 = arith.constant 128 : i32
      %scan3A_27 = arith.addi %scan3A_25, %scan3A_26 : i32
      %scan3A_28 = arith.constant 1 : i32
      scf.for %scan3A_30 = %scan3A_25 to %scan3A_27 step %scan3A_28  : i32 {
        %mul3A_31 = arith.constant 128 : i32
        %mul3A_32 = arith.muli %scan3A_13, %mul3A_31 : i32
        %add3A_33 = arith.addi %mul3A_32, %scan3A_30 : i32
        %broadcast_in_dim3A = vector.broadcast %add3A_33 : i32 to vector<16xi32>
        %gather3A = tpu.vector_load_idx %arg10[%broadcast_in_dim3A] : memref<10112xf32, #tpu.memory_space<vmem>>[vector<16xi32>], vector<16xf32>,
        %get3A = arith.index_cast %scan3A_30 : i32 to index
        %get3A_34 = arith.constant 0 : index
        %get3A_35 = tpu.vector_load %arg11[%get3A, %get3A_34] {strides = array<i32>} : memref<128x128xf32, #tpu.memory_space<vmem>>, vector<16xf32>,
        %mul3A_36 = arith.mulf %get3A_35, %gather3A : vector<16xf32>
        %swap3A = arith.index_cast %scan3A_30 : i32 to index
        %swap3A_37 = arith.constant 0 : index
        %swap3A_38 = tpu.vector_load %arg11[%swap3A, %swap3A_37] {strides = array<i32>} : memref<128x128xf32, #tpu.memory_space<vmem>>, vector<16xf32>,
        tpu.vector_store %arg11[%swap3A, %swap3A_37], %mul3A_36 {strides = array<i32>} : memref<128x128xf32, #tpu.memory_space<vmem>>, vector<16xf32>,
        %get3A_39 = arith.index_cast %scan3A_30 : i32 to index
        %get3A_40 = arith.constant 16 : index
        %get3A_41 = tpu.vector_load %arg11[%get3A_39, %get3A_40] {strides = array<i32>} : memref<128x128xf32, #tpu.memory_space<vmem>>, vector<16xf32>,
        %mul3A_42 = arith.mulf %get3A_41, %gather3A : vector<16xf32>
        %swap3A_43 = arith.index_cast %scan3A_30 : i32 to index
        %swap3A_44 = arith.constant 16 : index
        %swap3A_45 = tpu.vector_load %arg11[%swap3A_43, %swap3A_44] {strides = array<i32>} : memref<128x128xf32, #tpu.memory_space<vmem>>, vector<16xf32>,
        tpu.vector_store %arg11[%swap3A_43, %swap3A_44], %mul3A_42 {strides = array<i32>} : memref<128x128xf32, #tpu.memory_space<vmem>>, vector<16xf32>,
        %get3A_46 = arith.index_cast %scan3A_30 : i32 to index
        %get3A_47 = arith.constant 32 : index
        %get3A_48 = tpu.vector_load %arg11[%get3A_46, %get3A_47] {strides = array<i32>} : memref<128x128xf32, #tpu.memory_space<vmem>>, vector<16xf32>,
        %mul3A_49 = arith.mulf %get3A_48, %gather3A : vector<16xf32>
        %swap3A_50 = arith.index_cast %scan3A_30 : i32 to index
        %swap3A_51 = arith.constant 32 : index
        %swap3A_52 = tpu.vector_load %arg11[%swap3A_50, %swap3A_51] {strides = array<i32>} : memref<128x128xf32, #tpu.memory_space<vmem>>, vector<16xf32>,
        tpu.vector_store %arg11[%swap3A_50, %swap3A_51], %mul3A_49 {strides = array<i32>} : memref<128x128xf32, #tpu.memory_space<vmem>>, vector<16xf32>,
        %get3A_53 = arith.index_cast %scan3A_30 : i32 to index
        %get3A_54 = arith.constant 48 : index
        %get3A_55 = tpu.vector_load %arg11[%get3A_53, %get3A_54] {strides = array<i32>} : memref<128x128xf32, #tpu.memory_space<vmem>>, vector<16xf32>,
        %mul3A_56 = arith.mulf %get3A_55, %gather3A : vector<16xf32>
        %swap3A_57 = arith.index_cast %scan3A_30 : i32 to index
        %swap3A_58 = arith.constant 48 : index
        %swap3A_59 = tpu.vector_load %arg11[%swap3A_57, %swap3A_58] {strides = array<i32>} : memref<128x128xf32, #tpu.memory_space<vmem>>, vector<16xf32>,
        tpu.vector_store %arg11[%swap3A_57, %swap3A_58], %mul3A_56 {strides = array<i32>} : memref<128x128xf32, #tpu.memory_space<vmem>>, vector<16xf32>,
        %get3A_60 = arith.index_cast %scan3A_30 : i32 to index
        %get3A_61 = arith.constant 64 : index
        %get3A_62 = tpu.vector_load %arg11[%get3A_60, %get3A_61] {strides = array<i32>} : memref<128x128xf32, #tpu.memory_space<vmem>>, vector<16xf32>,
        %mul3A_63 = arith.mulf %get3A_62, %gather3A : vector<16xf32>
        %swap3A_64 = arith.index_cast %scan3A_30 : i32 to index
        %swap3A_65 = arith.constant 64 : index
        %swap3A_66 = tpu.vector_load %arg11[%swap3A_64, %swap3A_65] {strides = array<i32>} : memref<128x128xf32, #tpu.memory_space<vmem>>, vector<16xf32>,
        tpu.vector_store %arg11[%swap3A_64, %swap3A_65], %mul3A_63 {strides = array<i32>} : memref<128x128xf32, #tpu.memory_space<vmem>>, vector<16xf32>,
        %get3A_67 = arith.index_cast %scan3A_30 : i32 to index
        %get3A_68 = arith.constant 80 : index
        %get3A_69 = tpu.vector_load %arg11[%get3A_67, %get3A_68] {strides = array<i32>} : memref<128x128xf32, #tpu.memory_space<vmem>>, vector<16xf32>,
        %mul3A_70 = arith.mulf %get3A_69, %gather3A : vector<16xf32>
        %swap3A_71 = arith.index_cast %scan3A_30 : i32 to index
        %swap3A_72 = arith.constant 80 : index
        %swap3A_73 = tpu.vector_load %arg11[%swap3A_71, %swap3A_72] {strides = array<i32>} : memref<128x128xf32, #tpu.memory_space<vmem>>, vector<16xf32>,
        tpu.vector_store %arg11[%swap3A_71, %swap3A_72], %mul3A_70 {strides = array<i32>} : memref<128x128xf32, #tpu.memory_space<vmem>>, vector<16xf32>,
        %get3A_74 = arith.index_cast %scan3A_30 : i32 to index
        %get3A_75 = arith.constant 96 : index
        %get3A_76 = tpu.vector_load %arg11[%get3A_74, %get3A_75] {strides = array<i32>} : memref<128x128xf32, #tpu.memory_space<vmem>>, vector<16xf32>,
        %mul3A_77 = arith.mulf %get3A_76, %gather3A : vector<16xf32>
        %swap3A_78 = arith.index_cast %scan3A_30 : i32 to index
        %swap3A_79 = arith.constant 96 : index
        %swap3A_80 = tpu.vector_load %arg11[%swap3A_78, %swap3A_79] {strides = array<i32>} : memref<128x128xf32, #tpu.memory_space<vmem>>, vector<16xf32>,
        tpu.vector_store %arg11[%swap3A_78, %swap3A_79], %mul3A_77 {strides = array<i32>} : memref<128x128xf32, #tpu.memory_space<vmem>>, vector<16xf32>,
        %get3A_81 = arith.index_cast %scan3A_30 : i32 to index
        %get3A_82 = arith.constant 112 : index
        %get3A_83 = tpu.vector_load %arg11[%get3A_81, %get3A_82] {strides = array<i32>} : memref<128x128xf32, #tpu.memory_space<vmem>>, vector<16xf32>,
        %mul3A_84 = arith.mulf %get3A_83, %gather3A : vector<16xf32>
        %swap3A_85 = arith.index_cast %scan3A_30 : i32 to index
        %swap3A_86 = arith.constant 112 : index
        %swap3A_87 = tpu.vector_load %arg11[%swap3A_85, %swap3A_86] {strides = array<i32>} : memref<128x128xf32, #tpu.memory_space<vmem>>, vector<16xf32>,
        tpu.vector_store %arg11[%swap3A_85, %swap3A_86], %mul3A_84 {strides = array<i32>} : memref<128x128xf32, #tpu.memory_space<vmem>>, vector<16xf32>,
      }
      %scan3A_29 = arith.constant 128 : i32
      "tpu.region"() ({
        %run_scoped3A = tpu.sem_alloc : memref<!tpu.dma_semaphore, #tpu.memory_space<semaphore_mem>>
        %dma_start3A_30 = arith.constant 0 : i32
        %dma_start3A_31 = tpu.memref_slice %arg9[%scan3A_13, %dma_start3A_30] : memref<79x128xi32, #tpu.memory_space<vmem>> -> memref<1x128xi32, #tpu.memory_space<vmem>>
        %dma_start3A_32 = tpu.memref_squeeze %dma_start3A_31 : memref<1x128xi32, #tpu.memory_space<vmem>> -> memref<128xi32, #tpu.memory_space<vmem>>
        %dma_start3A_33 = arith.constant 0 : i32
        %dma_start3A_34 = arith.constant 0 : i32
        %dma_start3A_35 = tpu.memref_slice %arg12[%dma_start3A_33, %dma_start3A_34] : memref<10240x128xf32, #tpu.memory_space<vmem_shared>> -> memref<10240x128xf32, #tpu.memory_space<vmem_shared>>
        tpu.enqueue_indirect_dma source(%arg11 : memref<128x128xf32, #tpu.memory_space<vmem>>) target(%dma_start3A_35 : memref<10240x128xf32, #tpu.memory_space<vmem_shared>>) offsets(%dma_start3A_32 : memref<128xi32, #tpu.memory_space<vmem>>) semaphore(%run_scoped3A : memref<!tpu.dma_semaphore, #tpu.memory_space<semaphore_mem>>) {add = true}
        %dma_wait3A_36 = arith.constant 0 : i32
        %dma_wait3A_37 = tpu.memref_slice %arg9[%scan3A_13, %dma_wait3A_36] : memref<79x128xi32, #tpu.memory_space<vmem>> -> memref<1x128xi32, #tpu.memory_space<vmem>>
        %dma_wait3A_38 = tpu.memref_squeeze %dma_wait3A_37 : memref<1x128xi32, #tpu.memory_space<vmem>> -> memref<128xi32, #tpu.memory_space<vmem>>
        %dma_wait3A_39 = arith.constant 0 : i32
        %dma_wait3A_40 = arith.constant 0 : i32
        %dma_wait3A_41 = tpu.memref_slice %arg12[%dma_wait3A_39, %dma_wait3A_40] : memref<10240x128xf32, #tpu.memory_space<vmem_shared>> -> memref<10240x128xf32, #tpu.memory_space<vmem_shared>>
        tpu.wait_indirect_dma semaphore(%run_scoped3A : memref<!tpu.dma_semaphore, #tpu.memory_space<semaphore_mem>>) src(%arg11 : memref<128x128xf32, #tpu.memory_space<vmem>>) dst(%dma_wait3A_41 : memref<10240x128xf32, #tpu.memory_space<vmem_shared>>)
        tpu.yield
      }) : () -> ()
    }
    %scan3A_7 = arith.constant 79 : i32
    %barrier3A_8 = arith.constant 0 : index
    tpu.barrier barrier_id(%barrier3A_8)
    %mul3A_9 = arith.constant 640 : i32
    %mul3A_10 = arith.muli %arg1, %mul3A_9 : i32
    %mul3A_11 = arith.constant 640 : i32
    %mul3A_12 = arith.muli %arg1, %mul3A_11 : i32
    "tpu.region"() ({
      %run_scoped3A = tpu.sem_alloc : memref<!tpu.dma_semaphore, #tpu.memory_space<semaphore_mem>>
      %dma_start3A = arith.constant 0 : i32
      %dma_start3A_13 = arith.constant 0 : i32
      %dma_start3A_14 = tpu.memref_slice %arg7[%arg0, %dma_start3A, %dma_start3A_13] : memref<2x10240x128xf32, #tpu.memory_space<hbm>> -> memref<1x10240x128xf32, #tpu.memory_space<hbm>>
      %dma_start3A_15 = tpu.memref_squeeze %dma_start3A_14 : memref<1x10240x128xf32, #tpu.memory_space<hbm>> -> memref<10240x128xf32, #tpu.memory_space<hbm>>
      %dma_start3A_16 = arith.constant 0 : i32
      %dma_start3A_17 = tpu.memref_slice %dma_start3A_15[%mul3A_12, %dma_start3A_16] : memref<10240x128xf32, #tpu.memory_space<hbm>> -> memref<640x128xf32, #tpu.memory_space<hbm>>
      %dma_start3A_18 = arith.constant 0 : i32
      %dma_start3A_19 = tpu.memref_slice %arg12[%mul3A_10, %dma_start3A_18] : memref<10240x128xf32, #tpu.memory_space<vmem_shared>> -> memref<640x128xf32, #tpu.memory_space<vmem_shared>>
      tpu.enqueue_dma source(%dma_start3A_19 : memref<640x128xf32, #tpu.memory_space<vmem_shared>>) target(%dma_start3A_17 : memref<640x128xf32, #tpu.memory_space<hbm>>) target_semaphore(%run_scoped3A : memref<!tpu.dma_semaphore, #tpu.memory_space<semaphore_mem>>)
      %dma_wait3A = arith.constant 0 : i32
      %dma_wait3A_20 = arith.constant 0 : i32
      %dma_wait3A_21 = tpu.memref_slice %arg7[%arg0, %dma_wait3A, %dma_wait3A_20] : memref<2x10240x128xf32, #tpu.memory_space<hbm>> -> memref<1x10240x128xf32, #tpu.memory_space<hbm>>
      %dma_wait3A_22 = tpu.memref_squeeze %dma_wait3A_21 : memref<1x10240x128xf32, #tpu.memory_space<hbm>> -> memref<10240x128xf32, #tpu.memory_space<hbm>>
      %dma_wait3A_23 = arith.constant 0 : i32
      %dma_wait3A_24 = tpu.memref_slice %dma_wait3A_22[%mul3A_12, %dma_wait3A_23] : memref<10240x128xf32, #tpu.memory_space<hbm>> -> memref<640x128xf32, #tpu.memory_space<hbm>>
      %dma_wait3A_25 = arith.constant 0 : i32
      %dma_wait3A_26 = tpu.memref_slice %arg12[%mul3A_10, %dma_wait3A_25] : memref<10240x128xf32, #tpu.memory_space<vmem_shared>> -> memref<640x128xf32, #tpu.memory_space<vmem_shared>>
      tpu.wait_dma2 semaphore(%run_scoped3A : memref<!tpu.dma_semaphore, #tpu.memory_space<semaphore_mem>>) src(%dma_wait3A_26 : memref<640x128xf32, #tpu.memory_space<vmem_shared>>) dst(%dma_wait3A_24 : memref<640x128xf32, #tpu.memory_space<hbm>>)
      tpu.yield
    }) : () -> ()
    return
  }
}

module attributes {stable_mosaic.version = 14 : i64} {
  func.func @_gi_body(%arg0: i32, %arg1: memref<1000x128xf32, #tpu.memory_space<vmem>>, %arg2: memref<384x128xf32, #tpu.memory_space<vmem>>, %arg3: memref<1x384xf32, #tpu.memory_space<vmem>>, %arg4: memref<1000x384xf32, #tpu.memory_space<vmem>>) attributes {dimension_semantics = [#tpu.dimension_semantics<arbitrary>], iteration_bounds = array<i64: 40>, scalar_prefetch = 0 : i64, scratch_operands = 0 : i64, tpu.core_type = #tpu.core_type<tc>, window_params = [{transform_indices = @transform_0, window_bounds = array<i64: 1000, 128>}, {pipeline_mode = #tpu.pipeline_mode<synchronous>, transform_indices = @transform_1, window_bounds = array<i64: 384, 128>}, {pipeline_mode = #tpu.pipeline_mode<synchronous>, transform_indices = @transform_2, window_bounds = array<i64: 1, 384>}, {transform_indices = @transform_3, window_bounds = array<i64: 1000, 384>}]} {
    %get3A = arith.constant 0 : index
    %get3A_0 = arith.constant 0 : index
    %get3A_1 = vector.load %arg1[%get3A, %get3A_0] : memref<1000x128xf32, #tpu.memory_space<vmem>>, vector<1000x128xf32>
    %get3A_2 = arith.constant 0 : index
    %get3A_3 = arith.constant 0 : index
    %get3A_4 = vector.load %arg2[%get3A_2, %get3A_3] : memref<384x128xf32, #tpu.memory_space<vmem>>, vector<384x128xf32>
    %dot_general3A = arith.constant dense<0.000000e+00> : vector<1000x384xf32>
    %dot_general3A_5 = tpu.matmul %get3A_1, %get3A_4, %dot_general3A {dimension_numbers = #tpu.dot_dimension_numbers<[1], [1], [0], [0], [0, 0, 1, 0], [], []>, transpose_lhs_hint = false} : vector<1000x128xf32>, vector<384x128xf32>, vector<1000x384xf32> -> vector<1000x384xf32>
    %get3A_6 = arith.constant 0 : index
    %get3A_7 = arith.constant 0 : index
    %get3A_8 = vector.load %arg3[%get3A_6, %get3A_7] : memref<1x384xf32, #tpu.memory_space<vmem>>, vector<1x384xf32>
    %add3A = vector.broadcast %get3A_8 : vector<1x384xf32> to vector<1000x384xf32>
    %add3A_9 = arith.addf %dot_general3A_5, %add3A : vector<1000x384xf32>
    %swap3A = arith.constant 0 : index
    %swap3A_10 = arith.constant 0 : index
    %swap3A_11 = vector.load %arg4[%swap3A, %swap3A_10] : memref<1000x384xf32, #tpu.memory_space<vmem>>, vector<1000x384xf32>
    tpu.vector_store %arg4[%swap3A, %swap3A_10], %add3A_9 {strides = array<i32>} : memref<1000x384xf32, #tpu.memory_space<vmem>>, vector<1000x384xf32>,
    return
  }
  func.func @transform_0(%arg0: i32) -> (i32, i32) {
    %c0_i32 = arith.constant 0 : i32
    %c0_i32_0 = arith.constant 0 : i32
    return %arg0, %c0_i32 : i32, i32
  }
  func.func @transform_1(%arg0: i32) -> (i32, i32) {
    %c0_i32 = arith.constant 0 : i32
    %c0_i32_0 = arith.constant 0 : i32
    %c0_i32_1 = arith.constant 0 : i32
    return %c0_i32, %c0_i32_0 : i32, i32
  }
  func.func @transform_2(%arg0: i32) -> (i32, i32) {
    %c0_i32 = arith.constant 0 : i32
    %c0_i32_0 = arith.constant 0 : i32
    %c0_i32_1 = arith.constant 0 : i32
    return %c0_i32, %c0_i32_0 : i32, i32
  }
  func.func @transform_3(%arg0: i32) -> (i32, i32) {
    %c0_i32 = arith.constant 0 : i32
    %c0_i32_0 = arith.constant 0 : i32
    return %arg0, %c0_i32 : i32, i32
  }
}

module attributes {stable_mosaic.version = 14 : i64} {
  func.func @_rsqrt_body(%arg0: i32, %arg1: memref<1000x128xf32, #tpu.memory_space<vmem>>, %arg2: memref<1000x128xf32, #tpu.memory_space<vmem>>, %arg3: memref<1000x128xf32, #tpu.memory_space<vmem>>) attributes {dimension_semantics = [#tpu.dimension_semantics<arbitrary>], iteration_bounds = array<i64: 10>, scalar_prefetch = 0 : i64, scratch_operands = 0 : i64, tpu.core_type = #tpu.core_type<tc>, window_params = [{transform_indices = @transform_0, window_bounds = array<i64: 1000, 128>}, {transform_indices = @transform_1, window_bounds = array<i64: 1000, 128>}, {transform_indices = @transform_2, window_bounds = array<i64: 1000, 128>}]} {
    %get3A = arith.constant 0 : index
    %get3A_0 = arith.constant 0 : index
    %get3A_1 = vector.load %arg1[%get3A, %get3A_0] : memref<1000x128xf32, #tpu.memory_space<vmem>>, vector<1000x128xf32>
    %add3A = arith.constant 1.000000e+00 : f32
    %add3A_2 = vector.broadcast %add3A : f32 to vector<1000x128xf32>
    %add3A_3 = arith.addf %add3A_2, %get3A_1 : vector<1000x128xf32>
    %get3A_4 = arith.constant 0 : index
    %get3A_5 = arith.constant 0 : index
    %get3A_6 = vector.load %arg2[%get3A_4, %get3A_5] : memref<1000x128xf32, #tpu.memory_space<vmem>>, vector<1000x128xf32>
    %add3A_7 = arith.addf %add3A_3, %get3A_6 : vector<1000x128xf32>
    %rsqrt3A = math.rsqrt %add3A_7 : vector<1000x128xf32>
    %slice3A = vector.extract_strided_slice %rsqrt3A {offsets = [0, 0], sizes = [1000, 1], strides = [1, 1]} : vector<1000x128xf32> to vector<1000x1xf32>
    %broadcast_in_dim3A = vector.shape_cast %slice3A : vector<1000x1xf32> to vector<1000x1xf32>
    %broadcast_in_dim3A_8 = vector.broadcast %broadcast_in_dim3A : vector<1000x1xf32> to vector<1000x128xf32>
    %swap3A = arith.constant 0 : index
    %swap3A_9 = arith.constant 0 : index
    %swap3A_10 = vector.load %arg3[%swap3A, %swap3A_9] : memref<1000x128xf32, #tpu.memory_space<vmem>>, vector<1000x128xf32>
    tpu.vector_store %arg3[%swap3A, %swap3A_9], %broadcast_in_dim3A_8 {strides = array<i32>} : memref<1000x128xf32, #tpu.memory_space<vmem>>, vector<1000x128xf32>,
    return
  }
  func.func @transform_0(%arg0: i32) -> (i32, i32) {
    %c0_i32 = arith.constant 0 : i32
    %c0_i32_0 = arith.constant 0 : i32
    return %arg0, %c0_i32 : i32, i32
  }
  func.func @transform_1(%arg0: i32) -> (i32, i32) {
    %c0_i32 = arith.constant 0 : i32
    %c0_i32_0 = arith.constant 0 : i32
    return %arg0, %c0_i32 : i32, i32
  }
  func.func @transform_2(%arg0: i32) -> (i32, i32) {
    %c0_i32 = arith.constant 0 : i32
    %c0_i32_0 = arith.constant 0 : i32
    return %arg0, %c0_i32 : i32, i32
  }
}

module attributes {stable_mosaic.version = 14 : i64} {
  func.func @_gru_body(%arg0: i32, %arg1: memref<1000x384xf32, #tpu.memory_space<vmem>>, %arg2: memref<1000x128xf32, #tpu.memory_space<vmem>>, %arg3: memref<384x128xf32, #tpu.memory_space<vmem>>, %arg4: memref<1x384xf32, #tpu.memory_space<vmem>>, %arg5: memref<128x128xf32, #tpu.memory_space<vmem>>, %arg6: memref<1000x128xf32, #tpu.memory_space<vmem>>, %arg7: memref<1000x128xf32, #tpu.memory_space<vmem>>) attributes {dimension_semantics = [#tpu.dimension_semantics<arbitrary>], iteration_bounds = array<i64: 10>, scalar_prefetch = 0 : i64, scratch_operands = 0 : i64, tpu.core_type = #tpu.core_type<tc>, window_params = [{transform_indices = @transform_0, window_bounds = array<i64: 1000, 384>}, {transform_indices = @transform_1, window_bounds = array<i64: 1000, 128>}, {pipeline_mode = #tpu.pipeline_mode<synchronous>, transform_indices = @transform_2, window_bounds = array<i64: 384, 128>}, {pipeline_mode = #tpu.pipeline_mode<synchronous>, transform_indices = @transform_3, window_bounds = array<i64: 1, 384>}, {pipeline_mode = #tpu.pipeline_mode<synchronous>, transform_indices = @transform_4, window_bounds = array<i64: 128, 128>}, {transform_indices = @transform_5, window_bounds = array<i64: 1000, 128>}, {transform_indices = @transform_6, window_bounds = array<i64: 1000, 128>}]} {
    %get3A = arith.constant 0 : index
    %get3A_0 = arith.constant 0 : index
    %get3A_1 = vector.load %arg2[%get3A, %get3A_0] : memref<1000x128xf32, #tpu.memory_space<vmem>>, vector<1000x128xf32>
    %get3A_2 = arith.constant 0 : index
    %get3A_3 = arith.constant 0 : index
    %get3A_4 = vector.load %arg3[%get3A_2, %get3A_3] : memref<384x128xf32, #tpu.memory_space<vmem>>, vector<384x128xf32>
    %dot_general3A = arith.constant dense<0.000000e+00> : vector<1000x384xf32>
    %dot_general3A_5 = tpu.matmul %get3A_1, %get3A_4, %dot_general3A {dimension_numbers = #tpu.dot_dimension_numbers<[1], [1], [0], [0], [0, 0, 1, 0], [], []>, transpose_lhs_hint = false} : vector<1000x128xf32>, vector<384x128xf32>, vector<1000x384xf32> -> vector<1000x384xf32>
    %get3A_6 = arith.constant 0 : index
    %get3A_7 = arith.constant 0 : index
    %get3A_8 = vector.load %arg4[%get3A_6, %get3A_7] : memref<1x384xf32, #tpu.memory_space<vmem>>, vector<1x384xf32>
    %add3A = vector.broadcast %get3A_8 : vector<1x384xf32> to vector<1000x384xf32>
    %add3A_9 = arith.addf %dot_general3A_5, %add3A : vector<1000x384xf32>
    %get3A_10 = arith.constant 0 : index
    %get3A_11 = arith.constant 0 : index
    %get3A_12 = vector.load %arg1[%get3A_10, %get3A_11] : memref<1000x384xf32, #tpu.memory_space<vmem>>, vector<1000x384xf32>
    %slice3A = vector.extract_strided_slice %get3A_12 {offsets = [0, 0], sizes = [1000, 128], strides = [1, 1]} : vector<1000x384xf32> to vector<1000x128xf32>
    %slice3A_13 = vector.extract_strided_slice %add3A_9 {offsets = [0, 0], sizes = [1000, 128], strides = [1, 1]} : vector<1000x384xf32> to vector<1000x128xf32>
    %add3A_14 = arith.addf %slice3A, %slice3A_13 : vector<1000x128xf32>
    %logistic3A = arith.negf %add3A_14 : vector<1000x128xf32>
    %logistic3A_15 = math.exp %logistic3A : vector<1000x128xf32>
    %logistic3A_16 = arith.constant 1.000000e+00 : f32
    %logistic3A_17 = vector.broadcast %logistic3A_16 : f32 to vector<1000x128xf32>
    %logistic3A_18 = arith.addf %logistic3A_17, %logistic3A_15 : vector<1000x128xf32>
    %logistic3A_19 = arith.divf %logistic3A_17, %logistic3A_18 : vector<1000x128xf32>
    %slice3A_20 = vector.extract_strided_slice %get3A_12 {offsets = [0, 128], sizes = [1000, 128], strides = [1, 1]} : vector<1000x384xf32> to vector<1000x128xf32>
    %slice3A_21 = vector.extract_strided_slice %add3A_9 {offsets = [0, 128], sizes = [1000, 128], strides = [1, 1]} : vector<1000x384xf32> to vector<1000x128xf32>
    %add3A_22 = arith.addf %slice3A_20, %slice3A_21 : vector<1000x128xf32>
    %logistic3A_23 = arith.negf %add3A_22 : vector<1000x128xf32>
    %logistic3A_24 = math.exp %logistic3A_23 : vector<1000x128xf32>
    %logistic3A_25 = arith.constant 1.000000e+00 : f32
    %logistic3A_26 = vector.broadcast %logistic3A_25 : f32 to vector<1000x128xf32>
    %logistic3A_27 = arith.addf %logistic3A_26, %logistic3A_24 : vector<1000x128xf32>
    %logistic3A_28 = arith.divf %logistic3A_26, %logistic3A_27 : vector<1000x128xf32>
    %slice3A_29 = vector.extract_strided_slice %get3A_12 {offsets = [0, 256], sizes = [1000, 128], strides = [1, 1]} : vector<1000x384xf32> to vector<1000x128xf32>
    %slice3A_30 = vector.extract_strided_slice %add3A_9 {offsets = [0, 256], sizes = [1000, 128], strides = [1, 1]} : vector<1000x384xf32> to vector<1000x128xf32>
    %mul3A = arith.mulf %logistic3A_19, %slice3A_30 : vector<1000x128xf32>
    %add3A_31 = arith.addf %slice3A_29, %mul3A : vector<1000x128xf32>
    %tanh3A = math.tanh %add3A_31 : vector<1000x128xf32>
    %sub3A = arith.constant 1.000000e+00 : f32
    %sub3A_32 = vector.broadcast %sub3A : f32 to vector<1000x128xf32>
    %sub3A_33 = arith.subf %sub3A_32, %logistic3A_28 : vector<1000x128xf32>
    %mul3A_34 = arith.mulf %sub3A_33, %tanh3A : vector<1000x128xf32>
    %mul3A_35 = arith.mulf %logistic3A_28, %get3A_1 : vector<1000x128xf32>
    %add3A_36 = arith.addf %mul3A_34, %mul3A_35 : vector<1000x128xf32>
    %get3A_37 = arith.constant 0 : index
    %get3A_38 = arith.constant 0 : index
    %get3A_39 = vector.load %arg5[%get3A_37, %get3A_38] : memref<128x128xf32, #tpu.memory_space<vmem>>, vector<128x128xf32>
    %dot_general3A_40 = arith.constant dense<0.000000e+00> : vector<1000x128xf32>
    %dot_general3A_41 = tpu.matmul %add3A_36, %get3A_39, %dot_general3A_40 {dimension_numbers = #tpu.dot_dimension_numbers<[1], [0], [0], [1], [0, 0, 1, 1], [], []>, transpose_lhs_hint = false} : vector<1000x128xf32>, vector<128x128xf32>, vector<1000x128xf32> -> vector<1000x128xf32>
    %get3A_42 = arith.constant 0 : index
    %get3A_43 = arith.constant 0 : index
    %get3A_44 = vector.load %arg6[%get3A_42, %get3A_43] : memref<1000x128xf32, #tpu.memory_space<vmem>>, vector<1000x128xf32>
    %mul3A_45 = arith.mulf %dot_general3A_41, %get3A_44 : vector<1000x128xf32>
    %swap3A = arith.constant 0 : index
    %swap3A_46 = arith.constant 0 : index
    %swap3A_47 = vector.load %arg7[%swap3A, %swap3A_46] : memref<1000x128xf32, #tpu.memory_space<vmem>>, vector<1000x128xf32>
    tpu.vector_store %arg7[%swap3A, %swap3A_46], %mul3A_45 {strides = array<i32>} : memref<1000x128xf32, #tpu.memory_space<vmem>>, vector<1000x128xf32>,
    return
  }
  func.func @transform_0(%arg0: i32) -> (i32, i32) {
    %c0_i32 = arith.constant 0 : i32
    %c0_i32_0 = arith.constant 0 : i32
    return %arg0, %c0_i32 : i32, i32
  }
  func.func @transform_1(%arg0: i32) -> (i32, i32) {
    %c0_i32 = arith.constant 0 : i32
    %c0_i32_0 = arith.constant 0 : i32
    return %arg0, %c0_i32 : i32, i32
  }
  func.func @transform_2(%arg0: i32) -> (i32, i32) {
    %c0_i32 = arith.constant 0 : i32
    %c0_i32_0 = arith.constant 0 : i32
    %c0_i32_1 = arith.constant 0 : i32
    return %c0_i32, %c0_i32_0 : i32, i32
  }
  func.func @transform_3(%arg0: i32) -> (i32, i32) {
    %c0_i32 = arith.constant 0 : i32
    %c0_i32_0 = arith.constant 0 : i32
    %c0_i32_1 = arith.constant 0 : i32
    return %c0_i32, %c0_i32_0 : i32, i32
  }
  func.func @transform_4(%arg0: i32) -> (i32, i32) {
    %c0_i32 = arith.constant 0 : i32
    %c0_i32_0 = arith.constant 0 : i32
    %c0_i32_1 = arith.constant 0 : i32
    return %c0_i32, %c0_i32_0 : i32, i32
  }
  func.func @transform_5(%arg0: i32) -> (i32, i32) {
    %c0_i32 = arith.constant 0 : i32
    %c0_i32_0 = arith.constant 0 : i32
    return %arg0, %c0_i32 : i32, i32
  }
  func.func @transform_6(%arg0: i32) -> (i32, i32) {
    %c0_i32 = arith.constant 0 : i32
    %c0_i32_0 = arith.constant 0 : i32
    return %arg0, %c0_i32 : i32, i32
  }
}

module attributes {stable_mosaic.version = 14 : i64} {
  func.func @_post_body(%arg0: i32, %arg1: memref<1000x128xf32, #tpu.memory_space<vmem>>, %arg2: memref<1000x128xf32, #tpu.memory_space<vmem>>, %arg3: memref<1000x128xf32, #tpu.memory_space<vmem>>, %arg4: memref<1000x128xf32, #tpu.memory_space<vmem>>, %arg5: memref<1x128xf32, #tpu.memory_space<vmem>>, %arg6: memref<128x128xf32, #tpu.memory_space<vmem>>, %arg7: memref<1000x128xf32, #tpu.memory_space<vmem>>) attributes {dimension_semantics = [#tpu.dimension_semantics<arbitrary>], iteration_bounds = array<i64: 10>, scalar_prefetch = 0 : i64, scratch_operands = 0 : i64, tpu.core_type = #tpu.core_type<tc>, window_params = [{transform_indices = @transform_0, window_bounds = array<i64: 1000, 128>}, {transform_indices = @transform_1, window_bounds = array<i64: 1000, 128>}, {transform_indices = @transform_2, window_bounds = array<i64: 1000, 128>}, {transform_indices = @transform_3, window_bounds = array<i64: 1000, 128>}, {pipeline_mode = #tpu.pipeline_mode<synchronous>, transform_indices = @transform_4, window_bounds = array<i64: 1, 128>}, {pipeline_mode = #tpu.pipeline_mode<synchronous>, transform_indices = @transform_5, window_bounds = array<i64: 128, 128>}, {transform_indices = @transform_6, window_bounds = array<i64: 1000, 128>}]} {
    %get3A = arith.constant 0 : index
    %get3A_0 = arith.constant 0 : index
    %get3A_1 = vector.load %arg4[%get3A, %get3A_0] : memref<1000x128xf32, #tpu.memory_space<vmem>>, vector<1000x128xf32>
    %get3A_2 = arith.constant 0 : index
    %get3A_3 = arith.constant 0 : index
    %get3A_4 = vector.load %arg1[%get3A_2, %get3A_3] : memref<1000x128xf32, #tpu.memory_space<vmem>>, vector<1000x128xf32>
    %get3A_5 = arith.constant 0 : index
    %get3A_6 = arith.constant 0 : index
    %get3A_7 = vector.load %arg2[%get3A_5, %get3A_6] : memref<1000x128xf32, #tpu.memory_space<vmem>>, vector<1000x128xf32>
    %add3A = arith.addf %get3A_4, %get3A_7 : vector<1000x128xf32>
    %get3A_8 = arith.constant 0 : index
    %get3A_9 = arith.constant 0 : index
    %get3A_10 = vector.load %arg3[%get3A_8, %get3A_9] : memref<1000x128xf32, #tpu.memory_space<vmem>>, vector<1000x128xf32>
    %add3A_11 = arith.addf %add3A, %get3A_10 : vector<1000x128xf32>
    %mul3A = arith.mulf %add3A_11, %get3A_1 : vector<1000x128xf32>
    %get3A_12 = arith.constant 0 : index
    %get3A_13 = arith.constant 0 : index
    %get3A_14 = vector.load %arg5[%get3A_12, %get3A_13] : memref<1x128xf32, #tpu.memory_space<vmem>>, vector<1x128xf32>
    %add3A_15 = vector.broadcast %get3A_14 : vector<1x128xf32> to vector<1000x128xf32>
    %add3A_16 = arith.addf %mul3A, %add3A_15 : vector<1000x128xf32>
    %max3A = arith.constant 0.000000e+00 : f32
    %max3A_17 = vector.broadcast %max3A : f32 to vector<1000x128xf32>
    %max3A_18 = arith.maximumf %add3A_16, %max3A_17 : vector<1000x128xf32>
    %get3A_19 = arith.constant 0 : index
    %get3A_20 = arith.constant 0 : index
    %get3A_21 = vector.load %arg6[%get3A_19, %get3A_20] : memref<128x128xf32, #tpu.memory_space<vmem>>, vector<128x128xf32>
    %dot_general3A = arith.constant dense<0.000000e+00> : vector<1000x128xf32>
    %dot_general3A_22 = tpu.matmul %max3A_18, %get3A_21, %dot_general3A {dimension_numbers = #tpu.dot_dimension_numbers<[1], [0], [0], [1], [0, 0, 1, 1], [], []>, transpose_lhs_hint = false} : vector<1000x128xf32>, vector<128x128xf32>, vector<1000x128xf32> -> vector<1000x128xf32>
    %mul3A_23 = arith.mulf %dot_general3A_22, %get3A_1 : vector<1000x128xf32>
    %swap3A = arith.constant 0 : index
    %swap3A_24 = arith.constant 0 : index
    %swap3A_25 = vector.load %arg7[%swap3A, %swap3A_24] : memref<1000x128xf32, #tpu.memory_space<vmem>>, vector<1000x128xf32>
    tpu.vector_store %arg7[%swap3A, %swap3A_24], %mul3A_23 {strides = array<i32>} : memref<1000x128xf32, #tpu.memory_space<vmem>>, vector<1000x128xf32>,
    return
  }
  func.func @transform_0(%arg0: i32) -> (i32, i32) {
    %c0_i32 = arith.constant 0 : i32
    %c0_i32_0 = arith.constant 0 : i32
    return %arg0, %c0_i32 : i32, i32
  }
  func.func @transform_1(%arg0: i32) -> (i32, i32) {
    %c0_i32 = arith.constant 0 : i32
    %c0_i32_0 = arith.constant 0 : i32
    return %arg0, %c0_i32 : i32, i32
  }
  func.func @transform_2(%arg0: i32) -> (i32, i32) {
    %c0_i32 = arith.constant 0 : i32
    %c0_i32_0 = arith.constant 0 : i32
    return %arg0, %c0_i32 : i32, i32
  }
  func.func @transform_3(%arg0: i32) -> (i32, i32) {
    %c0_i32 = arith.constant 0 : i32
    %c0_i32_0 = arith.constant 0 : i32
    return %arg0, %c0_i32 : i32, i32
  }
  func.func @transform_4(%arg0: i32) -> (i32, i32) {
    %c0_i32 = arith.constant 0 : i32
    %c0_i32_0 = arith.constant 0 : i32
    %c0_i32_1 = arith.constant 0 : i32
    return %c0_i32, %c0_i32_0 : i32, i32
  }
  func.func @transform_5(%arg0: i32) -> (i32, i32) {
    %c0_i32 = arith.constant 0 : i32
    %c0_i32_0 = arith.constant 0 : i32
    %c0_i32_1 = arith.constant 0 : i32
    return %c0_i32, %c0_i32_0 : i32, i32
  }
  func.func @transform_6(%arg0: i32) -> (i32, i32) {
    %c0_i32 = arith.constant 0 : i32
    %c0_i32_0 = arith.constant 0 : i32
    return %arg0, %c0_i32 : i32, i32
  }
}

module attributes {stable_mosaic.version = 14 : i64} {
  func.func @_final_body(%arg0: i32, %arg1: memref<1000x128xf32, #tpu.memory_space<vmem>>, %arg2: memref<1000x128xf32, #tpu.memory_space<vmem>>, %arg3: memref<1000x128xf32, #tpu.memory_space<vmem>>, %arg4: memref<1000x128xf32, #tpu.memory_space<vmem>>, %arg5: memref<1x128xf32, #tpu.memory_space<vmem>>, %arg6: memref<128x1xf32, #tpu.memory_space<vmem>>, %arg7: memref<1x1xf32, #tpu.memory_space<vmem>>, %arg8: memref<1000x128xf32, #tpu.memory_space<vmem>>, %arg9: memref<1000x1xf32, #tpu.memory_space<vmem>>) attributes {dimension_semantics = [#tpu.dimension_semantics<arbitrary>], iteration_bounds = array<i64: 10>, scalar_prefetch = 0 : i64, scratch_operands = 0 : i64, tpu.core_type = #tpu.core_type<tc>, window_params = [{transform_indices = @transform_0, window_bounds = array<i64: 1000, 128>}, {transform_indices = @transform_1, window_bounds = array<i64: 1000, 128>}, {transform_indices = @transform_2, window_bounds = array<i64: 1000, 128>}, {transform_indices = @transform_3, window_bounds = array<i64: 1000, 128>}, {pipeline_mode = #tpu.pipeline_mode<synchronous>, transform_indices = @transform_4, window_bounds = array<i64: 1, 128>}, {pipeline_mode = #tpu.pipeline_mode<synchronous>, transform_indices = @transform_5, window_bounds = array<i64: 128, 1>}, {pipeline_mode = #tpu.pipeline_mode<synchronous>, transform_indices = @transform_6, window_bounds = array<i64: 1, 1>}, {transform_indices = @transform_7, window_bounds = array<i64: 1000, 128>}, {transform_indices = @transform_8, window_bounds = array<i64: 1000, 1>}]} {
    %get3A = arith.constant 0 : index
    %get3A_0 = arith.constant 0 : index
    %get3A_1 = vector.load %arg1[%get3A, %get3A_0] : memref<1000x128xf32, #tpu.memory_space<vmem>>, vector<1000x128xf32>
    %get3A_2 = arith.constant 0 : index
    %get3A_3 = arith.constant 0 : index
    %get3A_4 = vector.load %arg2[%get3A_2, %get3A_3] : memref<1000x128xf32, #tpu.memory_space<vmem>>, vector<1000x128xf32>
    %add3A = arith.addf %get3A_1, %get3A_4 : vector<1000x128xf32>
    %get3A_5 = arith.constant 0 : index
    %get3A_6 = arith.constant 0 : index
    %get3A_7 = vector.load %arg3[%get3A_5, %get3A_6] : memref<1000x128xf32, #tpu.memory_space<vmem>>, vector<1000x128xf32>
    %add3A_8 = arith.addf %add3A, %get3A_7 : vector<1000x128xf32>
    %get3A_9 = arith.constant 0 : index
    %get3A_10 = arith.constant 0 : index
    %get3A_11 = vector.load %arg4[%get3A_9, %get3A_10] : memref<1000x128xf32, #tpu.memory_space<vmem>>, vector<1000x128xf32>
    %mul3A = arith.mulf %add3A_8, %get3A_11 : vector<1000x128xf32>
    %get3A_12 = arith.constant 0 : index
    %get3A_13 = arith.constant 0 : index
    %get3A_14 = vector.load %arg5[%get3A_12, %get3A_13] : memref<1x128xf32, #tpu.memory_space<vmem>>, vector<1x128xf32>
    %add3A_15 = vector.broadcast %get3A_14 : vector<1x128xf32> to vector<1000x128xf32>
    %add3A_16 = arith.addf %mul3A, %add3A_15 : vector<1000x128xf32>
    %max3A = arith.constant 0.000000e+00 : f32
    %max3A_17 = vector.broadcast %max3A : f32 to vector<1000x128xf32>
    %max3A_18 = arith.maximumf %add3A_16, %max3A_17 : vector<1000x128xf32>
    %swap3A = arith.constant 0 : index
    %swap3A_19 = arith.constant 0 : index
    %swap3A_20 = vector.load %arg8[%swap3A, %swap3A_19] : memref<1000x128xf32, #tpu.memory_space<vmem>>, vector<1000x128xf32>
    tpu.vector_store %arg8[%swap3A, %swap3A_19], %max3A_18 {strides = array<i32>} : memref<1000x128xf32, #tpu.memory_space<vmem>>, vector<1000x128xf32>,
    %get3A_21 = arith.constant 0 : index
    %get3A_22 = arith.constant 0 : index
    %get3A_23 = vector.load %arg6[%get3A_21, %get3A_22] : memref<128x1xf32, #tpu.memory_space<vmem>>, vector<128x1xf32>
    %dot_general3A = arith.constant dense<0.000000e+00> : vector<1000x1xf32>
    %dot_general3A_24 = tpu.matmul %max3A_18, %get3A_23, %dot_general3A {dimension_numbers = #tpu.dot_dimension_numbers<[1], [0], [0], [1], [0, 0, 1, 1], [], []>, transpose_lhs_hint = false} : vector<1000x128xf32>, vector<128x1xf32>, vector<1000x1xf32> -> vector<1000x1xf32>
    %get3A_25 = arith.constant 0 : index
    %get3A_26 = arith.constant 0 : index
    %get3A_27 = vector.load %arg7[%get3A_25, %get3A_26] : memref<1x1xf32, #tpu.memory_space<vmem>>, vector<1x1xf32>
    %add3A_28 = vector.broadcast %get3A_27 : vector<1x1xf32> to vector<1000x1xf32>
    %add3A_29 = arith.addf %dot_general3A_24, %add3A_28 : vector<1000x1xf32>
    %swap3A_30 = arith.constant 0 : index
    %swap3A_31 = arith.constant 0 : index
    %swap3A_32 = vector.load %arg9[%swap3A_30, %swap3A_31] : memref<1000x1xf32, #tpu.memory_space<vmem>>, vector<1000x1xf32>
    tpu.vector_store %arg9[%swap3A_30, %swap3A_31], %add3A_29 {strides = array<i32>} : memref<1000x1xf32, #tpu.memory_space<vmem>>, vector<1000x1xf32>,
    return
  }
  func.func @transform_0(%arg0: i32) -> (i32, i32) {
    %c0_i32 = arith.constant 0 : i32
    %c0_i32_0 = arith.constant 0 : i32
    return %arg0, %c0_i32 : i32, i32
  }
  func.func @transform_1(%arg0: i32) -> (i32, i32) {
    %c0_i32 = arith.constant 0 : i32
    %c0_i32_0 = arith.constant 0 : i32
    return %arg0, %c0_i32 : i32, i32
  }
  func.func @transform_2(%arg0: i32) -> (i32, i32) {
    %c0_i32 = arith.constant 0 : i32
    %c0_i32_0 = arith.constant 0 : i32
    return %arg0, %c0_i32 : i32, i32
  }
  func.func @transform_3(%arg0: i32) -> (i32, i32) {
    %c0_i32 = arith.constant 0 : i32
    %c0_i32_0 = arith.constant 0 : i32
    return %arg0, %c0_i32 : i32, i32
  }
  func.func @transform_4(%arg0: i32) -> (i32, i32) {
    %c0_i32 = arith.constant 0 : i32
    %c0_i32_0 = arith.constant 0 : i32
    %c0_i32_1 = arith.constant 0 : i32
    return %c0_i32, %c0_i32_0 : i32, i32
  }
  func.func @transform_5(%arg0: i32) -> (i32, i32) {
    %c0_i32 = arith.constant 0 : i32
    %c0_i32_0 = arith.constant 0 : i32
    %c0_i32_1 = arith.constant 0 : i32
    return %c0_i32, %c0_i32_0 : i32, i32
  }
  func.func @transform_6(%arg0: i32) -> (i32, i32) {
    %c0_i32 = arith.constant 0 : i32
    %c0_i32_0 = arith.constant 0 : i32
    %c0_i32_1 = arith.constant 0 : i32
    return %c0_i32, %c0_i32_0 : i32, i32
  }
  func.func @transform_7(%arg0: i32) -> (i32, i32) {
    %c0_i32 = arith.constant 0 : i32
    %c0_i32_0 = arith.constant 0 : i32
    return %arg0, %c0_i32 : i32, i32
  }
  func.func @transform_8(%arg0: i32) -> (i32, i32) {
    %c0_i32 = arith.constant 0 : i32
    %c0_i32_0 = arith.constant 0 : i32
    return %arg0, %c0_i32 : i32, i32
  }
}

module attributes {stable_mosaic.version = 14 : i64} {
  func.func @_final_body(%arg0: i32, %arg1: memref<1000x128xf32, #tpu.memory_space<vmem>>, %arg2: memref<1000x128xf32, #tpu.memory_space<vmem>>, %arg3: memref<1000x128xf32, #tpu.memory_space<vmem>>, %arg4: memref<1000x128xf32, #tpu.memory_space<vmem>>, %arg5: memref<1x128xf32, #tpu.memory_space<vmem>>, %arg6: memref<128x1xf32, #tpu.memory_space<vmem>>, %arg7: memref<1x1xf32, #tpu.memory_space<vmem>>, %arg8: memref<1000x128xf32, #tpu.memory_space<vmem>>, %arg9: memref<1000x1xf32, #tpu.memory_space<vmem>>) attributes {dimension_semantics = [#tpu.dimension_semantics<arbitrary>], iteration_bounds = array<i64: 10>, scalar_prefetch = 0 : i64, scratch_operands = 0 : i64, tpu.core_type = #tpu.core_type<tc>, window_params = [{transform_indices = @transform_0, window_bounds = array<i64: 1000, 128>}, {transform_indices = @transform_1, window_bounds = array<i64: 1000, 128>}, {transform_indices = @transform_2, window_bounds = array<i64: 1000, 128>}, {transform_indices = @transform_3, window_bounds = array<i64: 1000, 128>}, {pipeline_mode = #tpu.pipeline_mode<synchronous>, transform_indices = @transform_4, window_bounds = array<i64: 1, 128>}, {pipeline_mode = #tpu.pipeline_mode<synchronous>, transform_indices = @transform_5, window_bounds = array<i64: 128, 1>}, {pipeline_mode = #tpu.pipeline_mode<synchronous>, transform_indices = @transform_6, window_bounds = array<i64: 1, 1>}, {transform_indices = @transform_7, window_bounds = array<i64: 1000, 128>}, {transform_indices = @transform_8, window_bounds = array<i64: 1000, 1>}]} {
    %get3A = arith.constant 0 : index
    %get3A_0 = arith.constant 0 : index
    %get3A_1 = vector.load %arg1[%get3A, %get3A_0] : memref<1000x128xf32, #tpu.memory_space<vmem>>, vector<1000x128xf32>
    %get3A_2 = arith.constant 0 : index
    %get3A_3 = arith.constant 0 : index
    %get3A_4 = vector.load %arg2[%get3A_2, %get3A_3] : memref<1000x128xf32, #tpu.memory_space<vmem>>, vector<1000x128xf32>
    %add3A = arith.addf %get3A_1, %get3A_4 : vector<1000x128xf32>
    %get3A_5 = arith.constant 0 : index
    %get3A_6 = arith.constant 0 : index
    %get3A_7 = vector.load %arg3[%get3A_5, %get3A_6] : memref<1000x128xf32, #tpu.memory_space<vmem>>, vector<1000x128xf32>
    %add3A_8 = arith.addf %add3A, %get3A_7 : vector<1000x128xf32>
    %get3A_9 = arith.constant 0 : index
    %get3A_10 = arith.constant 0 : index
    %get3A_11 = vector.load %arg4[%get3A_9, %get3A_10] : memref<1000x128xf32, #tpu.memory_space<vmem>>, vector<1000x128xf32>
    %mul3A = arith.mulf %add3A_8, %get3A_11 : vector<1000x128xf32>
    %get3A_12 = arith.constant 0 : index
    %get3A_13 = arith.constant 0 : index
    %get3A_14 = vector.load %arg5[%get3A_12, %get3A_13] : memref<1x128xf32, #tpu.memory_space<vmem>>, vector<1x128xf32>
    %add3A_15 = vector.broadcast %get3A_14 : vector<1x128xf32> to vector<1000x128xf32>
    %add3A_16 = arith.addf %mul3A, %add3A_15 : vector<1000x128xf32>
    %max3A = arith.constant 0.000000e+00 : f32
    %max3A_17 = vector.broadcast %max3A : f32 to vector<1000x128xf32>
    %max3A_18 = arith.maximumf %add3A_16, %max3A_17 : vector<1000x128xf32>
    %swap3A = arith.constant 0 : index
    %swap3A_19 = arith.constant 0 : index
    %swap3A_20 = vector.load %arg8[%swap3A, %swap3A_19] : memref<1000x128xf32, #tpu.memory_space<vmem>>, vector<1000x128xf32>
    tpu.vector_store %arg8[%swap3A, %swap3A_19], %max3A_18 {strides = array<i32>} : memref<1000x128xf32, #tpu.memory_space<vmem>>, vector<1000x128xf32>,
    %get3A_21 = arith.constant 0 : index
    %get3A_22 = arith.constant 0 : index
    %get3A_23 = vector.load %arg6[%get3A_21, %get3A_22] : memref<128x1xf32, #tpu.memory_space<vmem>>, vector<128x1xf32>
    %dot_general3A = arith.constant dense<0.000000e+00> : vector<1000x1xf32>
    %dot_general3A_24 = tpu.matmul %max3A_18, %get3A_23, %dot_general3A {dimension_numbers = #tpu.dot_dimension_numbers<[1], [0], [0], [1], [0, 0, 1, 1], [], []>, transpose_lhs_hint = false} : vector<1000x128xf32>, vector<128x1xf32>, vector<1000x1xf32> -> vector<1000x1xf32>
    %get3A_25 = arith.constant 0 : index
    %get3A_26 = arith.constant 0 : index
    %get3A_27 = vector.load %arg7[%get3A_25, %get3A_26] : memref<1x1xf32, #tpu.memory_space<vmem>>, vector<1x1xf32>
    %add3A_28 = vector.broadcast %get3A_27 : vector<1x1xf32> to vector<1000x1xf32>
    %add3A_29 = arith.addf %dot_general3A_24, %add3A_28 : vector<1000x1xf32>
    %swap3A_30 = arith.constant 0 : index
    %swap3A_31 = arith.constant 0 : index
    %swap3A_32 = vector.load %arg9[%swap3A_30, %swap3A_31] : memref<1000x1xf32, #tpu.memory_space<vmem>>, vector<1000x1xf32>
    tpu.vector_store %arg9[%swap3A_30, %swap3A_31], %add3A_29 {strides = array<i32>} : memref<1000x1xf32, #tpu.memory_space<vmem>>, vector<1000x1xf32>,
    return
  }
  func.func @transform_0(%arg0: i32) -> (i32, i32) {
    %c0_i32 = arith.constant 0 : i32
    %c0_i32_0 = arith.constant 0 : i32
    return %arg0, %c0_i32 : i32, i32
  }
  func.func @transform_1(%arg0: i32) -> (i32, i32) {
    %c0_i32 = arith.constant 0 : i32
    %c0_i32_0 = arith.constant 0 : i32
    return %arg0, %c0_i32 : i32, i32
  }
  func.func @transform_2(%arg0: i32) -> (i32, i32) {
    %c0_i32 = arith.constant 0 : i32
    %c0_i32_0 = arith.constant 0 : i32
    return %arg0, %c0_i32 : i32, i32
  }
  func.func @transform_3(%arg0: i32) -> (i32, i32) {
    %c0_i32 = arith.constant 0 : i32
    %c0_i32_0 = arith.constant 0 : i32
    return %arg0, %c0_i32 : i32, i32
  }
  func.func @transform_4(%arg0: i32) -> (i32, i32) {
    %c0_i32 = arith.constant 0 : i32
    %c0_i32_0 = arith.constant 0 : i32
    %c0_i32_1 = arith.constant 0 : i32
    return %c0_i32, %c0_i32_0 : i32, i32
  }
  func.func @transform_5(%arg0: i32) -> (i32, i32) {
    %c0_i32 = arith.constant 0 : i32
    %c0_i32_0 = arith.constant 0 : i32
    %c0_i32_1 = arith.constant 0 : i32
    return %c0_i32, %c0_i32_0 : i32, i32
  }
  func.func @transform_6(%arg0: i32) -> (i32, i32) {
    %c0_i32 = arith.constant 0 : i32
    %c0_i32_0 = arith.constant 0 : i32
    %c0_i32_1 = arith.constant 0 : i32
    return %c0_i32, %c0_i32_0 : i32, i32
  }
  func.func @transform_7(%arg0: i32) -> (i32, i32) {
    %c0_i32 = arith.constant 0 : i32
    %c0_i32_0 = arith.constant 0 : i32
    return %arg0, %c0_i32 : i32, i32
  }
  func.func @transform_8(%arg0: i32) -> (i32, i32) {
    %c0_i32 = arith.constant 0 : i32
    %c0_i32_0 = arith.constant 0 : i32
    return %arg0, %c0_i32 : i32, i32
  }
}

</mosaic_0001>

<sc_bundles>
// kernel: kernel.25.cloned.1.call-start
scs
__scs_entry_jumppad:
0x0: {  	(pc) =	sbr.rel $0x88, $3  }
0x1: {  	(tag) =	ssettag $0x0;
	lr =	simm.s32 $0x1  }
0x2: {  	[smem:$0x3F96] =	sst lr;
	_ =	strace $0xD0000000  }
0x3: {  	_ = 	snop  }
0x4: {  	_ = 	snop  }
0x5: {  	_ = 	snop  }
0x6: {  	_ = 	snop  }
0x7: {  	_ = 	snop  }
__scs_overlays_trampoline_lowered:
0x8: {  	[smem:$0x3FA5] =	sst s0  }
0x9: {  	[smem:$0x3FA6] =	sst s1  }
0xa: {  	[smem:$0x3FA7] =	sst s2  }
0xb: {  	[smem:$0x3FA8] =	sst s3  }
0xc: {  	[smem:$0x3FA9] =	sst s4  }
0xd: {  	[smem:$0x3FAA] =	sst s5  }
0xe: {  	[smem:$0x3FAB] =	sst s6  }
0xf: {  	[smem:$0x3FAC] =	sst s7  }
0x10: {  	[smem:$0x3FAD] =	sst s8  }
0x11: {  	[smem:$0x3FAE] =	sst s9;
	s0 =	simm.s32 @!p0 $0x0  }
0x12: {  	s1 =	sld [smem:$0x3F94];
	s0 =	simm.s32 @p0 $0x1  }
0x13: {  	[smem:$0x3FAF] =	sst s0;
	s0 =	simm.s32 @!p1 $0x0  }
0x14: {  	s2 =	sld [smem:$0x3F93];
	s0 =	simm.s32 @p1 $0x1  }
0x15: {  	[smem:$0x3FB0] =	sst s0;
	s0 =	simm.s32 @!p2 $0x0  }
0x16: {  	s3 =	sld [smem:$0x3FDB];
	s0 =	simm.s32 @p2 $0x1  }
0x17: {  	s4 =	simm.s32 $0x1BF5;
	[smem:$0x3FB2] =	sst s0  }
0x18: {  	s0 =	sld [smem:$0x3F95];
	_ =	swait.ge [sflag:s4], $0x0  }
0x19: {  	s7 =	sld [smem:$0x3F96]  }
0x1a: {  	s8 =	sadd.s32 $0xFFFFE003, lr  }
0x1b: {  	s9 =	sadd.s32 $0xFFFFFEF7, lr;
	s5 =	simm.s32 $0xFFFFFFFF;
	p2 =	slt.u32 s8, $0xFFFFF086  }
0x1c: {  	p1 =	slt.u32 s9, $0xF7A;
	s5 =	simm.s32 @!p2 $0x0  }
0x1d: {  	s5 =	simm.s32 @p1 $0x1;
	p0 =	seq.s32 s7, s2  }
0x1e: {  	s7 =	smul.u32 @!p0 $0xF7A, s2;
	p2 =	seq.s32 @!p0 s5, $0x0  }
0x1f: {  	s9 =	smul.u32 $0xF7A, s1;
	s8 =	simm.s32 @!p0 $0x1BF5;
	p2 =	por !p2, p0  }
0x20: {  	[sflag:s8] =	ssyncset.s32 @!p0 $0xFFFFF086;
	s6 =	sadd.s32 @!p0 s3, s7;
	s7 =	simm.s32 @!p0 $0x108  }
0x21: {  	s3 =	sadd.s32 s3, s9;
	s6 =	sadd.s32 @!p0 $0x88, s6;
	s7 =	simm.s32 @p2 $0x1082  }
0x22: {  	[simem:s7], [sflag:s8] =	dma.local @!p0 [hbm:s6], $0xF7A  }
0x23: {  	s9 =	sor.u32 $0xD0000000, s2;
	s6 =	simm.s32 $0x108;
	_ =	swait.ge @!p0 [sflag:s8], $0x0  }
0x24: {  	s3 =	sadd.s32 $0x88, s3;
	s6 =	simm.s32 @!p1 $0x1082;
	[sflag:s4] =	ssyncset.s32 $0xFFFFF086  }
0x25: {  	[simem:s6], [sflag:s4] =	dma.local [hbm:s3], $0xF7A  }
0x26: {  	[smem:$0x3F96] =	sst s1;
	(tag) =	ssettag s2;
	_ =	strace s9  }
0x27: {  	s1 =	sld [smem:$0x3FA6]  }
0x28: {  	s2 =	sld [smem:$0x3FA7]  }
0x29: {  	s4 =	sld [smem:$0x3FA9]  }
0x2a: {  	p0 =	seq.s32 s5, $0x0;
	s5 =	sld [smem:$0x3FAA]  }
0x2b: {  	s6 =	sld [smem:$0x3FAB]  }
0x2c: {  	s7 =	sld [smem:$0x3FAC]  }
0x2d: {  	s3 =	simm.s32 $0x108;
	s8 =	sld [smem:$0x3FAD]  }
0x2e: {  	s3 =	simm.s32 @!p0 $0x1082;
	s9 =	sld [smem:$0x3FAE]  }
0x2f: {  	lr =	sadd.s32 s0, s3;
	s0 =	sld [smem:$0x3FA5]  }
0x30: {  	s3 =	sld [smem:$0x3FA8]  }
0x31: {  	[smem:$0x3FB1] =	sst s10  }
0x32: {  	s10 =	sld [smem:$0x3FAF];
	_ =	sdelay $0x3  }
0x33: {  	p0 =	seq.s32 s10, $0x1;
	s10 =	sld [smem:$0x3FB1];
	_ =	sdelay $0x3  }
0x34: {  	[smem:$0x3FB1] =	sst s10  }
0x35: {  	s10 =	sld [smem:$0x3FB0];
	_ =	sdelay $0x3  }
0x36: {  	p1 =	seq.s32 s10, $0x1;
	s10 =	sld [smem:$0x3FB1];
	_ =	sdelay $0x3  }
0x37: {  	[smem:$0x3FB1] =	sst s10  }
0x38: {  	s10 =	sld [smem:$0x3FB2]  }
0x39: {  	_ = 	snop;
	(pc) =	sbr.ind lr, $3  }
0x3a: {  	_ = 	snop  }
0x3b: {  	_ = 	snop  }
0x3c: {  	p2 =	seq.s32 s10, $0x1;
	s10 =	sld [smem:$0x3FB1]  }
0x3d: {  	_ =	shalt  }
0x3e: {  	_ =	shalt  }
0x3f: {  	_ =	shalt  }
0x40: {  	_ =	shalt  }
0x41: {  	_ =	shalt  }
0x42: {  	_ =	shalt  }
0x43: {  	_ =	shalt  }
0x44: {  	_ =	shalt  }
0x45: {  	_ =	shalt  }
0x46: {  	_ =	shalt  }
0x47: {  	_ =	shalt  }
0x48: {  	_ =	shalt  }
0x49: {  	_ =	shalt  }
0x4a: {  	_ =	shalt  }
0x4b: {  	_ =	shalt  }
0x4c: {  	_ =	shalt  }
0x4d: {  	_ =	shalt  }
0x4e: {  	_ =	shalt  }
0x4f: {  	_ =	shalt  }
0x50: {  	_ =	shalt  }
0x51: {  	_ =	shalt  }
0x52: {  	_ =	shalt  }
0x53: {  	_ =	shalt  }
0x54: {  	_ =	shalt  }
0x55: {  	_ =	shalt  }
0x56: {  	_ =	shalt  }
0x57: {  	_ =	shalt  }
0x58: {  	_ =	shalt  }
0x59: {  	_ =	shalt  }
0x5a: {  	_ =	shalt  }
0x5b: {  	_ =	shalt  }
0x5c: {  	_ =	shalt  }
0x5d: {  	_ =	shalt  }
0x5e: {  	_ =	shalt  }
0x5f: {  	_ =	shalt  }
0x60: {  	_ =	shalt  }
0x61: {  	_ =	shalt  }
0x62: {  	_ =	shalt  }
0x63: {  	_ =	shalt  }
0x64: {  	_ =	shalt  }
0x65: {  	_ =	shalt  }
0x66: {  	_ =	shalt  }
0x67: {  	_ =	shalt  }
0x68: {  	_ =	shalt  }
0x69: {  	_ =	shalt  }
0x6a: {  	_ =	shalt  }
0x6b: {  	_ =	shalt  }
0x6c: {  	_ =	shalt  }
0x6d: {  	_ =	shalt  }
0x6e: {  	_ =	shalt  }
0x6f: {  	_ =	shalt  }
0x70: {  	_ =	shalt  }
0x71: {  	_ =	shalt  }
0x72: {  	_ =	shalt  }
0x73: {  	_ =	shalt  }
0x74: {  	_ =	shalt  }
0x75: {  	_ =	shalt  }
0x76: {  	_ =	shalt  }
0x77: {  	_ =	shalt  }
0x78: {  	_ =	shalt  }
0x79: {  	_ =	shalt  }
0x7a: {  	_ =	shalt  }
0x7b: {  	_ =	shalt  }
0x7c: {  	_ =	shalt  }
0x7d: {  	_ =	shalt  }
0x7e: {  	_ =	shalt  }
0x7f: {  	_ =	shalt  }
0x80: {  	_ =	shalt  }
0x81: {  	_ =	shalt  }
0x82: {  	_ =	shalt  }
0x83: {  	_ =	shalt  }
0x84: {  	_ =	shalt  }
0x85: {  	_ =	shalt  }
0x86: {  	_ =	shalt  }
0x87: {  	_ =	shalt  }
.Lfunc_end0:
.L_simem_size_0:
called_computation_lowered:
.L_overlay_start_0:
0x88: {  	s2 =	sld [smem:$0x3FD9]  }
0x89: {  	s3 =	sld [smem:$0x3FFE];
	_ =	sdelay $0x1  }
0x8a: {  	s1 =	srdreg.scid  }
0x8b: {  	s0 =	sand.u32 $0x1, s1  }
0x8c: {  	s16 =	sshll.u32 s0, $0xA;
	s2 =	sadd.s32 s3, s2  }
0x8d: {  	s2 =	sadd.s32 s2, s16  }
0x8e: {  	[smem:$0x3FBD] =	sst s2  }
0x8f: {  	_ = 	snop  }
0x90: {  	(tm) =	ssettm $0x1  }
0x91: {  	s17 =	sld [smem:$0x3FFB];
	_ =	sdelay $0x3  }
0x92: {  	_ =	strace s17  }
0x93: {  	s2 =	sld [smem:$0x3FFC];
	_ =	sdelay $0x3  }
0x94: {  	_ =	strace s2  }
0x95: {  	s2 =	sld [smem:$0x3FFD];
	_ =	sdelay $0x3  }
0x96: {  	_ =	strace s2  }
0x97: {  	_ =	strace $0x8FFFFFFF  }
0x98: {  	s18 =	sld [smem:$0x3FDB];
	_ =	sdelay $0x1  }
0x99: {  	s19 =	simm.s32 $_scs_section_size  }
0x9a: {  	s4 =	simm.s32 $_size__tile_overlayer_lowered;
	s5 =	simm.s32 $_tile_overlayer_lowered  }
0x9b: {  	s22 =	simm.s32 $0x1BFF;
	s21 =	sshll.u32 s5, $0x1;
	s2 =	sadd.s32 s19, s18  }
0x9c: {  	s6 =	simm.s32 $0x0;
	s20 =	sshll.u32 s4, $0x1;
	s4 =	sadd.s32 s21, s2  }
0x9d: {  	[timem:s6], [sflag:s22] =	dma.local [hbm:s4], s20  }
0x9e: {  	_ =	swait.ge [sflag:s22], s20  }
0x9f: {  	s3 =	ssub.s32 $0x0, s20;
	[sflag:s22] =	ssyncset.done $0x0  }
0xa0: {  	[sflag:s22] =	ssyncadd.s32 s3;
	_ =	sdelay $0x1  }
0xa1: {  	s23 =	simm.s32 $0x1B8B  }
0xa2: {  	_ =	swait.ge [sflag:s23], $0x1  }
0xa3: {  	[sflag:s23] =	ssyncset.done $0x0  }
0xa4: {  	s25 =	simm.s32 $0x1B8E;
	s24 =	sld [smem:$0x3FFE];
	[sflag:s23] =	ssyncadd.s32 $0xFFFFFFFF  }
0xa5: {  	s26 =	simm.s32 $execute0_lowered;
	[smem:$0x3FD2] =	sst s25  }
0xa6: {  	s4 =	sshll.u32 s26, $0x1;
	_ =	strace $0x80000046;
	[dreg:$0x1] =	wrdreg $0xFFFFFFFF  }
0xa7: {  	s28 =	simm.s32 $_size_execute0_lowered;
	s2 =	sadd.s32 s2, s4;
	[dreg:$0x0] =	wrdreg $0x0  }
0xa8: {  	s4 =	sshll.u32 s28, $0x1;
	[dreg:$0x2] =	wrdreg s2  }
0xa9: {  	[dreg:$0x3] =	wrdreg s4  }
0xaa: {  	[dreg:$0x4] =	wrdreg $0xC0  }
0xab: {  	_ =	task [dreg:s6], $0x5FFFF  }
0xac: {  	[dreg:$0x1] =	wrdreg $0xFFFFFFFF  }
0xad: {  	[dreg:$0x0] =	wrdreg $0x60  }
0xae: {  	[dreg:$0x2] =	wrdreg s24  }
0xaf: {  	[dreg:$0x3] =	wrdreg $0xB7800  }
0xb0: {  	[dreg:$0x4] =	wrdreg $0x9  }
0xb1: {  	_ =	task.clear_ibuf [dreg:s6], $0x5FFFF;
	_ =	strace $0x90000046  }
0xb2: {  	s29 =	simm.s32 $0x9;
	_ =	strace $0x80000048  }
0xb3: {  	_ =	swait.ge [sflag:s29], $0x1  }
0xb4: {  	[sflag:s29] =	ssyncadd.s32 $0xFFFFFFFF  }
0xb5: {  	_ =	strace $0x90000048  }
0xb6: {  	_ =	sfence  }
0xb7: {  	s30 =	sld [smem:$0x0];
	_ =	sdelay $0x2  }
0xb8: {  	s31 =	sshll.u32 s1, $0xD;
	s1 =	sshrl.u32 s1, $0x2  }
0xb9: {  	s3 =	sand.u32 $0x4000, s31;
	s1 =	sadd.s32 s1, s30  }
0xba: {  	s0 =	sor.u32 s3, s0;
	s1 =	sshll.u32 s1, $0x11  }
0xbb: {  	s0 =	sor.u32 s1, s0  }
0xbc: {  	s0 =	sadd.s32 $0x8F2B, s0  }
0xbd: {  	[sflag:s0] =	ssyncadd.remote.s32 $0x1  }
0xbe: {  	_ =	sfence.sel $0xFFFF  }
0xbf: {  	[dreg:$0x0] =	wrdreg $0xFFFFFFFF;
	(pc) =	sbr.abs _section_cstart, $3  }
0xc0: {  	[dreg:$0x1] =	wrdreg $0xFFFFFFFF  }
0xc1: {  	_ =	task.clear_ibuf [dreg:s6], $0x2FFFF;
	_ =	strace $0x9FFFFFFF  }
0xc2: {  	(tm) =	ssettm $0x7FFFFFFF  }
0xc3: {  	_ =	shalt  }
tec
execute0_lowered:
.L_overlay_start_1:
0x0: {  	(tag) =	ssettag $0x1  }
0x1: {  	s1 =	srdreg.scid;
	s6 =	rddreg [dreg:$0x0]  }
0x2: {  	s0 =	stileid.u32;
	s2 =	rddreg [dreg:$0x1]  }
0x3: {  	s3 =	simm.s32 $0x0;
	s14 =	simm.s32 $0x400;
	s15 =	simm.s32 $0x5000  }
0x4: {  	s16 =	simm.s32 $0x7780;
	s5 =	sand.u32 $0x1, s1;
	s25 =	sshll.u32 s0, $0x1  }
0x5: {  	s26 =	sshrl.u32 s0, $0x2;
	s1 =	rddreg [dreg:$0x2];
	s29 =	smul.u32 $0x50000, s0  }
0x6: {  	[smem:$0x7FF] =	sst s3;
	s31 =	sshll.u32 s0, $0x6;
	s18 =	smul.u32 $0x2800, s0  }
0x7: {  	s4 =	sor.u32 s5, s25;
	s7 =	smul.u32 $0x13C00, s26;
	_ =	strace $0x80000047  }
0x8: {  	s28 =	smul.u32 $0x28000, s5;
	s5 =	ssub.s32 $0x2, s5;
	s8 =	sshll.u32 s4, $0x7  }
0x9: {  	s4 =	smul.u32 $0x500, s4;
	s30 =	sshrl.u32 s5, $0x1;
	s8 =	sand.u32 $0x380, s8  }
0xa: {  	s11 =	sadd.s32 s28, s6;
	s12 =	ssub.s32 s5, s30;
	s5 =	sor.u32 $0x1C01, s31  }
0xb: {  	s7 =	sor.u32 s7, s8;
	s9 =	sadd.s32 s4, s6;
	s4 =	sadd.s32 $0x4FA00, s6  }
0xc: {  	s17 =	sadd.s32 $0x52200, s11;
	s11 =	simm.s32 $0x1;
	s7 =	sshrl.u32 s7, $0x3  }
0xd: {  	s17 =	sadd.s32 s18, s17;
	s10 =	sadd.s32 s7, s6;
	s7 =	sshrl.u32 s29, $0x2  }
0xe: {  	s18 =	simm.s32 $0x0;
	s6 =	sadd.s32 $0xAA00, s9;
	s13 =	sadd.s32 s7, s2  }
0xf: {  	s7 =	sadd.s32 $0x14A00, s9;
	s8 =	sadd.s32 $0x1EA00, s10;
	s9 =	smax.u32 s12, $0x1  }
0x10: {  	s12 =	simm.s32 $0x2800;
	s10 =	sshrl.u32 s13, $0x3;
	s13 =	simm.s32 $0x80  }
.LBB2_1:
0x11: {  	[spmem:s10], [sflag:s5] =	dma.local [hbm:s4], $0x2800  }
0x12: {  	_ =	swait.ge [sflag:s11], $0x2800  }
0x13: {  	[sflag:s11] =	ssyncset.done $0x0  }
0x14: {  	[sflag:s11] =	ssyncadd.s32 $0xFFFFD800  }
0x15: {  	[tilespmem:s3], [sflag:$0x1] =	stream.linear.gather [hbm4b:s6+s3], $0x2780, $0x38;
	[tilespmem:$0x1F780] =	vst v63  }
0x16: {  	_ =	swait.ge [sflag:s11], $0x2780  }
0x17: {  	[sflag:s11] =	ssyncset.done $0x0  }
0x18: {  	[sflag:s11] =	ssyncadd.s32 $0xFFFFD880  }
0x19: {  	[tilespmem:s12], [sflag:$0x1] =	stream.linear.gather [hbm4b:s7+s3], $0x2780, $0x38;
	[tilespmem:$0x1F780] =	vst v63  }
0x1a: {  	_ =	swait.ge [sflag:s11], $0x2780  }
0x1b: {  	[sflag:s11] =	ssyncset.done $0x0  }
0x1c: {  	[sflag:s11] =	ssyncadd.s32 $0xFFFFD880  }
0x1d: {  	[tilespmem:s15], [sflag:$0x1] =	stream.strided.gather [hbm4b:s8+s13], $0x2780, s14, s13, $0x38;
	[tilespmem:$0x1F780] =	vst v63  }
0x1e: {  	_ =	swait.ge [sflag:s11], $0x2780  }
0x1f: {  	[sflag:s11] =	ssyncset.done $0x0  }
0x20: {  	[sflag:s11] =	ssyncadd.s32 $0xFFFFD880  }
0x21: {  	s19 =	simm.s32 $0x0;
	s20 =	simm.s32 $0x0;
	[bflag:$0x0] =	sbarrier.arrive $0xFFFF  }
.LBB2_2:
0x22: {  	s21 =	sadd.s32 $0x0, s19  }
0x23: {  	v0 =	vmov s21;
	_ =	sdelay $0x4  }
0x24: {  	v0 =	vld.idx.msk [tilespmem:v0+s15+$0x0], $0xffff;
	_ =	sdelay $0x3  }
0x25: {  	s21 =	simm.s32 $0x77C0  }
0x26: {  	[tilespmem:s21+$0xFFFFFFC0] =	vst v0  }
0x27: {  	[tilespmem:s21+$0xFFFFFFD0] =	vst v0  }
0x28: {  	s23 =	sadd.s32 $0x1, s19;
	s22 =	simm.s32 $0x2;
	[tilespmem:s21+$0xFFFFFFE0] =	vst v0  }
.LBB2_3:
0x29: {  	p0 =	sne.s32 s22, $0x7F;
	v1 =	vmov s23;
	[tilespmem:s21+$0xFFFFFFF0] =	vst v0  }
0x2a: {  	[tilespmem:s21+$0x0] =	vst v0  }
0x2b: {  	[tilespmem:s21+$0x10] =	vst v0  }
0x2c: {  	[tilespmem:s21+$0x20] =	vst v0  }
0x2d: {  	[tilespmem:s21+$0x30] =	vst v0  }
0x2e: {  	v0 =	vld.idx.msk [tilespmem:v1+s15+$0x0], $0xffff;
	_ =	sdelay $0x3  }
.Ltmp0:
0x2f: {  	(pc) =	sbr.rel @p0 .LBB2_3-.Ltmp0, $4  }
0x30: {  	s21 =	sadd.s32 $0x80, s21  }
0x31: {  	[tilespmem:s21+$0xFFFFFFC0] =	vst v0  }
0x32: {  	[tilespmem:s21+$0xFFFFFFD0] =	vst v0  }
0x33: {  	s23 =	sadd.s32 s22, s19;
	s22 =	sadd.s32 $0x1, s22;
	[tilespmem:s21+$0xFFFFFFE0] =	vst v0  }
0x34: {  	v1 =	vmov s23;
	[tilespmem:s21+$0xFFFFFFF0] =	vst v0  }
0x35: {  	[tilespmem:s21+$0x0] =	vst v0  }
0x36: {  	[tilespmem:s21+$0x10] =	vst v0  }
0x37: {  	[tilespmem:s21+$0x20] =	vst v0  }
0x38: {  	[tilespmem:s21+$0x30] =	vst v0  }
0x39: {  	v0 =	vld.idx.msk [tilespmem:v1+s15+$0x0], $0xffff;
	_ =	sdelay $0x3  }
0x3a: {  	s30 =	sadd.s32 $0x80, s21  }
0x3b: {  	[tilespmem:s30+$0xFFFFFFC0] =	vst v0  }
0x3c: {  	[tilespmem:s30+$0xFFFFFFD0] =	vst v0  }
0x3d: {  	[tilespmem:s30+$0xFFFFFFE0] =	vst v0  }
0x3e: {  	[tilespmem:s30+$0xFFFFFFF0] =	vst v0  }
0x3f: {  	[tilespmem:s30+$0x0] =	vst v0  }
0x40: {  	s22 =	sshll.u32 s20, $0x7;
	s20 =	sadd.s32 $0x1, s20;
	[tilespmem:s30+$0x10] =	vst v0  }
0x41: {  	s22 =	sand.u32 $0x3FFFFF80, s22;
	p0 =	sne.s32 s20, $0x4F;
	[tilespmem:s30+$0x20] =	vst v0  }
.Ltmp1:
0x42: {  	s31 =	sadd.s32 $0x2800, s22;
	[tilespmem:s30+$0x30] =	vst v0;
	(pc) =	sbr.rel @p0 .LBB2_2-.Ltmp1, $4  }
0x43: {  	[spmem:s2] =	stream.indirect.scatter.add.f32 [tilespmem:s16], [sflag:$0x1], $0x80, s31, s13, $0xb8;
	[tilespmem:$0x1F780] =	vst v63  }
0x44: {  	_ =	swait.ge [sflag:s11], $0x4000  }
0x45: {  	[sflag:s11] =	ssyncset.done $0x0  }
0x46: {  	s19 =	sadd.s32 $0x80, s19;
	[sflag:s11] =	ssyncadd.s32 $0xFFFFC000  }
0x47: {  	s18 =	sadd.s32 $0x1, s18  }
0x48: {  	p0 =	sne.s32 s18, s9  }
.Ltmp2:
0x49: {  	[bflag:$0x0] =	sbarrier.arrive $0xFFFF;
	(pc) =	sbr.rel @p0 .LBB2_1-.Ltmp2, $4  }
0x4a: {  	[hbm:s17], [sflag:s5] =	dma.local [spmem:s10], $0x2800  }
0x4b: {  	_ =	swait.ge [sflag:s11], $0x2800  }
0x4c: {  	[sflag:s11] =	ssyncset.done $0x0  }
0x4d: {  	[sflag:s11] =	ssyncadd.s32 $0xFFFFD800  }
0x4e: {  	_ =	sfence.sel $0x180000  }
0x4f: {  	[bflag:$0x0] =	sbarrier.arrive $0xFFFF  }
0x50: {  	p0 =	sne.s32 s0, $0x0;
	_ =	strace $0x90000047  }
0x51: {  	s0 =	sadd.s32 @!p0 $0x100000, s1;
	[bflag:$0x2] =	sbarrier.arrive $0xFFFF  }
0x52: {  	[sflag:s0] =	ssyncadd.tile.s32 @!p0 $0x1;
	_ =	shalt  }
.Lfunc_end2:
_tile_overlayer_lowered:
.L_overlay_start_2:
0x53: {  	(tag) =	ssettag $0x2  }
0x54: {  	s0 =	rddreg [dreg:$0x0];
	s2 =	stileid.u32  }
0x55: {  	s1 =	rddreg [dreg:$0x1];
	p0 =	sne.s32 s2, $0x0  }
0x56: {  	s3 =	rddreg [dreg:$0x2];
	[bflag:$0x3] =	sbarrier.arrive $0xFFFF;
	s2 =	simm.s32 @!p0 $0x1C01  }
0x57: {  	[timem:s3], [sflag:s2] =	dma.local @!p0 [hbm:s0], s1  }
0x58: {  	s0 =	simm.s32 @!p0 $0x1  }
0x59: {  	_ =	swait.ge @!p0 [sflag:s0], s1  }
0x5a: {  	s1 =	ssub.s32 @!p0 $0x0, s1;
	[sflag:s0] =	ssyncset.done @!p0 $0x0  }
0x5b: {  	[sflag:s0] =	ssyncadd.s32 @!p0 s1  }
0x5c: {  	[bflag:$0x3] =	sbarrier.arrive $0xFFFF  }
0x5d: {  	_ =	shalt  }

// kernel: kernel.28.cloned.1.call-start
scs
__scs_entry_jumppad:
0x0: {  	(pc) =	sbr.rel $0x88, $3  }
0x1: {  	(tag) =	ssettag $0x0;
	lr =	simm.s32 $0x1  }
0x2: {  	[smem:$0x3F96] =	sst lr;
	_ =	strace $0xD0000000  }
0x3: {  	_ = 	snop  }
0x4: {  	_ = 	snop  }
0x5: {  	_ = 	snop  }
0x6: {  	_ = 	snop  }
0x7: {  	_ = 	snop  }
__scs_overlays_trampoline_lowered:
0x8: {  	[smem:$0x3FA5] =	sst s0  }
0x9: {  	[smem:$0x3FA6] =	sst s1  }
0xa: {  	[smem:$0x3FA7] =	sst s2  }
0xb: {  	[smem:$0x3FA8] =	sst s3  }
0xc: {  	[smem:$0x3FA9] =	sst s4  }
0xd: {  	[smem:$0x3FAA] =	sst s5  }
0xe: {  	[smem:$0x3FAB] =	sst s6  }
0xf: {  	[smem:$0x3FAC] =	sst s7  }
0x10: {  	[smem:$0x3FAD] =	sst s8  }
0x11: {  	[smem:$0x3FAE] =	sst s9;
	s0 =	simm.s32 @!p0 $0x0  }
0x12: {  	s1 =	sld [smem:$0x3F94];
	s0 =	simm.s32 @p0 $0x1  }
0x13: {  	[smem:$0x3FAF] =	sst s0;
	s0 =	simm.s32 @!p1 $0x0  }
0x14: {  	s2 =	sld [smem:$0x3F93];
	s0 =	simm.s32 @p1 $0x1  }
0x15: {  	[smem:$0x3FB0] =	sst s0;
	s0 =	simm.s32 @!p2 $0x0  }
0x16: {  	s3 =	sld [smem:$0x3FDB];
	s0 =	simm.s32 @p2 $0x1  }
0x17: {  	s4 =	simm.s32 $0x1BF5;
	[smem:$0x3FB2] =	sst s0  }
0x18: {  	s0 =	sld [smem:$0x3F95];
	_ =	swait.ge [sflag:s4], $0x0  }
0x19: {  	s7 =	sld [smem:$0x3F96]  }
0x1a: {  	s8 =	sadd.s32 $0xFFFFE003, lr  }
0x1b: {  	s9 =	sadd.s32 $0xFFFFFEF7, lr;
	s5 =	simm.s32 $0xFFFFFFFF;
	p2 =	slt.u32 s8, $0xFFFFF086  }
0x1c: {  	p1 =	slt.u32 s9, $0xF7A;
	s5 =	simm.s32 @!p2 $0x0  }
0x1d: {  	s5 =	simm.s32 @p1 $0x1;
	p0 =	seq.s32 s7, s2  }
0x1e: {  	s7 =	smul.u32 @!p0 $0xF7A, s2;
	p2 =	seq.s32 @!p0 s5, $0x0  }
0x1f: {  	s9 =	smul.u32 $0xF7A, s1;
	s8 =	simm.s32 @!p0 $0x1BF5;
	p2 =	por !p2, p0  }
0x20: {  	[sflag:s8] =	ssyncset.s32 @!p0 $0xFFFFF086;
	s6 =	sadd.s32 @!p0 s3, s7;
	s7 =	simm.s32 @!p0 $0x108  }
0x21: {  	s3 =	sadd.s32 s3, s9;
	s6 =	sadd.s32 @!p0 $0x88, s6;
	s7 =	simm.s32 @p2 $0x1082  }
0x22: {  	[simem:s7], [sflag:s8] =	dma.local @!p0 [hbm:s6], $0xF7A  }
0x23: {  	s9 =	sor.u32 $0xD0000000, s2;
	s6 =	simm.s32 $0x108;
	_ =	swait.ge @!p0 [sflag:s8], $0x0  }
0x24: {  	s3 =	sadd.s32 $0x88, s3;
	s6 =	simm.s32 @!p1 $0x1082;
	[sflag:s4] =	ssyncset.s32 $0xFFFFF086  }
0x25: {  	[simem:s6], [sflag:s4] =	dma.local [hbm:s3], $0xF7A  }
0x26: {  	[smem:$0x3F96] =	sst s1;
	(tag) =	ssettag s2;
	_ =	strace s9  }
0x27: {  	s1 =	sld [smem:$0x3FA6]  }
0x28: {  	s2 =	sld [smem:$0x3FA7]  }
0x29: {  	s4 =	sld [smem:$0x3FA9]  }
0x2a: {  	p0 =	seq.s32 s5, $0x0;
	s5 =	sld [smem:$0x3FAA]  }
0x2b: {  	s6 =	sld [smem:$0x3FAB]  }
0x2c: {  	s7 =	sld [smem:$0x3FAC]  }
0x2d: {  	s3 =	simm.s32 $0x108;
	s8 =	sld [smem:$0x3FAD]  }
0x2e: {  	s3 =	simm.s32 @!p0 $0x1082;
	s9 =	sld [smem:$0x3FAE]  }
0x2f: {  	lr =	sadd.s32 s0, s3;
	s0 =	sld [smem:$0x3FA5]  }
0x30: {  	s3 =	sld [smem:$0x3FA8]  }
0x31: {  	[smem:$0x3FB1] =	sst s10  }
0x32: {  	s10 =	sld [smem:$0x3FAF];
	_ =	sdelay $0x3  }
0x33: {  	p0 =	seq.s32 s10, $0x1;
	s10 =	sld [smem:$0x3FB1];
	_ =	sdelay $0x3  }
0x34: {  	[smem:$0x3FB1] =	sst s10  }
0x35: {  	s10 =	sld [smem:$0x3FB0];
	_ =	sdelay $0x3  }
0x36: {  	p1 =	seq.s32 s10, $0x1;
	s10 =	sld [smem:$0x3FB1];
	_ =	sdelay $0x3  }
0x37: {  	[smem:$0x3FB1] =	sst s10  }
0x38: {  	s10 =	sld [smem:$0x3FB2]  }
0x39: {  	_ = 	snop;
	(pc) =	sbr.ind lr, $3  }
0x3a: {  	_ = 	snop  }
0x3b: {  	_ = 	snop  }
0x3c: {  	p2 =	seq.s32 s10, $0x1;
	s10 =	sld [smem:$0x3FB1]  }
0x3d: {  	_ =	shalt  }
0x3e: {  	_ =	shalt  }
0x3f: {  	_ =	shalt  }
0x40: {  	_ =	shalt  }
0x41: {  	_ =	shalt  }
0x42: {  	_ =	shalt  }
0x43: {  	_ =	shalt  }
0x44: {  	_ =	shalt  }
0x45: {  	_ =	shalt  }
0x46: {  	_ =	shalt  }
0x47: {  	_ =	shalt  }
0x48: {  	_ =	shalt  }
0x49: {  	_ =	shalt  }
0x4a: {  	_ =	shalt  }
0x4b: {  	_ =	shalt  }
0x4c: {  	_ =	shalt  }
0x4d: {  	_ =	shalt  }
0x4e: {  	_ =	shalt  }
0x4f: {  	_ =	shalt  }
0x50: {  	_ =	shalt  }
0x51: {  	_ =	shalt  }
0x52: {  	_ =	shalt  }
0x53: {  	_ =	shalt  }
0x54: {  	_ =	shalt  }
0x55: {  	_ =	shalt  }
0x56: {  	_ =	shalt  }
0x57: {  	_ =	shalt  }
0x58: {  	_ =	shalt  }
0x59: {  	_ =	shalt  }
0x5a: {  	_ =	shalt  }
0x5b: {  	_ =	shalt  }
0x5c: {  	_ =	shalt  }
0x5d: {  	_ =	shalt  }
0x5e: {  	_ =	shalt  }
0x5f: {  	_ =	shalt  }
0x60: {  	_ =	shalt  }
0x61: {  	_ =	shalt  }
0x62: {  	_ =	shalt  }
0x63: {  	_ =	shalt  }
0x64: {  	_ =	shalt  }
0x65: {  	_ =	shalt  }
0x66: {  	_ =	shalt  }
0x67: {  	_ =	shalt  }
0x68: {  	_ =	shalt  }
0x69: {  	_ =	shalt  }
0x6a: {  	_ =	shalt  }
0x6b: {  	_ =	shalt  }
0x6c: {  	_ =	shalt  }
0x6d: {  	_ =	shalt  }
0x6e: {  	_ =	shalt  }
0x6f: {  	_ =	shalt  }
0x70: {  	_ =	shalt  }
0x71: {  	_ =	shalt  }
0x72: {  	_ =	shalt  }
0x73: {  	_ =	shalt  }
0x74: {  	_ =	shalt  }
0x75: {  	_ =	shalt  }
0x76: {  	_ =	shalt  }
0x77: {  	_ =	shalt  }
0x78: {  	_ =	shalt  }
0x79: {  	_ =	shalt  }
0x7a: {  	_ =	shalt  }
0x7b: {  	_ =	shalt  }
0x7c: {  	_ =	shalt  }
0x7d: {  	_ =	shalt  }
0x7e: {  	_ =	shalt  }
0x7f: {  	_ =	shalt  }
0x80: {  	_ =	shalt  }
0x81: {  	_ =	shalt  }
0x82: {  	_ =	shalt  }
0x83: {  	_ =	shalt  }
0x84: {  	_ =	shalt  }
0x85: {  	_ =	shalt  }
0x86: {  	_ =	shalt  }
0x87: {  	_ =	shalt  }
.Lfunc_end0:
.L_simem_size_0:
called_computation.1_lowered:
.L_overlay_start_0:
0x88: {  	s2 =	sld [smem:$0x3FD9]  }
0x89: {  	s3 =	sld [smem:$0x3FFE];
	_ =	sdelay $0x1  }
0x8a: {  	s1 =	srdreg.scid  }
0x8b: {  	s0 =	sand.u32 $0x1, s1  }
0x8c: {  	s16 =	sshll.u32 s0, $0xA;
	s2 =	sadd.s32 s3, s2  }
0x8d: {  	s2 =	sadd.s32 s2, s16  }
0x8e: {  	[smem:$0x3FBD] =	sst s2  }
0x8f: {  	_ = 	snop  }
0x90: {  	(tm) =	ssettm $0x1  }
0x91: {  	s17 =	sld [smem:$0x3FFB];
	_ =	sdelay $0x3  }
0x92: {  	_ =	strace s17  }
0x93: {  	s2 =	sld [smem:$0x3FFC];
	_ =	sdelay $0x3  }
0x94: {  	_ =	strace s2  }
0x95: {  	s2 =	sld [smem:$0x3FFD];
	_ =	sdelay $0x3  }
0x96: {  	_ =	strace s2  }
0x97: {  	_ =	strace $0x8FFFFFFF  }
0x98: {  	s18 =	sld [smem:$0x3FDB];
	_ =	sdelay $0x1  }
0x99: {  	s19 =	simm.s32 $_scs_section_size  }
0x9a: {  	s4 =	simm.s32 $_size__tile_overlayer_lowered;
	s5 =	simm.s32 $_tile_overlayer_lowered  }
0x9b: {  	s22 =	simm.s32 $0x1BFF;
	s21 =	sshll.u32 s5, $0x1;
	s2 =	sadd.s32 s19, s18  }
0x9c: {  	s6 =	simm.s32 $0x0;
	s20 =	sshll.u32 s4, $0x1;
	s4 =	sadd.s32 s21, s2  }
0x9d: {  	[timem:s6], [sflag:s22] =	dma.local [hbm:s4], s20  }
0x9e: {  	_ =	swait.ge [sflag:s22], s20  }
0x9f: {  	s3 =	ssub.s32 $0x0, s20;
	[sflag:s22] =	ssyncset.done $0x0  }
0xa0: {  	[sflag:s22] =	ssyncadd.s32 s3;
	_ =	sdelay $0x1  }
0xa1: {  	s23 =	simm.s32 $0x1B8B  }
0xa2: {  	_ =	swait.ge [sflag:s23], $0x1  }
0xa3: {  	[sflag:s23] =	ssyncset.done $0x0  }
0xa4: {  	s25 =	simm.s32 $0x1B8E;
	s24 =	sld [smem:$0x3FFE];
	[sflag:s23] =	ssyncadd.s32 $0xFFFFFFFF  }
0xa5: {  	s26 =	simm.s32 $execute0_lowered;
	[smem:$0x3FD2] =	sst s25  }
0xa6: {  	s4 =	sshll.u32 s26, $0x1;
	_ =	strace $0x80000049;
	[dreg:$0x1] =	wrdreg $0xFFFFFFFF  }
0xa7: {  	s28 =	simm.s32 $_size_execute0_lowered;
	s2 =	sadd.s32 s2, s4;
	[dreg:$0x0] =	wrdreg $0x0  }
0xa8: {  	s4 =	sshll.u32 s28, $0x1;
	[dreg:$0x2] =	wrdreg s2  }
0xa9: {  	[dreg:$0x3] =	wrdreg s4  }
0xaa: {  	[dreg:$0x4] =	wrdreg $0xC0  }
0xab: {  	_ =	task [dreg:s6], $0x5FFFF  }
0xac: {  	[dreg:$0x1] =	wrdreg $0xFFFFFFFF  }
0xad: {  	[dreg:$0x0] =	wrdreg $0x60  }
0xae: {  	[dreg:$0x2] =	wrdreg s24  }
0xaf: {  	[dreg:$0x3] =	wrdreg $0xB7800  }
0xb0: {  	[dreg:$0x4] =	wrdreg $0x9  }
0xb1: {  	_ =	task.clear_ibuf [dreg:s6], $0x5FFFF;
	_ =	strace $0x90000049  }
0xb2: {  	s29 =	simm.s32 $0x9;
	_ =	strace $0x8000004B  }
0xb3: {  	_ =	swait.ge [sflag:s29], $0x1  }
0xb4: {  	[sflag:s29] =	ssyncadd.s32 $0xFFFFFFFF  }
0xb5: {  	_ =	strace $0x9000004B  }
0xb6: {  	_ =	sfence  }
0xb7: {  	s30 =	sld [smem:$0x0];
	_ =	sdelay $0x2  }
0xb8: {  	s31 =	sshll.u32 s1, $0xD;
	s1 =	sshrl.u32 s1, $0x2  }
0xb9: {  	s3 =	sand.u32 $0x4000, s31;
	s1 =	sadd.s32 s1, s30  }
0xba: {  	s0 =	sor.u32 s3, s0;
	s1 =	sshll.u32 s1, $0x11  }
0xbb: {  	s0 =	sor.u32 s1, s0  }
0xbc: {  	s0 =	sadd.s32 $0x8F2B, s0  }
0xbd: {  	[sflag:s0] =	ssyncadd.remote.s32 $0x1  }
0xbe: {  	_ =	sfence.sel $0xFFFF  }
0xbf: {  	[dreg:$0x0] =	wrdreg $0xFFFFFFFF;
	(pc) =	sbr.abs _section_cstart, $3  }
0xc0: {  	[dreg:$0x1] =	wrdreg $0xFFFFFFFF  }
0xc1: {  	_ =	task.clear_ibuf [dreg:s6], $0x2FFFF;
	_ =	strace $0x9FFFFFFF  }
0xc2: {  	(tm) =	ssettm $0x7FFFFFFF  }
0xc3: {  	_ =	shalt  }
tec
execute0_lowered:
.L_overlay_start_1:
0x0: {  	(tag) =	ssettag $0x1  }
0x1: {  	s6 =	rddreg [dreg:$0x0]  }
0x2: {  	s1 =	srdreg.scid;
	s0 =	stileid.u32  }
0x3: {  	s2 =	rddreg [dreg:$0x1];
	s14 =	simm.s32 $0x80;
	s15 =	simm.s32 $0x400  }
0x4: {  	s16 =	simm.s32 $0x5000;
	s17 =	simm.s32 $0x7780;
	s18 =	simm.s32 $0x1  }
0x5: {  	s5 =	sand.u32 $0x1, s1;
	s3 =	sshll.u32 s0, $0x1;
	s11 =	smul.u32 $0x50000, s0  }
0x6: {  	s1 =	rddreg [dreg:$0x2];
	s7 =	sshrl.u32 s0, $0x2;
	s20 =	smul.u32 $0x2800, s0  }
0x7: {  	s31 =	sshll.u32 s0, $0x6;
	s4 =	sor.u32 s5, s3;
	s7 =	smul.u32 $0x13C00, s7  }
0x8: {  	s3 =	simm.s32 $0x0;
	s26 =	smul.u32 $0x28000, s5;
	s28 =	ssub.s32 $0x2, s5  }
0x9: {  	s5 =	sadd.s32 $0x4FA00, s6;
	s8 =	sshll.u32 s4, $0x7;
	[smem:$0x7FF] =	sst s3  }
0xa: {  	s9 =	smul.u32 $0x500, s4;
	s4 =	sadd.s32 $0x52200, s6;
	s29 =	sshrl.u32 s28, $0x1  }
0xb: {  	s30 =	sshrl.u32 s11, $0x2;
	s8 =	sand.u32 $0x380, s8;
	_ =	strace $0x8000004A  }
0xc: {  	s12 =	sadd.s32 s26, s6;
	s13 =	ssub.s32 s28, s29;
	s11 =	sadd.s32 s30, s2  }
0xd: {  	s7 =	sor.u32 s7, s8;
	s25 =	sadd.s32 s9, s6;
	s19 =	sadd.s32 $0x79400, s12  }
0xe: {  	s11 =	sshrl.u32 s11, $0x3;
	s12 =	simm.s32 $0x2;
	s7 =	sshrl.u32 s7, $0x3  }
0xf: {  	s8 =	sadd.s32 $0x14A00, s25;
	s19 =	sadd.s32 s20, s19;
	s20 =	simm.s32 $0x0  }
0x10: {  	s10 =	sadd.s32 s7, s6;
	s6 =	sor.u32 $0x1C02, s31;
	s7 =	sadd.s32 $0xAA00, s25  }
0x11: {  	s9 =	sadd.s32 $0x1EA00, s10;
	s10 =	smax.u32 s13, $0x1;
	s13 =	simm.s32 $0x2800  }
.LBB2_1:
0x12: {  	[spmem:s11], [sflag:s6] =	dma.local [hbm:s5], $0x2800  }
0x13: {  	_ =	swait.ge [sflag:s12], $0x2800  }
0x14: {  	[sflag:s12] =	ssyncset.done $0x0  }
0x15: {  	[sflag:s12] =	ssyncadd.s32 $0xFFFFD800  }
0x16: {  	[tilespmem:s3], [sflag:$0x2] =	stream.linear.gather [hbm4b:s7+s3], $0x2780, $0x38;
	[tilespmem:$0x1F780] =	vst v63  }
0x17: {  	_ =	swait.ge [sflag:s12], $0x2780  }
0x18: {  	[sflag:s12] =	ssyncset.done $0x0  }
0x19: {  	[sflag:s12] =	ssyncadd.s32 $0xFFFFD880  }
0x1a: {  	[tilespmem:s13], [sflag:$0x2] =	stream.linear.gather [hbm4b:s8+s3], $0x2780, $0x38;
	[tilespmem:$0x1F780] =	vst v63  }
0x1b: {  	_ =	swait.ge [sflag:s12], $0x2780  }
0x1c: {  	[sflag:s12] =	ssyncset.done $0x0  }
0x1d: {  	[sflag:s12] =	ssyncadd.s32 $0xFFFFD880  }
0x1e: {  	[tilespmem:s16], [sflag:$0x2] =	stream.strided.gather [hbm4b:s9+s14], $0x2780, s15, s14, $0x38;
	[tilespmem:$0x1F780] =	vst v63  }
0x1f: {  	_ =	swait.ge [sflag:s12], $0x2780  }
0x20: {  	[sflag:s12] =	ssyncset.done $0x0  }
0x21: {  	[sflag:s12] =	ssyncadd.s32 $0xFFFFD880  }
0x22: {  	s21 =	simm.s32 $0x0;
	s22 =	simm.s32 $0x0;
	[bflag:$0x0] =	sbarrier.arrive $0xFFFF  }
.LBB2_2:
0x23: {  	s23 =	sshll.u32 s22, $0x7  }
0x24: {  	[tilespmem:s17], [sflag:$0x1] =	stream.indirect.gather [hbm4b:s4+s14], $0x80, s23, s14, $0xb8;
	[tilespmem:$0x1F780] =	vst v63  }
0x25: {  	s24 =	sadd.s32 $0x0, s21;
	_ =	swait.ge [sflag:s18], $0x4000  }
0x26: {  	v0 =	vmov s24;
	[sflag:s18] =	ssyncset.done $0x0  }
0x27: {  	s24 =	simm.s32 $0x77C0;
	[sflag:s18] =	ssyncadd.s32 $0xFFFFC000  }
0x28: {  	v4 =	vld [tilespmem:s24+$0x30]  }
0x29: {  	v7 =	vld [tilespmem:s24+$0x10]  }
0x2a: {  	v5 =	vld [tilespmem:s24+$0xFFFFFFC0]  }
0x2b: {  	v1 =	vld.idx.msk [tilespmem:v0+s16+$0x0], $0xffff  }
0x2c: {  	v9 =	vld [tilespmem:s24+$0xFFFFFFE0]  }
0x2d: {  	v2 =	vld [tilespmem:s24+$0x20]  }
0x2e: {  	v3 =	vld [tilespmem:s24+$0xFFFFFFD0]  }
0x2f: {  	v0 =	vld [tilespmem:s24+$0xFFFFFFF0]  }
0x30: {  	v8 =	vmul.f32 v4, v1;
	v4 =	vld [tilespmem:s24+$0x0]  }
0x31: {  	v6 =	vmul.f32 v5, v1  }
0x32: {  	s25 =	simm.s32 $0x1;
	s26 =	simm.s32 $0x77C0;
	v5 =	vmul.f32 v9, v1;
	v7 =	vmul.f32 v7, v1  }
.LBB2_3:
0x33: {  	p0 =	sne.s32 s25, $0x7F  }
0x34: {  	v3 =	vmul.f32 v3, v1;
	v2 =	vmul.f32 v2, v1;
	[tilespmem:s24+$0x30] =	vst v8;
	s26 =	sadd.s32 $0x80, s26;
	s28 =	smov.u32 s25;
	s25 =	sadd.s32 $0x1, s25  }
0x35: {  	[tilespmem:s24+$0xFFFFFFC0] =	vst v6;
	v6 =	vmul.f32 v0, v1;
	v1 =	vmul.f32 v4, v1  }
0x36: {  	s28 =	sadd.s32 s28, s21;
	[tilespmem:s24+$0x10] =	vst v7  }
0x37: {  	v4 =	vmov s28;
	[tilespmem:s24+$0xFFFFFFE0] =	vst v5  }
0x38: {  	v0 =	vld [tilespmem:s26+$0xFFFFFFF0];
	[tilespmem:s24+$0xFFFFFFF0] =	vst v6  }
0x39: {  	v5 =	vld [tilespmem:s26+$0x30];
	[tilespmem:s24+$0x0] =	vst v1  }
0x3a: {  	v7 =	vld [tilespmem:s26+$0x10];
	[tilespmem:s24+$0x20] =	vst v2  }
0x3b: {  	v6 =	vld [tilespmem:s26+$0xFFFFFFC0];
	[tilespmem:s24+$0xFFFFFFD0] =	vst v3;
	s24 =	smov.u32 s26  }
0x3c: {  	v1 =	vld.idx.msk [tilespmem:v4+s16+$0x0], $0xffff  }
0x3d: {  	v9 =	vld [tilespmem:s26+$0xFFFFFFE0]  }
0x3e: {  	v2 =	vld [tilespmem:s26+$0x20]  }
.Ltmp0:
0x3f: {  	v3 =	vld [tilespmem:s26+$0xFFFFFFD0];
	(pc) =	sbr.rel @p0 .LBB2_3-.Ltmp0, $3  }
0x40: {  	v4 =	vld [tilespmem:s26+$0x0];
	_ =	sdelay $0x1  }
0x41: {  	v6 =	vmul.f32 v6, v1;
	v8 =	vmul.f32 v5, v1  }
0x42: {  	v7 =	vmul.f32 v7, v1;
	v5 =	vmul.f32 v9, v1  }
0x43: {  	[tilespmem:s24+$0x30] =	vst v8  }
0x44: {  	[tilespmem:s24+$0xFFFFFFC0] =	vst v6  }
0x45: {  	v0 =	vmul.f32 v0, v1;
	[tilespmem:s24+$0x10] =	vst v7  }
0x46: {  	v2 =	vmul.f32 v2, v1;
	[tilespmem:s24+$0xFFFFFFE0] =	vst v5  }
0x47: {  	v63 =	vmul.f32 v3, v1;
	[tilespmem:s24+$0xFFFFFFF0] =	vst v0  }
0x48: {  	s22 =	sadd.s32 $0x1, s22;
	v4 =	vmul.f32 v4, v1;
	[tilespmem:s24+$0x20] =	vst v2  }
0x49: {  	p0 =	sne.s32 s22, $0x4F;
	[tilespmem:s24+$0xFFFFFFD0] =	vst v63  }
.Ltmp1:
0x4a: {  	s23 =	sadd.s32 $0x2800, s23;
	[tilespmem:s24+$0x0] =	vst v4;
	(pc) =	sbr.rel @p0 .LBB2_2-.Ltmp1, $4  }
0x4b: {  	[spmem:s2] =	stream.indirect.scatter.add.f32 [tilespmem:s17], [sflag:$0x2], $0x80, s23, s14, $0xb8;
	[tilespmem:$0x1F780] =	vst v63  }
0x4c: {  	_ =	swait.ge [sflag:s12], $0x4000  }
0x4d: {  	[sflag:s12] =	ssyncset.done $0x0  }
0x4e: {  	s21 =	sadd.s32 $0x80, s21;
	[sflag:s12] =	ssyncadd.s32 $0xFFFFC000  }
0x4f: {  	s20 =	sadd.s32 $0x1, s20  }
0x50: {  	p0 =	sne.s32 s20, s10  }
.Ltmp2:
0x51: {  	[bflag:$0x0] =	sbarrier.arrive $0xFFFF;
	(pc) =	sbr.rel @p0 .LBB2_1-.Ltmp2, $4  }
0x52: {  	[hbm:s19], [sflag:s6] =	dma.local [spmem:s11], $0x2800  }
0x53: {  	_ =	swait.ge [sflag:s12], $0x2800  }
0x54: {  	[sflag:s12] =	ssyncset.done $0x0  }
0x55: {  	[sflag:s12] =	ssyncadd.s32 $0xFFFFD800  }
0x56: {  	_ =	sfence.sel $0x180000  }
0x57: {  	[bflag:$0x0] =	sbarrier.arrive $0xFFFF  }
0x58: {  	p0 =	sne.s32 s0, $0x0;
	_ =	strace $0x9000004A  }
0x59: {  	s0 =	sadd.s32 @!p0 $0x100000, s1;
	[bflag:$0x2] =	sbarrier.arrive $0xFFFF  }
0x5a: {  	[sflag:s0] =	ssyncadd.tile.s32 @!p0 $0x1;
	_ =	shalt  }
.Lfunc_end2:
_tile_overlayer_lowered:
.L_overlay_start_2:
0x5b: {  	(tag) =	ssettag $0x2  }
0x5c: {  	s0 =	rddreg [dreg:$0x0];
	s2 =	stileid.u32  }
0x5d: {  	s1 =	rddreg [dreg:$0x1];
	p0 =	sne.s32 s2, $0x0  }
0x5e: {  	s3 =	rddreg [dreg:$0x2];
	[bflag:$0x3] =	sbarrier.arrive $0xFFFF;
	s2 =	simm.s32 @!p0 $0x1C02  }
0x5f: {  	[timem:s3], [sflag:s2] =	dma.local @!p0 [hbm:s0], s1  }
0x60: {  	s0 =	simm.s32 @!p0 $0x2  }
0x61: {  	_ =	swait.ge @!p0 [sflag:s0], s1  }
0x62: {  	s1 =	ssub.s32 @!p0 $0x0, s1;
	[sflag:s0] =	ssyncset.done @!p0 $0x0  }
0x63: {  	[sflag:s0] =	ssyncadd.s32 @!p0 s1  }
0x64: {  	[bflag:$0x3] =	sbarrier.arrive $0xFFFF  }
0x65: {  	_ =	shalt  }

// kernel: kernel.31.cloned.1.call-start
scs
__scs_entry_jumppad:
0x0: {  	(pc) =	sbr.rel $0x88, $3  }
0x1: {  	(tag) =	ssettag $0x0;
	lr =	simm.s32 $0x1  }
0x2: {  	[smem:$0x3F96] =	sst lr;
	_ =	strace $0xD0000000  }
0x3: {  	_ = 	snop  }
0x4: {  	_ = 	snop  }
0x5: {  	_ = 	snop  }
0x6: {  	_ = 	snop  }
0x7: {  	_ = 	snop  }
__scs_overlays_trampoline_lowered:
0x8: {  	[smem:$0x3FA5] =	sst s0  }
0x9: {  	[smem:$0x3FA6] =	sst s1  }
0xa: {  	[smem:$0x3FA7] =	sst s2  }
0xb: {  	[smem:$0x3FA8] =	sst s3  }
0xc: {  	[smem:$0x3FA9] =	sst s4  }
0xd: {  	[smem:$0x3FAA] =	sst s5  }
0xe: {  	[smem:$0x3FAB] =	sst s6  }
0xf: {  	[smem:$0x3FAC] =	sst s7  }
0x10: {  	[smem:$0x3FAD] =	sst s8  }
0x11: {  	[smem:$0x3FAE] =	sst s9;
	s0 =	simm.s32 @!p0 $0x0  }
0x12: {  	s1 =	sld [smem:$0x3F94];
	s0 =	simm.s32 @p0 $0x1  }
0x13: {  	[smem:$0x3FAF] =	sst s0;
	s0 =	simm.s32 @!p1 $0x0  }
0x14: {  	s2 =	sld [smem:$0x3F93];
	s0 =	simm.s32 @p1 $0x1  }
0x15: {  	[smem:$0x3FB0] =	sst s0;
	s0 =	simm.s32 @!p2 $0x0  }
0x16: {  	s3 =	sld [smem:$0x3FDB];
	s0 =	simm.s32 @p2 $0x1  }
0x17: {  	s4 =	simm.s32 $0x1BF5;
	[smem:$0x3FB2] =	sst s0  }
0x18: {  	s0 =	sld [smem:$0x3F95];
	_ =	swait.ge [sflag:s4], $0x0  }
0x19: {  	s7 =	sld [smem:$0x3F96]  }
0x1a: {  	s8 =	sadd.s32 $0xFFFFE003, lr  }
0x1b: {  	s9 =	sadd.s32 $0xFFFFFEF7, lr;
	s5 =	simm.s32 $0xFFFFFFFF;
	p2 =	slt.u32 s8, $0xFFFFF086  }
0x1c: {  	p1 =	slt.u32 s9, $0xF7A;
	s5 =	simm.s32 @!p2 $0x0  }
0x1d: {  	s5 =	simm.s32 @p1 $0x1;
	p0 =	seq.s32 s7, s2  }
0x1e: {  	s7 =	smul.u32 @!p0 $0xF7A, s2;
	p2 =	seq.s32 @!p0 s5, $0x0  }
0x1f: {  	s9 =	smul.u32 $0xF7A, s1;
	s8 =	simm.s32 @!p0 $0x1BF5;
	p2 =	por !p2, p0  }
0x20: {  	[sflag:s8] =	ssyncset.s32 @!p0 $0xFFFFF086;
	s6 =	sadd.s32 @!p0 s3, s7;
	s7 =	simm.s32 @!p0 $0x108  }
0x21: {  	s3 =	sadd.s32 s3, s9;
	s6 =	sadd.s32 @!p0 $0x88, s6;
	s7 =	simm.s32 @p2 $0x1082  }
0x22: {  	[simem:s7], [sflag:s8] =	dma.local @!p0 [hbm:s6], $0xF7A  }
0x23: {  	s9 =	sor.u32 $0xD0000000, s2;
	s6 =	simm.s32 $0x108;
	_ =	swait.ge @!p0 [sflag:s8], $0x0  }
0x24: {  	s3 =	sadd.s32 $0x88, s3;
	s6 =	simm.s32 @!p1 $0x1082;
	[sflag:s4] =	ssyncset.s32 $0xFFFFF086  }
0x25: {  	[simem:s6], [sflag:s4] =	dma.local [hbm:s3], $0xF7A  }
0x26: {  	[smem:$0x3F96] =	sst s1;
	(tag) =	ssettag s2;
	_ =	strace s9  }
0x27: {  	s1 =	sld [smem:$0x3FA6]  }
0x28: {  	s2 =	sld [smem:$0x3FA7]  }
0x29: {  	s4 =	sld [smem:$0x3FA9]  }
0x2a: {  	p0 =	seq.s32 s5, $0x0;
	s5 =	sld [smem:$0x3FAA]  }
0x2b: {  	s6 =	sld [smem:$0x3FAB]  }
0x2c: {  	s7 =	sld [smem:$0x3FAC]  }
0x2d: {  	s3 =	simm.s32 $0x108;
	s8 =	sld [smem:$0x3FAD]  }
0x2e: {  	s3 =	simm.s32 @!p0 $0x1082;
	s9 =	sld [smem:$0x3FAE]  }
0x2f: {  	lr =	sadd.s32 s0, s3;
	s0 =	sld [smem:$0x3FA5]  }
0x30: {  	s3 =	sld [smem:$0x3FA8]  }
0x31: {  	[smem:$0x3FB1] =	sst s10  }
0x32: {  	s10 =	sld [smem:$0x3FAF];
	_ =	sdelay $0x3  }
0x33: {  	p0 =	seq.s32 s10, $0x1;
	s10 =	sld [smem:$0x3FB1];
	_ =	sdelay $0x3  }
0x34: {  	[smem:$0x3FB1] =	sst s10  }
0x35: {  	s10 =	sld [smem:$0x3FB0];
	_ =	sdelay $0x3  }
0x36: {  	p1 =	seq.s32 s10, $0x1;
	s10 =	sld [smem:$0x3FB1];
	_ =	sdelay $0x3  }
0x37: {  	[smem:$0x3FB1] =	sst s10  }
0x38: {  	s10 =	sld [smem:$0x3FB2]  }
0x39: {  	_ = 	snop;
	(pc) =	sbr.ind lr, $3  }
0x3a: {  	_ = 	snop  }
0x3b: {  	_ = 	snop  }
0x3c: {  	p2 =	seq.s32 s10, $0x1;
	s10 =	sld [smem:$0x3FB1]  }
0x3d: {  	_ =	shalt  }
0x3e: {  	_ =	shalt  }
0x3f: {  	_ =	shalt  }
0x40: {  	_ =	shalt  }
0x41: {  	_ =	shalt  }
0x42: {  	_ =	shalt  }
0x43: {  	_ =	shalt  }
0x44: {  	_ =	shalt  }
0x45: {  	_ =	shalt  }
0x46: {  	_ =	shalt  }
0x47: {  	_ =	shalt  }
0x48: {  	_ =	shalt  }
0x49: {  	_ =	shalt  }
0x4a: {  	_ =	shalt  }
0x4b: {  	_ =	shalt  }
0x4c: {  	_ =	shalt  }
0x4d: {  	_ =	shalt  }
0x4e: {  	_ =	shalt  }
0x4f: {  	_ =	shalt  }
0x50: {  	_ =	shalt  }
0x51: {  	_ =	shalt  }
0x52: {  	_ =	shalt  }
0x53: {  	_ =	shalt  }
0x54: {  	_ =	shalt  }
0x55: {  	_ =	shalt  }
0x56: {  	_ =	shalt  }
0x57: {  	_ =	shalt  }
0x58: {  	_ =	shalt  }
0x59: {  	_ =	shalt  }
0x5a: {  	_ =	shalt  }
0x5b: {  	_ =	shalt  }
0x5c: {  	_ =	shalt  }
0x5d: {  	_ =	shalt  }
0x5e: {  	_ =	shalt  }
0x5f: {  	_ =	shalt  }
0x60: {  	_ =	shalt  }
0x61: {  	_ =	shalt  }
0x62: {  	_ =	shalt  }
0x63: {  	_ =	shalt  }
0x64: {  	_ =	shalt  }
0x65: {  	_ =	shalt  }
0x66: {  	_ =	shalt  }
0x67: {  	_ =	shalt  }
0x68: {  	_ =	shalt  }
0x69: {  	_ =	shalt  }
0x6a: {  	_ =	shalt  }
0x6b: {  	_ =	shalt  }
0x6c: {  	_ =	shalt  }
0x6d: {  	_ =	shalt  }
0x6e: {  	_ =	shalt  }
0x6f: {  	_ =	shalt  }
0x70: {  	_ =	shalt  }
0x71: {  	_ =	shalt  }
0x72: {  	_ =	shalt  }
0x73: {  	_ =	shalt  }
0x74: {  	_ =	shalt  }
0x75: {  	_ =	shalt  }
0x76: {  	_ =	shalt  }
0x77: {  	_ =	shalt  }
0x78: {  	_ =	shalt  }
0x79: {  	_ =	shalt  }
0x7a: {  	_ =	shalt  }
0x7b: {  	_ =	shalt  }
0x7c: {  	_ =	shalt  }
0x7d: {  	_ =	shalt  }
0x7e: {  	_ =	shalt  }
0x7f: {  	_ =	shalt  }
0x80: {  	_ =	shalt  }
0x81: {  	_ =	shalt  }
0x82: {  	_ =	shalt  }
0x83: {  	_ =	shalt  }
0x84: {  	_ =	shalt  }
0x85: {  	_ =	shalt  }
0x86: {  	_ =	shalt  }
0x87: {  	_ =	shalt  }
.Lfunc_end0:
.L_simem_size_0:
called_computation.2_lowered:
.L_overlay_start_0:
0x88: {  	s2 =	sld [smem:$0x3FD9]  }
0x89: {  	s3 =	sld [smem:$0x3FFE];
	_ =	sdelay $0x1  }
0x8a: {  	s1 =	srdreg.scid  }
0x8b: {  	s0 =	sand.u32 $0x1, s1  }
0x8c: {  	s16 =	sshll.u32 s0, $0xA;
	s2 =	sadd.s32 s3, s2  }
0x8d: {  	s2 =	sadd.s32 s2, s16  }
0x8e: {  	[smem:$0x3FBD] =	sst s2  }
0x8f: {  	_ = 	snop  }
0x90: {  	(tm) =	ssettm $0x1  }
0x91: {  	s17 =	sld [smem:$0x3FFB];
	_ =	sdelay $0x3  }
0x92: {  	_ =	strace s17  }
0x93: {  	s2 =	sld [smem:$0x3FFC];
	_ =	sdelay $0x3  }
0x94: {  	_ =	strace s2  }
0x95: {  	s2 =	sld [smem:$0x3FFD];
	_ =	sdelay $0x3  }
0x96: {  	_ =	strace s2  }
0x97: {  	_ =	strace $0x8FFFFFFF  }
0x98: {  	s18 =	sld [smem:$0x3FDB];
	_ =	sdelay $0x1  }
0x99: {  	s19 =	simm.s32 $_scs_section_size  }
0x9a: {  	s4 =	simm.s32 $_size__tile_overlayer_lowered;
	s5 =	simm.s32 $_tile_overlayer_lowered  }
0x9b: {  	s22 =	simm.s32 $0x1BFF;
	s21 =	sshll.u32 s5, $0x1;
	s2 =	sadd.s32 s19, s18  }
0x9c: {  	s6 =	simm.s32 $0x0;
	s20 =	sshll.u32 s4, $0x1;
	s4 =	sadd.s32 s21, s2  }
0x9d: {  	[timem:s6], [sflag:s22] =	dma.local [hbm:s4], s20  }
0x9e: {  	_ =	swait.ge [sflag:s22], s20  }
0x9f: {  	s3 =	ssub.s32 $0x0, s20;
	[sflag:s22] =	ssyncset.done $0x0  }
0xa0: {  	[sflag:s22] =	ssyncadd.s32 s3;
	_ =	sdelay $0x1  }
0xa1: {  	s23 =	simm.s32 $0x1B8B  }
0xa2: {  	_ =	swait.ge [sflag:s23], $0x1  }
0xa3: {  	[sflag:s23] =	ssyncset.done $0x0  }
0xa4: {  	s25 =	simm.s32 $0x1B8E;
	s24 =	sld [smem:$0x3FFE];
	[sflag:s23] =	ssyncadd.s32 $0xFFFFFFFF  }
0xa5: {  	s26 =	simm.s32 $execute0_lowered;
	[smem:$0x3FD2] =	sst s25  }
0xa6: {  	s4 =	sshll.u32 s26, $0x1;
	_ =	strace $0x8000004C;
	[dreg:$0x1] =	wrdreg $0xFFFFFFFF  }
0xa7: {  	s28 =	simm.s32 $_size_execute0_lowered;
	s2 =	sadd.s32 s2, s4;
	[dreg:$0x0] =	wrdreg $0x0  }
0xa8: {  	s4 =	sshll.u32 s28, $0x1;
	[dreg:$0x2] =	wrdreg s2  }
0xa9: {  	[dreg:$0x3] =	wrdreg s4  }
0xaa: {  	[dreg:$0x4] =	wrdreg $0xC0  }
0xab: {  	_ =	task [dreg:s6], $0x5FFFF  }
0xac: {  	[dreg:$0x1] =	wrdreg $0xFFFFFFFF  }
0xad: {  	[dreg:$0x0] =	wrdreg $0x60  }
0xae: {  	[dreg:$0x2] =	wrdreg s24  }
0xaf: {  	[dreg:$0x3] =	wrdreg $0xB7800  }
0xb0: {  	[dreg:$0x4] =	wrdreg $0x9  }
0xb1: {  	_ =	task.clear_ibuf [dreg:s6], $0x5FFFF;
	_ =	strace $0x9000004C  }
0xb2: {  	s29 =	simm.s32 $0x9;
	_ =	strace $0x8000004E  }
0xb3: {  	_ =	swait.ge [sflag:s29], $0x1  }
0xb4: {  	[sflag:s29] =	ssyncadd.s32 $0xFFFFFFFF  }
0xb5: {  	_ =	strace $0x9000004E  }
0xb6: {  	_ =	sfence  }
0xb7: {  	s30 =	sld [smem:$0x0];
	_ =	sdelay $0x2  }
0xb8: {  	s31 =	sshll.u32 s1, $0xD;
	s1 =	sshrl.u32 s1, $0x2  }
0xb9: {  	s3 =	sand.u32 $0x4000, s31;
	s1 =	sadd.s32 s1, s30  }
0xba: {  	s0 =	sor.u32 s3, s0;
	s1 =	sshll.u32 s1, $0x11  }
0xbb: {  	s0 =	sor.u32 s1, s0  }
0xbc: {  	s0 =	sadd.s32 $0x8F2B, s0  }
0xbd: {  	[sflag:s0] =	ssyncadd.remote.s32 $0x1  }
0xbe: {  	_ =	sfence.sel $0xFFFF  }
0xbf: {  	[dreg:$0x0] =	wrdreg $0xFFFFFFFF;
	(pc) =	sbr.abs _section_cstart, $3  }
0xc0: {  	[dreg:$0x1] =	wrdreg $0xFFFFFFFF  }
0xc1: {  	_ =	task.clear_ibuf [dreg:s6], $0x2FFFF;
	_ =	strace $0x9FFFFFFF  }
0xc2: {  	(tm) =	ssettm $0x7FFFFFFF  }
0xc3: {  	_ =	shalt  }
tec
execute0_lowered:
.L_overlay_start_1:
0x0: {  	(tag) =	ssettag $0x1  }
0x1: {  	s6 =	rddreg [dreg:$0x0]  }
0x2: {  	s1 =	srdreg.scid;
	s0 =	stileid.u32  }
0x3: {  	s2 =	rddreg [dreg:$0x1];
	s14 =	simm.s32 $0x80;
	s15 =	simm.s32 $0x400  }
0x4: {  	s16 =	simm.s32 $0x5000;
	s17 =	simm.s32 $0x7780;
	s18 =	simm.s32 $0x1  }
0x5: {  	s5 =	sand.u32 $0x1, s1;
	s3 =	sshll.u32 s0, $0x1;
	s11 =	smul.u32 $0x50000, s0  }
0x6: {  	s1 =	rddreg [dreg:$0x2];
	s7 =	sshrl.u32 s0, $0x2;
	s20 =	smul.u32 $0x2800, s0  }
0x7: {  	s31 =	sshll.u32 s0, $0x6;
	s4 =	sor.u32 s5, s3;
	s7 =	smul.u32 $0x13C00, s7  }
0x8: {  	s3 =	simm.s32 $0x0;
	s26 =	smul.u32 $0x28000, s5;
	s28 =	ssub.s32 $0x2, s5  }
0x9: {  	s5 =	sadd.s32 $0x4FA00, s6;
	s8 =	sshll.u32 s4, $0x7;
	[smem:$0x7FF] =	sst s3  }
0xa: {  	s9 =	smul.u32 $0x500, s4;
	s4 =	sadd.s32 $0x52200, s6;
	s29 =	sshrl.u32 s28, $0x1  }
0xb: {  	s30 =	sshrl.u32 s11, $0x2;
	s8 =	sand.u32 $0x380, s8;
	_ =	strace $0x8000004D  }
0xc: {  	s12 =	sadd.s32 s26, s6;
	s13 =	ssub.s32 s28, s29;
	s11 =	sadd.s32 s30, s2  }
0xd: {  	s7 =	sor.u32 s7, s8;
	s25 =	sadd.s32 s9, s6;
	s19 =	sadd.s32 $0x79400, s12  }
0xe: {  	s11 =	sshrl.u32 s11, $0x3;
	s12 =	simm.s32 $0x2;
	s7 =	sshrl.u32 s7, $0x3  }
0xf: {  	s8 =	sadd.s32 $0x14A00, s25;
	s19 =	sadd.s32 s20, s19;
	s20 =	simm.s32 $0x0  }
0x10: {  	s10 =	sadd.s32 s7, s6;
	s6 =	sor.u32 $0x1C02, s31;
	s7 =	sadd.s32 $0xAA00, s25  }
0x11: {  	s9 =	sadd.s32 $0x1EA00, s10;
	s10 =	smax.u32 s13, $0x1;
	s13 =	simm.s32 $0x2800  }
.LBB2_1:
0x12: {  	[spmem:s11], [sflag:s6] =	dma.local [hbm:s5], $0x2800  }
0x13: {  	_ =	swait.ge [sflag:s12], $0x2800  }
0x14: {  	[sflag:s12] =	ssyncset.done $0x0  }
0x15: {  	[sflag:s12] =	ssyncadd.s32 $0xFFFFD800  }
0x16: {  	[tilespmem:s3], [sflag:$0x2] =	stream.linear.gather [hbm4b:s7+s3], $0x2780, $0x38;
	[tilespmem:$0x1F780] =	vst v63  }
0x17: {  	_ =	swait.ge [sflag:s12], $0x2780  }
0x18: {  	[sflag:s12] =	ssyncset.done $0x0  }
0x19: {  	[sflag:s12] =	ssyncadd.s32 $0xFFFFD880  }
0x1a: {  	[tilespmem:s13], [sflag:$0x2] =	stream.linear.gather [hbm4b:s8+s3], $0x2780, $0x38;
	[tilespmem:$0x1F780] =	vst v63  }
0x1b: {  	_ =	swait.ge [sflag:s12], $0x2780  }
0x1c: {  	[sflag:s12] =	ssyncset.done $0x0  }
0x1d: {  	[sflag:s12] =	ssyncadd.s32 $0xFFFFD880  }
0x1e: {  	[tilespmem:s16], [sflag:$0x2] =	stream.strided.gather [hbm4b:s9+s14], $0x2780, s15, s14, $0x38;
	[tilespmem:$0x1F780] =	vst v63  }
0x1f: {  	_ =	swait.ge [sflag:s12], $0x2780  }
0x20: {  	[sflag:s12] =	ssyncset.done $0x0  }
0x21: {  	[sflag:s12] =	ssyncadd.s32 $0xFFFFD880  }
0x22: {  	s21 =	simm.s32 $0x0;
	s22 =	simm.s32 $0x0;
	[bflag:$0x0] =	sbarrier.arrive $0xFFFF  }
.LBB2_2:
0x23: {  	s23 =	sshll.u32 s22, $0x7  }
0x24: {  	[tilespmem:s17], [sflag:$0x1] =	stream.indirect.gather [hbm4b:s4+s14], $0x80, s23, s14, $0xb8;
	[tilespmem:$0x1F780] =	vst v63  }
0x25: {  	s24 =	sadd.s32 $0x0, s21;
	_ =	swait.ge [sflag:s18], $0x4000  }
0x26: {  	v0 =	vmov s24;
	[sflag:s18] =	ssyncset.done $0x0  }
0x27: {  	s24 =	simm.s32 $0x77C0;
	[sflag:s18] =	ssyncadd.s32 $0xFFFFC000  }
0x28: {  	v4 =	vld [tilespmem:s24+$0x30]  }
0x29: {  	v7 =	vld [tilespmem:s24+$0x10]  }
0x2a: {  	v5 =	vld [tilespmem:s24+$0xFFFFFFC0]  }
0x2b: {  	v1 =	vld.idx.msk [tilespmem:v0+s16+$0x0], $0xffff  }
0x2c: {  	v9 =	vld [tilespmem:s24+$0xFFFFFFE0]  }
0x2d: {  	v2 =	vld [tilespmem:s24+$0x20]  }
0x2e: {  	v3 =	vld [tilespmem:s24+$0xFFFFFFD0]  }
0x2f: {  	v0 =	vld [tilespmem:s24+$0xFFFFFFF0]  }
0x30: {  	v8 =	vmul.f32 v4, v1;
	v4 =	vld [tilespmem:s24+$0x0]  }
0x31: {  	v6 =	vmul.f32 v5, v1  }
0x32: {  	s25 =	simm.s32 $0x1;
	s26 =	simm.s32 $0x77C0;
	v5 =	vmul.f32 v9, v1;
	v7 =	vmul.f32 v7, v1  }
.LBB2_3:
0x33: {  	p0 =	sne.s32 s25, $0x7F  }
0x34: {  	v3 =	vmul.f32 v3, v1;
	v2 =	vmul.f32 v2, v1;
	[tilespmem:s24+$0x30] =	vst v8;
	s26 =	sadd.s32 $0x80, s26;
	s28 =	smov.u32 s25;
	s25 =	sadd.s32 $0x1, s25  }
0x35: {  	[tilespmem:s24+$0xFFFFFFC0] =	vst v6;
	v6 =	vmul.f32 v0, v1;
	v1 =	vmul.f32 v4, v1  }
0x36: {  	s28 =	sadd.s32 s28, s21;
	[tilespmem:s24+$0x10] =	vst v7  }
0x37: {  	v4 =	vmov s28;
	[tilespmem:s24+$0xFFFFFFE0] =	vst v5  }
0x38: {  	v0 =	vld [tilespmem:s26+$0xFFFFFFF0];
	[tilespmem:s24+$0xFFFFFFF0] =	vst v6  }
0x39: {  	v5 =	vld [tilespmem:s26+$0x30];
	[tilespmem:s24+$0x0] =	vst v1  }
0x3a: {  	v7 =	vld [tilespmem:s26+$0x10];
	[tilespmem:s24+$0x20] =	vst v2  }
0x3b: {  	v6 =	vld [tilespmem:s26+$0xFFFFFFC0];
	[tilespmem:s24+$0xFFFFFFD0] =	vst v3;
	s24 =	smov.u32 s26  }
0x3c: {  	v1 =	vld.idx.msk [tilespmem:v4+s16+$0x0], $0xffff  }
0x3d: {  	v9 =	vld [tilespmem:s26+$0xFFFFFFE0]  }
0x3e: {  	v2 =	vld [tilespmem:s26+$0x20]  }
.Ltmp0:
0x3f: {  	v3 =	vld [tilespmem:s26+$0xFFFFFFD0];
	(pc) =	sbr.rel @p0 .LBB2_3-.Ltmp0, $3  }
0x40: {  	v4 =	vld [tilespmem:s26+$0x0];
	_ =	sdelay $0x1  }
0x41: {  	v6 =	vmul.f32 v6, v1;
	v8 =	vmul.f32 v5, v1  }
0x42: {  	v7 =	vmul.f32 v7, v1;
	v5 =	vmul.f32 v9, v1  }
0x43: {  	[tilespmem:s24+$0x30] =	vst v8  }
0x44: {  	[tilespmem:s24+$0xFFFFFFC0] =	vst v6  }
0x45: {  	v0 =	vmul.f32 v0, v1;
	[tilespmem:s24+$0x10] =	vst v7  }
0x46: {  	v2 =	vmul.f32 v2, v1;
	[tilespmem:s24+$0xFFFFFFE0] =	vst v5  }
0x47: {  	v63 =	vmul.f32 v3, v1;
	[tilespmem:s24+$0xFFFFFFF0] =	vst v0  }
0x48: {  	s22 =	sadd.s32 $0x1, s22;
	v4 =	vmul.f32 v4, v1;
	[tilespmem:s24+$0x20] =	vst v2  }
0x49: {  	p0 =	sne.s32 s22, $0x4F;
	[tilespmem:s24+$0xFFFFFFD0] =	vst v63  }
.Ltmp1:
0x4a: {  	s23 =	sadd.s32 $0x2800, s23;
	[tilespmem:s24+$0x0] =	vst v4;
	(pc) =	sbr.rel @p0 .LBB2_2-.Ltmp1, $4  }
0x4b: {  	[spmem:s2] =	stream.indirect.scatter.add.f32 [tilespmem:s17], [sflag:$0x2], $0x80, s23, s14, $0xb8;
	[tilespmem:$0x1F780] =	vst v63  }
0x4c: {  	_ =	swait.ge [sflag:s12], $0x4000  }
0x4d: {  	[sflag:s12] =	ssyncset.done $0x0  }
0x4e: {  	s21 =	sadd.s32 $0x80, s21;
	[sflag:s12] =	ssyncadd.s32 $0xFFFFC000  }
0x4f: {  	s20 =	sadd.s32 $0x1, s20  }
0x50: {  	p0 =	sne.s32 s20, s10  }
.Ltmp2:
0x51: {  	[bflag:$0x0] =	sbarrier.arrive $0xFFFF;
	(pc) =	sbr.rel @p0 .LBB2_1-.Ltmp2, $4  }
0x52: {  	[hbm:s19], [sflag:s6] =	dma.local [spmem:s11], $0x2800  }
0x53: {  	_ =	swait.ge [sflag:s12], $0x2800  }
0x54: {  	[sflag:s12] =	ssyncset.done $0x0  }
0x55: {  	[sflag:s12] =	ssyncadd.s32 $0xFFFFD800  }
0x56: {  	_ =	sfence.sel $0x180000  }
0x57: {  	[bflag:$0x0] =	sbarrier.arrive $0xFFFF  }
0x58: {  	p0 =	sne.s32 s0, $0x0;
	_ =	strace $0x9000004D  }
0x59: {  	s0 =	sadd.s32 @!p0 $0x100000, s1;
	[bflag:$0x2] =	sbarrier.arrive $0xFFFF  }
0x5a: {  	[sflag:s0] =	ssyncadd.tile.s32 @!p0 $0x1;
	_ =	shalt  }
.Lfunc_end2:
_tile_overlayer_lowered:
.L_overlay_start_2:
0x5b: {  	(tag) =	ssettag $0x2  }
0x5c: {  	s0 =	rddreg [dreg:$0x0];
	s2 =	stileid.u32  }
0x5d: {  	s1 =	rddreg [dreg:$0x1];
	p0 =	sne.s32 s2, $0x0  }
0x5e: {  	s3 =	rddreg [dreg:$0x2];
	[bflag:$0x3] =	sbarrier.arrive $0xFFFF;
	s2 =	simm.s32 @!p0 $0x1C02  }
0x5f: {  	[timem:s3], [sflag:s2] =	dma.local @!p0 [hbm:s0], s1  }
0x60: {  	s0 =	simm.s32 @!p0 $0x2  }
0x61: {  	_ =	swait.ge @!p0 [sflag:s0], s1  }
0x62: {  	s1 =	ssub.s32 @!p0 $0x0, s1;
	[sflag:s0] =	ssyncset.done @!p0 $0x0  }
0x63: {  	[sflag:s0] =	ssyncadd.s32 @!p0 s1  }
0x64: {  	[bflag:$0x3] =	sbarrier.arrive $0xFFFF  }
0x65: {  	_ =	shalt  }

// kernel: kernel.34.cloned.1.call-start
scs
__scs_entry_jumppad:
0x0: {  	(pc) =	sbr.rel $0x88, $3  }
0x1: {  	(tag) =	ssettag $0x0;
	lr =	simm.s32 $0x1  }
0x2: {  	[smem:$0x3F96] =	sst lr;
	_ =	strace $0xD0000000  }
0x3: {  	_ = 	snop  }
0x4: {  	_ = 	snop  }
0x5: {  	_ = 	snop  }
0x6: {  	_ = 	snop  }
0x7: {  	_ = 	snop  }
__scs_overlays_trampoline_lowered:
0x8: {  	[smem:$0x3FA5] =	sst s0  }
0x9: {  	[smem:$0x3FA6] =	sst s1  }
0xa: {  	[smem:$0x3FA7] =	sst s2  }
0xb: {  	[smem:$0x3FA8] =	sst s3  }
0xc: {  	[smem:$0x3FA9] =	sst s4  }
0xd: {  	[smem:$0x3FAA] =	sst s5  }
0xe: {  	[smem:$0x3FAB] =	sst s6  }
0xf: {  	[smem:$0x3FAC] =	sst s7  }
0x10: {  	[smem:$0x3FAD] =	sst s8  }
0x11: {  	[smem:$0x3FAE] =	sst s9;
	s0 =	simm.s32 @!p0 $0x0  }
0x12: {  	s1 =	sld [smem:$0x3F94];
	s0 =	simm.s32 @p0 $0x1  }
0x13: {  	[smem:$0x3FAF] =	sst s0;
	s0 =	simm.s32 @!p1 $0x0  }
0x14: {  	s2 =	sld [smem:$0x3F93];
	s0 =	simm.s32 @p1 $0x1  }
0x15: {  	[smem:$0x3FB0] =	sst s0;
	s0 =	simm.s32 @!p2 $0x0  }
0x16: {  	s3 =	sld [smem:$0x3FDB];
	s0 =	simm.s32 @p2 $0x1  }
0x17: {  	s4 =	simm.s32 $0x1BF5;
	[smem:$0x3FB2] =	sst s0  }
0x18: {  	s0 =	sld [smem:$0x3F95];
	_ =	swait.ge [sflag:s4], $0x0  }
0x19: {  	s7 =	sld [smem:$0x3F96]  }
0x1a: {  	s8 =	sadd.s32 $0xFFFFE003, lr  }
0x1b: {  	s9 =	sadd.s32 $0xFFFFFEF7, lr;
	s5 =	simm.s32 $0xFFFFFFFF;
	p2 =	slt.u32 s8, $0xFFFFF086  }
0x1c: {  	p1 =	slt.u32 s9, $0xF7A;
	s5 =	simm.s32 @!p2 $0x0  }
0x1d: {  	s5 =	simm.s32 @p1 $0x1;
	p0 =	seq.s32 s7, s2  }
0x1e: {  	s7 =	smul.u32 @!p0 $0xF7A, s2;
	p2 =	seq.s32 @!p0 s5, $0x0  }
0x1f: {  	s9 =	smul.u32 $0xF7A, s1;
	s8 =	simm.s32 @!p0 $0x1BF5;
	p2 =	por !p2, p0  }
0x20: {  	[sflag:s8] =	ssyncset.s32 @!p0 $0xFFFFF086;
	s6 =	sadd.s32 @!p0 s3, s7;
	s7 =	simm.s32 @!p0 $0x108  }
0x21: {  	s3 =	sadd.s32 s3, s9;
	s6 =	sadd.s32 @!p0 $0x88, s6;
	s7 =	simm.s32 @p2 $0x1082  }
0x22: {  	[simem:s7], [sflag:s8] =	dma.local @!p0 [hbm:s6], $0xF7A  }
0x23: {  	s9 =	sor.u32 $0xD0000000, s2;
	s6 =	simm.s32 $0x108;
	_ =	swait.ge @!p0 [sflag:s8], $0x0  }
0x24: {  	s3 =	sadd.s32 $0x88, s3;
	s6 =	simm.s32 @!p1 $0x1082;
	[sflag:s4] =	ssyncset.s32 $0xFFFFF086  }
0x25: {  	[simem:s6], [sflag:s4] =	dma.local [hbm:s3], $0xF7A  }
0x26: {  	[smem:$0x3F96] =	sst s1;
	(tag) =	ssettag s2;
	_ =	strace s9  }
0x27: {  	s1 =	sld [smem:$0x3FA6]  }
0x28: {  	s2 =	sld [smem:$0x3FA7]  }
0x29: {  	s4 =	sld [smem:$0x3FA9]  }
0x2a: {  	p0 =	seq.s32 s5, $0x0;
	s5 =	sld [smem:$0x3FAA]  }
0x2b: {  	s6 =	sld [smem:$0x3FAB]  }
0x2c: {  	s7 =	sld [smem:$0x3FAC]  }
0x2d: {  	s3 =	simm.s32 $0x108;
	s8 =	sld [smem:$0x3FAD]  }
0x2e: {  	s3 =	simm.s32 @!p0 $0x1082;
	s9 =	sld [smem:$0x3FAE]  }
0x2f: {  	lr =	sadd.s32 s0, s3;
	s0 =	sld [smem:$0x3FA5]  }
0x30: {  	s3 =	sld [smem:$0x3FA8]  }
0x31: {  	[smem:$0x3FB1] =	sst s10  }
0x32: {  	s10 =	sld [smem:$0x3FAF];
	_ =	sdelay $0x3  }
0x33: {  	p0 =	seq.s32 s10, $0x1;
	s10 =	sld [smem:$0x3FB1];
	_ =	sdelay $0x3  }
0x34: {  	[smem:$0x3FB1] =	sst s10  }
0x35: {  	s10 =	sld [smem:$0x3FB0];
	_ =	sdelay $0x3  }
0x36: {  	p1 =	seq.s32 s10, $0x1;
	s10 =	sld [smem:$0x3FB1];
	_ =	sdelay $0x3  }
0x37: {  	[smem:$0x3FB1] =	sst s10  }
0x38: {  	s10 =	sld [smem:$0x3FB2]  }
0x39: {  	_ = 	snop;
	(pc) =	sbr.ind lr, $3  }
0x3a: {  	_ = 	snop  }
0x3b: {  	_ = 	snop  }
0x3c: {  	p2 =	seq.s32 s10, $0x1;
	s10 =	sld [smem:$0x3FB1]  }
0x3d: {  	_ =	shalt  }
0x3e: {  	_ =	shalt  }
0x3f: {  	_ =	shalt  }
0x40: {  	_ =	shalt  }
0x41: {  	_ =	shalt  }
0x42: {  	_ =	shalt  }
0x43: {  	_ =	shalt  }
0x44: {  	_ =	shalt  }
0x45: {  	_ =	shalt  }
0x46: {  	_ =	shalt  }
0x47: {  	_ =	shalt  }
0x48: {  	_ =	shalt  }
0x49: {  	_ =	shalt  }
0x4a: {  	_ =	shalt  }
0x4b: {  	_ =	shalt  }
0x4c: {  	_ =	shalt  }
0x4d: {  	_ =	shalt  }
0x4e: {  	_ =	shalt  }
0x4f: {  	_ =	shalt  }
0x50: {  	_ =	shalt  }
0x51: {  	_ =	shalt  }
0x52: {  	_ =	shalt  }
0x53: {  	_ =	shalt  }
0x54: {  	_ =	shalt  }
0x55: {  	_ =	shalt  }
0x56: {  	_ =	shalt  }
0x57: {  	_ =	shalt  }
0x58: {  	_ =	shalt  }
0x59: {  	_ =	shalt  }
0x5a: {  	_ =	shalt  }
0x5b: {  	_ =	shalt  }
0x5c: {  	_ =	shalt  }
0x5d: {  	_ =	shalt  }
0x5e: {  	_ =	shalt  }
0x5f: {  	_ =	shalt  }
0x60: {  	_ =	shalt  }
0x61: {  	_ =	shalt  }
0x62: {  	_ =	shalt  }
0x63: {  	_ =	shalt  }
0x64: {  	_ =	shalt  }
0x65: {  	_ =	shalt  }
0x66: {  	_ =	shalt  }
0x67: {  	_ =	shalt  }
0x68: {  	_ =	shalt  }
0x69: {  	_ =	shalt  }
0x6a: {  	_ =	shalt  }
0x6b: {  	_ =	shalt  }
0x6c: {  	_ =	shalt  }
0x6d: {  	_ =	shalt  }
0x6e: {  	_ =	shalt  }
0x6f: {  	_ =	shalt  }
0x70: {  	_ =	shalt  }
0x71: {  	_ =	shalt  }
0x72: {  	_ =	shalt  }
0x73: {  	_ =	shalt  }
0x74: {  	_ =	shalt  }
0x75: {  	_ =	shalt  }
0x76: {  	_ =	shalt  }
0x77: {  	_ =	shalt  }
0x78: {  	_ =	shalt  }
0x79: {  	_ =	shalt  }
0x7a: {  	_ =	shalt  }
0x7b: {  	_ =	shalt  }
0x7c: {  	_ =	shalt  }
0x7d: {  	_ =	shalt  }
0x7e: {  	_ =	shalt  }
0x7f: {  	_ =	shalt  }
0x80: {  	_ =	shalt  }
0x81: {  	_ =	shalt  }
0x82: {  	_ =	shalt  }
0x83: {  	_ =	shalt  }
0x84: {  	_ =	shalt  }
0x85: {  	_ =	shalt  }
0x86: {  	_ =	shalt  }
0x87: {  	_ =	shalt  }
.Lfunc_end0:
.L_simem_size_0:
called_computation.3_lowered:
.L_overlay_start_0:
0x88: {  	s2 =	sld [smem:$0x3FD9]  }
0x89: {  	s3 =	sld [smem:$0x3FFE];
	_ =	sdelay $0x1  }
0x8a: {  	s1 =	srdreg.scid  }
0x8b: {  	s0 =	sand.u32 $0x1, s1  }
0x8c: {  	s16 =	sshll.u32 s0, $0xA;
	s2 =	sadd.s32 s3, s2  }
0x8d: {  	s2 =	sadd.s32 s2, s16  }
0x8e: {  	[smem:$0x3FBD] =	sst s2  }
0x8f: {  	_ = 	snop  }
0x90: {  	(tm) =	ssettm $0x1  }
0x91: {  	s17 =	sld [smem:$0x3FFB];
	_ =	sdelay $0x3  }
0x92: {  	_ =	strace s17  }
0x93: {  	s2 =	sld [smem:$0x3FFC];
	_ =	sdelay $0x3  }
0x94: {  	_ =	strace s2  }
0x95: {  	s2 =	sld [smem:$0x3FFD];
	_ =	sdelay $0x3  }
0x96: {  	_ =	strace s2  }
0x97: {  	_ =	strace $0x8FFFFFFF  }
0x98: {  	s18 =	sld [smem:$0x3FDB];
	_ =	sdelay $0x1  }
0x99: {  	s19 =	simm.s32 $_scs_section_size  }
0x9a: {  	s4 =	simm.s32 $_size__tile_overlayer_lowered;
	s5 =	simm.s32 $_tile_overlayer_lowered  }
0x9b: {  	s22 =	simm.s32 $0x1BFF;
	s21 =	sshll.u32 s5, $0x1;
	s2 =	sadd.s32 s19, s18  }
0x9c: {  	s6 =	simm.s32 $0x0;
	s20 =	sshll.u32 s4, $0x1;
	s4 =	sadd.s32 s21, s2  }
0x9d: {  	[timem:s6], [sflag:s22] =	dma.local [hbm:s4], s20  }
0x9e: {  	_ =	swait.ge [sflag:s22], s20  }
0x9f: {  	s3 =	ssub.s32 $0x0, s20;
	[sflag:s22] =	ssyncset.done $0x0  }
0xa0: {  	[sflag:s22] =	ssyncadd.s32 s3;
	_ =	sdelay $0x1  }
0xa1: {  	s23 =	simm.s32 $0x1B8B  }
0xa2: {  	_ =	swait.ge [sflag:s23], $0x1  }
0xa3: {  	[sflag:s23] =	ssyncset.done $0x0  }
0xa4: {  	s25 =	simm.s32 $0x1B8E;
	s24 =	sld [smem:$0x3FFE];
	[sflag:s23] =	ssyncadd.s32 $0xFFFFFFFF  }
0xa5: {  	s26 =	simm.s32 $execute0_lowered;
	[smem:$0x3FD2] =	sst s25  }
0xa6: {  	s4 =	sshll.u32 s26, $0x1;
	_ =	strace $0x8000004F;
	[dreg:$0x1] =	wrdreg $0xFFFFFFFF  }
0xa7: {  	s28 =	simm.s32 $_size_execute0_lowered;
	s2 =	sadd.s32 s2, s4;
	[dreg:$0x0] =	wrdreg $0x0  }
0xa8: {  	s4 =	sshll.u32 s28, $0x1;
	[dreg:$0x2] =	wrdreg s2  }
0xa9: {  	[dreg:$0x3] =	wrdreg s4  }
0xaa: {  	[dreg:$0x4] =	wrdreg $0xC0  }
0xab: {  	_ =	task [dreg:s6], $0x5FFFF  }
0xac: {  	[dreg:$0x1] =	wrdreg $0xFFFFFFFF  }
0xad: {  	[dreg:$0x0] =	wrdreg $0x60  }
0xae: {  	[dreg:$0x2] =	wrdreg s24  }
0xaf: {  	[dreg:$0x3] =	wrdreg $0xB7800  }
0xb0: {  	[dreg:$0x4] =	wrdreg $0x9  }
0xb1: {  	_ =	task.clear_ibuf [dreg:s6], $0x5FFFF;
	_ =	strace $0x9000004F  }
0xb2: {  	s29 =	simm.s32 $0x9;
	_ =	strace $0x80000051  }
0xb3: {  	_ =	swait.ge [sflag:s29], $0x1  }
0xb4: {  	[sflag:s29] =	ssyncadd.s32 $0xFFFFFFFF  }
0xb5: {  	_ =	strace $0x90000051  }
0xb6: {  	_ =	sfence  }
0xb7: {  	s30 =	sld [smem:$0x0];
	_ =	sdelay $0x2  }
0xb8: {  	s31 =	sshll.u32 s1, $0xD;
	s1 =	sshrl.u32 s1, $0x2  }
0xb9: {  	s3 =	sand.u32 $0x4000, s31;
	s1 =	sadd.s32 s1, s30  }
0xba: {  	s0 =	sor.u32 s3, s0;
	s1 =	sshll.u32 s1, $0x11  }
0xbb: {  	s0 =	sor.u32 s1, s0  }
0xbc: {  	s0 =	sadd.s32 $0x8F2B, s0  }
0xbd: {  	[sflag:s0] =	ssyncadd.remote.s32 $0x1  }
0xbe: {  	_ =	sfence.sel $0xFFFF  }
0xbf: {  	[dreg:$0x0] =	wrdreg $0xFFFFFFFF;
	(pc) =	sbr.abs _section_cstart, $3  }
0xc0: {  	[dreg:$0x1] =	wrdreg $0xFFFFFFFF  }
0xc1: {  	_ =	task.clear_ibuf [dreg:s6], $0x2FFFF;
	_ =	strace $0x9FFFFFFF  }
0xc2: {  	(tm) =	ssettm $0x7FFFFFFF  }
0xc3: {  	_ =	shalt  }
tec
execute0_lowered:
.L_overlay_start_1:
0x0: {  	(tag) =	ssettag $0x1  }
0x1: {  	s6 =	rddreg [dreg:$0x0]  }
0x2: {  	s1 =	srdreg.scid;
	s0 =	stileid.u32  }
0x3: {  	s2 =	rddreg [dreg:$0x1];
	s14 =	simm.s32 $0x80;
	s15 =	simm.s32 $0x400  }
0x4: {  	s16 =	simm.s32 $0x5000;
	s17 =	simm.s32 $0x7780;
	s18 =	simm.s32 $0x1  }
0x5: {  	s5 =	sand.u32 $0x1, s1;
	s3 =	sshll.u32 s0, $0x1;
	s11 =	smul.u32 $0x50000, s0  }
0x6: {  	s1 =	rddreg [dreg:$0x2];
	s7 =	sshrl.u32 s0, $0x2;
	s20 =	smul.u32 $0x2800, s0  }
0x7: {  	s31 =	sshll.u32 s0, $0x6;
	s4 =	sor.u32 s5, s3;
	s7 =	smul.u32 $0x13C00, s7  }
0x8: {  	s3 =	simm.s32 $0x0;
	s26 =	smul.u32 $0x28000, s5;
	s28 =	ssub.s32 $0x2, s5  }
0x9: {  	s5 =	sadd.s32 $0x4FA00, s6;
	s8 =	sshll.u32 s4, $0x7;
	[smem:$0x7FF] =	sst s3  }
0xa: {  	s9 =	smul.u32 $0x500, s4;
	s4 =	sadd.s32 $0x79400, s6;
	s29 =	sshrl.u32 s28, $0x1  }
0xb: {  	s30 =	sshrl.u32 s11, $0x2;
	s8 =	sand.u32 $0x380, s8;
	_ =	strace $0x80000050  }
0xc: {  	s12 =	sadd.s32 s26, s6;
	s13 =	ssub.s32 s28, s29;
	s11 =	sadd.s32 s30, s2  }
0xd: {  	s7 =	sor.u32 s7, s8;
	s25 =	sadd.s32 s9, s6;
	s19 =	sadd.s32 $0xA0600, s12  }
0xe: {  	s11 =	sshrl.u32 s11, $0x3;
	s12 =	simm.s32 $0x2;
	s7 =	sshrl.u32 s7, $0x3  }
0xf: {  	s8 =	sadd.s32 $0x14A00, s25;
	s19 =	sadd.s32 s20, s19;
	s20 =	simm.s32 $0x0  }
0x10: {  	s10 =	sadd.s32 s7, s6;
	s6 =	sor.u32 $0x1C02, s31;
	s7 =	sadd.s32 $0xAA00, s25  }
0x11: {  	s9 =	sadd.s32 $0x1EA00, s10;
	s10 =	smax.u32 s13, $0x1;
	s13 =	simm.s32 $0x2800  }
.LBB2_1:
0x12: {  	[spmem:s11], [sflag:s6] =	dma.local [hbm:s5], $0x2800  }
0x13: {  	_ =	swait.ge [sflag:s12], $0x2800  }
0x14: {  	[sflag:s12] =	ssyncset.done $0x0  }
0x15: {  	[sflag:s12] =	ssyncadd.s32 $0xFFFFD800  }
0x16: {  	[tilespmem:s3], [sflag:$0x2] =	stream.linear.gather [hbm4b:s7+s3], $0x2780, $0x38;
	[tilespmem:$0x1F780] =	vst v63  }
0x17: {  	_ =	swait.ge [sflag:s12], $0x2780  }
0x18: {  	[sflag:s12] =	ssyncset.done $0x0  }
0x19: {  	[sflag:s12] =	ssyncadd.s32 $0xFFFFD880  }
0x1a: {  	[tilespmem:s13], [sflag:$0x2] =	stream.linear.gather [hbm4b:s8+s3], $0x2780, $0x38;
	[tilespmem:$0x1F780] =	vst v63  }
0x1b: {  	_ =	swait.ge [sflag:s12], $0x2780  }
0x1c: {  	[sflag:s12] =	ssyncset.done $0x0  }
0x1d: {  	[sflag:s12] =	ssyncadd.s32 $0xFFFFD880  }
0x1e: {  	[tilespmem:s16], [sflag:$0x2] =	stream.strided.gather [hbm4b:s9+s14], $0x2780, s15, s14, $0x38;
	[tilespmem:$0x1F780] =	vst v63  }
0x1f: {  	_ =	swait.ge [sflag:s12], $0x2780  }
0x20: {  	[sflag:s12] =	ssyncset.done $0x0  }
0x21: {  	[sflag:s12] =	ssyncadd.s32 $0xFFFFD880  }
0x22: {  	s21 =	simm.s32 $0x0;
	s22 =	simm.s32 $0x0;
	[bflag:$0x0] =	sbarrier.arrive $0xFFFF  }
.LBB2_2:
0x23: {  	s23 =	sshll.u32 s22, $0x7  }
0x24: {  	[tilespmem:s17], [sflag:$0x1] =	stream.indirect.gather [hbm4b:s4+s14], $0x80, s23, s14, $0xb8;
	[tilespmem:$0x1F780] =	vst v63  }
0x25: {  	s24 =	sadd.s32 $0x0, s21;
	_ =	swait.ge [sflag:s18], $0x4000  }
0x26: {  	v0 =	vmov s24;
	[sflag:s18] =	ssyncset.done $0x0  }
0x27: {  	s24 =	simm.s32 $0x77C0;
	[sflag:s18] =	ssyncadd.s32 $0xFFFFC000  }
0x28: {  	v4 =	vld [tilespmem:s24+$0x30]  }
0x29: {  	v7 =	vld [tilespmem:s24+$0x10]  }
0x2a: {  	v5 =	vld [tilespmem:s24+$0xFFFFFFC0]  }
0x2b: {  	v1 =	vld.idx.msk [tilespmem:v0+s16+$0x0], $0xffff  }
0x2c: {  	v9 =	vld [tilespmem:s24+$0xFFFFFFE0]  }
0x2d: {  	v2 =	vld [tilespmem:s24+$0x20]  }
0x2e: {  	v3 =	vld [tilespmem:s24+$0xFFFFFFD0]  }
0x2f: {  	v0 =	vld [tilespmem:s24+$0xFFFFFFF0]  }
0x30: {  	v8 =	vmul.f32 v4, v1;
	v4 =	vld [tilespmem:s24+$0x0]  }
0x31: {  	v6 =	vmul.f32 v5, v1  }
0x32: {  	s25 =	simm.s32 $0x1;
	s26 =	simm.s32 $0x77C0;
	v5 =	vmul.f32 v9, v1;
	v7 =	vmul.f32 v7, v1  }
.LBB2_3:
0x33: {  	p0 =	sne.s32 s25, $0x7F  }
0x34: {  	v3 =	vmul.f32 v3, v1;
	v2 =	vmul.f32 v2, v1;
	[tilespmem:s24+$0x30] =	vst v8;
	s26 =	sadd.s32 $0x80, s26;
	s28 =	smov.u32 s25;
	s25 =	sadd.s32 $0x1, s25  }
0x35: {  	[tilespmem:s24+$0xFFFFFFC0] =	vst v6;
	v6 =	vmul.f32 v0, v1;
	v1 =	vmul.f32 v4, v1  }
0x36: {  	s28 =	sadd.s32 s28, s21;
	[tilespmem:s24+$0x10] =	vst v7  }
0x37: {  	v4 =	vmov s28;
	[tilespmem:s24+$0xFFFFFFE0] =	vst v5  }
0x38: {  	v0 =	vld [tilespmem:s26+$0xFFFFFFF0];
	[tilespmem:s24+$0xFFFFFFF0] =	vst v6  }
0x39: {  	v5 =	vld [tilespmem:s26+$0x30];
	[tilespmem:s24+$0x0] =	vst v1  }
0x3a: {  	v7 =	vld [tilespmem:s26+$0x10];
	[tilespmem:s24+$0x20] =	vst v2  }
0x3b: {  	v6 =	vld [tilespmem:s26+$0xFFFFFFC0];
	[tilespmem:s24+$0xFFFFFFD0] =	vst v3;
	s24 =	smov.u32 s26  }
0x3c: {  	v1 =	vld.idx.msk [tilespmem:v4+s16+$0x0], $0xffff  }
0x3d: {  	v9 =	vld [tilespmem:s26+$0xFFFFFFE0]  }
0x3e: {  	v2 =	vld [tilespmem:s26+$0x20]  }
.Ltmp0:
0x3f: {  	v3 =	vld [tilespmem:s26+$0xFFFFFFD0];
	(pc) =	sbr.rel @p0 .LBB2_3-.Ltmp0, $3  }
0x40: {  	v4 =	vld [tilespmem:s26+$0x0];
	_ =	sdelay $0x1  }
0x41: {  	v6 =	vmul.f32 v6, v1;
	v8 =	vmul.f32 v5, v1  }
0x42: {  	v7 =	vmul.f32 v7, v1;
	v5 =	vmul.f32 v9, v1  }
0x43: {  	[tilespmem:s24+$0x30] =	vst v8  }
0x44: {  	[tilespmem:s24+$0xFFFFFFC0] =	vst v6  }
0x45: {  	v0 =	vmul.f32 v0, v1;
	[tilespmem:s24+$0x10] =	vst v7  }
0x46: {  	v2 =	vmul.f32 v2, v1;
	[tilespmem:s24+$0xFFFFFFE0] =	vst v5  }
0x47: {  	v63 =	vmul.f32 v3, v1;
	[tilespmem:s24+$0xFFFFFFF0] =	vst v0  }
0x48: {  	s22 =	sadd.s32 $0x1, s22;
	v4 =	vmul.f32 v4, v1;
	[tilespmem:s24+$0x20] =	vst v2  }
0x49: {  	p0 =	sne.s32 s22, $0x4F;
	[tilespmem:s24+$0xFFFFFFD0] =	vst v63  }
.Ltmp1:
0x4a: {  	s23 =	sadd.s32 $0x2800, s23;
	[tilespmem:s24+$0x0] =	vst v4;
	(pc) =	sbr.rel @p0 .LBB2_2-.Ltmp1, $4  }
0x4b: {  	[spmem:s2] =	stream.indirect.scatter.add.f32 [tilespmem:s17], [sflag:$0x2], $0x80, s23, s14, $0xb8;
	[tilespmem:$0x1F780] =	vst v63  }
0x4c: {  	_ =	swait.ge [sflag:s12], $0x4000  }
0x4d: {  	[sflag:s12] =	ssyncset.done $0x0  }
0x4e: {  	s21 =	sadd.s32 $0x80, s21;
	[sflag:s12] =	ssyncadd.s32 $0xFFFFC000  }
0x4f: {  	s20 =	sadd.s32 $0x1, s20  }
0x50: {  	p0 =	sne.s32 s20, s10  }
.Ltmp2:
0x51: {  	[bflag:$0x0] =	sbarrier.arrive $0xFFFF;
	(pc) =	sbr.rel @p0 .LBB2_1-.Ltmp2, $4  }
0x52: {  	[hbm:s19], [sflag:s6] =	dma.local [spmem:s11], $0x2800  }
0x53: {  	_ =	swait.ge [sflag:s12], $0x2800  }
0x54: {  	[sflag:s12] =	ssyncset.done $0x0  }
0x55: {  	[sflag:s12] =	ssyncadd.s32 $0xFFFFD800  }
0x56: {  	_ =	sfence.sel $0x180000  }
0x57: {  	[bflag:$0x0] =	sbarrier.arrive $0xFFFF  }
0x58: {  	p0 =	sne.s32 s0, $0x0;
	_ =	strace $0x90000050  }
0x59: {  	s0 =	sadd.s32 @!p0 $0x100000, s1;
	[bflag:$0x2] =	sbarrier.arrive $0xFFFF  }
0x5a: {  	[sflag:s0] =	ssyncadd.tile.s32 @!p0 $0x1;
	_ =	shalt  }
.Lfunc_end2:
_tile_overlayer_lowered:
.L_overlay_start_2:
0x5b: {  	(tag) =	ssettag $0x2  }
0x5c: {  	s0 =	rddreg [dreg:$0x0];
	s2 =	stileid.u32  }
0x5d: {  	s1 =	rddreg [dreg:$0x1];
	p0 =	sne.s32 s2, $0x0  }
0x5e: {  	s3 =	rddreg [dreg:$0x2];
	[bflag:$0x3] =	sbarrier.arrive $0xFFFF;
	s2 =	simm.s32 @!p0 $0x1C02  }
0x5f: {  	[timem:s3], [sflag:s2] =	dma.local @!p0 [hbm:s0], s1  }
0x60: {  	s0 =	simm.s32 @!p0 $0x2  }
0x61: {  	_ =	swait.ge @!p0 [sflag:s0], s1  }
0x62: {  	s1 =	ssub.s32 @!p0 $0x0, s1;
	[sflag:s0] =	ssyncset.done @!p0 $0x0  }
0x63: {  	[sflag:s0] =	ssyncadd.s32 @!p0 s1  }
0x64: {  	[bflag:$0x3] =	sbarrier.arrive $0xFFFF  }
0x65: {  	_ =	shalt  }

// kernel: kernel.37.cloned.1.call-start
scs
__scs_entry_jumppad:
0x0: {  	(pc) =	sbr.rel $0x88, $3  }
0x1: {  	(tag) =	ssettag $0x0;
	lr =	simm.s32 $0x1  }
0x2: {  	[smem:$0x3F96] =	sst lr;
	_ =	strace $0xD0000000  }
0x3: {  	_ = 	snop  }
0x4: {  	_ = 	snop  }
0x5: {  	_ = 	snop  }
0x6: {  	_ = 	snop  }
0x7: {  	_ = 	snop  }
__scs_overlays_trampoline_lowered:
0x8: {  	[smem:$0x3FA5] =	sst s0  }
0x9: {  	[smem:$0x3FA6] =	sst s1  }
0xa: {  	[smem:$0x3FA7] =	sst s2  }
0xb: {  	[smem:$0x3FA8] =	sst s3  }
0xc: {  	[smem:$0x3FA9] =	sst s4  }
0xd: {  	[smem:$0x3FAA] =	sst s5  }
0xe: {  	[smem:$0x3FAB] =	sst s6  }
0xf: {  	[smem:$0x3FAC] =	sst s7  }
0x10: {  	[smem:$0x3FAD] =	sst s8  }
0x11: {  	[smem:$0x3FAE] =	sst s9;
	s0 =	simm.s32 @!p0 $0x0  }
0x12: {  	s1 =	sld [smem:$0x3F94];
	s0 =	simm.s32 @p0 $0x1  }
0x13: {  	[smem:$0x3FAF] =	sst s0;
	s0 =	simm.s32 @!p1 $0x0  }
0x14: {  	s2 =	sld [smem:$0x3F93];
	s0 =	simm.s32 @p1 $0x1  }
0x15: {  	[smem:$0x3FB0] =	sst s0;
	s0 =	simm.s32 @!p2 $0x0  }
0x16: {  	s3 =	sld [smem:$0x3FDB];
	s0 =	simm.s32 @p2 $0x1  }
0x17: {  	s4 =	simm.s32 $0x1BF5;
	[smem:$0x3FB2] =	sst s0  }
0x18: {  	s0 =	sld [smem:$0x3F95];
	_ =	swait.ge [sflag:s4], $0x0  }
0x19: {  	s7 =	sld [smem:$0x3F96]  }
0x1a: {  	s8 =	sadd.s32 $0xFFFFE003, lr  }
0x1b: {  	s9 =	sadd.s32 $0xFFFFFEF7, lr;
	s5 =	simm.s32 $0xFFFFFFFF;
	p2 =	slt.u32 s8, $0xFFFFF086  }
0x1c: {  	p1 =	slt.u32 s9, $0xF7A;
	s5 =	simm.s32 @!p2 $0x0  }
0x1d: {  	s5 =	simm.s32 @p1 $0x1;
	p0 =	seq.s32 s7, s2  }
0x1e: {  	s7 =	smul.u32 @!p0 $0xF7A, s2;
	p2 =	seq.s32 @!p0 s5, $0x0  }
0x1f: {  	s9 =	smul.u32 $0xF7A, s1;
	s8 =	simm.s32 @!p0 $0x1BF5;
	p2 =	por !p2, p0  }
0x20: {  	[sflag:s8] =	ssyncset.s32 @!p0 $0xFFFFF086;
	s6 =	sadd.s32 @!p0 s3, s7;
	s7 =	simm.s32 @!p0 $0x108  }
0x21: {  	s3 =	sadd.s32 s3, s9;
	s6 =	sadd.s32 @!p0 $0x88, s6;
	s7 =	simm.s32 @p2 $0x1082  }
0x22: {  	[simem:s7], [sflag:s8] =	dma.local @!p0 [hbm:s6], $0xF7A  }
0x23: {  	s9 =	sor.u32 $0xD0000000, s2;
	s6 =	simm.s32 $0x108;
	_ =	swait.ge @!p0 [sflag:s8], $0x0  }
0x24: {  	s3 =	sadd.s32 $0x88, s3;
	s6 =	simm.s32 @!p1 $0x1082;
	[sflag:s4] =	ssyncset.s32 $0xFFFFF086  }
0x25: {  	[simem:s6], [sflag:s4] =	dma.local [hbm:s3], $0xF7A  }
0x26: {  	[smem:$0x3F96] =	sst s1;
	(tag) =	ssettag s2;
	_ =	strace s9  }
0x27: {  	s1 =	sld [smem:$0x3FA6]  }
0x28: {  	s2 =	sld [smem:$0x3FA7]  }
0x29: {  	s4 =	sld [smem:$0x3FA9]  }
0x2a: {  	p0 =	seq.s32 s5, $0x0;
	s5 =	sld [smem:$0x3FAA]  }
0x2b: {  	s6 =	sld [smem:$0x3FAB]  }
0x2c: {  	s7 =	sld [smem:$0x3FAC]  }
0x2d: {  	s3 =	simm.s32 $0x108;
	s8 =	sld [smem:$0x3FAD]  }
0x2e: {  	s3 =	simm.s32 @!p0 $0x1082;
	s9 =	sld [smem:$0x3FAE]  }
0x2f: {  	lr =	sadd.s32 s0, s3;
	s0 =	sld [smem:$0x3FA5]  }
0x30: {  	s3 =	sld [smem:$0x3FA8]  }
0x31: {  	[smem:$0x3FB1] =	sst s10  }
0x32: {  	s10 =	sld [smem:$0x3FAF];
	_ =	sdelay $0x3  }
0x33: {  	p0 =	seq.s32 s10, $0x1;
	s10 =	sld [smem:$0x3FB1];
	_ =	sdelay $0x3  }
0x34: {  	[smem:$0x3FB1] =	sst s10  }
0x35: {  	s10 =	sld [smem:$0x3FB0];
	_ =	sdelay $0x3  }
0x36: {  	p1 =	seq.s32 s10, $0x1;
	s10 =	sld [smem:$0x3FB1];
	_ =	sdelay $0x3  }
0x37: {  	[smem:$0x3FB1] =	sst s10  }
0x38: {  	s10 =	sld [smem:$0x3FB2]  }
0x39: {  	_ = 	snop;
	(pc) =	sbr.ind lr, $3  }
0x3a: {  	_ = 	snop  }
0x3b: {  	_ = 	snop  }
0x3c: {  	p2 =	seq.s32 s10, $0x1;
	s10 =	sld [smem:$0x3FB1]  }
0x3d: {  	_ =	shalt  }
0x3e: {  	_ =	shalt  }
0x3f: {  	_ =	shalt  }
0x40: {  	_ =	shalt  }
0x41: {  	_ =	shalt  }
0x42: {  	_ =	shalt  }
0x43: {  	_ =	shalt  }
0x44: {  	_ =	shalt  }
0x45: {  	_ =	shalt  }
0x46: {  	_ =	shalt  }
0x47: {  	_ =	shalt  }
0x48: {  	_ =	shalt  }
0x49: {  	_ =	shalt  }
0x4a: {  	_ =	shalt  }
0x4b: {  	_ =	shalt  }
0x4c: {  	_ =	shalt  }
0x4d: {  	_ =	shalt  }
0x4e: {  	_ =	shalt  }
0x4f: {  	_ =	shalt  }
0x50: {  	_ =	shalt  }
0x51: {  	_ =	shalt  }
0x52: {  	_ =	shalt  }
0x53: {  	_ =	shalt  }
0x54: {  	_ =	shalt  }
0x55: {  	_ =	shalt  }
0x56: {  	_ =	shalt  }
0x57: {  	_ =	shalt  }
0x58: {  	_ =	shalt  }
0x59: {  	_ =	shalt  }
0x5a: {  	_ =	shalt  }
0x5b: {  	_ =	shalt  }
0x5c: {  	_ =	shalt  }
0x5d: {  	_ =	shalt  }
0x5e: {  	_ =	shalt  }
0x5f: {  	_ =	shalt  }
0x60: {  	_ =	shalt  }
0x61: {  	_ =	shalt  }
0x62: {  	_ =	shalt  }
0x63: {  	_ =	shalt  }
0x64: {  	_ =	shalt  }
0x65: {  	_ =	shalt  }
0x66: {  	_ =	shalt  }
0x67: {  	_ =	shalt  }
0x68: {  	_ =	shalt  }
0x69: {  	_ =	shalt  }
0x6a: {  	_ =	shalt  }
0x6b: {  	_ =	shalt  }
0x6c: {  	_ =	shalt  }
0x6d: {  	_ =	shalt  }
0x6e: {  	_ =	shalt  }
0x6f: {  	_ =	shalt  }
0x70: {  	_ =	shalt  }
0x71: {  	_ =	shalt  }
0x72: {  	_ =	shalt  }
0x73: {  	_ =	shalt  }
0x74: {  	_ =	shalt  }
0x75: {  	_ =	shalt  }
0x76: {  	_ =	shalt  }
0x77: {  	_ =	shalt  }
0x78: {  	_ =	shalt  }
0x79: {  	_ =	shalt  }
0x7a: {  	_ =	shalt  }
0x7b: {  	_ =	shalt  }
0x7c: {  	_ =	shalt  }
0x7d: {  	_ =	shalt  }
0x7e: {  	_ =	shalt  }
0x7f: {  	_ =	shalt  }
0x80: {  	_ =	shalt  }
0x81: {  	_ =	shalt  }
0x82: {  	_ =	shalt  }
0x83: {  	_ =	shalt  }
0x84: {  	_ =	shalt  }
0x85: {  	_ =	shalt  }
0x86: {  	_ =	shalt  }
0x87: {  	_ =	shalt  }
.Lfunc_end0:
.L_simem_size_0:
called_computation.4_lowered:
.L_overlay_start_0:
0x88: {  	s2 =	sld [smem:$0x3FD9]  }
0x89: {  	s3 =	sld [smem:$0x3FFE];
	_ =	sdelay $0x1  }
0x8a: {  	s1 =	srdreg.scid  }
0x8b: {  	s0 =	sand.u32 $0x1, s1  }
0x8c: {  	s16 =	sshll.u32 s0, $0xA;
	s2 =	sadd.s32 s3, s2  }
0x8d: {  	s2 =	sadd.s32 s2, s16  }
0x8e: {  	[smem:$0x3FBD] =	sst s2  }
0x8f: {  	_ = 	snop  }
0x90: {  	(tm) =	ssettm $0x1  }
0x91: {  	s17 =	sld [smem:$0x3FFB];
	_ =	sdelay $0x3  }
0x92: {  	_ =	strace s17  }
0x93: {  	s2 =	sld [smem:$0x3FFC];
	_ =	sdelay $0x3  }
0x94: {  	_ =	strace s2  }
0x95: {  	s2 =	sld [smem:$0x3FFD];
	_ =	sdelay $0x3  }
0x96: {  	_ =	strace s2  }
0x97: {  	_ =	strace $0x8FFFFFFF  }
0x98: {  	s18 =	sld [smem:$0x3FDB];
	_ =	sdelay $0x1  }
0x99: {  	s19 =	simm.s32 $_scs_section_size  }
0x9a: {  	s4 =	simm.s32 $_size__tile_overlayer_lowered;
	s5 =	simm.s32 $_tile_overlayer_lowered  }
0x9b: {  	s22 =	simm.s32 $0x1BFF;
	s21 =	sshll.u32 s5, $0x1;
	s2 =	sadd.s32 s19, s18  }
0x9c: {  	s6 =	simm.s32 $0x0;
	s20 =	sshll.u32 s4, $0x1;
	s4 =	sadd.s32 s21, s2  }
0x9d: {  	[timem:s6], [sflag:s22] =	dma.local [hbm:s4], s20  }
0x9e: {  	_ =	swait.ge [sflag:s22], s20  }
0x9f: {  	s3 =	ssub.s32 $0x0, s20;
	[sflag:s22] =	ssyncset.done $0x0  }
0xa0: {  	[sflag:s22] =	ssyncadd.s32 s3;
	_ =	sdelay $0x1  }
0xa1: {  	s23 =	simm.s32 $0x1B8B  }
0xa2: {  	_ =	swait.ge [sflag:s23], $0x1  }
0xa3: {  	[sflag:s23] =	ssyncset.done $0x0  }
0xa4: {  	s25 =	simm.s32 $0x1B8E;
	s24 =	sld [smem:$0x3FFE];
	[sflag:s23] =	ssyncadd.s32 $0xFFFFFFFF  }
0xa5: {  	s26 =	simm.s32 $execute0_lowered;
	[smem:$0x3FD2] =	sst s25  }
0xa6: {  	s4 =	sshll.u32 s26, $0x1;
	_ =	strace $0x80000052;
	[dreg:$0x1] =	wrdreg $0xFFFFFFFF  }
0xa7: {  	s28 =	simm.s32 $_size_execute0_lowered;
	s2 =	sadd.s32 s2, s4;
	[dreg:$0x0] =	wrdreg $0x0  }
0xa8: {  	s4 =	sshll.u32 s28, $0x1;
	[dreg:$0x2] =	wrdreg s2  }
0xa9: {  	[dreg:$0x3] =	wrdreg s4  }
0xaa: {  	[dreg:$0x4] =	wrdreg $0xC0  }
0xab: {  	_ =	task [dreg:s6], $0x5FFFF  }
0xac: {  	[dreg:$0x1] =	wrdreg $0xFFFFFFFF  }
0xad: {  	[dreg:$0x0] =	wrdreg $0x60  }
0xae: {  	[dreg:$0x2] =	wrdreg s24  }
0xaf: {  	[dreg:$0x3] =	wrdreg $0xB7800  }
0xb0: {  	[dreg:$0x4] =	wrdreg $0x9  }
0xb1: {  	_ =	task.clear_ibuf [dreg:s6], $0x5FFFF;
	_ =	strace $0x90000052  }
0xb2: {  	s29 =	simm.s32 $0x9;
	_ =	strace $0x80000054  }
0xb3: {  	_ =	swait.ge [sflag:s29], $0x1  }
0xb4: {  	[sflag:s29] =	ssyncadd.s32 $0xFFFFFFFF  }
0xb5: {  	_ =	strace $0x90000054  }
0xb6: {  	_ =	sfence  }
0xb7: {  	s30 =	sld [smem:$0x0];
	_ =	sdelay $0x2  }
0xb8: {  	s31 =	sshll.u32 s1, $0xD;
	s1 =	sshrl.u32 s1, $0x2  }
0xb9: {  	s3 =	sand.u32 $0x4000, s31;
	s1 =	sadd.s32 s1, s30  }
0xba: {  	s0 =	sor.u32 s3, s0;
	s1 =	sshll.u32 s1, $0x11  }
0xbb: {  	s0 =	sor.u32 s1, s0  }
0xbc: {  	s0 =	sadd.s32 $0x8F2B, s0  }
0xbd: {  	[sflag:s0] =	ssyncadd.remote.s32 $0x1  }
0xbe: {  	_ =	sfence.sel $0xFFFF  }
0xbf: {  	[dreg:$0x0] =	wrdreg $0xFFFFFFFF;
	(pc) =	sbr.abs _section_cstart, $3  }
0xc0: {  	[dreg:$0x1] =	wrdreg $0xFFFFFFFF  }
0xc1: {  	_ =	task.clear_ibuf [dreg:s6], $0x2FFFF;
	_ =	strace $0x9FFFFFFF  }
0xc2: {  	(tm) =	ssettm $0x7FFFFFFF  }
0xc3: {  	_ =	shalt  }
tec
execute0_lowered:
.L_overlay_start_1:
0x0: {  	(tag) =	ssettag $0x1  }
0x1: {  	s6 =	rddreg [dreg:$0x0]  }
0x2: {  	s1 =	srdreg.scid;
	s0 =	stileid.u32  }
0x3: {  	s2 =	rddreg [dreg:$0x1];
	s14 =	simm.s32 $0x80;
	s15 =	simm.s32 $0x400  }
0x4: {  	s16 =	simm.s32 $0x5000;
	s17 =	simm.s32 $0x7780;
	s18 =	simm.s32 $0x1  }
0x5: {  	s5 =	sand.u32 $0x1, s1;
	s3 =	sshll.u32 s0, $0x1;
	s11 =	smul.u32 $0x50000, s0  }
0x6: {  	s1 =	rddreg [dreg:$0x2];
	s7 =	sshrl.u32 s0, $0x2;
	s20 =	smul.u32 $0x2800, s0  }
0x7: {  	s31 =	sshll.u32 s0, $0x6;
	s4 =	sor.u32 s5, s3;
	s7 =	smul.u32 $0x13C00, s7  }
0x8: {  	s3 =	simm.s32 $0x0;
	s26 =	smul.u32 $0x28000, s5;
	s28 =	ssub.s32 $0x2, s5  }
0x9: {  	s5 =	sadd.s32 $0x4FA00, s6;
	s8 =	sshll.u32 s4, $0x7;
	[smem:$0x7FF] =	sst s3  }
0xa: {  	s9 =	smul.u32 $0x500, s4;
	s4 =	sadd.s32 $0x79400, s6;
	s29 =	sshrl.u32 s28, $0x1  }
0xb: {  	s30 =	sshrl.u32 s11, $0x2;
	s8 =	sand.u32 $0x380, s8;
	_ =	strace $0x80000053  }
0xc: {  	s12 =	sadd.s32 s26, s6;
	s13 =	ssub.s32 s28, s29;
	s11 =	sadd.s32 s30, s2  }
0xd: {  	s7 =	sor.u32 s7, s8;
	s25 =	sadd.s32 s9, s6;
	s19 =	sadd.s32 $0xA0600, s12  }
0xe: {  	s11 =	sshrl.u32 s11, $0x3;
	s12 =	simm.s32 $0x2;
	s7 =	sshrl.u32 s7, $0x3  }
0xf: {  	s8 =	sadd.s32 $0x14A00, s25;
	s19 =	sadd.s32 s20, s19;
	s20 =	simm.s32 $0x0  }
0x10: {  	s10 =	sadd.s32 s7, s6;
	s6 =	sor.u32 $0x1C02, s31;
	s7 =	sadd.s32 $0xAA00, s25  }
0x11: {  	s9 =	sadd.s32 $0x1EA00, s10;
	s10 =	smax.u32 s13, $0x1;
	s13 =	simm.s32 $0x2800  }
.LBB2_1:
0x12: {  	[spmem:s11], [sflag:s6] =	dma.local [hbm:s5], $0x2800  }
0x13: {  	_ =	swait.ge [sflag:s12], $0x2800  }
0x14: {  	[sflag:s12] =	ssyncset.done $0x0  }
0x15: {  	[sflag:s12] =	ssyncadd.s32 $0xFFFFD800  }
0x16: {  	[tilespmem:s3], [sflag:$0x2] =	stream.linear.gather [hbm4b:s7+s3], $0x2780, $0x38;
	[tilespmem:$0x1F780] =	vst v63  }
0x17: {  	_ =	swait.ge [sflag:s12], $0x2780  }
0x18: {  	[sflag:s12] =	ssyncset.done $0x0  }
0x19: {  	[sflag:s12] =	ssyncadd.s32 $0xFFFFD880  }
0x1a: {  	[tilespmem:s13], [sflag:$0x2] =	stream.linear.gather [hbm4b:s8+s3], $0x2780, $0x38;
	[tilespmem:$0x1F780] =	vst v63  }
0x1b: {  	_ =	swait.ge [sflag:s12], $0x2780  }
0x1c: {  	[sflag:s12] =	ssyncset.done $0x0  }
0x1d: {  	[sflag:s12] =	ssyncadd.s32 $0xFFFFD880  }
0x1e: {  	[tilespmem:s16], [sflag:$0x2] =	stream.strided.gather [hbm4b:s9+s14], $0x2780, s15, s14, $0x38;
	[tilespmem:$0x1F780] =	vst v63  }
0x1f: {  	_ =	swait.ge [sflag:s12], $0x2780  }
0x20: {  	[sflag:s12] =	ssyncset.done $0x0  }
0x21: {  	[sflag:s12] =	ssyncadd.s32 $0xFFFFD880  }
0x22: {  	s21 =	simm.s32 $0x0;
	s22 =	simm.s32 $0x0;
	[bflag:$0x0] =	sbarrier.arrive $0xFFFF  }
.LBB2_2:
0x23: {  	s23 =	sshll.u32 s22, $0x7  }
0x24: {  	[tilespmem:s17], [sflag:$0x1] =	stream.indirect.gather [hbm4b:s4+s14], $0x80, s23, s14, $0xb8;
	[tilespmem:$0x1F780] =	vst v63  }
0x25: {  	s24 =	sadd.s32 $0x0, s21;
	_ =	swait.ge [sflag:s18], $0x4000  }
0x26: {  	v0 =	vmov s24;
	[sflag:s18] =	ssyncset.done $0x0  }
0x27: {  	s24 =	simm.s32 $0x77C0;
	[sflag:s18] =	ssyncadd.s32 $0xFFFFC000  }
0x28: {  	v4 =	vld [tilespmem:s24+$0x30]  }
0x29: {  	v7 =	vld [tilespmem:s24+$0x10]  }
0x2a: {  	v5 =	vld [tilespmem:s24+$0xFFFFFFC0]  }
0x2b: {  	v1 =	vld.idx.msk [tilespmem:v0+s16+$0x0], $0xffff  }
0x2c: {  	v9 =	vld [tilespmem:s24+$0xFFFFFFE0]  }
0x2d: {  	v2 =	vld [tilespmem:s24+$0x20]  }
0x2e: {  	v3 =	vld [tilespmem:s24+$0xFFFFFFD0]  }
0x2f: {  	v0 =	vld [tilespmem:s24+$0xFFFFFFF0]  }
0x30: {  	v8 =	vmul.f32 v4, v1;
	v4 =	vld [tilespmem:s24+$0x0]  }
0x31: {  	v6 =	vmul.f32 v5, v1  }
0x32: {  	s25 =	simm.s32 $0x1;
	s26 =	simm.s32 $0x77C0;
	v5 =	vmul.f32 v9, v1;
	v7 =	vmul.f32 v7, v1  }
.LBB2_3:
0x33: {  	p0 =	sne.s32 s25, $0x7F  }
0x34: {  	v3 =	vmul.f32 v3, v1;
	v2 =	vmul.f32 v2, v1;
	[tilespmem:s24+$0x30] =	vst v8;
	s26 =	sadd.s32 $0x80, s26;
	s28 =	smov.u32 s25;
	s25 =	sadd.s32 $0x1, s25  }
0x35: {  	[tilespmem:s24+$0xFFFFFFC0] =	vst v6;
	v6 =	vmul.f32 v0, v1;
	v1 =	vmul.f32 v4, v1  }
0x36: {  	s28 =	sadd.s32 s28, s21;
	[tilespmem:s24+$0x10] =	vst v7  }
0x37: {  	v4 =	vmov s28;
	[tilespmem:s24+$0xFFFFFFE0] =	vst v5  }
0x38: {  	v0 =	vld [tilespmem:s26+$0xFFFFFFF0];
	[tilespmem:s24+$0xFFFFFFF0] =	vst v6  }
0x39: {  	v5 =	vld [tilespmem:s26+$0x30];
	[tilespmem:s24+$0x0] =	vst v1  }
0x3a: {  	v7 =	vld [tilespmem:s26+$0x10];
	[tilespmem:s24+$0x20] =	vst v2  }
0x3b: {  	v6 =	vld [tilespmem:s26+$0xFFFFFFC0];
	[tilespmem:s24+$0xFFFFFFD0] =	vst v3;
	s24 =	smov.u32 s26  }
0x3c: {  	v1 =	vld.idx.msk [tilespmem:v4+s16+$0x0], $0xffff  }
0x3d: {  	v9 =	vld [tilespmem:s26+$0xFFFFFFE0]  }
0x3e: {  	v2 =	vld [tilespmem:s26+$0x20]  }
.Ltmp0:
0x3f: {  	v3 =	vld [tilespmem:s26+$0xFFFFFFD0];
	(pc) =	sbr.rel @p0 .LBB2_3-.Ltmp0, $3  }
0x40: {  	v4 =	vld [tilespmem:s26+$0x0];
	_ =	sdelay $0x1  }
0x41: {  	v6 =	vmul.f32 v6, v1;
	v8 =	vmul.f32 v5, v1  }
0x42: {  	v7 =	vmul.f32 v7, v1;
	v5 =	vmul.f32 v9, v1  }
0x43: {  	[tilespmem:s24+$0x30] =	vst v8  }
0x44: {  	[tilespmem:s24+$0xFFFFFFC0] =	vst v6  }
0x45: {  	v0 =	vmul.f32 v0, v1;
	[tilespmem:s24+$0x10] =	vst v7  }
0x46: {  	v2 =	vmul.f32 v2, v1;
	[tilespmem:s24+$0xFFFFFFE0] =	vst v5  }
0x47: {  	v63 =	vmul.f32 v3, v1;
	[tilespmem:s24+$0xFFFFFFF0] =	vst v0  }
0x48: {  	s22 =	sadd.s32 $0x1, s22;
	v4 =	vmul.f32 v4, v1;
	[tilespmem:s24+$0x20] =	vst v2  }
0x49: {  	p0 =	sne.s32 s22, $0x4F;
	[tilespmem:s24+$0xFFFFFFD0] =	vst v63  }
.Ltmp1:
0x4a: {  	s23 =	sadd.s32 $0x2800, s23;
	[tilespmem:s24+$0x0] =	vst v4;
	(pc) =	sbr.rel @p0 .LBB2_2-.Ltmp1, $4  }
0x4b: {  	[spmem:s2] =	stream.indirect.scatter.add.f32 [tilespmem:s17], [sflag:$0x2], $0x80, s23, s14, $0xb8;
	[tilespmem:$0x1F780] =	vst v63  }
0x4c: {  	_ =	swait.ge [sflag:s12], $0x4000  }
0x4d: {  	[sflag:s12] =	ssyncset.done $0x0  }
0x4e: {  	s21 =	sadd.s32 $0x80, s21;
	[sflag:s12] =	ssyncadd.s32 $0xFFFFC000  }
0x4f: {  	s20 =	sadd.s32 $0x1, s20  }
0x50: {  	p0 =	sne.s32 s20, s10  }
.Ltmp2:
0x51: {  	[bflag:$0x0] =	sbarrier.arrive $0xFFFF;
	(pc) =	sbr.rel @p0 .LBB2_1-.Ltmp2, $4  }
0x52: {  	[hbm:s19], [sflag:s6] =	dma.local [spmem:s11], $0x2800  }
0x53: {  	_ =	swait.ge [sflag:s12], $0x2800  }
0x54: {  	[sflag:s12] =	ssyncset.done $0x0  }
0x55: {  	[sflag:s12] =	ssyncadd.s32 $0xFFFFD800  }
0x56: {  	_ =	sfence.sel $0x180000  }
0x57: {  	[bflag:$0x0] =	sbarrier.arrive $0xFFFF  }
0x58: {  	p0 =	sne.s32 s0, $0x0;
	_ =	strace $0x90000053  }
0x59: {  	s0 =	sadd.s32 @!p0 $0x100000, s1;
	[bflag:$0x2] =	sbarrier.arrive $0xFFFF  }
0x5a: {  	[sflag:s0] =	ssyncadd.tile.s32 @!p0 $0x1;
	_ =	shalt  }
.Lfunc_end2:
_tile_overlayer_lowered:
.L_overlay_start_2:
0x5b: {  	(tag) =	ssettag $0x2  }
0x5c: {  	s0 =	rddreg [dreg:$0x0];
	s2 =	stileid.u32  }
0x5d: {  	s1 =	rddreg [dreg:$0x1];
	p0 =	sne.s32 s2, $0x0  }
0x5e: {  	s3 =	rddreg [dreg:$0x2];
	[bflag:$0x3] =	sbarrier.arrive $0xFFFF;
	s2 =	simm.s32 @!p0 $0x1C02  }
0x5f: {  	[timem:s3], [sflag:s2] =	dma.local @!p0 [hbm:s0], s1  }
0x60: {  	s0 =	simm.s32 @!p0 $0x2  }
0x61: {  	_ =	swait.ge @!p0 [sflag:s0], s1  }
0x62: {  	s1 =	ssub.s32 @!p0 $0x0, s1;
	[sflag:s0] =	ssyncset.done @!p0 $0x0  }
0x63: {  	[sflag:s0] =	ssyncadd.s32 @!p0 s1  }
0x64: {  	[bflag:$0x3] =	sbarrier.arrive $0xFFFF  }
0x65: {  	_ =	shalt  }

// kernel: kernel.40.cloned.1.call-start
scs
__scs_entry_jumppad:
0x0: {  	(pc) =	sbr.rel $0x88, $3  }
0x1: {  	(tag) =	ssettag $0x0;
	lr =	simm.s32 $0x1  }
0x2: {  	[smem:$0x3F96] =	sst lr;
	_ =	strace $0xD0000000  }
0x3: {  	_ = 	snop  }
0x4: {  	_ = 	snop  }
0x5: {  	_ = 	snop  }
0x6: {  	_ = 	snop  }
0x7: {  	_ = 	snop  }
__scs_overlays_trampoline_lowered:
0x8: {  	[smem:$0x3FA5] =	sst s0  }
0x9: {  	[smem:$0x3FA6] =	sst s1  }
0xa: {  	[smem:$0x3FA7] =	sst s2  }
0xb: {  	[smem:$0x3FA8] =	sst s3  }
0xc: {  	[smem:$0x3FA9] =	sst s4  }
0xd: {  	[smem:$0x3FAA] =	sst s5  }
0xe: {  	[smem:$0x3FAB] =	sst s6  }
0xf: {  	[smem:$0x3FAC] =	sst s7  }
0x10: {  	[smem:$0x3FAD] =	sst s8  }
0x11: {  	[smem:$0x3FAE] =	sst s9;
	s0 =	simm.s32 @!p0 $0x0  }
0x12: {  	s1 =	sld [smem:$0x3F94];
	s0 =	simm.s32 @p0 $0x1  }
0x13: {  	[smem:$0x3FAF] =	sst s0;
	s0 =	simm.s32 @!p1 $0x0  }
0x14: {  	s2 =	sld [smem:$0x3F93];
	s0 =	simm.s32 @p1 $0x1  }
0x15: {  	[smem:$0x3FB0] =	sst s0;
	s0 =	simm.s32 @!p2 $0x0  }
0x16: {  	s3 =	sld [smem:$0x3FDB];
	s0 =	simm.s32 @p2 $0x1  }
0x17: {  	s4 =	simm.s32 $0x1BF5;
	[smem:$0x3FB2] =	sst s0  }
0x18: {  	s0 =	sld [smem:$0x3F95];
	_ =	swait.ge [sflag:s4], $0x0  }
0x19: {  	s7 =	sld [smem:$0x3F96]  }
0x1a: {  	s8 =	sadd.s32 $0xFFFFE003, lr  }
0x1b: {  	s9 =	sadd.s32 $0xFFFFFEF7, lr;
	s5 =	simm.s32 $0xFFFFFFFF;
	p2 =	slt.u32 s8, $0xFFFFF086  }
0x1c: {  	p1 =	slt.u32 s9, $0xF7A;
	s5 =	simm.s32 @!p2 $0x0  }
0x1d: {  	s5 =	simm.s32 @p1 $0x1;
	p0 =	seq.s32 s7, s2  }
0x1e: {  	s7 =	smul.u32 @!p0 $0xF7A, s2;
	p2 =	seq.s32 @!p0 s5, $0x0  }
0x1f: {  	s9 =	smul.u32 $0xF7A, s1;
	s8 =	simm.s32 @!p0 $0x1BF5;
	p2 =	por !p2, p0  }
0x20: {  	[sflag:s8] =	ssyncset.s32 @!p0 $0xFFFFF086;
	s6 =	sadd.s32 @!p0 s3, s7;
	s7 =	simm.s32 @!p0 $0x108  }
0x21: {  	s3 =	sadd.s32 s3, s9;
	s6 =	sadd.s32 @!p0 $0x88, s6;
	s7 =	simm.s32 @p2 $0x1082  }
0x22: {  	[simem:s7], [sflag:s8] =	dma.local @!p0 [hbm:s6], $0xF7A  }
0x23: {  	s9 =	sor.u32 $0xD0000000, s2;
	s6 =	simm.s32 $0x108;
	_ =	swait.ge @!p0 [sflag:s8], $0x0  }
0x24: {  	s3 =	sadd.s32 $0x88, s3;
	s6 =	simm.s32 @!p1 $0x1082;
	[sflag:s4] =	ssyncset.s32 $0xFFFFF086  }
0x25: {  	[simem:s6], [sflag:s4] =	dma.local [hbm:s3], $0xF7A  }
0x26: {  	[smem:$0x3F96] =	sst s1;
	(tag) =	ssettag s2;
	_ =	strace s9  }
0x27: {  	s1 =	sld [smem:$0x3FA6]  }
0x28: {  	s2 =	sld [smem:$0x3FA7]  }
0x29: {  	s4 =	sld [smem:$0x3FA9]  }
0x2a: {  	p0 =	seq.s32 s5, $0x0;
	s5 =	sld [smem:$0x3FAA]  }
0x2b: {  	s6 =	sld [smem:$0x3FAB]  }
0x2c: {  	s7 =	sld [smem:$0x3FAC]  }
0x2d: {  	s3 =	simm.s32 $0x108;
	s8 =	sld [smem:$0x3FAD]  }
0x2e: {  	s3 =	simm.s32 @!p0 $0x1082;
	s9 =	sld [smem:$0x3FAE]  }
0x2f: {  	lr =	sadd.s32 s0, s3;
	s0 =	sld [smem:$0x3FA5]  }
0x30: {  	s3 =	sld [smem:$0x3FA8]  }
0x31: {  	[smem:$0x3FB1] =	sst s10  }
0x32: {  	s10 =	sld [smem:$0x3FAF];
	_ =	sdelay $0x3  }
0x33: {  	p0 =	seq.s32 s10, $0x1;
	s10 =	sld [smem:$0x3FB1];
	_ =	sdelay $0x3  }
0x34: {  	[smem:$0x3FB1] =	sst s10  }
0x35: {  	s10 =	sld [smem:$0x3FB0];
	_ =	sdelay $0x3  }
0x36: {  	p1 =	seq.s32 s10, $0x1;
	s10 =	sld [smem:$0x3FB1];
	_ =	sdelay $0x3  }
0x37: {  	[smem:$0x3FB1] =	sst s10  }
0x38: {  	s10 =	sld [smem:$0x3FB2]  }
0x39: {  	_ = 	snop;
	(pc) =	sbr.ind lr, $3  }
0x3a: {  	_ = 	snop  }
0x3b: {  	_ = 	snop  }
0x3c: {  	p2 =	seq.s32 s10, $0x1;
	s10 =	sld [smem:$0x3FB1]  }
0x3d: {  	_ =	shalt  }
0x3e: {  	_ =	shalt  }
0x3f: {  	_ =	shalt  }
0x40: {  	_ =	shalt  }
0x41: {  	_ =	shalt  }
0x42: {  	_ =	shalt  }
0x43: {  	_ =	shalt  }
0x44: {  	_ =	shalt  }
0x45: {  	_ =	shalt  }
0x46: {  	_ =	shalt  }
0x47: {  	_ =	shalt  }
0x48: {  	_ =	shalt  }
0x49: {  	_ =	shalt  }
0x4a: {  	_ =	shalt  }
0x4b: {  	_ =	shalt  }
0x4c: {  	_ =	shalt  }
0x4d: {  	_ =	shalt  }
0x4e: {  	_ =	shalt  }
0x4f: {  	_ =	shalt  }
0x50: {  	_ =	shalt  }
0x51: {  	_ =	shalt  }
0x52: {  	_ =	shalt  }
0x53: {  	_ =	shalt  }
0x54: {  	_ =	shalt  }
0x55: {  	_ =	shalt  }
0x56: {  	_ =	shalt  }
0x57: {  	_ =	shalt  }
0x58: {  	_ =	shalt  }
0x59: {  	_ =	shalt  }
0x5a: {  	_ =	shalt  }
0x5b: {  	_ =	shalt  }
0x5c: {  	_ =	shalt  }
0x5d: {  	_ =	shalt  }
0x5e: {  	_ =	shalt  }
0x5f: {  	_ =	shalt  }
0x60: {  	_ =	shalt  }
0x61: {  	_ =	shalt  }
0x62: {  	_ =	shalt  }
0x63: {  	_ =	shalt  }
0x64: {  	_ =	shalt  }
0x65: {  	_ =	shalt  }
0x66: {  	_ =	shalt  }
0x67: {  	_ =	shalt  }
0x68: {  	_ =	shalt  }
0x69: {  	_ =	shalt  }
0x6a: {  	_ =	shalt  }
0x6b: {  	_ =	shalt  }
0x6c: {  	_ =	shalt  }
0x6d: {  	_ =	shalt  }
0x6e: {  	_ =	shalt  }
0x6f: {  	_ =	shalt  }
0x70: {  	_ =	shalt  }
0x71: {  	_ =	shalt  }
0x72: {  	_ =	shalt  }
0x73: {  	_ =	shalt  }
0x74: {  	_ =	shalt  }
0x75: {  	_ =	shalt  }
0x76: {  	_ =	shalt  }
0x77: {  	_ =	shalt  }
0x78: {  	_ =	shalt  }
0x79: {  	_ =	shalt  }
0x7a: {  	_ =	shalt  }
0x7b: {  	_ =	shalt  }
0x7c: {  	_ =	shalt  }
0x7d: {  	_ =	shalt  }
0x7e: {  	_ =	shalt  }
0x7f: {  	_ =	shalt  }
0x80: {  	_ =	shalt  }
0x81: {  	_ =	shalt  }
0x82: {  	_ =	shalt  }
0x83: {  	_ =	shalt  }
0x84: {  	_ =	shalt  }
0x85: {  	_ =	shalt  }
0x86: {  	_ =	shalt  }
0x87: {  	_ =	shalt  }
.Lfunc_end0:
.L_simem_size_0:
called_computation.5_lowered:
.L_overlay_start_0:
0x88: {  	s2 =	sld [smem:$0x3FD9]  }
0x89: {  	s3 =	sld [smem:$0x3FFE];
	_ =	sdelay $0x1  }
0x8a: {  	s1 =	srdreg.scid  }
0x8b: {  	s0 =	sand.u32 $0x1, s1  }
0x8c: {  	s16 =	sshll.u32 s0, $0xA;
	s2 =	sadd.s32 s3, s2  }
0x8d: {  	s2 =	sadd.s32 s2, s16  }
0x8e: {  	[smem:$0x3FBD] =	sst s2  }
0x8f: {  	_ = 	snop  }
0x90: {  	(tm) =	ssettm $0x1  }
0x91: {  	s17 =	sld [smem:$0x3FFB];
	_ =	sdelay $0x3  }
0x92: {  	_ =	strace s17  }
0x93: {  	s2 =	sld [smem:$0x3FFC];
	_ =	sdelay $0x3  }
0x94: {  	_ =	strace s2  }
0x95: {  	s2 =	sld [smem:$0x3FFD];
	_ =	sdelay $0x3  }
0x96: {  	_ =	strace s2  }
0x97: {  	_ =	strace $0x8FFFFFFF  }
0x98: {  	s18 =	sld [smem:$0x3FDB];
	_ =	sdelay $0x1  }
0x99: {  	s19 =	simm.s32 $_scs_section_size  }
0x9a: {  	s4 =	simm.s32 $_size__tile_overlayer_lowered;
	s5 =	simm.s32 $_tile_overlayer_lowered  }
0x9b: {  	s22 =	simm.s32 $0x1BFF;
	s21 =	sshll.u32 s5, $0x1;
	s2 =	sadd.s32 s19, s18  }
0x9c: {  	s6 =	simm.s32 $0x0;
	s20 =	sshll.u32 s4, $0x1;
	s4 =	sadd.s32 s21, s2  }
0x9d: {  	[timem:s6], [sflag:s22] =	dma.local [hbm:s4], s20  }
0x9e: {  	_ =	swait.ge [sflag:s22], s20  }
0x9f: {  	s3 =	ssub.s32 $0x0, s20;
	[sflag:s22] =	ssyncset.done $0x0  }
0xa0: {  	[sflag:s22] =	ssyncadd.s32 s3;
	_ =	sdelay $0x1  }
0xa1: {  	s23 =	simm.s32 $0x1B8B  }
0xa2: {  	_ =	swait.ge [sflag:s23], $0x1  }
0xa3: {  	[sflag:s23] =	ssyncset.done $0x0  }
0xa4: {  	s25 =	simm.s32 $0x1B8E;
	s24 =	sld [smem:$0x3FFE];
	[sflag:s23] =	ssyncadd.s32 $0xFFFFFFFF  }
0xa5: {  	s26 =	simm.s32 $execute0_lowered;
	[smem:$0x3FD2] =	sst s25  }
0xa6: {  	s4 =	sshll.u32 s26, $0x1;
	_ =	strace $0x80000055;
	[dreg:$0x1] =	wrdreg $0xFFFFFFFF  }
0xa7: {  	s28 =	simm.s32 $_size_execute0_lowered;
	s2 =	sadd.s32 s2, s4;
	[dreg:$0x0] =	wrdreg $0x0  }
0xa8: {  	s4 =	sshll.u32 s28, $0x1;
	[dreg:$0x2] =	wrdreg s2  }
0xa9: {  	[dreg:$0x3] =	wrdreg s4  }
0xaa: {  	[dreg:$0x4] =	wrdreg $0xC0  }
0xab: {  	_ =	task [dreg:s6], $0x5FFFF  }
0xac: {  	[dreg:$0x1] =	wrdreg $0xFFFFFFFF  }
0xad: {  	[dreg:$0x0] =	wrdreg $0x60  }
0xae: {  	[dreg:$0x2] =	wrdreg s24  }
0xaf: {  	[dreg:$0x3] =	wrdreg $0xB7800  }
0xb0: {  	[dreg:$0x4] =	wrdreg $0x9  }
0xb1: {  	_ =	task.clear_ibuf [dreg:s6], $0x5FFFF;
	_ =	strace $0x90000055  }
0xb2: {  	s29 =	simm.s32 $0x9;
	_ =	strace $0x80000057  }
0xb3: {  	_ =	swait.ge [sflag:s29], $0x1  }
0xb4: {  	[sflag:s29] =	ssyncadd.s32 $0xFFFFFFFF  }
0xb5: {  	_ =	strace $0x90000057  }
0xb6: {  	_ =	sfence  }
0xb7: {  	s30 =	sld [smem:$0x0];
	_ =	sdelay $0x2  }
0xb8: {  	s31 =	sshll.u32 s1, $0xD;
	s1 =	sshrl.u32 s1, $0x2  }
0xb9: {  	s3 =	sand.u32 $0x4000, s31;
	s1 =	sadd.s32 s1, s30  }
0xba: {  	s0 =	sor.u32 s3, s0;
	s1 =	sshll.u32 s1, $0x11  }
0xbb: {  	s0 =	sor.u32 s1, s0  }
0xbc: {  	s0 =	sadd.s32 $0x8F2B, s0  }
0xbd: {  	[sflag:s0] =	ssyncadd.remote.s32 $0x1  }
0xbe: {  	_ =	sfence.sel $0xFFFF  }
0xbf: {  	[dreg:$0x0] =	wrdreg $0xFFFFFFFF;
	(pc) =	sbr.abs _section_cstart, $3  }
0xc0: {  	[dreg:$0x1] =	wrdreg $0xFFFFFFFF  }
0xc1: {  	_ =	task.clear_ibuf [dreg:s6], $0x2FFFF;
	_ =	strace $0x9FFFFFFF  }
0xc2: {  	(tm) =	ssettm $0x7FFFFFFF  }
0xc3: {  	_ =	shalt  }
tec
execute0_lowered:
.L_overlay_start_1:
0x0: {  	(tag) =	ssettag $0x1  }
0x1: {  	s6 =	rddreg [dreg:$0x0]  }
0x2: {  	s1 =	srdreg.scid;
	s0 =	stileid.u32  }
0x3: {  	s2 =	rddreg [dreg:$0x1];
	s14 =	simm.s32 $0x80;
	s15 =	simm.s32 $0x400  }
0x4: {  	s16 =	simm.s32 $0x5000;
	s17 =	simm.s32 $0x7780;
	s18 =	simm.s32 $0x1  }
0x5: {  	s5 =	sand.u32 $0x1, s1;
	s3 =	sshll.u32 s0, $0x1;
	s11 =	smul.u32 $0x50000, s0  }
0x6: {  	s1 =	rddreg [dreg:$0x2];
	s7 =	sshrl.u32 s0, $0x2;
	s20 =	smul.u32 $0x2800, s0  }
0x7: {  	s31 =	sshll.u32 s0, $0x6;
	s4 =	sor.u32 s5, s3;
	s7 =	smul.u32 $0x13C00, s7  }
0x8: {  	s3 =	simm.s32 $0x0;
	s26 =	smul.u32 $0x28000, s5;
	s28 =	ssub.s32 $0x2, s5  }
0x9: {  	s5 =	sadd.s32 $0x4FA00, s6;
	s8 =	sshll.u32 s4, $0x7;
	[smem:$0x7FF] =	sst s3  }
0xa: {  	s9 =	smul.u32 $0x500, s4;
	s4 =	sadd.s32 $0x79400, s6;
	s29 =	sshrl.u32 s28, $0x1  }
0xb: {  	s30 =	sshrl.u32 s11, $0x2;
	s8 =	sand.u32 $0x380, s8;
	_ =	strace $0x80000056  }
0xc: {  	s12 =	sadd.s32 s26, s6;
	s13 =	ssub.s32 s28, s29;
	s11 =	sadd.s32 s30, s2  }
0xd: {  	s7 =	sor.u32 s7, s8;
	s25 =	sadd.s32 s9, s6;
	s19 =	sadd.s32 $0xA0600, s12  }
0xe: {  	s11 =	sshrl.u32 s11, $0x3;
	s12 =	simm.s32 $0x2;
	s7 =	sshrl.u32 s7, $0x3  }
0xf: {  	s8 =	sadd.s32 $0x14A00, s25;
	s19 =	sadd.s32 s20, s19;
	s20 =	simm.s32 $0x0  }
0x10: {  	s10 =	sadd.s32 s7, s6;
	s6 =	sor.u32 $0x1C02, s31;
	s7 =	sadd.s32 $0xAA00, s25  }
0x11: {  	s9 =	sadd.s32 $0x1EA00, s10;
	s10 =	smax.u32 s13, $0x1;
	s13 =	simm.s32 $0x2800  }
.LBB2_1:
0x12: {  	[spmem:s11], [sflag:s6] =	dma.local [hbm:s5], $0x2800  }
0x13: {  	_ =	swait.ge [sflag:s12], $0x2800  }
0x14: {  	[sflag:s12] =	ssyncset.done $0x0  }
0x15: {  	[sflag:s12] =	ssyncadd.s32 $0xFFFFD800  }
0x16: {  	[tilespmem:s3], [sflag:$0x2] =	stream.linear.gather [hbm4b:s7+s3], $0x2780, $0x38;
	[tilespmem:$0x1F780] =	vst v63  }
0x17: {  	_ =	swait.ge [sflag:s12], $0x2780  }
0x18: {  	[sflag:s12] =	ssyncset.done $0x0  }
0x19: {  	[sflag:s12] =	ssyncadd.s32 $0xFFFFD880  }
0x1a: {  	[tilespmem:s13], [sflag:$0x2] =	stream.linear.gather [hbm4b:s8+s3], $0x2780, $0x38;
	[tilespmem:$0x1F780] =	vst v63  }
0x1b: {  	_ =	swait.ge [sflag:s12], $0x2780  }
0x1c: {  	[sflag:s12] =	ssyncset.done $0x0  }
0x1d: {  	[sflag:s12] =	ssyncadd.s32 $0xFFFFD880  }
0x1e: {  	[tilespmem:s16], [sflag:$0x2] =	stream.strided.gather [hbm4b:s9+s14], $0x2780, s15, s14, $0x38;
	[tilespmem:$0x1F780] =	vst v63  }
0x1f: {  	_ =	swait.ge [sflag:s12], $0x2780  }
0x20: {  	[sflag:s12] =	ssyncset.done $0x0  }
0x21: {  	[sflag:s12] =	ssyncadd.s32 $0xFFFFD880  }
0x22: {  	s21 =	simm.s32 $0x0;
	s22 =	simm.s32 $0x0;
	[bflag:$0x0] =	sbarrier.arrive $0xFFFF  }
.LBB2_2:
0x23: {  	s23 =	sshll.u32 s22, $0x7  }
0x24: {  	[tilespmem:s17], [sflag:$0x1] =	stream.indirect.gather [hbm4b:s4+s14], $0x80, s23, s14, $0xb8;
	[tilespmem:$0x1F780] =	vst v63  }
0x25: {  	s24 =	sadd.s32 $0x0, s21;
	_ =	swait.ge [sflag:s18], $0x4000  }
0x26: {  	v0 =	vmov s24;
	[sflag:s18] =	ssyncset.done $0x0  }
0x27: {  	s24 =	simm.s32 $0x77C0;
	[sflag:s18] =	ssyncadd.s32 $0xFFFFC000  }
0x28: {  	v4 =	vld [tilespmem:s24+$0x30]  }
0x29: {  	v7 =	vld [tilespmem:s24+$0x10]  }
0x2a: {  	v5 =	vld [tilespmem:s24+$0xFFFFFFC0]  }
0x2b: {  	v1 =	vld.idx.msk [tilespmem:v0+s16+$0x0], $0xffff  }
0x2c: {  	v9 =	vld [tilespmem:s24+$0xFFFFFFE0]  }
0x2d: {  	v2 =	vld [tilespmem:s24+$0x20]  }
0x2e: {  	v3 =	vld [tilespmem:s24+$0xFFFFFFD0]  }
0x2f: {  	v0 =	vld [tilespmem:s24+$0xFFFFFFF0]  }
0x30: {  	v8 =	vmul.f32 v4, v1;
	v4 =	vld [tilespmem:s24+$0x0]  }
0x31: {  	v6 =	vmul.f32 v5, v1  }
0x32: {  	s25 =	simm.s32 $0x1;
	s26 =	simm.s32 $0x77C0;
	v5 =	vmul.f32 v9, v1;
	v7 =	vmul.f32 v7, v1  }
.LBB2_3:
0x33: {  	p0 =	sne.s32 s25, $0x7F  }
0x34: {  	v3 =	vmul.f32 v3, v1;
	v2 =	vmul.f32 v2, v1;
	[tilespmem:s24+$0x30] =	vst v8;
	s26 =	sadd.s32 $0x80, s26;
	s28 =	smov.u32 s25;
	s25 =	sadd.s32 $0x1, s25  }
0x35: {  	[tilespmem:s24+$0xFFFFFFC0] =	vst v6;
	v6 =	vmul.f32 v0, v1;
	v1 =	vmul.f32 v4, v1  }
0x36: {  	s28 =	sadd.s32 s28, s21;
	[tilespmem:s24+$0x10] =	vst v7  }
0x37: {  	v4 =	vmov s28;
	[tilespmem:s24+$0xFFFFFFE0] =	vst v5  }
0x38: {  	v0 =	vld [tilespmem:s26+$0xFFFFFFF0];
	[tilespmem:s24+$0xFFFFFFF0] =	vst v6  }
0x39: {  	v5 =	vld [tilespmem:s26+$0x30];
	[tilespmem:s24+$0x0] =	vst v1  }
0x3a: {  	v7 =	vld [tilespmem:s26+$0x10];
	[tilespmem:s24+$0x20] =	vst v2  }
0x3b: {  	v6 =	vld [tilespmem:s26+$0xFFFFFFC0];
	[tilespmem:s24+$0xFFFFFFD0] =	vst v3;
	s24 =	smov.u32 s26  }
0x3c: {  	v1 =	vld.idx.msk [tilespmem:v4+s16+$0x0], $0xffff  }
0x3d: {  	v9 =	vld [tilespmem:s26+$0xFFFFFFE0]  }
0x3e: {  	v2 =	vld [tilespmem:s26+$0x20]  }
.Ltmp0:
0x3f: {  	v3 =	vld [tilespmem:s26+$0xFFFFFFD0];
	(pc) =	sbr.rel @p0 .LBB2_3-.Ltmp0, $3  }
0x40: {  	v4 =	vld [tilespmem:s26+$0x0];
	_ =	sdelay $0x1  }
0x41: {  	v6 =	vmul.f32 v6, v1;
	v8 =	vmul.f32 v5, v1  }
0x42: {  	v7 =	vmul.f32 v7, v1;
	v5 =	vmul.f32 v9, v1  }
0x43: {  	[tilespmem:s24+$0x30] =	vst v8  }
0x44: {  	[tilespmem:s24+$0xFFFFFFC0] =	vst v6  }
0x45: {  	v0 =	vmul.f32 v0, v1;
	[tilespmem:s24+$0x10] =	vst v7  }
0x46: {  	v2 =	vmul.f32 v2, v1;
	[tilespmem:s24+$0xFFFFFFE0] =	vst v5  }
0x47: {  	v63 =	vmul.f32 v3, v1;
	[tilespmem:s24+$0xFFFFFFF0] =	vst v0  }
0x48: {  	s22 =	sadd.s32 $0x1, s22;
	v4 =	vmul.f32 v4, v1;
	[tilespmem:s24+$0x20] =	vst v2  }
0x49: {  	p0 =	sne.s32 s22, $0x4F;
	[tilespmem:s24+$0xFFFFFFD0] =	vst v63  }
.Ltmp1:
0x4a: {  	s23 =	sadd.s32 $0x2800, s23;
	[tilespmem:s24+$0x0] =	vst v4;
	(pc) =	sbr.rel @p0 .LBB2_2-.Ltmp1, $4  }
0x4b: {  	[spmem:s2] =	stream.indirect.scatter.add.f32 [tilespmem:s17], [sflag:$0x2], $0x80, s23, s14, $0xb8;
	[tilespmem:$0x1F780] =	vst v63  }
0x4c: {  	_ =	swait.ge [sflag:s12], $0x4000  }
0x4d: {  	[sflag:s12] =	ssyncset.done $0x0  }
0x4e: {  	s21 =	sadd.s32 $0x80, s21;
	[sflag:s12] =	ssyncadd.s32 $0xFFFFC000  }
0x4f: {  	s20 =	sadd.s32 $0x1, s20  }
0x50: {  	p0 =	sne.s32 s20, s10  }
.Ltmp2:
0x51: {  	[bflag:$0x0] =	sbarrier.arrive $0xFFFF;
	(pc) =	sbr.rel @p0 .LBB2_1-.Ltmp2, $4  }
0x52: {  	[hbm:s19], [sflag:s6] =	dma.local [spmem:s11], $0x2800  }
0x53: {  	_ =	swait.ge [sflag:s12], $0x2800  }
0x54: {  	[sflag:s12] =	ssyncset.done $0x0  }
0x55: {  	[sflag:s12] =	ssyncadd.s32 $0xFFFFD800  }
0x56: {  	_ =	sfence.sel $0x180000  }
0x57: {  	[bflag:$0x0] =	sbarrier.arrive $0xFFFF  }
0x58: {  	p0 =	sne.s32 s0, $0x0;
	_ =	strace $0x90000056  }
0x59: {  	s0 =	sadd.s32 @!p0 $0x100000, s1;
	[bflag:$0x2] =	sbarrier.arrive $0xFFFF  }
0x5a: {  	[sflag:s0] =	ssyncadd.tile.s32 @!p0 $0x1;
	_ =	shalt  }
.Lfunc_end2:
_tile_overlayer_lowered:
.L_overlay_start_2:
0x5b: {  	(tag) =	ssettag $0x2  }
0x5c: {  	s0 =	rddreg [dreg:$0x0];
	s2 =	stileid.u32  }
0x5d: {  	s1 =	rddreg [dreg:$0x1];
	p0 =	sne.s32 s2, $0x0  }
0x5e: {  	s3 =	rddreg [dreg:$0x2];
	[bflag:$0x3] =	sbarrier.arrive $0xFFFF;
	s2 =	simm.s32 @!p0 $0x1C02  }
0x5f: {  	[timem:s3], [sflag:s2] =	dma.local @!p0 [hbm:s0], s1  }
0x60: {  	s0 =	simm.s32 @!p0 $0x2  }
0x61: {  	_ =	swait.ge @!p0 [sflag:s0], s1  }
0x62: {  	s1 =	ssub.s32 @!p0 $0x0, s1;
	[sflag:s0] =	ssyncset.done @!p0 $0x0  }
0x63: {  	[sflag:s0] =	ssyncadd.s32 @!p0 s1  }
0x64: {  	[bflag:$0x3] =	sbarrier.arrive $0xFFFF  }
0x65: {  	_ =	shalt  }

// kernel: kernel.43.cloned.1.call-start
scs
__scs_entry_jumppad:
0x0: {  	(pc) =	sbr.rel $0x88, $3  }
0x1: {  	(tag) =	ssettag $0x0;
	lr =	simm.s32 $0x1  }
0x2: {  	[smem:$0x3F96] =	sst lr;
	_ =	strace $0xD0000000  }
0x3: {  	_ = 	snop  }
0x4: {  	_ = 	snop  }
0x5: {  	_ = 	snop  }
0x6: {  	_ = 	snop  }
0x7: {  	_ = 	snop  }
__scs_overlays_trampoline_lowered:
0x8: {  	[smem:$0x3FA5] =	sst s0  }
0x9: {  	[smem:$0x3FA6] =	sst s1  }
0xa: {  	[smem:$0x3FA7] =	sst s2  }
0xb: {  	[smem:$0x3FA8] =	sst s3  }
0xc: {  	[smem:$0x3FA9] =	sst s4  }
0xd: {  	[smem:$0x3FAA] =	sst s5  }
0xe: {  	[smem:$0x3FAB] =	sst s6  }
0xf: {  	[smem:$0x3FAC] =	sst s7  }
0x10: {  	[smem:$0x3FAD] =	sst s8  }
0x11: {  	[smem:$0x3FAE] =	sst s9;
	s0 =	simm.s32 @!p0 $0x0  }
0x12: {  	s1 =	sld [smem:$0x3F94];
	s0 =	simm.s32 @p0 $0x1  }
0x13: {  	[smem:$0x3FAF] =	sst s0;
	s0 =	simm.s32 @!p1 $0x0  }
0x14: {  	s2 =	sld [smem:$0x3F93];
	s0 =	simm.s32 @p1 $0x1  }
0x15: {  	[smem:$0x3FB0] =	sst s0;
	s0 =	simm.s32 @!p2 $0x0  }
0x16: {  	s3 =	sld [smem:$0x3FDB];
	s0 =	simm.s32 @p2 $0x1  }
0x17: {  	s4 =	simm.s32 $0x1BF5;
	[smem:$0x3FB2] =	sst s0  }
0x18: {  	s0 =	sld [smem:$0x3F95];
	_ =	swait.ge [sflag:s4], $0x0  }
0x19: {  	s7 =	sld [smem:$0x3F96]  }
0x1a: {  	s8 =	sadd.s32 $0xFFFFE003, lr  }
0x1b: {  	s9 =	sadd.s32 $0xFFFFFEF7, lr;
	s5 =	simm.s32 $0xFFFFFFFF;
	p2 =	slt.u32 s8, $0xFFFFF086  }
0x1c: {  	p1 =	slt.u32 s9, $0xF7A;
	s5 =	simm.s32 @!p2 $0x0  }
0x1d: {  	s5 =	simm.s32 @p1 $0x1;
	p0 =	seq.s32 s7, s2  }
0x1e: {  	s7 =	smul.u32 @!p0 $0xF7A, s2;
	p2 =	seq.s32 @!p0 s5, $0x0  }
0x1f: {  	s9 =	smul.u32 $0xF7A, s1;
	s8 =	simm.s32 @!p0 $0x1BF5;
	p2 =	por !p2, p0  }
0x20: {  	[sflag:s8] =	ssyncset.s32 @!p0 $0xFFFFF086;
	s6 =	sadd.s32 @!p0 s3, s7;
	s7 =	simm.s32 @!p0 $0x108  }
0x21: {  	s3 =	sadd.s32 s3, s9;
	s6 =	sadd.s32 @!p0 $0x88, s6;
	s7 =	simm.s32 @p2 $0x1082  }
0x22: {  	[simem:s7], [sflag:s8] =	dma.local @!p0 [hbm:s6], $0xF7A  }
0x23: {  	s9 =	sor.u32 $0xD0000000, s2;
	s6 =	simm.s32 $0x108;
	_ =	swait.ge @!p0 [sflag:s8], $0x0  }
0x24: {  	s3 =	sadd.s32 $0x88, s3;
	s6 =	simm.s32 @!p1 $0x1082;
	[sflag:s4] =	ssyncset.s32 $0xFFFFF086  }
0x25: {  	[simem:s6], [sflag:s4] =	dma.local [hbm:s3], $0xF7A  }
0x26: {  	[smem:$0x3F96] =	sst s1;
	(tag) =	ssettag s2;
	_ =	strace s9  }
0x27: {  	s1 =	sld [smem:$0x3FA6]  }
0x28: {  	s2 =	sld [smem:$0x3FA7]  }
0x29: {  	s4 =	sld [smem:$0x3FA9]  }
0x2a: {  	p0 =	seq.s32 s5, $0x0;
	s5 =	sld [smem:$0x3FAA]  }
0x2b: {  	s6 =	sld [smem:$0x3FAB]  }
0x2c: {  	s7 =	sld [smem:$0x3FAC]  }
0x2d: {  	s3 =	simm.s32 $0x108;
	s8 =	sld [smem:$0x3FAD]  }
0x2e: {  	s3 =	simm.s32 @!p0 $0x1082;
	s9 =	sld [smem:$0x3FAE]  }
0x2f: {  	lr =	sadd.s32 s0, s3;
	s0 =	sld [smem:$0x3FA5]  }
0x30: {  	s3 =	sld [smem:$0x3FA8]  }
0x31: {  	[smem:$0x3FB1] =	sst s10  }
0x32: {  	s10 =	sld [smem:$0x3FAF];
	_ =	sdelay $0x3  }
0x33: {  	p0 =	seq.s32 s10, $0x1;
	s10 =	sld [smem:$0x3FB1];
	_ =	sdelay $0x3  }
0x34: {  	[smem:$0x3FB1] =	sst s10  }
0x35: {  	s10 =	sld [smem:$0x3FB0];
	_ =	sdelay $0x3  }
0x36: {  	p1 =	seq.s32 s10, $0x1;
	s10 =	sld [smem:$0x3FB1];
	_ =	sdelay $0x3  }
0x37: {  	[smem:$0x3FB1] =	sst s10  }
0x38: {  	s10 =	sld [smem:$0x3FB2]  }
0x39: {  	_ = 	snop;
	(pc) =	sbr.ind lr, $3  }
0x3a: {  	_ = 	snop  }
0x3b: {  	_ = 	snop  }
0x3c: {  	p2 =	seq.s32 s10, $0x1;
	s10 =	sld [smem:$0x3FB1]  }
0x3d: {  	_ =	shalt  }
0x3e: {  	_ =	shalt  }
0x3f: {  	_ =	shalt  }
0x40: {  	_ =	shalt  }
0x41: {  	_ =	shalt  }
0x42: {  	_ =	shalt  }
0x43: {  	_ =	shalt  }
0x44: {  	_ =	shalt  }
0x45: {  	_ =	shalt  }
0x46: {  	_ =	shalt  }
0x47: {  	_ =	shalt  }
0x48: {  	_ =	shalt  }
0x49: {  	_ =	shalt  }
0x4a: {  	_ =	shalt  }
0x4b: {  	_ =	shalt  }
0x4c: {  	_ =	shalt  }
0x4d: {  	_ =	shalt  }
0x4e: {  	_ =	shalt  }
0x4f: {  	_ =	shalt  }
0x50: {  	_ =	shalt  }
0x51: {  	_ =	shalt  }
0x52: {  	_ =	shalt  }
0x53: {  	_ =	shalt  }
0x54: {  	_ =	shalt  }
0x55: {  	_ =	shalt  }
0x56: {  	_ =	shalt  }
0x57: {  	_ =	shalt  }
0x58: {  	_ =	shalt  }
0x59: {  	_ =	shalt  }
0x5a: {  	_ =	shalt  }
0x5b: {  	_ =	shalt  }
0x5c: {  	_ =	shalt  }
0x5d: {  	_ =	shalt  }
0x5e: {  	_ =	shalt  }
0x5f: {  	_ =	shalt  }
0x60: {  	_ =	shalt  }
0x61: {  	_ =	shalt  }
0x62: {  	_ =	shalt  }
0x63: {  	_ =	shalt  }
0x64: {  	_ =	shalt  }
0x65: {  	_ =	shalt  }
0x66: {  	_ =	shalt  }
0x67: {  	_ =	shalt  }
0x68: {  	_ =	shalt  }
0x69: {  	_ =	shalt  }
0x6a: {  	_ =	shalt  }
0x6b: {  	_ =	shalt  }
0x6c: {  	_ =	shalt  }
0x6d: {  	_ =	shalt  }
0x6e: {  	_ =	shalt  }
0x6f: {  	_ =	shalt  }
0x70: {  	_ =	shalt  }
0x71: {  	_ =	shalt  }
0x72: {  	_ =	shalt  }
0x73: {  	_ =	shalt  }
0x74: {  	_ =	shalt  }
0x75: {  	_ =	shalt  }
0x76: {  	_ =	shalt  }
0x77: {  	_ =	shalt  }
0x78: {  	_ =	shalt  }
0x79: {  	_ =	shalt  }
0x7a: {  	_ =	shalt  }
0x7b: {  	_ =	shalt  }
0x7c: {  	_ =	shalt  }
0x7d: {  	_ =	shalt  }
0x7e: {  	_ =	shalt  }
0x7f: {  	_ =	shalt  }
0x80: {  	_ =	shalt  }
0x81: {  	_ =	shalt  }
0x82: {  	_ =	shalt  }
0x83: {  	_ =	shalt  }
0x84: {  	_ =	shalt  }
0x85: {  	_ =	shalt  }
0x86: {  	_ =	shalt  }
0x87: {  	_ =	shalt  }
.Lfunc_end0:
.L_simem_size_0:
called_computation.6_lowered:
.L_overlay_start_0:
0x88: {  	s2 =	sld [smem:$0x3FD9]  }
0x89: {  	s3 =	sld [smem:$0x3FFE];
	_ =	sdelay $0x1  }
0x8a: {  	s1 =	srdreg.scid  }
0x8b: {  	s0 =	sand.u32 $0x1, s1  }
0x8c: {  	s16 =	sshll.u32 s0, $0xA;
	s2 =	sadd.s32 s3, s2  }
0x8d: {  	s2 =	sadd.s32 s2, s16  }
0x8e: {  	[smem:$0x3FBD] =	sst s2  }
0x8f: {  	_ = 	snop  }
0x90: {  	(tm) =	ssettm $0x1  }
0x91: {  	s17 =	sld [smem:$0x3FFB];
	_ =	sdelay $0x3  }
0x92: {  	_ =	strace s17  }
0x93: {  	s2 =	sld [smem:$0x3FFC];
	_ =	sdelay $0x3  }
0x94: {  	_ =	strace s2  }
0x95: {  	s2 =	sld [smem:$0x3FFD];
	_ =	sdelay $0x3  }
0x96: {  	_ =	strace s2  }
0x97: {  	_ =	strace $0x8FFFFFFF  }
0x98: {  	s18 =	sld [smem:$0x3FDB];
	_ =	sdelay $0x1  }
0x99: {  	s19 =	simm.s32 $_scs_section_size  }
0x9a: {  	s4 =	simm.s32 $_size__tile_overlayer_lowered;
	s5 =	simm.s32 $_tile_overlayer_lowered  }
0x9b: {  	s22 =	simm.s32 $0x1BFF;
	s21 =	sshll.u32 s5, $0x1;
	s2 =	sadd.s32 s19, s18  }
0x9c: {  	s6 =	simm.s32 $0x0;
	s20 =	sshll.u32 s4, $0x1;
	s4 =	sadd.s32 s21, s2  }
0x9d: {  	[timem:s6], [sflag:s22] =	dma.local [hbm:s4], s20  }
0x9e: {  	_ =	swait.ge [sflag:s22], s20  }
0x9f: {  	s3 =	ssub.s32 $0x0, s20;
	[sflag:s22] =	ssyncset.done $0x0  }
0xa0: {  	[sflag:s22] =	ssyncadd.s32 s3;
	_ =	sdelay $0x1  }
0xa1: {  	s23 =	simm.s32 $0x1B8B  }
0xa2: {  	_ =	swait.ge [sflag:s23], $0x1  }
0xa3: {  	[sflag:s23] =	ssyncset.done $0x0  }
0xa4: {  	s25 =	simm.s32 $0x1B8E;
	s24 =	sld [smem:$0x3FFE];
	[sflag:s23] =	ssyncadd.s32 $0xFFFFFFFF  }
0xa5: {  	s26 =	simm.s32 $execute0_lowered;
	[smem:$0x3FD2] =	sst s25  }
0xa6: {  	s4 =	sshll.u32 s26, $0x1;
	_ =	strace $0x80000058;
	[dreg:$0x1] =	wrdreg $0xFFFFFFFF  }
0xa7: {  	s28 =	simm.s32 $_size_execute0_lowered;
	s2 =	sadd.s32 s2, s4;
	[dreg:$0x0] =	wrdreg $0x0  }
0xa8: {  	s4 =	sshll.u32 s28, $0x1;
	[dreg:$0x2] =	wrdreg s2  }
0xa9: {  	[dreg:$0x3] =	wrdreg s4  }
0xaa: {  	[dreg:$0x4] =	wrdreg $0xC0  }
0xab: {  	_ =	task [dreg:s6], $0x5FFFF  }
0xac: {  	[dreg:$0x1] =	wrdreg $0xFFFFFFFF  }
0xad: {  	[dreg:$0x0] =	wrdreg $0x60  }
0xae: {  	[dreg:$0x2] =	wrdreg s24  }
0xaf: {  	[dreg:$0x3] =	wrdreg $0xB7800  }
0xb0: {  	[dreg:$0x4] =	wrdreg $0x9  }
0xb1: {  	_ =	task.clear_ibuf [dreg:s6], $0x5FFFF;
	_ =	strace $0x90000058  }
0xb2: {  	s29 =	simm.s32 $0x9;
	_ =	strace $0x8000005A  }
0xb3: {  	_ =	swait.ge [sflag:s29], $0x1  }
0xb4: {  	[sflag:s29] =	ssyncadd.s32 $0xFFFFFFFF  }
0xb5: {  	_ =	strace $0x9000005A  }
0xb6: {  	_ =	sfence  }
0xb7: {  	s30 =	sld [smem:$0x0];
	_ =	sdelay $0x2  }
0xb8: {  	s31 =	sshll.u32 s1, $0xD;
	s1 =	sshrl.u32 s1, $0x2  }
0xb9: {  	s3 =	sand.u32 $0x4000, s31;
	s1 =	sadd.s32 s1, s30  }
0xba: {  	s0 =	sor.u32 s3, s0;
	s1 =	sshll.u32 s1, $0x11  }
0xbb: {  	s0 =	sor.u32 s1, s0  }
0xbc: {  	s0 =	sadd.s32 $0x8F2B, s0  }
0xbd: {  	[sflag:s0] =	ssyncadd.remote.s32 $0x1  }
0xbe: {  	_ =	sfence.sel $0xFFFF  }
0xbf: {  	[dreg:$0x0] =	wrdreg $0xFFFFFFFF;
	(pc) =	sbr.abs _section_cstart, $3  }
0xc0: {  	[dreg:$0x1] =	wrdreg $0xFFFFFFFF  }
0xc1: {  	_ =	task.clear_ibuf [dreg:s6], $0x2FFFF;
	_ =	strace $0x9FFFFFFF  }
0xc2: {  	(tm) =	ssettm $0x7FFFFFFF  }
0xc3: {  	_ =	shalt  }
tec
execute0_lowered:
.L_overlay_start_1:
0x0: {  	(tag) =	ssettag $0x1  }
0x1: {  	s6 =	rddreg [dreg:$0x0]  }
0x2: {  	s1 =	srdreg.scid;
	s0 =	stileid.u32  }
0x3: {  	s2 =	rddreg [dreg:$0x1];
	s14 =	simm.s32 $0x80;
	s15 =	simm.s32 $0x400  }
0x4: {  	s16 =	simm.s32 $0x5000;
	s17 =	simm.s32 $0x7780;
	s18 =	simm.s32 $0x1  }
0x5: {  	s5 =	sand.u32 $0x1, s1;
	s3 =	sshll.u32 s0, $0x1;
	s11 =	smul.u32 $0x50000, s0  }
0x6: {  	s1 =	rddreg [dreg:$0x2];
	s7 =	sshrl.u32 s0, $0x2;
	s20 =	smul.u32 $0x2800, s0  }
0x7: {  	s31 =	sshll.u32 s0, $0x6;
	s4 =	sor.u32 s5, s3;
	s7 =	smul.u32 $0x13C00, s7  }
0x8: {  	s3 =	simm.s32 $0x0;
	s26 =	smul.u32 $0x28000, s5;
	s28 =	ssub.s32 $0x2, s5  }
0x9: {  	s5 =	sadd.s32 $0x4FA00, s6;
	s8 =	sshll.u32 s4, $0x7;
	[smem:$0x7FF] =	sst s3  }
0xa: {  	s9 =	smul.u32 $0x500, s4;
	s4 =	sadd.s32 $0x79400, s6;
	s29 =	sshrl.u32 s28, $0x1  }
0xb: {  	s30 =	sshrl.u32 s11, $0x2;
	s8 =	sand.u32 $0x380, s8;
	_ =	strace $0x80000059  }
0xc: {  	s12 =	sadd.s32 s26, s6;
	s13 =	ssub.s32 s28, s29;
	s11 =	sadd.s32 s30, s2  }
0xd: {  	s7 =	sor.u32 s7, s8;
	s25 =	sadd.s32 s9, s6;
	s19 =	sadd.s32 $0xA0600, s12  }
0xe: {  	s11 =	sshrl.u32 s11, $0x3;
	s12 =	simm.s32 $0x2;
	s7 =	sshrl.u32 s7, $0x3  }
0xf: {  	s8 =	sadd.s32 $0x14A00, s25;
	s19 =	sadd.s32 s20, s19;
	s20 =	simm.s32 $0x0  }
0x10: {  	s10 =	sadd.s32 s7, s6;
	s6 =	sor.u32 $0x1C02, s31;
	s7 =	sadd.s32 $0xAA00, s25  }
0x11: {  	s9 =	sadd.s32 $0x1EA00, s10;
	s10 =	smax.u32 s13, $0x1;
	s13 =	simm.s32 $0x2800  }
.LBB2_1:
0x12: {  	[spmem:s11], [sflag:s6] =	dma.local [hbm:s5], $0x2800  }
0x13: {  	_ =	swait.ge [sflag:s12], $0x2800  }
0x14: {  	[sflag:s12] =	ssyncset.done $0x0  }
0x15: {  	[sflag:s12] =	ssyncadd.s32 $0xFFFFD800  }
0x16: {  	[tilespmem:s3], [sflag:$0x2] =	stream.linear.gather [hbm4b:s7+s3], $0x2780, $0x38;
	[tilespmem:$0x1F780] =	vst v63  }
0x17: {  	_ =	swait.ge [sflag:s12], $0x2780  }
0x18: {  	[sflag:s12] =	ssyncset.done $0x0  }
0x19: {  	[sflag:s12] =	ssyncadd.s32 $0xFFFFD880  }
0x1a: {  	[tilespmem:s13], [sflag:$0x2] =	stream.linear.gather [hbm4b:s8+s3], $0x2780, $0x38;
	[tilespmem:$0x1F780] =	vst v63  }
0x1b: {  	_ =	swait.ge [sflag:s12], $0x2780  }
0x1c: {  	[sflag:s12] =	ssyncset.done $0x0  }
0x1d: {  	[sflag:s12] =	ssyncadd.s32 $0xFFFFD880  }
0x1e: {  	[tilespmem:s16], [sflag:$0x2] =	stream.strided.gather [hbm4b:s9+s14], $0x2780, s15, s14, $0x38;
	[tilespmem:$0x1F780] =	vst v63  }
0x1f: {  	_ =	swait.ge [sflag:s12], $0x2780  }
0x20: {  	[sflag:s12] =	ssyncset.done $0x0  }
0x21: {  	[sflag:s12] =	ssyncadd.s32 $0xFFFFD880  }
0x22: {  	s21 =	simm.s32 $0x0;
	s22 =	simm.s32 $0x0;
	[bflag:$0x0] =	sbarrier.arrive $0xFFFF  }
.LBB2_2:
0x23: {  	s23 =	sshll.u32 s22, $0x7  }
0x24: {  	[tilespmem:s17], [sflag:$0x1] =	stream.indirect.gather [hbm4b:s4+s14], $0x80, s23, s14, $0xb8;
	[tilespmem:$0x1F780] =	vst v63  }
0x25: {  	s24 =	sadd.s32 $0x0, s21;
	_ =	swait.ge [sflag:s18], $0x4000  }
0x26: {  	v0 =	vmov s24;
	[sflag:s18] =	ssyncset.done $0x0  }
0x27: {  	s24 =	simm.s32 $0x77C0;
	[sflag:s18] =	ssyncadd.s32 $0xFFFFC000  }
0x28: {  	v4 =	vld [tilespmem:s24+$0x30]  }
0x29: {  	v7 =	vld [tilespmem:s24+$0x10]  }
0x2a: {  	v5 =	vld [tilespmem:s24+$0xFFFFFFC0]  }
0x2b: {  	v1 =	vld.idx.msk [tilespmem:v0+s16+$0x0], $0xffff  }
0x2c: {  	v9 =	vld [tilespmem:s24+$0xFFFFFFE0]  }
0x2d: {  	v2 =	vld [tilespmem:s24+$0x20]  }
0x2e: {  	v3 =	vld [tilespmem:s24+$0xFFFFFFD0]  }
0x2f: {  	v0 =	vld [tilespmem:s24+$0xFFFFFFF0]  }
0x30: {  	v8 =	vmul.f32 v4, v1;
	v4 =	vld [tilespmem:s24+$0x0]  }
0x31: {  	v6 =	vmul.f32 v5, v1  }
0x32: {  	s25 =	simm.s32 $0x1;
	s26 =	simm.s32 $0x77C0;
	v5 =	vmul.f32 v9, v1;
	v7 =	vmul.f32 v7, v1  }
.LBB2_3:
0x33: {  	p0 =	sne.s32 s25, $0x7F  }
0x34: {  	v3 =	vmul.f32 v3, v1;
	v2 =	vmul.f32 v2, v1;
	[tilespmem:s24+$0x30] =	vst v8;
	s26 =	sadd.s32 $0x80, s26;
	s28 =	smov.u32 s25;
	s25 =	sadd.s32 $0x1, s25  }
0x35: {  	[tilespmem:s24+$0xFFFFFFC0] =	vst v6;
	v6 =	vmul.f32 v0, v1;
	v1 =	vmul.f32 v4, v1  }
0x36: {  	s28 =	sadd.s32 s28, s21;
	[tilespmem:s24+$0x10] =	vst v7  }
0x37: {  	v4 =	vmov s28;
	[tilespmem:s24+$0xFFFFFFE0] =	vst v5  }
0x38: {  	v0 =	vld [tilespmem:s26+$0xFFFFFFF0];
	[tilespmem:s24+$0xFFFFFFF0] =	vst v6  }
0x39: {  	v5 =	vld [tilespmem:s26+$0x30];
	[tilespmem:s24+$0x0] =	vst v1  }
0x3a: {  	v7 =	vld [tilespmem:s26+$0x10];
	[tilespmem:s24+$0x20] =	vst v2  }
0x3b: {  	v6 =	vld [tilespmem:s26+$0xFFFFFFC0];
	[tilespmem:s24+$0xFFFFFFD0] =	vst v3;
	s24 =	smov.u32 s26  }
0x3c: {  	v1 =	vld.idx.msk [tilespmem:v4+s16+$0x0], $0xffff  }
0x3d: {  	v9 =	vld [tilespmem:s26+$0xFFFFFFE0]  }
0x3e: {  	v2 =	vld [tilespmem:s26+$0x20]  }
.Ltmp0:
0x3f: {  	v3 =	vld [tilespmem:s26+$0xFFFFFFD0];
	(pc) =	sbr.rel @p0 .LBB2_3-.Ltmp0, $3  }
0x40: {  	v4 =	vld [tilespmem:s26+$0x0];
	_ =	sdelay $0x1  }
0x41: {  	v6 =	vmul.f32 v6, v1;
	v8 =	vmul.f32 v5, v1  }
0x42: {  	v7 =	vmul.f32 v7, v1;
	v5 =	vmul.f32 v9, v1  }
0x43: {  	[tilespmem:s24+$0x30] =	vst v8  }
0x44: {  	[tilespmem:s24+$0xFFFFFFC0] =	vst v6  }
0x45: {  	v0 =	vmul.f32 v0, v1;
	[tilespmem:s24+$0x10] =	vst v7  }
0x46: {  	v2 =	vmul.f32 v2, v1;
	[tilespmem:s24+$0xFFFFFFE0] =	vst v5  }
0x47: {  	v63 =	vmul.f32 v3, v1;
	[tilespmem:s24+$0xFFFFFFF0] =	vst v0  }
0x48: {  	s22 =	sadd.s32 $0x1, s22;
	v4 =	vmul.f32 v4, v1;
	[tilespmem:s24+$0x20] =	vst v2  }
0x49: {  	p0 =	sne.s32 s22, $0x4F;
	[tilespmem:s24+$0xFFFFFFD0] =	vst v63  }
.Ltmp1:
0x4a: {  	s23 =	sadd.s32 $0x2800, s23;
	[tilespmem:s24+$0x0] =	vst v4;
	(pc) =	sbr.rel @p0 .LBB2_2-.Ltmp1, $4  }
0x4b: {  	[spmem:s2] =	stream.indirect.scatter.add.f32 [tilespmem:s17], [sflag:$0x2], $0x80, s23, s14, $0xb8;
	[tilespmem:$0x1F780] =	vst v63  }
0x4c: {  	_ =	swait.ge [sflag:s12], $0x4000  }
0x4d: {  	[sflag:s12] =	ssyncset.done $0x0  }
0x4e: {  	s21 =	sadd.s32 $0x80, s21;
	[sflag:s12] =	ssyncadd.s32 $0xFFFFC000  }
0x4f: {  	s20 =	sadd.s32 $0x1, s20  }
0x50: {  	p0 =	sne.s32 s20, s10  }
.Ltmp2:
0x51: {  	[bflag:$0x0] =	sbarrier.arrive $0xFFFF;
	(pc) =	sbr.rel @p0 .LBB2_1-.Ltmp2, $4  }
0x52: {  	[hbm:s19], [sflag:s6] =	dma.local [spmem:s11], $0x2800  }
0x53: {  	_ =	swait.ge [sflag:s12], $0x2800  }
0x54: {  	[sflag:s12] =	ssyncset.done $0x0  }
0x55: {  	[sflag:s12] =	ssyncadd.s32 $0xFFFFD800  }
0x56: {  	_ =	sfence.sel $0x180000  }
0x57: {  	[bflag:$0x0] =	sbarrier.arrive $0xFFFF  }
0x58: {  	p0 =	sne.s32 s0, $0x0;
	_ =	strace $0x90000059  }
0x59: {  	s0 =	sadd.s32 @!p0 $0x100000, s1;
	[bflag:$0x2] =	sbarrier.arrive $0xFFFF  }
0x5a: {  	[sflag:s0] =	ssyncadd.tile.s32 @!p0 $0x1;
	_ =	shalt  }
.Lfunc_end2:
_tile_overlayer_lowered:
.L_overlay_start_2:
0x5b: {  	(tag) =	ssettag $0x2  }
0x5c: {  	s0 =	rddreg [dreg:$0x0];
	s2 =	stileid.u32  }
0x5d: {  	s1 =	rddreg [dreg:$0x1];
	p0 =	sne.s32 s2, $0x0  }
0x5e: {  	s3 =	rddreg [dreg:$0x2];
	[bflag:$0x3] =	sbarrier.arrive $0xFFFF;
	s2 =	simm.s32 @!p0 $0x1C02  }
0x5f: {  	[timem:s3], [sflag:s2] =	dma.local @!p0 [hbm:s0], s1  }
0x60: {  	s0 =	simm.s32 @!p0 $0x2  }
0x61: {  	_ =	swait.ge @!p0 [sflag:s0], s1  }
0x62: {  	s1 =	ssub.s32 @!p0 $0x0, s1;
	[sflag:s0] =	ssyncset.done @!p0 $0x0  }
0x63: {  	[sflag:s0] =	ssyncadd.s32 @!p0 s1  }
0x64: {  	[bflag:$0x3] =	sbarrier.arrive $0xFFFF  }
0x65: {  	_ =	shalt  }

// kernel: kernel.46.cloned.1.call-start
scs
__scs_entry_jumppad:
0x0: {  	(pc) =	sbr.rel $0x88, $3  }
0x1: {  	(tag) =	ssettag $0x0;
	lr =	simm.s32 $0x1  }
0x2: {  	[smem:$0x3F96] =	sst lr;
	_ =	strace $0xD0000000  }
0x3: {  	_ = 	snop  }
0x4: {  	_ = 	snop  }
0x5: {  	_ = 	snop  }
0x6: {  	_ = 	snop  }
0x7: {  	_ = 	snop  }
__scs_overlays_trampoline_lowered:
0x8: {  	[smem:$0x3FA5] =	sst s0  }
0x9: {  	[smem:$0x3FA6] =	sst s1  }
0xa: {  	[smem:$0x3FA7] =	sst s2  }
0xb: {  	[smem:$0x3FA8] =	sst s3  }
0xc: {  	[smem:$0x3FA9] =	sst s4  }
0xd: {  	[smem:$0x3FAA] =	sst s5  }
0xe: {  	[smem:$0x3FAB] =	sst s6  }
0xf: {  	[smem:$0x3FAC] =	sst s7  }
0x10: {  	[smem:$0x3FAD] =	sst s8  }
0x11: {  	[smem:$0x3FAE] =	sst s9;
	s0 =	simm.s32 @!p0 $0x0  }
0x12: {  	s1 =	sld [smem:$0x3F94];
	s0 =	simm.s32 @p0 $0x1  }
0x13: {  	[smem:$0x3FAF] =	sst s0;
	s0 =	simm.s32 @!p1 $0x0  }
0x14: {  	s2 =	sld [smem:$0x3F93];
	s0 =	simm.s32 @p1 $0x1  }
0x15: {  	[smem:$0x3FB0] =	sst s0;
	s0 =	simm.s32 @!p2 $0x0  }
0x16: {  	s3 =	sld [smem:$0x3FDB];
	s0 =	simm.s32 @p2 $0x1  }
0x17: {  	s4 =	simm.s32 $0x1BF5;
	[smem:$0x3FB2] =	sst s0  }
0x18: {  	s0 =	sld [smem:$0x3F95];
	_ =	swait.ge [sflag:s4], $0x0  }
0x19: {  	s7 =	sld [smem:$0x3F96]  }
0x1a: {  	s8 =	sadd.s32 $0xFFFFE003, lr  }
0x1b: {  	s9 =	sadd.s32 $0xFFFFFEF7, lr;
	s5 =	simm.s32 $0xFFFFFFFF;
	p2 =	slt.u32 s8, $0xFFFFF086  }
0x1c: {  	p1 =	slt.u32 s9, $0xF7A;
	s5 =	simm.s32 @!p2 $0x0  }
0x1d: {  	s5 =	simm.s32 @p1 $0x1;
	p0 =	seq.s32 s7, s2  }
0x1e: {  	s7 =	smul.u32 @!p0 $0xF7A, s2;
	p2 =	seq.s32 @!p0 s5, $0x0  }
0x1f: {  	s9 =	smul.u32 $0xF7A, s1;
	s8 =	simm.s32 @!p0 $0x1BF5;
	p2 =	por !p2, p0  }
0x20: {  	[sflag:s8] =	ssyncset.s32 @!p0 $0xFFFFF086;
	s6 =	sadd.s32 @!p0 s3, s7;
	s7 =	simm.s32 @!p0 $0x108  }
0x21: {  	s3 =	sadd.s32 s3, s9;
	s6 =	sadd.s32 @!p0 $0x88, s6;
	s7 =	simm.s32 @p2 $0x1082  }
0x22: {  	[simem:s7], [sflag:s8] =	dma.local @!p0 [hbm:s6], $0xF7A  }
0x23: {  	s9 =	sor.u32 $0xD0000000, s2;
	s6 =	simm.s32 $0x108;
	_ =	swait.ge @!p0 [sflag:s8], $0x0  }
0x24: {  	s3 =	sadd.s32 $0x88, s3;
	s6 =	simm.s32 @!p1 $0x1082;
	[sflag:s4] =	ssyncset.s32 $0xFFFFF086  }
0x25: {  	[simem:s6], [sflag:s4] =	dma.local [hbm:s3], $0xF7A  }
0x26: {  	[smem:$0x3F96] =	sst s1;
	(tag) =	ssettag s2;
	_ =	strace s9  }
0x27: {  	s1 =	sld [smem:$0x3FA6]  }
0x28: {  	s2 =	sld [smem:$0x3FA7]  }
0x29: {  	s4 =	sld [smem:$0x3FA9]  }
0x2a: {  	p0 =	seq.s32 s5, $0x0;
	s5 =	sld [smem:$0x3FAA]  }
0x2b: {  	s6 =	sld [smem:$0x3FAB]  }
0x2c: {  	s7 =	sld [smem:$0x3FAC]  }
0x2d: {  	s3 =	simm.s32 $0x108;
	s8 =	sld [smem:$0x3FAD]  }
0x2e: {  	s3 =	simm.s32 @!p0 $0x1082;
	s9 =	sld [smem:$0x3FAE]  }
0x2f: {  	lr =	sadd.s32 s0, s3;
	s0 =	sld [smem:$0x3FA5]  }
0x30: {  	s3 =	sld [smem:$0x3FA8]  }
0x31: {  	[smem:$0x3FB1] =	sst s10  }
0x32: {  	s10 =	sld [smem:$0x3FAF];
	_ =	sdelay $0x3  }
0x33: {  	p0 =	seq.s32 s10, $0x1;
	s10 =	sld [smem:$0x3FB1];
	_ =	sdelay $0x3  }
0x34: {  	[smem:$0x3FB1] =	sst s10  }
0x35: {  	s10 =	sld [smem:$0x3FB0];
	_ =	sdelay $0x3  }
0x36: {  	p1 =	seq.s32 s10, $0x1;
	s10 =	sld [smem:$0x3FB1];
	_ =	sdelay $0x3  }
0x37: {  	[smem:$0x3FB1] =	sst s10  }
0x38: {  	s10 =	sld [smem:$0x3FB2]  }
0x39: {  	_ = 	snop;
	(pc) =	sbr.ind lr, $3  }
0x3a: {  	_ = 	snop  }
0x3b: {  	_ = 	snop  }
0x3c: {  	p2 =	seq.s32 s10, $0x1;
	s10 =	sld [smem:$0x3FB1]  }
0x3d: {  	_ =	shalt  }
0x3e: {  	_ =	shalt  }
0x3f: {  	_ =	shalt  }
0x40: {  	_ =	shalt  }
0x41: {  	_ =	shalt  }
0x42: {  	_ =	shalt  }
0x43: {  	_ =	shalt  }
0x44: {  	_ =	shalt  }
0x45: {  	_ =	shalt  }
0x46: {  	_ =	shalt  }
0x47: {  	_ =	shalt  }
0x48: {  	_ =	shalt  }
0x49: {  	_ =	shalt  }
0x4a: {  	_ =	shalt  }
0x4b: {  	_ =	shalt  }
0x4c: {  	_ =	shalt  }
0x4d: {  	_ =	shalt  }
0x4e: {  	_ =	shalt  }
0x4f: {  	_ =	shalt  }
0x50: {  	_ =	shalt  }
0x51: {  	_ =	shalt  }
0x52: {  	_ =	shalt  }
0x53: {  	_ =	shalt  }
0x54: {  	_ =	shalt  }
0x55: {  	_ =	shalt  }
0x56: {  	_ =	shalt  }
0x57: {  	_ =	shalt  }
0x58: {  	_ =	shalt  }
0x59: {  	_ =	shalt  }
0x5a: {  	_ =	shalt  }
0x5b: {  	_ =	shalt  }
0x5c: {  	_ =	shalt  }
0x5d: {  	_ =	shalt  }
0x5e: {  	_ =	shalt  }
0x5f: {  	_ =	shalt  }
0x60: {  	_ =	shalt  }
0x61: {  	_ =	shalt  }
0x62: {  	_ =	shalt  }
0x63: {  	_ =	shalt  }
0x64: {  	_ =	shalt  }
0x65: {  	_ =	shalt  }
0x66: {  	_ =	shalt  }
0x67: {  	_ =	shalt  }
0x68: {  	_ =	shalt  }
0x69: {  	_ =	shalt  }
0x6a: {  	_ =	shalt  }
0x6b: {  	_ =	shalt  }
0x6c: {  	_ =	shalt  }
0x6d: {  	_ =	shalt  }
0x6e: {  	_ =	shalt  }
0x6f: {  	_ =	shalt  }
0x70: {  	_ =	shalt  }
0x71: {  	_ =	shalt  }
0x72: {  	_ =	shalt  }
0x73: {  	_ =	shalt  }
0x74: {  	_ =	shalt  }
0x75: {  	_ =	shalt  }
0x76: {  	_ =	shalt  }
0x77: {  	_ =	shalt  }
0x78: {  	_ =	shalt  }
0x79: {  	_ =	shalt  }
0x7a: {  	_ =	shalt  }
0x7b: {  	_ =	shalt  }
0x7c: {  	_ =	shalt  }
0x7d: {  	_ =	shalt  }
0x7e: {  	_ =	shalt  }
0x7f: {  	_ =	shalt  }
0x80: {  	_ =	shalt  }
0x81: {  	_ =	shalt  }
0x82: {  	_ =	shalt  }
0x83: {  	_ =	shalt  }
0x84: {  	_ =	shalt  }
0x85: {  	_ =	shalt  }
0x86: {  	_ =	shalt  }
0x87: {  	_ =	shalt  }
.Lfunc_end0:
.L_simem_size_0:
called_computation.7_lowered:
.L_overlay_start_0:
0x88: {  	s2 =	sld [smem:$0x3FD9]  }
0x89: {  	s3 =	sld [smem:$0x3FFE];
	_ =	sdelay $0x1  }
0x8a: {  	s1 =	srdreg.scid  }
0x8b: {  	s0 =	sand.u32 $0x1, s1  }
0x8c: {  	s16 =	sshll.u32 s0, $0xA;
	s2 =	sadd.s32 s3, s2  }
0x8d: {  	s2 =	sadd.s32 s2, s16  }
0x8e: {  	[smem:$0x3FBD] =	sst s2  }
0x8f: {  	_ = 	snop  }
0x90: {  	(tm) =	ssettm $0x1  }
0x91: {  	s17 =	sld [smem:$0x3FFB];
	_ =	sdelay $0x3  }
0x92: {  	_ =	strace s17  }
0x93: {  	s2 =	sld [smem:$0x3FFC];
	_ =	sdelay $0x3  }
0x94: {  	_ =	strace s2  }
0x95: {  	s2 =	sld [smem:$0x3FFD];
	_ =	sdelay $0x3  }
0x96: {  	_ =	strace s2  }
0x97: {  	_ =	strace $0x8FFFFFFF  }
0x98: {  	s18 =	sld [smem:$0x3FDB];
	_ =	sdelay $0x1  }
0x99: {  	s19 =	simm.s32 $_scs_section_size  }
0x9a: {  	s4 =	simm.s32 $_size__tile_overlayer_lowered;
	s5 =	simm.s32 $_tile_overlayer_lowered  }
0x9b: {  	s22 =	simm.s32 $0x1BFF;
	s21 =	sshll.u32 s5, $0x1;
	s2 =	sadd.s32 s19, s18  }
0x9c: {  	s6 =	simm.s32 $0x0;
	s20 =	sshll.u32 s4, $0x1;
	s4 =	sadd.s32 s21, s2  }
0x9d: {  	[timem:s6], [sflag:s22] =	dma.local [hbm:s4], s20  }
0x9e: {  	_ =	swait.ge [sflag:s22], s20  }
0x9f: {  	s3 =	ssub.s32 $0x0, s20;
	[sflag:s22] =	ssyncset.done $0x0  }
0xa0: {  	[sflag:s22] =	ssyncadd.s32 s3;
	_ =	sdelay $0x1  }
0xa1: {  	s23 =	simm.s32 $0x1B8B  }
0xa2: {  	_ =	swait.ge [sflag:s23], $0x1  }
0xa3: {  	[sflag:s23] =	ssyncset.done $0x0  }
0xa4: {  	s25 =	simm.s32 $0x1B8E;
	s24 =	sld [smem:$0x3FFE];
	[sflag:s23] =	ssyncadd.s32 $0xFFFFFFFF  }
0xa5: {  	s26 =	simm.s32 $execute0_lowered;
	[smem:$0x3FD2] =	sst s25  }
0xa6: {  	s4 =	sshll.u32 s26, $0x1;
	_ =	strace $0x8000005B;
	[dreg:$0x1] =	wrdreg $0xFFFFFFFF  }
0xa7: {  	s28 =	simm.s32 $_size_execute0_lowered;
	s2 =	sadd.s32 s2, s4;
	[dreg:$0x0] =	wrdreg $0x0  }
0xa8: {  	s4 =	sshll.u32 s28, $0x1;
	[dreg:$0x2] =	wrdreg s2  }
0xa9: {  	[dreg:$0x3] =	wrdreg s4  }
0xaa: {  	[dreg:$0x4] =	wrdreg $0xC0  }
0xab: {  	_ =	task [dreg:s6], $0x5FFFF  }
0xac: {  	[dreg:$0x1] =	wrdreg $0xFFFFFFFF  }
0xad: {  	[dreg:$0x0] =	wrdreg $0x60  }
0xae: {  	[dreg:$0x2] =	wrdreg s24  }
0xaf: {  	[dreg:$0x3] =	wrdreg $0xB7800  }
0xb0: {  	[dreg:$0x4] =	wrdreg $0x9  }
0xb1: {  	_ =	task.clear_ibuf [dreg:s6], $0x5FFFF;
	_ =	strace $0x9000005B  }
0xb2: {  	s29 =	simm.s32 $0x9;
	_ =	strace $0x8000005D  }
0xb3: {  	_ =	swait.ge [sflag:s29], $0x1  }
0xb4: {  	[sflag:s29] =	ssyncadd.s32 $0xFFFFFFFF  }
0xb5: {  	_ =	strace $0x9000005D  }
0xb6: {  	_ =	sfence  }
0xb7: {  	s30 =	sld [smem:$0x0];
	_ =	sdelay $0x2  }
0xb8: {  	s31 =	sshll.u32 s1, $0xD;
	s1 =	sshrl.u32 s1, $0x2  }
0xb9: {  	s3 =	sand.u32 $0x4000, s31;
	s1 =	sadd.s32 s1, s30  }
0xba: {  	s0 =	sor.u32 s3, s0;
	s1 =	sshll.u32 s1, $0x11  }
0xbb: {  	s0 =	sor.u32 s1, s0  }
0xbc: {  	s0 =	sadd.s32 $0x8F2B, s0  }
0xbd: {  	[sflag:s0] =	ssyncadd.remote.s32 $0x1  }
0xbe: {  	_ =	sfence.sel $0xFFFF  }
0xbf: {  	[dreg:$0x0] =	wrdreg $0xFFFFFFFF;
	(pc) =	sbr.abs _section_cstart, $3  }
0xc0: {  	[dreg:$0x1] =	wrdreg $0xFFFFFFFF  }
0xc1: {  	_ =	task.clear_ibuf [dreg:s6], $0x2FFFF;
	_ =	strace $0x9FFFFFFF  }
0xc2: {  	(tm) =	ssettm $0x7FFFFFFF  }
0xc3: {  	_ =	shalt  }
tec
execute0_lowered:
.L_overlay_start_1:
0x0: {  	(tag) =	ssettag $0x1  }
0x1: {  	s6 =	rddreg [dreg:$0x0]  }
0x2: {  	s1 =	srdreg.scid;
	s0 =	stileid.u32  }
0x3: {  	s2 =	rddreg [dreg:$0x1];
	s14 =	simm.s32 $0x80;
	s15 =	simm.s32 $0x400  }
0x4: {  	s16 =	simm.s32 $0x5000;
	s17 =	simm.s32 $0x7780;
	s18 =	simm.s32 $0x1  }
0x5: {  	s5 =	sand.u32 $0x1, s1;
	s3 =	sshll.u32 s0, $0x1;
	s11 =	smul.u32 $0x50000, s0  }
0x6: {  	s1 =	rddreg [dreg:$0x2];
	s7 =	sshrl.u32 s0, $0x2;
	s20 =	smul.u32 $0x2800, s0  }
0x7: {  	s31 =	sshll.u32 s0, $0x6;
	s4 =	sor.u32 s5, s3;
	s7 =	smul.u32 $0x13C00, s7  }
0x8: {  	s3 =	simm.s32 $0x0;
	s26 =	smul.u32 $0x28000, s5;
	s28 =	ssub.s32 $0x2, s5  }
0x9: {  	s5 =	sadd.s32 $0x4FA00, s6;
	s8 =	sshll.u32 s4, $0x7;
	[smem:$0x7FF] =	sst s3  }
0xa: {  	s9 =	smul.u32 $0x500, s4;
	s4 =	sadd.s32 $0xA0600, s6;
	s29 =	sshrl.u32 s28, $0x1  }
0xb: {  	s30 =	sshrl.u32 s11, $0x2;
	s8 =	sand.u32 $0x380, s8;
	_ =	strace $0x8000005C  }
0xc: {  	s12 =	sadd.s32 s26, s6;
	s13 =	ssub.s32 s28, s29;
	s11 =	sadd.s32 s30, s2  }
0xd: {  	s7 =	sor.u32 s7, s8;
	s25 =	sadd.s32 s9, s6;
	s19 =	sadd.s32 $0xC7800, s12  }
0xe: {  	s11 =	sshrl.u32 s11, $0x3;
	s12 =	simm.s32 $0x2;
	s7 =	sshrl.u32 s7, $0x3  }
0xf: {  	s8 =	sadd.s32 $0x14A00, s25;
	s19 =	sadd.s32 s20, s19;
	s20 =	simm.s32 $0x0  }
0x10: {  	s10 =	sadd.s32 s7, s6;
	s6 =	sor.u32 $0x1C02, s31;
	s7 =	sadd.s32 $0xAA00, s25  }
0x11: {  	s9 =	sadd.s32 $0x1EA00, s10;
	s10 =	smax.u32 s13, $0x1;
	s13 =	simm.s32 $0x2800  }
.LBB2_1:
0x12: {  	[spmem:s11], [sflag:s6] =	dma.local [hbm:s5], $0x2800  }
0x13: {  	_ =	swait.ge [sflag:s12], $0x2800  }
0x14: {  	[sflag:s12] =	ssyncset.done $0x0  }
0x15: {  	[sflag:s12] =	ssyncadd.s32 $0xFFFFD800  }
0x16: {  	[tilespmem:s3], [sflag:$0x2] =	stream.linear.gather [hbm4b:s7+s3], $0x2780, $0x38;
	[tilespmem:$0x1F780] =	vst v63  }
0x17: {  	_ =	swait.ge [sflag:s12], $0x2780  }
0x18: {  	[sflag:s12] =	ssyncset.done $0x0  }
0x19: {  	[sflag:s12] =	ssyncadd.s32 $0xFFFFD880  }
0x1a: {  	[tilespmem:s13], [sflag:$0x2] =	stream.linear.gather [hbm4b:s8+s3], $0x2780, $0x38;
	[tilespmem:$0x1F780] =	vst v63  }
0x1b: {  	_ =	swait.ge [sflag:s12], $0x2780  }
0x1c: {  	[sflag:s12] =	ssyncset.done $0x0  }
0x1d: {  	[sflag:s12] =	ssyncadd.s32 $0xFFFFD880  }
0x1e: {  	[tilespmem:s16], [sflag:$0x2] =	stream.strided.gather [hbm4b:s9+s14], $0x2780, s15, s14, $0x38;
	[tilespmem:$0x1F780] =	vst v63  }
0x1f: {  	_ =	swait.ge [sflag:s12], $0x2780  }
0x20: {  	[sflag:s12] =	ssyncset.done $0x0  }
0x21: {  	[sflag:s12] =	ssyncadd.s32 $0xFFFFD880  }
0x22: {  	s21 =	simm.s32 $0x0;
	s22 =	simm.s32 $0x0;
	[bflag:$0x0] =	sbarrier.arrive $0xFFFF  }
.LBB2_2:
0x23: {  	s23 =	sshll.u32 s22, $0x7  }
0x24: {  	[tilespmem:s17], [sflag:$0x1] =	stream.indirect.gather [hbm4b:s4+s14], $0x80, s23, s14, $0xb8;
	[tilespmem:$0x1F780] =	vst v63  }
0x25: {  	s24 =	sadd.s32 $0x0, s21;
	_ =	swait.ge [sflag:s18], $0x4000  }
0x26: {  	v0 =	vmov s24;
	[sflag:s18] =	ssyncset.done $0x0  }
0x27: {  	s24 =	simm.s32 $0x77C0;
	[sflag:s18] =	ssyncadd.s32 $0xFFFFC000  }
0x28: {  	v4 =	vld [tilespmem:s24+$0x30]  }
0x29: {  	v7 =	vld [tilespmem:s24+$0x10]  }
0x2a: {  	v5 =	vld [tilespmem:s24+$0xFFFFFFC0]  }
0x2b: {  	v1 =	vld.idx.msk [tilespmem:v0+s16+$0x0], $0xffff  }
0x2c: {  	v9 =	vld [tilespmem:s24+$0xFFFFFFE0]  }
0x2d: {  	v2 =	vld [tilespmem:s24+$0x20]  }
0x2e: {  	v3 =	vld [tilespmem:s24+$0xFFFFFFD0]  }
0x2f: {  	v0 =	vld [tilespmem:s24+$0xFFFFFFF0]  }
0x30: {  	v8 =	vmul.f32 v4, v1;
	v4 =	vld [tilespmem:s24+$0x0]  }
0x31: {  	v6 =	vmul.f32 v5, v1  }
0x32: {  	s25 =	simm.s32 $0x1;
	s26 =	simm.s32 $0x77C0;
	v5 =	vmul.f32 v9, v1;
	v7 =	vmul.f32 v7, v1  }
.LBB2_3:
0x33: {  	p0 =	sne.s32 s25, $0x7F  }
0x34: {  	v3 =	vmul.f32 v3, v1;
	v2 =	vmul.f32 v2, v1;
	[tilespmem:s24+$0x30] =	vst v8;
	s26 =	sadd.s32 $0x80, s26;
	s28 =	smov.u32 s25;
	s25 =	sadd.s32 $0x1, s25  }
0x35: {  	[tilespmem:s24+$0xFFFFFFC0] =	vst v6;
	v6 =	vmul.f32 v0, v1;
	v1 =	vmul.f32 v4, v1  }
0x36: {  	s28 =	sadd.s32 s28, s21;
	[tilespmem:s24+$0x10] =	vst v7  }
0x37: {  	v4 =	vmov s28;
	[tilespmem:s24+$0xFFFFFFE0] =	vst v5  }
0x38: {  	v0 =	vld [tilespmem:s26+$0xFFFFFFF0];
	[tilespmem:s24+$0xFFFFFFF0] =	vst v6  }
0x39: {  	v5 =	vld [tilespmem:s26+$0x30];
	[tilespmem:s24+$0x0] =	vst v1  }
0x3a: {  	v7 =	vld [tilespmem:s26+$0x10];
	[tilespmem:s24+$0x20] =	vst v2  }
0x3b: {  	v6 =	vld [tilespmem:s26+$0xFFFFFFC0];
	[tilespmem:s24+$0xFFFFFFD0] =	vst v3;
	s24 =	smov.u32 s26  }
0x3c: {  	v1 =	vld.idx.msk [tilespmem:v4+s16+$0x0], $0xffff  }
0x3d: {  	v9 =	vld [tilespmem:s26+$0xFFFFFFE0]  }
0x3e: {  	v2 =	vld [tilespmem:s26+$0x20]  }
.Ltmp0:
0x3f: {  	v3 =	vld [tilespmem:s26+$0xFFFFFFD0];
	(pc) =	sbr.rel @p0 .LBB2_3-.Ltmp0, $3  }
0x40: {  	v4 =	vld [tilespmem:s26+$0x0];
	_ =	sdelay $0x1  }
0x41: {  	v6 =	vmul.f32 v6, v1;
	v8 =	vmul.f32 v5, v1  }
0x42: {  	v7 =	vmul.f32 v7, v1;
	v5 =	vmul.f32 v9, v1  }
0x43: {  	[tilespmem:s24+$0x30] =	vst v8  }
0x44: {  	[tilespmem:s24+$0xFFFFFFC0] =	vst v6  }
0x45: {  	v0 =	vmul.f32 v0, v1;
	[tilespmem:s24+$0x10] =	vst v7  }
0x46: {  	v2 =	vmul.f32 v2, v1;
	[tilespmem:s24+$0xFFFFFFE0] =	vst v5  }
0x47: {  	v63 =	vmul.f32 v3, v1;
	[tilespmem:s24+$0xFFFFFFF0] =	vst v0  }
0x48: {  	s22 =	sadd.s32 $0x1, s22;
	v4 =	vmul.f32 v4, v1;
	[tilespmem:s24+$0x20] =	vst v2  }
0x49: {  	p0 =	sne.s32 s22, $0x4F;
	[tilespmem:s24+$0xFFFFFFD0] =	vst v63  }
.Ltmp1:
0x4a: {  	s23 =	sadd.s32 $0x2800, s23;
	[tilespmem:s24+$0x0] =	vst v4;
	(pc) =	sbr.rel @p0 .LBB2_2-.Ltmp1, $4  }
0x4b: {  	[spmem:s2] =	stream.indirect.scatter.add.f32 [tilespmem:s17], [sflag:$0x2], $0x80, s23, s14, $0xb8;
	[tilespmem:$0x1F780] =	vst v63  }
0x4c: {  	_ =	swait.ge [sflag:s12], $0x4000  }
0x4d: {  	[sflag:s12] =	ssyncset.done $0x0  }
0x4e: {  	s21 =	sadd.s32 $0x80, s21;
	[sflag:s12] =	ssyncadd.s32 $0xFFFFC000  }
0x4f: {  	s20 =	sadd.s32 $0x1, s20  }
0x50: {  	p0 =	sne.s32 s20, s10  }
.Ltmp2:
0x51: {  	[bflag:$0x0] =	sbarrier.arrive $0xFFFF;
	(pc) =	sbr.rel @p0 .LBB2_1-.Ltmp2, $4  }
0x52: {  	[hbm:s19], [sflag:s6] =	dma.local [spmem:s11], $0x2800  }
0x53: {  	_ =	swait.ge [sflag:s12], $0x2800  }
0x54: {  	[sflag:s12] =	ssyncset.done $0x0  }
0x55: {  	[sflag:s12] =	ssyncadd.s32 $0xFFFFD800  }
0x56: {  	_ =	sfence.sel $0x180000  }
0x57: {  	[bflag:$0x0] =	sbarrier.arrive $0xFFFF  }
0x58: {  	p0 =	sne.s32 s0, $0x0;
	_ =	strace $0x9000005C  }
0x59: {  	s0 =	sadd.s32 @!p0 $0x100000, s1;
	[bflag:$0x2] =	sbarrier.arrive $0xFFFF  }
0x5a: {  	[sflag:s0] =	ssyncadd.tile.s32 @!p0 $0x1;
	_ =	shalt  }
.Lfunc_end2:
_tile_overlayer_lowered:
.L_overlay_start_2:
0x5b: {  	(tag) =	ssettag $0x2  }
0x5c: {  	s0 =	rddreg [dreg:$0x0];
	s2 =	stileid.u32  }
0x5d: {  	s1 =	rddreg [dreg:$0x1];
	p0 =	sne.s32 s2, $0x0  }
0x5e: {  	s3 =	rddreg [dreg:$0x2];
	[bflag:$0x3] =	sbarrier.arrive $0xFFFF;
	s2 =	simm.s32 @!p0 $0x1C02  }
0x5f: {  	[timem:s3], [sflag:s2] =	dma.local @!p0 [hbm:s0], s1  }
0x60: {  	s0 =	simm.s32 @!p0 $0x2  }
0x61: {  	_ =	swait.ge @!p0 [sflag:s0], s1  }
0x62: {  	s1 =	ssub.s32 @!p0 $0x0, s1;
	[sflag:s0] =	ssyncset.done @!p0 $0x0  }
0x63: {  	[sflag:s0] =	ssyncadd.s32 @!p0 s1  }
0x64: {  	[bflag:$0x3] =	sbarrier.arrive $0xFFFF  }
0x65: {  	_ =	shalt  }

// kernel: kernel.49.cloned.1.call-start
scs
__scs_entry_jumppad:
0x0: {  	(pc) =	sbr.rel $0x88, $3  }
0x1: {  	(tag) =	ssettag $0x0;
	lr =	simm.s32 $0x1  }
0x2: {  	[smem:$0x3F96] =	sst lr;
	_ =	strace $0xD0000000  }
0x3: {  	_ = 	snop  }
0x4: {  	_ = 	snop  }
0x5: {  	_ = 	snop  }
0x6: {  	_ = 	snop  }
0x7: {  	_ = 	snop  }
__scs_overlays_trampoline_lowered:
0x8: {  	[smem:$0x3FA5] =	sst s0  }
0x9: {  	[smem:$0x3FA6] =	sst s1  }
0xa: {  	[smem:$0x3FA7] =	sst s2  }
0xb: {  	[smem:$0x3FA8] =	sst s3  }
0xc: {  	[smem:$0x3FA9] =	sst s4  }
0xd: {  	[smem:$0x3FAA] =	sst s5  }
0xe: {  	[smem:$0x3FAB] =	sst s6  }
0xf: {  	[smem:$0x3FAC] =	sst s7  }
0x10: {  	[smem:$0x3FAD] =	sst s8  }
0x11: {  	[smem:$0x3FAE] =	sst s9;
	s0 =	simm.s32 @!p0 $0x0  }
0x12: {  	s1 =	sld [smem:$0x3F94];
	s0 =	simm.s32 @p0 $0x1  }
0x13: {  	[smem:$0x3FAF] =	sst s0;
	s0 =	simm.s32 @!p1 $0x0  }
0x14: {  	s2 =	sld [smem:$0x3F93];
	s0 =	simm.s32 @p1 $0x1  }
0x15: {  	[smem:$0x3FB0] =	sst s0;
	s0 =	simm.s32 @!p2 $0x0  }
0x16: {  	s3 =	sld [smem:$0x3FDB];
	s0 =	simm.s32 @p2 $0x1  }
0x17: {  	s4 =	simm.s32 $0x1BF5;
	[smem:$0x3FB2] =	sst s0  }
0x18: {  	s0 =	sld [smem:$0x3F95];
	_ =	swait.ge [sflag:s4], $0x0  }
0x19: {  	s7 =	sld [smem:$0x3F96]  }
0x1a: {  	s8 =	sadd.s32 $0xFFFFE003, lr  }
0x1b: {  	s9 =	sadd.s32 $0xFFFFFEF7, lr;
	s5 =	simm.s32 $0xFFFFFFFF;
	p2 =	slt.u32 s8, $0xFFFFF086  }
0x1c: {  	p1 =	slt.u32 s9, $0xF7A;
	s5 =	simm.s32 @!p2 $0x0  }
0x1d: {  	s5 =	simm.s32 @p1 $0x1;
	p0 =	seq.s32 s7, s2  }
0x1e: {  	s7 =	smul.u32 @!p0 $0xF7A, s2;
	p2 =	seq.s32 @!p0 s5, $0x0  }
0x1f: {  	s9 =	smul.u32 $0xF7A, s1;
	s8 =	simm.s32 @!p0 $0x1BF5;
	p2 =	por !p2, p0  }
0x20: {  	[sflag:s8] =	ssyncset.s32 @!p0 $0xFFFFF086;
	s6 =	sadd.s32 @!p0 s3, s7;
	s7 =	simm.s32 @!p0 $0x108  }
0x21: {  	s3 =	sadd.s32 s3, s9;
	s6 =	sadd.s32 @!p0 $0x88, s6;
	s7 =	simm.s32 @p2 $0x1082  }
0x22: {  	[simem:s7], [sflag:s8] =	dma.local @!p0 [hbm:s6], $0xF7A  }
0x23: {  	s9 =	sor.u32 $0xD0000000, s2;
	s6 =	simm.s32 $0x108;
	_ =	swait.ge @!p0 [sflag:s8], $0x0  }
0x24: {  	s3 =	sadd.s32 $0x88, s3;
	s6 =	simm.s32 @!p1 $0x1082;
	[sflag:s4] =	ssyncset.s32 $0xFFFFF086  }
0x25: {  	[simem:s6], [sflag:s4] =	dma.local [hbm:s3], $0xF7A  }
0x26: {  	[smem:$0x3F96] =	sst s1;
	(tag) =	ssettag s2;
	_ =	strace s9  }
0x27: {  	s1 =	sld [smem:$0x3FA6]  }
0x28: {  	s2 =	sld [smem:$0x3FA7]  }
0x29: {  	s4 =	sld [smem:$0x3FA9]  }
0x2a: {  	p0 =	seq.s32 s5, $0x0;
	s5 =	sld [smem:$0x3FAA]  }
0x2b: {  	s6 =	sld [smem:$0x3FAB]  }
0x2c: {  	s7 =	sld [smem:$0x3FAC]  }
0x2d: {  	s3 =	simm.s32 $0x108;
	s8 =	sld [smem:$0x3FAD]  }
0x2e: {  	s3 =	simm.s32 @!p0 $0x1082;
	s9 =	sld [smem:$0x3FAE]  }
0x2f: {  	lr =	sadd.s32 s0, s3;
	s0 =	sld [smem:$0x3FA5]  }
0x30: {  	s3 =	sld [smem:$0x3FA8]  }
0x31: {  	[smem:$0x3FB1] =	sst s10  }
0x32: {  	s10 =	sld [smem:$0x3FAF];
	_ =	sdelay $0x3  }
0x33: {  	p0 =	seq.s32 s10, $0x1;
	s10 =	sld [smem:$0x3FB1];
	_ =	sdelay $0x3  }
0x34: {  	[smem:$0x3FB1] =	sst s10  }
0x35: {  	s10 =	sld [smem:$0x3FB0];
	_ =	sdelay $0x3  }
0x36: {  	p1 =	seq.s32 s10, $0x1;
	s10 =	sld [smem:$0x3FB1];
	_ =	sdelay $0x3  }
0x37: {  	[smem:$0x3FB1] =	sst s10  }
0x38: {  	s10 =	sld [smem:$0x3FB2]  }
0x39: {  	_ = 	snop;
	(pc) =	sbr.ind lr, $3  }
0x3a: {  	_ = 	snop  }
0x3b: {  	_ = 	snop  }
0x3c: {  	p2 =	seq.s32 s10, $0x1;
	s10 =	sld [smem:$0x3FB1]  }
0x3d: {  	_ =	shalt  }
0x3e: {  	_ =	shalt  }
0x3f: {  	_ =	shalt  }
0x40: {  	_ =	shalt  }
0x41: {  	_ =	shalt  }
0x42: {  	_ =	shalt  }
0x43: {  	_ =	shalt  }
0x44: {  	_ =	shalt  }
0x45: {  	_ =	shalt  }
0x46: {  	_ =	shalt  }
0x47: {  	_ =	shalt  }
0x48: {  	_ =	shalt  }
0x49: {  	_ =	shalt  }
0x4a: {  	_ =	shalt  }
0x4b: {  	_ =	shalt  }
0x4c: {  	_ =	shalt  }
0x4d: {  	_ =	shalt  }
0x4e: {  	_ =	shalt  }
0x4f: {  	_ =	shalt  }
0x50: {  	_ =	shalt  }
0x51: {  	_ =	shalt  }
0x52: {  	_ =	shalt  }
0x53: {  	_ =	shalt  }
0x54: {  	_ =	shalt  }
0x55: {  	_ =	shalt  }
0x56: {  	_ =	shalt  }
0x57: {  	_ =	shalt  }
0x58: {  	_ =	shalt  }
0x59: {  	_ =	shalt  }
0x5a: {  	_ =	shalt  }
0x5b: {  	_ =	shalt  }
0x5c: {  	_ =	shalt  }
0x5d: {  	_ =	shalt  }
0x5e: {  	_ =	shalt  }
0x5f: {  	_ =	shalt  }
0x60: {  	_ =	shalt  }
0x61: {  	_ =	shalt  }
0x62: {  	_ =	shalt  }
0x63: {  	_ =	shalt  }
0x64: {  	_ =	shalt  }
0x65: {  	_ =	shalt  }
0x66: {  	_ =	shalt  }
0x67: {  	_ =	shalt  }
0x68: {  	_ =	shalt  }
0x69: {  	_ =	shalt  }
0x6a: {  	_ =	shalt  }
0x6b: {  	_ =	shalt  }
0x6c: {  	_ =	shalt  }
0x6d: {  	_ =	shalt  }
0x6e: {  	_ =	shalt  }
0x6f: {  	_ =	shalt  }
0x70: {  	_ =	shalt  }
0x71: {  	_ =	shalt  }
0x72: {  	_ =	shalt  }
0x73: {  	_ =	shalt  }
0x74: {  	_ =	shalt  }
0x75: {  	_ =	shalt  }
0x76: {  	_ =	shalt  }
0x77: {  	_ =	shalt  }
0x78: {  	_ =	shalt  }
0x79: {  	_ =	shalt  }
0x7a: {  	_ =	shalt  }
0x7b: {  	_ =	shalt  }
0x7c: {  	_ =	shalt  }
0x7d: {  	_ =	shalt  }
0x7e: {  	_ =	shalt  }
0x7f: {  	_ =	shalt  }
0x80: {  	_ =	shalt  }
0x81: {  	_ =	shalt  }
0x82: {  	_ =	shalt  }
0x83: {  	_ =	shalt  }
0x84: {  	_ =	shalt  }
0x85: {  	_ =	shalt  }
0x86: {  	_ =	shalt  }
0x87: {  	_ =	shalt  }
.Lfunc_end0:
.L_simem_size_0:
called_computation.8_lowered:
.L_overlay_start_0:
0x88: {  	s2 =	sld [smem:$0x3FD9]  }
0x89: {  	s3 =	sld [smem:$0x3FFE];
	_ =	sdelay $0x1  }
0x8a: {  	s1 =	srdreg.scid  }
0x8b: {  	s0 =	sand.u32 $0x1, s1  }
0x8c: {  	s16 =	sshll.u32 s0, $0xA;
	s2 =	sadd.s32 s3, s2  }
0x8d: {  	s2 =	sadd.s32 s2, s16  }
0x8e: {  	[smem:$0x3FBD] =	sst s2  }
0x8f: {  	_ = 	snop  }
0x90: {  	(tm) =	ssettm $0x1  }
0x91: {  	s17 =	sld [smem:$0x3FFB];
	_ =	sdelay $0x3  }
0x92: {  	_ =	strace s17  }
0x93: {  	s2 =	sld [smem:$0x3FFC];
	_ =	sdelay $0x3  }
0x94: {  	_ =	strace s2  }
0x95: {  	s2 =	sld [smem:$0x3FFD];
	_ =	sdelay $0x3  }
0x96: {  	_ =	strace s2  }
0x97: {  	_ =	strace $0x8FFFFFFF  }
0x98: {  	s18 =	sld [smem:$0x3FDB];
	_ =	sdelay $0x1  }
0x99: {  	s19 =	simm.s32 $_scs_section_size  }
0x9a: {  	s4 =	simm.s32 $_size__tile_overlayer_lowered;
	s5 =	simm.s32 $_tile_overlayer_lowered  }
0x9b: {  	s22 =	simm.s32 $0x1BFF;
	s21 =	sshll.u32 s5, $0x1;
	s2 =	sadd.s32 s19, s18  }
0x9c: {  	s6 =	simm.s32 $0x0;
	s20 =	sshll.u32 s4, $0x1;
	s4 =	sadd.s32 s21, s2  }
0x9d: {  	[timem:s6], [sflag:s22] =	dma.local [hbm:s4], s20  }
0x9e: {  	_ =	swait.ge [sflag:s22], s20  }
0x9f: {  	s3 =	ssub.s32 $0x0, s20;
	[sflag:s22] =	ssyncset.done $0x0  }
0xa0: {  	[sflag:s22] =	ssyncadd.s32 s3;
	_ =	sdelay $0x1  }
0xa1: {  	s23 =	simm.s32 $0x1B8B  }
0xa2: {  	_ =	swait.ge [sflag:s23], $0x1  }
0xa3: {  	[sflag:s23] =	ssyncset.done $0x0  }
0xa4: {  	s25 =	simm.s32 $0x1B8E;
	s24 =	sld [smem:$0x3FFE];
	[sflag:s23] =	ssyncadd.s32 $0xFFFFFFFF  }
0xa5: {  	s26 =	simm.s32 $execute0_lowered;
	[smem:$0x3FD2] =	sst s25  }
0xa6: {  	s4 =	sshll.u32 s26, $0x1;
	_ =	strace $0x8000005E;
	[dreg:$0x1] =	wrdreg $0xFFFFFFFF  }
0xa7: {  	s28 =	simm.s32 $_size_execute0_lowered;
	s2 =	sadd.s32 s2, s4;
	[dreg:$0x0] =	wrdreg $0x0  }
0xa8: {  	s4 =	sshll.u32 s28, $0x1;
	[dreg:$0x2] =	wrdreg s2  }
0xa9: {  	[dreg:$0x3] =	wrdreg s4  }
0xaa: {  	[dreg:$0x4] =	wrdreg $0xC0  }
0xab: {  	_ =	task [dreg:s6], $0x5FFFF  }
0xac: {  	[dreg:$0x1] =	wrdreg $0xFFFFFFFF  }
0xad: {  	[dreg:$0x0] =	wrdreg $0x60  }
0xae: {  	[dreg:$0x2] =	wrdreg s24  }
0xaf: {  	[dreg:$0x3] =	wrdreg $0xB7800  }
0xb0: {  	[dreg:$0x4] =	wrdreg $0x9  }
0xb1: {  	_ =	task.clear_ibuf [dreg:s6], $0x5FFFF;
	_ =	strace $0x9000005E  }
0xb2: {  	s29 =	simm.s32 $0x9;
	_ =	strace $0x80000060  }
0xb3: {  	_ =	swait.ge [sflag:s29], $0x1  }
0xb4: {  	[sflag:s29] =	ssyncadd.s32 $0xFFFFFFFF  }
0xb5: {  	_ =	strace $0x90000060  }
0xb6: {  	_ =	sfence  }
0xb7: {  	s30 =	sld [smem:$0x0];
	_ =	sdelay $0x2  }
0xb8: {  	s31 =	sshll.u32 s1, $0xD;
	s1 =	sshrl.u32 s1, $0x2  }
0xb9: {  	s3 =	sand.u32 $0x4000, s31;
	s1 =	sadd.s32 s1, s30  }
0xba: {  	s0 =	sor.u32 s3, s0;
	s1 =	sshll.u32 s1, $0x11  }
0xbb: {  	s0 =	sor.u32 s1, s0  }
0xbc: {  	s0 =	sadd.s32 $0x8F2B, s0  }
0xbd: {  	[sflag:s0] =	ssyncadd.remote.s32 $0x1  }
0xbe: {  	_ =	sfence.sel $0xFFFF  }
0xbf: {  	[dreg:$0x0] =	wrdreg $0xFFFFFFFF;
	(pc) =	sbr.abs _section_cstart, $3  }
0xc0: {  	[dreg:$0x1] =	wrdreg $0xFFFFFFFF  }
0xc1: {  	_ =	task.clear_ibuf [dreg:s6], $0x2FFFF;
	_ =	strace $0x9FFFFFFF  }
0xc2: {  	(tm) =	ssettm $0x7FFFFFFF  }
0xc3: {  	_ =	shalt  }
tec
execute0_lowered:
.L_overlay_start_1:
0x0: {  	(tag) =	ssettag $0x1  }
0x1: {  	s6 =	rddreg [dreg:$0x0]  }
0x2: {  	s1 =	srdreg.scid;
	s0 =	stileid.u32  }
0x3: {  	s2 =	rddreg [dreg:$0x1];
	s14 =	simm.s32 $0x80;
	s15 =	simm.s32 $0x400  }
0x4: {  	s16 =	simm.s32 $0x5000;
	s17 =	simm.s32 $0x7780;
	s18 =	simm.s32 $0x1  }
0x5: {  	s5 =	sand.u32 $0x1, s1;
	s3 =	sshll.u32 s0, $0x1;
	s11 =	smul.u32 $0x50000, s0  }
0x6: {  	s1 =	rddreg [dreg:$0x2];
	s7 =	sshrl.u32 s0, $0x2;
	s20 =	smul.u32 $0x2800, s0  }
0x7: {  	s31 =	sshll.u32 s0, $0x6;
	s4 =	sor.u32 s5, s3;
	s7 =	smul.u32 $0x13C00, s7  }
0x8: {  	s3 =	simm.s32 $0x0;
	s26 =	smul.u32 $0x28000, s5;
	s28 =	ssub.s32 $0x2, s5  }
0x9: {  	s5 =	sadd.s32 $0x4FA00, s6;
	s8 =	sshll.u32 s4, $0x7;
	[smem:$0x7FF] =	sst s3  }
0xa: {  	s9 =	smul.u32 $0x500, s4;
	s4 =	sadd.s32 $0xA0600, s6;
	s29 =	sshrl.u32 s28, $0x1  }
0xb: {  	s30 =	sshrl.u32 s11, $0x2;
	s8 =	sand.u32 $0x380, s8;
	_ =	strace $0x8000005F  }
0xc: {  	s12 =	sadd.s32 s26, s6;
	s13 =	ssub.s32 s28, s29;
	s11 =	sadd.s32 s30, s2  }
0xd: {  	s7 =	sor.u32 s7, s8;
	s25 =	sadd.s32 s9, s6;
	s19 =	sadd.s32 $0xC7800, s12  }
0xe: {  	s11 =	sshrl.u32 s11, $0x3;
	s12 =	simm.s32 $0x2;
	s7 =	sshrl.u32 s7, $0x3  }
0xf: {  	s8 =	sadd.s32 $0x14A00, s25;
	s19 =	sadd.s32 s20, s19;
	s20 =	simm.s32 $0x0  }
0x10: {  	s10 =	sadd.s32 s7, s6;
	s6 =	sor.u32 $0x1C02, s31;
	s7 =	sadd.s32 $0xAA00, s25  }
0x11: {  	s9 =	sadd.s32 $0x1EA00, s10;
	s10 =	smax.u32 s13, $0x1;
	s13 =	simm.s32 $0x2800  }
.LBB2_1:
0x12: {  	[spmem:s11], [sflag:s6] =	dma.local [hbm:s5], $0x2800  }
0x13: {  	_ =	swait.ge [sflag:s12], $0x2800  }
0x14: {  	[sflag:s12] =	ssyncset.done $0x0  }
0x15: {  	[sflag:s12] =	ssyncadd.s32 $0xFFFFD800  }
0x16: {  	[tilespmem:s3], [sflag:$0x2] =	stream.linear.gather [hbm4b:s7+s3], $0x2780, $0x38;
	[tilespmem:$0x1F780] =	vst v63  }
0x17: {  	_ =	swait.ge [sflag:s12], $0x2780  }
0x18: {  	[sflag:s12] =	ssyncset.done $0x0  }
0x19: {  	[sflag:s12] =	ssyncadd.s32 $0xFFFFD880  }
0x1a: {  	[tilespmem:s13], [sflag:$0x2] =	stream.linear.gather [hbm4b:s8+s3], $0x2780, $0x38;
	[tilespmem:$0x1F780] =	vst v63  }
0x1b: {  	_ =	swait.ge [sflag:s12], $0x2780  }
0x1c: {  	[sflag:s12] =	ssyncset.done $0x0  }
0x1d: {  	[sflag:s12] =	ssyncadd.s32 $0xFFFFD880  }
0x1e: {  	[tilespmem:s16], [sflag:$0x2] =	stream.strided.gather [hbm4b:s9+s14], $0x2780, s15, s14, $0x38;
	[tilespmem:$0x1F780] =	vst v63  }
0x1f: {  	_ =	swait.ge [sflag:s12], $0x2780  }
0x20: {  	[sflag:s12] =	ssyncset.done $0x0  }
0x21: {  	[sflag:s12] =	ssyncadd.s32 $0xFFFFD880  }
0x22: {  	s21 =	simm.s32 $0x0;
	s22 =	simm.s32 $0x0;
	[bflag:$0x0] =	sbarrier.arrive $0xFFFF  }
.LBB2_2:
0x23: {  	s23 =	sshll.u32 s22, $0x7  }
0x24: {  	[tilespmem:s17], [sflag:$0x1] =	stream.indirect.gather [hbm4b:s4+s14], $0x80, s23, s14, $0xb8;
	[tilespmem:$0x1F780] =	vst v63  }
0x25: {  	s24 =	sadd.s32 $0x0, s21;
	_ =	swait.ge [sflag:s18], $0x4000  }
0x26: {  	v0 =	vmov s24;
	[sflag:s18] =	ssyncset.done $0x0  }
0x27: {  	s24 =	simm.s32 $0x77C0;
	[sflag:s18] =	ssyncadd.s32 $0xFFFFC000  }
0x28: {  	v4 =	vld [tilespmem:s24+$0x30]  }
0x29: {  	v7 =	vld [tilespmem:s24+$0x10]  }
0x2a: {  	v5 =	vld [tilespmem:s24+$0xFFFFFFC0]  }
0x2b: {  	v1 =	vld.idx.msk [tilespmem:v0+s16+$0x0], $0xffff  }
0x2c: {  	v9 =	vld [tilespmem:s24+$0xFFFFFFE0]  }
0x2d: {  	v2 =	vld [tilespmem:s24+$0x20]  }
0x2e: {  	v3 =	vld [tilespmem:s24+$0xFFFFFFD0]  }
0x2f: {  	v0 =	vld [tilespmem:s24+$0xFFFFFFF0]  }
0x30: {  	v8 =	vmul.f32 v4, v1;
	v4 =	vld [tilespmem:s24+$0x0]  }
0x31: {  	v6 =	vmul.f32 v5, v1  }
0x32: {  	s25 =	simm.s32 $0x1;
	s26 =	simm.s32 $0x77C0;
	v5 =	vmul.f32 v9, v1;
	v7 =	vmul.f32 v7, v1  }
.LBB2_3:
0x33: {  	p0 =	sne.s32 s25, $0x7F  }
0x34: {  	v3 =	vmul.f32 v3, v1;
	v2 =	vmul.f32 v2, v1;
	[tilespmem:s24+$0x30] =	vst v8;
	s26 =	sadd.s32 $0x80, s26;
	s28 =	smov.u32 s25;
	s25 =	sadd.s32 $0x1, s25  }
0x35: {  	[tilespmem:s24+$0xFFFFFFC0] =	vst v6;
	v6 =	vmul.f32 v0, v1;
	v1 =	vmul.f32 v4, v1  }
0x36: {  	s28 =	sadd.s32 s28, s21;
	[tilespmem:s24+$0x10] =	vst v7  }
0x37: {  	v4 =	vmov s28;
	[tilespmem:s24+$0xFFFFFFE0] =	vst v5  }
0x38: {  	v0 =	vld [tilespmem:s26+$0xFFFFFFF0];
	[tilespmem:s24+$0xFFFFFFF0] =	vst v6  }
0x39: {  	v5 =	vld [tilespmem:s26+$0x30];
	[tilespmem:s24+$0x0] =	vst v1  }
0x3a: {  	v7 =	vld [tilespmem:s26+$0x10];
	[tilespmem:s24+$0x20] =	vst v2  }
0x3b: {  	v6 =	vld [tilespmem:s26+$0xFFFFFFC0];
	[tilespmem:s24+$0xFFFFFFD0] =	vst v3;
	s24 =	smov.u32 s26  }
0x3c: {  	v1 =	vld.idx.msk [tilespmem:v4+s16+$0x0], $0xffff  }
0x3d: {  	v9 =	vld [tilespmem:s26+$0xFFFFFFE0]  }
0x3e: {  	v2 =	vld [tilespmem:s26+$0x20]  }
.Ltmp0:
0x3f: {  	v3 =	vld [tilespmem:s26+$0xFFFFFFD0];
	(pc) =	sbr.rel @p0 .LBB2_3-.Ltmp0, $3  }
0x40: {  	v4 =	vld [tilespmem:s26+$0x0];
	_ =	sdelay $0x1  }
0x41: {  	v6 =	vmul.f32 v6, v1;
	v8 =	vmul.f32 v5, v1  }
0x42: {  	v7 =	vmul.f32 v7, v1;
	v5 =	vmul.f32 v9, v1  }
0x43: {  	[tilespmem:s24+$0x30] =	vst v8  }
0x44: {  	[tilespmem:s24+$0xFFFFFFC0] =	vst v6  }
0x45: {  	v0 =	vmul.f32 v0, v1;
	[tilespmem:s24+$0x10] =	vst v7  }
0x46: {  	v2 =	vmul.f32 v2, v1;
	[tilespmem:s24+$0xFFFFFFE0] =	vst v5  }
0x47: {  	v63 =	vmul.f32 v3, v1;
	[tilespmem:s24+$0xFFFFFFF0] =	vst v0  }
0x48: {  	s22 =	sadd.s32 $0x1, s22;
	v4 =	vmul.f32 v4, v1;
	[tilespmem:s24+$0x20] =	vst v2  }
0x49: {  	p0 =	sne.s32 s22, $0x4F;
	[tilespmem:s24+$0xFFFFFFD0] =	vst v63  }
.Ltmp1:
0x4a: {  	s23 =	sadd.s32 $0x2800, s23;
	[tilespmem:s24+$0x0] =	vst v4;
	(pc) =	sbr.rel @p0 .LBB2_2-.Ltmp1, $4  }
0x4b: {  	[spmem:s2] =	stream.indirect.scatter.add.f32 [tilespmem:s17], [sflag:$0x2], $0x80, s23, s14, $0xb8;
	[tilespmem:$0x1F780] =	vst v63  }
0x4c: {  	_ =	swait.ge [sflag:s12], $0x4000  }
0x4d: {  	[sflag:s12] =	ssyncset.done $0x0  }
0x4e: {  	s21 =	sadd.s32 $0x80, s21;
	[sflag:s12] =	ssyncadd.s32 $0xFFFFC000  }
0x4f: {  	s20 =	sadd.s32 $0x1, s20  }
0x50: {  	p0 =	sne.s32 s20, s10  }
.Ltmp2:
0x51: {  	[bflag:$0x0] =	sbarrier.arrive $0xFFFF;
	(pc) =	sbr.rel @p0 .LBB2_1-.Ltmp2, $4  }
0x52: {  	[hbm:s19], [sflag:s6] =	dma.local [spmem:s11], $0x2800  }
0x53: {  	_ =	swait.ge [sflag:s12], $0x2800  }
0x54: {  	[sflag:s12] =	ssyncset.done $0x0  }
0x55: {  	[sflag:s12] =	ssyncadd.s32 $0xFFFFD800  }
0x56: {  	_ =	sfence.sel $0x180000  }
0x57: {  	[bflag:$0x0] =	sbarrier.arrive $0xFFFF  }
0x58: {  	p0 =	sne.s32 s0, $0x0;
	_ =	strace $0x9000005F  }
0x59: {  	s0 =	sadd.s32 @!p0 $0x100000, s1;
	[bflag:$0x2] =	sbarrier.arrive $0xFFFF  }
0x5a: {  	[sflag:s0] =	ssyncadd.tile.s32 @!p0 $0x1;
	_ =	shalt  }
.Lfunc_end2:
_tile_overlayer_lowered:
.L_overlay_start_2:
0x5b: {  	(tag) =	ssettag $0x2  }
0x5c: {  	s0 =	rddreg [dreg:$0x0];
	s2 =	stileid.u32  }
0x5d: {  	s1 =	rddreg [dreg:$0x1];
	p0 =	sne.s32 s2, $0x0  }
0x5e: {  	s3 =	rddreg [dreg:$0x2];
	[bflag:$0x3] =	sbarrier.arrive $0xFFFF;
	s2 =	simm.s32 @!p0 $0x1C02  }
0x5f: {  	[timem:s3], [sflag:s2] =	dma.local @!p0 [hbm:s0], s1  }
0x60: {  	s0 =	simm.s32 @!p0 $0x2  }
0x61: {  	_ =	swait.ge @!p0 [sflag:s0], s1  }
0x62: {  	s1 =	ssub.s32 @!p0 $0x0, s1;
	[sflag:s0] =	ssyncset.done @!p0 $0x0  }
0x63: {  	[sflag:s0] =	ssyncadd.s32 @!p0 s1  }
0x64: {  	[bflag:$0x3] =	sbarrier.arrive $0xFFFF  }
0x65: {  	_ =	shalt  }

</sc_bundles>
